<compile_context>
chip_gen: v7x
topology: tpu7x:2x2x1
jax: 0.10.2.dev20260603
libtpu: 0.0.44.dev20260713+nightly
codegen_flags: <defaults>
</compile_context>

<pallas_src>
import dataclasses
import functools

import jax
import jax.numpy as jnp
from jax import lax
from jax.experimental import pallas as pl
from jax.experimental.pallas import tpu as pltpu
from jax.experimental.pallas import tpu_sc as plsc

_Q = 1024
_TOPK = 32
_L = 16
_NVREG = _Q // _L


def _gather16(x, idx):
    dnums = lax.GatherDimensionNumbers(
        offset_dims=(), collapsed_slice_dims=(0,), start_index_map=(0,))
    return lax.gather(x, idx[:, None], dnums, (1,),
                      mode=lax.GatherScatterMode.PROMISE_IN_BOUNDS)


def _mm_body(keys_ref, q_ref, o_ref):
    o_ref[:] = lax.dot_general(keys_ref[:], q_ref[:], (((1,), (1,)), ((), ())),
                               preferred_element_type=jnp.float32,
                               precision=lax.Precision.DEFAULT)


def _scores_t(keys_sel, queries):
    return pl.pallas_call(
        _mm_body,
        out_shape=jax.ShapeDtypeStruct((_TOPK, _Q), jnp.float32),
    )(keys_sel, queries)


def _sc_sort_body(s_hbm, vals_hbm, idx_hbm, kv, iv):
    w = lax.axis_index("s") * 2 + lax.axis_index("c")
    pltpu.sync_copy(s_hbm.at[w], kv)

    iota = lax.iota(jnp.int32, _L)

    even = (iota & 1) == 0
    perm1 = iota ^ 1
    perm2 = jnp.clip(iota - 1 + 2 * (iota & 1), 0, _L - 1)
    last = jnp.full((_L,), _L - 1, jnp.int32)
    zero = jnp.zeros((_L,), jnp.int32)
    is_last = iota == _L - 1
    is_first = iota == 0

    def _tie_fix_reg(sk, si):
        pk = _gather16(sk, perm1)
        pi = _gather16(si, perm1)
        take = (sk == pk) & ((even & (pi < si)) | (~even & (pi > si)))
        si = jnp.where(take, pi, si)
        pk = _gather16(sk, perm2)
        pi = _gather16(si, perm2)
        take = (sk == pk) & ((~even & (pi < si)) | (even & (pi > si)))
        return jnp.where(take, pi, si)

    def _edge_fix_reg(ka, ia, kb, ib):
        ak = _gather16(ka, last)
        ai = _gather16(ia, last)
        bk = _gather16(kb, zero)
        bi = _gather16(ib, zero)
        sw = (ak == bk) & (ai > bi)
        return jnp.where(sw & is_last, bi, ia), jnp.where(sw & is_first, ai, ib)

    def _cmpswap(ka, kb, ia, ib, asc):
        sw = (kb < ka) if asc else (ka < kb)
        return (jnp.where(sw, kb, ka), jnp.where(sw, ka, kb),
                jnp.where(sw, ib, ia), jnp.where(sw, ia, ib))

    def _fused2(a, asc):
        sa, sb = pl.ds(a * _L, _L), pl.ds((a + 1) * _L, _L)
        k0, k1 = kv[sa], kv[sb]
        i0 = iota + a * _L
        i1 = i0 + _L
        k0, i0 = plsc.sort_key_val(k0, i0)
        k1, i1 = plsc.sort_key_val(k1, i1, descending=True)
        k0, k1, i0, i1 = _cmpswap(k0, k1, i0, i1, asc)
        kv[sa], iv[sa] = plsc.sort_key_val(k0, i0, descending=not asc)
        kv[sb], iv[sb] = plsc.sort_key_val(k1, i1, descending=not asc)

    def _fused4(a, asc):
        sls = [pl.ds((a + t) * _L, _L) for t in range(4)]
        kr = [kv[s] for s in sls]
        ir = [iv[s] for s in sls]
        kr[0], kr[2], ir[0], ir[2] = _cmpswap(kr[0], kr[2], ir[0], ir[2], asc)
        kr[1], kr[3], ir[1], ir[3] = _cmpswap(kr[1], kr[3], ir[1], ir[3], asc)
        kr[0], kr[1], ir[0], ir[1] = _cmpswap(kr[0], kr[1], ir[0], ir[1], asc)
        kr[2], kr[3], ir[2], ir[3] = _cmpswap(kr[2], kr[3], ir[2], ir[3], asc)
        for t in range(4):
            kv[sls[t]], iv[sls[t]] = plsc.sort_key_val(
                kr[t], ir[t], descending=not asc)

    def _fused8(a, asc, final=False):
        sls = [pl.ds((a + t) * _L, _L) for t in range(8)]
        kr = [kv[s] for s in sls]
        ir = [iv[s] for s in sls]
        for x, y in ((0, 4), (1, 5), (2, 6), (3, 7),
                     (0, 2), (1, 3), (4, 6), (5, 7),
                     (0, 1), (2, 3), (4, 5), (6, 7)):
            kr[x], kr[y], ir[x], ir[y] = _cmpswap(kr[x], kr[y], ir[x], ir[y], asc)
        for t in range(8):
            kr[t], ir[t] = plsc.sort_key_val(kr[t], ir[t], descending=not asc)
            if final:
                ir[t] = _tie_fix_reg(kr[t], ir[t])
        if final:
            for t in range(7):
                ir[t], ir[t + 1] = _edge_fix_reg(kr[t], ir[t], kr[t + 1], ir[t + 1])
        for t in range(8):
            kv[sls[t]] = kr[t]
            iv[sls[t]] = ir[t]

    k = 2 * _L
    while k <= _Q:
        j = k // 2
        while j >= 8 * _L:
            d = j // _L
            lb = d.bit_length() - 1

            @pl.loop(0, _NVREG // 2, unroll=2)
            def _stage(p, k=k, d=d, lb=lb):
                a = ((p >> lb) << (lb + 1)) + (p & (d - 1))
                b = a + d
                ka = kv[pl.ds(a * _L, _L)]
                kb = kv[pl.ds(b * _L, _L)]
                ia = iv[pl.ds(a * _L, _L)]
                ib = iv[pl.ds(b * _L, _L)]
                up = ((a * _L) & k) == 0
                swap = (kb < ka) == up
                kv[pl.ds(a * _L, _L)] = jnp.where(swap, kb, ka)
                kv[pl.ds(b * _L, _L)] = jnp.where(swap, ka, kb)
                iv[pl.ds(a * _L, _L)] = jnp.where(swap, ib, ia)
                iv[pl.ds(b * _L, _L)] = jnp.where(swap, ia, ib)
            j //= 2

        if k == 2 * _L:
            @pl.loop(0, _NVREG // 2, step=2)
            def _pair_asc(p):
                _fused2(2 * p, True)

            @pl.loop(1, _NVREG // 2, step=2)
            def _pair_desc(p):
                _fused2(2 * p, False)
        elif k == 4 * _L:
            @pl.loop(0, _NVREG // 4, step=2)
            def _g4_asc(g):
                _fused4(4 * g, True)

            @pl.loop(1, _NVREG // 4, step=2)
            def _g4_desc(g):
                _fused4(4 * g, False)
        elif k == _Q:
            @pl.loop(0, _NVREG // 8)
            def _grp(g):
                _fused8(8 * g, True, final=True)
        else:
            gpb = k // (8 * _L)
            mb = gpb.bit_length() - 1

            @pl.loop(0, _NVREG // 16)
            def _grp_asc(t, gpb=gpb, mb=mb):
                g = ((t >> mb) << (mb + 1)) + (t & (gpb - 1))
                _fused8(8 * g, True)

            @pl.loop(0, _NVREG // 16)
            def _grp_desc(t, gpb=gpb, mb=mb):
                g = ((t >> mb) << (mb + 1)) + (t & (gpb - 1)) + gpb
                _fused8(8 * g, False)
        k *= 2

    @pl.loop(0, _NVREG // 8 - 1)
    def _fix_edge(g):
        v = 8 * g + 7
        sa = pl.ds(v * _L, _L)
        sb = pl.ds((v + 1) * _L, _L)
        ia, ib = _edge_fix_reg(kv[sa], iv[sa], kv[sb], iv[sb])
        iv[sa] = ia
        iv[sb] = ib

    pltpu.sync_copy(kv, vals_hbm.at[w])
    pltpu.sync_copy(iv, idx_hbm.at[w])


def _sc_sort(scores_t):
    mesh = plsc.VectorSubcoreMesh(core_axis_name="c", subcore_axis_name="s")
    cp = pltpu.CompilerParams()
    if "needs_layout_passes" in pltpu.CompilerParams.__dataclass_fields__:
        cp = dataclasses.replace(cp, needs_layout_passes=False)
    run = functools.partial(
        pl.kernel,
        compiler_params=cp,
        out_type=(
            jax.ShapeDtypeStruct((_TOPK, _Q), jnp.float32),
            jax.ShapeDtypeStruct((_TOPK, _Q), jnp.int32),
        ),
        mesh=mesh,
        scratch_types=[
            pltpu.VMEM((_Q,), jnp.float32),
            pltpu.VMEM((_Q,), jnp.int32),
        ],
    )(_sc_sort_body)
    return run(scores_t)


def kernel(queries, keys, topk):
    kk = keys.shape[0]
    keys_sel = lax.dynamic_slice_in_dim(keys, kk - topk, _TOPK, axis=0)
    st = _scores_t(keys_sel, queries)
    vals_t, idx_t = _sc_sort(st)
    return idx_t.T, vals_t.T

# --- scband reference (transcript-rebuilt; emitter-appended) ---
"""Pipeline reference for scband-knn-29111288332315 (READ-ONLY COPY).

The authoritative reference and input builder live on the scoring server;
editing this copy changes nothing except your own understanding.
"""

import jax, jax.numpy as jnp
import numpy as np


def setup_inputs(seed: int = 0) -> dict:
    key = jax.random.key(seed)
    k1, k2 = jax.random.split(key)
    queries = jax.random.normal(k1, (1024, 128), dtype=jnp.float32)
    keys = jax.random.normal(k2, (100000, 128), dtype=jnp.float32)
    return {"queries": queries, "keys": keys, "topk": 32}


def reference(queries, keys, topk):
    # Faithful translation of KNN.search -> Index.search (return_distances=True path).
    # dists = (index @ query.T).T  -> [Q, K]
    dists = (keys @ queries.T).T
    # torch.sort(dists, dim=0) sorts along dim 0 (faithful to original code),
    # then slices the last `topk` COLUMNS: tensor[:, -k:]
    sorted_dist = jnp.sort(dists, axis=0)
    sort_indices = jnp.argsort(dists, axis=0)
    topk_size = 32
    start = dists.shape[1] - topk
    sorted_dist_topk = jax.lax.dynamic_slice_in_dim(sorted_dist, start, topk_size, axis=1)
    indices_topk = jax.lax.dynamic_slice_in_dim(sort_indices, start, topk_size, axis=1)
    # KNN.search with return_distances=True returns (indices, distances)
    return (indices_topk, sorted_dist_topk)

if __name__ == "__main__":
    import jax
    _d = setup_inputs()
    print(jax.jit(kernel)(*tuple(_d.values())))

</pallas_src>

<mosaic_0001>
#map = affine_map<(d0, d1) -> (0, 0)>
module attributes {stable_mosaic.version = 14 : i64} {
  func.func @_sc_sort_body(%arg0: i32, %arg1: i32, %arg2: memref<32x1024xf32, #tpu.memory_space<hbm>>, %arg3: memref<32x1024xf32, #tpu.memory_space<hbm>>, %arg4: memref<32x1024xi32, #tpu.memory_space<hbm>>, %arg5: memref<1024xf32, #tpu.memory_space<vmem>>, %arg6: memref<1024xi32, #tpu.memory_space<vmem>>) attributes {dimension_semantics = [#tpu.dimension_semantics<core_parallel>, #tpu.dimension_semantics<subcore_parallel>], iteration_bounds = array<i64: 2, 16>, scalar_prefetch = 0 : i64, scratch_operands = 2 : i64, tpu.core_type = #tpu.core_type<sc_vector_subcore>, window_params = [{transform_indices = #map}, {transform_indices = #map}, {transform_indices = #map}]} {
    %mul3A = arith.constant 2 : i32
    %mul3A_0 = arith.muli %arg1, %mul3A : i32
    %add3A = arith.addi %mul3A_0, %arg0 : i32
    "tpu.region"() ({
      %run_scoped3A = tpu.sem_alloc : memref<!tpu.dma_semaphore, #tpu.memory_space<semaphore_mem>>
      %dma_start3A = arith.constant 0 : i32
      %dma_start3A_117 = tpu.memref_slice %arg2[%add3A, %dma_start3A] : memref<32x1024xf32, #tpu.memory_space<hbm>> -> memref<1x1024xf32, #tpu.memory_space<hbm>>
      %dma_start3A_118 = tpu.memref_squeeze %dma_start3A_117 : memref<1x1024xf32, #tpu.memory_space<hbm>> -> memref<1024xf32, #tpu.memory_space<hbm>>
      %dma_start3A_119 = arith.constant 0 : i32
      %dma_start3A_120 = tpu.memref_slice %arg2[%add3A, %dma_start3A_119] : memref<32x1024xf32, #tpu.memory_space<hbm>> -> memref<1x1024xf32, #tpu.memory_space<hbm>>
      %dma_start3A_121 = tpu.memref_squeeze %dma_start3A_120 : memref<1x1024xf32, #tpu.memory_space<hbm>> -> memref<1024xf32, #tpu.memory_space<hbm>>
      tpu.enqueue_dma source(%dma_start3A_121 : memref<1024xf32, #tpu.memory_space<hbm>>) target(%arg5 : memref<1024xf32, #tpu.memory_space<vmem>>) target_semaphore(%run_scoped3A : memref<!tpu.dma_semaphore, #tpu.memory_space<semaphore_mem>>)
      %dma_wait3A = arith.constant 0 : i32
      %dma_wait3A_122 = tpu.memref_slice %arg2[%add3A, %dma_wait3A] : memref<32x1024xf32, #tpu.memory_space<hbm>> -> memref<1x1024xf32, #tpu.memory_space<hbm>>
      %dma_wait3A_123 = tpu.memref_squeeze %dma_wait3A_122 : memref<1x1024xf32, #tpu.memory_space<hbm>> -> memref<1024xf32, #tpu.memory_space<hbm>>
      %dma_wait3A_124 = arith.constant 0 : i32
      %dma_wait3A_125 = tpu.memref_slice %arg2[%add3A, %dma_wait3A_124] : memref<32x1024xf32, #tpu.memory_space<hbm>> -> memref<1x1024xf32, #tpu.memory_space<hbm>>
      %dma_wait3A_126 = tpu.memref_squeeze %dma_wait3A_125 : memref<1x1024xf32, #tpu.memory_space<hbm>> -> memref<1024xf32, #tpu.memory_space<hbm>>
      tpu.wait_dma2 semaphore(%run_scoped3A : memref<!tpu.dma_semaphore, #tpu.memory_space<semaphore_mem>>) src(%dma_wait3A_126 : memref<1024xf32, #tpu.memory_space<hbm>>) dst(%arg5 : memref<1024xf32, #tpu.memory_space<vmem>>)
      tpu.yield
    }) : () -> ()
    %iota3A = tpu.iota {dimensions = array<i32: 0>} : vector<16xi32>
    %and3A = arith.constant 1 : i32
    %and3A_1 = vector.broadcast %and3A : i32 to vector<16xi32>
    %and3A_2 = arith.andi %iota3A, %and3A_1 : vector<16xi32>
    %eq3A = arith.constant 0 : i32
    %eq3A_3 = vector.broadcast %eq3A : i32 to vector<16xi32>
    %eq3A_4 = arith.cmpi eq, %and3A_2, %eq3A_3 : vector<16xi32>
    %xor3A = arith.constant 1 : i32
    %xor3A_5 = vector.broadcast %xor3A : i32 to vector<16xi32>
    %xor3A_6 = arith.xori %iota3A, %xor3A_5 : vector<16xi32>
    %sub3A = arith.constant 1 : i32
    %sub3A_7 = vector.broadcast %sub3A : i32 to vector<16xi32>
    %sub3A_8 = arith.subi %iota3A, %sub3A_7 : vector<16xi32>
    %and3A_9 = arith.constant 1 : i32
    %and3A_10 = vector.broadcast %and3A_9 : i32 to vector<16xi32>
    %and3A_11 = arith.andi %iota3A, %and3A_10 : vector<16xi32>
    %mul3A_12 = arith.constant 2 : i32
    %mul3A_13 = vector.broadcast %mul3A_12 : i32 to vector<16xi32>
    %mul3A_14 = arith.muli %mul3A_13, %and3A_11 : vector<16xi32>
    %add3A_15 = arith.addi %sub3A_8, %mul3A_14 : vector<16xi32>
    %jit3A = arith.constant 0 : i32
    %jit3A_16 = arith.constant 15 : i32
    %max3A = vector.broadcast %jit3A : i32 to vector<16xi32>
    %max3A_17 = arith.maxsi %max3A, %add3A_15 : vector<16xi32>
    %min3A = vector.broadcast %jit3A_16 : i32 to vector<16xi32>
    %min3A_18 = arith.minsi %min3A, %max3A_17 : vector<16xi32>
    %broadcast_in_dim3A = arith.constant 15 : i32
    %broadcast_in_dim3A_19 = vector.broadcast %broadcast_in_dim3A : i32 to vector<16xi32>
    %broadcast_in_dim3A_20 = arith.constant 0 : i32
    %broadcast_in_dim3A_21 = vector.broadcast %broadcast_in_dim3A_20 : i32 to vector<16xi32>
    %eq3A_22 = arith.constant 15 : i32
    %eq3A_23 = vector.broadcast %eq3A_22 : i32 to vector<16xi32>
    %eq3A_24 = arith.cmpi eq, %iota3A, %eq3A_23 : vector<16xi32>
    %eq3A_25 = arith.constant 0 : i32
    %eq3A_26 = vector.broadcast %eq3A_25 : i32 to vector<16xi32>
    %eq3A_27 = arith.cmpi eq, %iota3A, %eq3A_26 : vector<16xi32>
    %scan3A = arith.constant 0 : i32
    %scan3A_28 = arith.constant 16 : i32
    %scan3A_29 = arith.addi %scan3A, %scan3A_28 : i32
    %scan3A_30 = arith.constant 1 : i32
    scf.for %scan3A_117 = %scan3A to %scan3A_29 step %scan3A_30  : i32 {
      %mul3A_118 = arith.constant 2 : i32
      %mul3A_119 = arith.muli %scan3A_117, %mul3A_118 : i32
      %add3A_120 = arith.constant 0 : i32
      %add3A_121 = arith.addi %add3A_120, %mul3A_119 : i32
      %mul3A_122 = arith.constant 2 : i32
      %mul3A_123 = arith.muli %mul3A_122, %add3A_121 : i32
      %mul3A_124 = arith.constant 16 : i32
      %mul3A_125 = arith.muli %mul3A_123, %mul3A_124 : i32
      %add3A_126 = arith.constant 1 : i32
      %add3A_127 = arith.addi %mul3A_123, %add3A_126 : i32
      %mul3A_128 = arith.constant 16 : i32
      %mul3A_129 = arith.muli %add3A_127, %mul3A_128 : i32
      %get3A = arith.index_cast %mul3A_125 : i32 to index
      %get3A_130 = tpu.vector_load %arg5[%get3A] {strides = array<i32>} : memref<1024xf32, #tpu.memory_space<vmem>>, vector<16xf32>,
      %get3A_131 = arith.index_cast %mul3A_129 : i32 to index
      %get3A_132 = tpu.vector_load %arg5[%get3A_131] {strides = array<i32>} : memref<1024xf32, #tpu.memory_space<vmem>>, vector<16xf32>,
      %mul3A_133 = arith.constant 16 : i32
      %mul3A_134 = arith.muli %mul3A_123, %mul3A_133 : i32
      %add3A_135 = vector.broadcast %mul3A_134 : i32 to vector<16xi32>
      %add3A_136 = arith.addi %iota3A, %add3A_135 : vector<16xi32>
      %add3A_137 = arith.constant 16 : i32
      %add3A_138 = vector.broadcast %add3A_137 : i32 to vector<16xi32>
      %add3A_139 = arith.addi %add3A_136, %add3A_138 : vector<16xi32>
      %masked_sort3A = arith.constant dense<true> : vector<16xi1>
      %masked_sort3A_140, %masked_sort3A_141, %masked_sort3A_142 = tpu.sort %get3A_130, %add3A_136 masked %masked_sort3A : (vector<16xf32>, vector<16xi32>, vector<16xi1>) -> (vector<16xi1>, vector<16xf32>, vector<16xi32>)
      %masked_sort3A_143 = arith.constant dense<true> : vector<16xi1>
      %masked_sort3A_144, %masked_sort3A_145, %masked_sort3A_146 = tpu.sort %get3A_132, %add3A_139 masked %masked_sort3A_143 {descending = true} : (vector<16xf32>, vector<16xi32>, vector<16xi1>) -> (vector<16xi1>, vector<16xf32>, vector<16xi32>)
      %lt3A = arith.cmpf olt, %masked_sort3A_145, %masked_sort3A_141 : vector<16xf32>
      %select_n3A = arith.select %lt3A, %masked_sort3A_145, %masked_sort3A_141 : vector<16xi1>, vector<16xf32>
      %select_n3A_147 = arith.select %lt3A, %masked_sort3A_141, %masked_sort3A_145 : vector<16xi1>, vector<16xf32>
      %select_n3A_148 = arith.select %lt3A, %masked_sort3A_146, %masked_sort3A_142 : vector<16xi1>, vector<16xi32>
      %select_n3A_149 = arith.select %lt3A, %masked_sort3A_142, %masked_sort3A_146 : vector<16xi1>, vector<16xi32>
      %masked_sort3A_150 = arith.constant dense<true> : vector<16xi1>
      %masked_sort3A_151, %masked_sort3A_152, %masked_sort3A_153 = tpu.sort %select_n3A, %select_n3A_148 masked %masked_sort3A_150 : (vector<16xf32>, vector<16xi32>, vector<16xi1>) -> (vector<16xi1>, vector<16xf32>, vector<16xi32>)
      %swap3A = arith.index_cast %mul3A_125 : i32 to index
      %swap3A_154 = tpu.vector_load %arg5[%swap3A] {strides = array<i32>} : memref<1024xf32, #tpu.memory_space<vmem>>, vector<16xf32>,
      tpu.vector_store %arg5[%swap3A], %masked_sort3A_152 {strides = array<i32>} : memref<1024xf32, #tpu.memory_space<vmem>>, vector<16xf32>,
      %swap3A_155 = arith.index_cast %mul3A_125 : i32 to index
      %swap3A_156 = tpu.vector_load %arg6[%swap3A_155] {strides = array<i32>} : memref<1024xi32, #tpu.memory_space<vmem>>, vector<16xi32>,
      tpu.vector_store %arg6[%swap3A_155], %masked_sort3A_153 {strides = array<i32>} : memref<1024xi32, #tpu.memory_space<vmem>>, vector<16xi32>,
      %masked_sort3A_157 = arith.constant dense<true> : vector<16xi1>
      %masked_sort3A_158, %masked_sort3A_159, %masked_sort3A_160 = tpu.sort %select_n3A_147, %select_n3A_149 masked %masked_sort3A_157 : (vector<16xf32>, vector<16xi32>, vector<16xi1>) -> (vector<16xi1>, vector<16xf32>, vector<16xi32>)
      %swap3A_161 = arith.index_cast %mul3A_129 : i32 to index
      %swap3A_162 = tpu.vector_load %arg5[%swap3A_161] {strides = array<i32>} : memref<1024xf32, #tpu.memory_space<vmem>>, vector<16xf32>,
      tpu.vector_store %arg5[%swap3A_161], %masked_sort3A_159 {strides = array<i32>} : memref<1024xf32, #tpu.memory_space<vmem>>, vector<16xf32>,
      %swap3A_163 = arith.index_cast %mul3A_129 : i32 to index
      %swap3A_164 = tpu.vector_load %arg6[%swap3A_163] {strides = array<i32>} : memref<1024xi32, #tpu.memory_space<vmem>>, vector<16xi32>,
      tpu.vector_store %arg6[%swap3A_163], %masked_sort3A_160 {strides = array<i32>} : memref<1024xi32, #tpu.memory_space<vmem>>, vector<16xi32>,
    }
    %scan3A_31 = arith.constant 16 : i32
    %scan3A_32 = arith.constant 0 : i32
    %scan3A_33 = arith.constant 16 : i32
    %scan3A_34 = arith.addi %scan3A_32, %scan3A_33 : i32
    %scan3A_35 = arith.constant 1 : i32
    scf.for %scan3A_117 = %scan3A_32 to %scan3A_34 step %scan3A_35  : i32 {
      %mul3A_118 = arith.constant 2 : i32
      %mul3A_119 = arith.muli %scan3A_117, %mul3A_118 : i32
      %add3A_120 = arith.constant 1 : i32
      %add3A_121 = arith.addi %add3A_120, %mul3A_119 : i32
      %mul3A_122 = arith.constant 2 : i32
      %mul3A_123 = arith.muli %mul3A_122, %add3A_121 : i32
      %mul3A_124 = arith.constant 16 : i32
      %mul3A_125 = arith.muli %mul3A_123, %mul3A_124 : i32
      %add3A_126 = arith.constant 1 : i32
      %add3A_127 = arith.addi %mul3A_123, %add3A_126 : i32
      %mul3A_128 = arith.constant 16 : i32
      %mul3A_129 = arith.muli %add3A_127, %mul3A_128 : i32
      %get3A = arith.index_cast %mul3A_125 : i32 to index
      %get3A_130 = tpu.vector_load %arg5[%get3A] {strides = array<i32>} : memref<1024xf32, #tpu.memory_space<vmem>>, vector<16xf32>,
      %get3A_131 = arith.index_cast %mul3A_129 : i32 to index
      %get3A_132 = tpu.vector_load %arg5[%get3A_131] {strides = array<i32>} : memref<1024xf32, #tpu.memory_space<vmem>>, vector<16xf32>,
      %mul3A_133 = arith.constant 16 : i32
      %mul3A_134 = arith.muli %mul3A_123, %mul3A_133 : i32
      %add3A_135 = vector.broadcast %mul3A_134 : i32 to vector<16xi32>
      %add3A_136 = arith.addi %iota3A, %add3A_135 : vector<16xi32>
      %add3A_137 = arith.constant 16 : i32
      %add3A_138 = vector.broadcast %add3A_137 : i32 to vector<16xi32>
      %add3A_139 = arith.addi %add3A_136, %add3A_138 : vector<16xi32>
      %masked_sort3A = arith.constant dense<true> : vector<16xi1>
      %masked_sort3A_140, %masked_sort3A_141, %masked_sort3A_142 = tpu.sort %get3A_130, %add3A_136 masked %masked_sort3A : (vector<16xf32>, vector<16xi32>, vector<16xi1>) -> (vector<16xi1>, vector<16xf32>, vector<16xi32>)
      %masked_sort3A_143 = arith.constant dense<true> : vector<16xi1>
      %masked_sort3A_144, %masked_sort3A_145, %masked_sort3A_146 = tpu.sort %get3A_132, %add3A_139 masked %masked_sort3A_143 {descending = true} : (vector<16xf32>, vector<16xi32>, vector<16xi1>) -> (vector<16xi1>, vector<16xf32>, vector<16xi32>)
      %lt3A = arith.cmpf olt, %masked_sort3A_141, %masked_sort3A_145 : vector<16xf32>
      %select_n3A = arith.select %lt3A, %masked_sort3A_145, %masked_sort3A_141 : vector<16xi1>, vector<16xf32>
      %select_n3A_147 = arith.select %lt3A, %masked_sort3A_141, %masked_sort3A_145 : vector<16xi1>, vector<16xf32>
      %select_n3A_148 = arith.select %lt3A, %masked_sort3A_146, %masked_sort3A_142 : vector<16xi1>, vector<16xi32>
      %select_n3A_149 = arith.select %lt3A, %masked_sort3A_142, %masked_sort3A_146 : vector<16xi1>, vector<16xi32>
      %masked_sort3A_150 = arith.constant dense<true> : vector<16xi1>
      %masked_sort3A_151, %masked_sort3A_152, %masked_sort3A_153 = tpu.sort %select_n3A, %select_n3A_148 masked %masked_sort3A_150 {descending = true} : (vector<16xf32>, vector<16xi32>, vector<16xi1>) -> (vector<16xi1>, vector<16xf32>, vector<16xi32>)
      %swap3A = arith.index_cast %mul3A_125 : i32 to index
      %swap3A_154 = tpu.vector_load %arg5[%swap3A] {strides = array<i32>} : memref<1024xf32, #tpu.memory_space<vmem>>, vector<16xf32>,
      tpu.vector_store %arg5[%swap3A], %masked_sort3A_152 {strides = array<i32>} : memref<1024xf32, #tpu.memory_space<vmem>>, vector<16xf32>,
      %swap3A_155 = arith.index_cast %mul3A_125 : i32 to index
      %swap3A_156 = tpu.vector_load %arg6[%swap3A_155] {strides = array<i32>} : memref<1024xi32, #tpu.memory_space<vmem>>, vector<16xi32>,
      tpu.vector_store %arg6[%swap3A_155], %masked_sort3A_153 {strides = array<i32>} : memref<1024xi32, #tpu.memory_space<vmem>>, vector<16xi32>,
      %masked_sort3A_157 = arith.constant dense<true> : vector<16xi1>
      %masked_sort3A_158, %masked_sort3A_159, %masked_sort3A_160 = tpu.sort %select_n3A_147, %select_n3A_149 masked %masked_sort3A_157 {descending = true} : (vector<16xf32>, vector<16xi32>, vector<16xi1>) -> (vector<16xi1>, vector<16xf32>, vector<16xi32>)
      %swap3A_161 = arith.index_cast %mul3A_129 : i32 to index
      %swap3A_162 = tpu.vector_load %arg5[%swap3A_161] {strides = array<i32>} : memref<1024xf32, #tpu.memory_space<vmem>>, vector<16xf32>,
      tpu.vector_store %arg5[%swap3A_161], %masked_sort3A_159 {strides = array<i32>} : memref<1024xf32, #tpu.memory_space<vmem>>, vector<16xf32>,
      %swap3A_163 = arith.index_cast %mul3A_129 : i32 to index
      %swap3A_164 = tpu.vector_load %arg6[%swap3A_163] {strides = array<i32>} : memref<1024xi32, #tpu.memory_space<vmem>>, vector<16xi32>,
      tpu.vector_store %arg6[%swap3A_163], %masked_sort3A_160 {strides = array<i32>} : memref<1024xi32, #tpu.memory_space<vmem>>, vector<16xi32>,
    }
    %scan3A_36 = arith.constant 16 : i32
    %scan3A_37 = arith.constant 0 : i32
    %scan3A_38 = arith.constant 8 : i32
    %scan3A_39 = arith.addi %scan3A_37, %scan3A_38 : i32
    %scan3A_40 = arith.constant 1 : i32
    scf.for %scan3A_117 = %scan3A_37 to %scan3A_39 step %scan3A_40  : i32 {
      %mul3A_118 = arith.constant 2 : i32
      %mul3A_119 = arith.muli %scan3A_117, %mul3A_118 : i32
      %add3A_120 = arith.constant 0 : i32
      %add3A_121 = arith.addi %add3A_120, %mul3A_119 : i32
      %mul3A_122 = arith.constant 4 : i32
      %mul3A_123 = arith.muli %mul3A_122, %add3A_121 : i32
      %add3A_124 = arith.constant 0 : i32
      %add3A_125 = arith.addi %mul3A_123, %add3A_124 : i32
      %mul3A_126 = arith.constant 16 : i32
      %mul3A_127 = arith.muli %add3A_125, %mul3A_126 : i32
      %add3A_128 = arith.constant 1 : i32
      %add3A_129 = arith.addi %mul3A_123, %add3A_128 : i32
      %mul3A_130 = arith.constant 16 : i32
      %mul3A_131 = arith.muli %add3A_129, %mul3A_130 : i32
      %add3A_132 = arith.constant 2 : i32
      %add3A_133 = arith.addi %mul3A_123, %add3A_132 : i32
      %mul3A_134 = arith.constant 16 : i32
      %mul3A_135 = arith.muli %add3A_133, %mul3A_134 : i32
      %add3A_136 = arith.constant 3 : i32
      %add3A_137 = arith.addi %mul3A_123, %add3A_136 : i32
      %mul3A_138 = arith.constant 16 : i32
      %mul3A_139 = arith.muli %add3A_137, %mul3A_138 : i32
      %get3A = arith.index_cast %mul3A_127 : i32 to index
      %get3A_140 = tpu.vector_load %arg5[%get3A] {strides = array<i32>} : memref<1024xf32, #tpu.memory_space<vmem>>, vector<16xf32>,
      %get3A_141 = arith.index_cast %mul3A_131 : i32 to index
      %get3A_142 = tpu.vector_load %arg5[%get3A_141] {strides = array<i32>} : memref<1024xf32, #tpu.memory_space<vmem>>, vector<16xf32>,
      %get3A_143 = arith.index_cast %mul3A_135 : i32 to index
      %get3A_144 = tpu.vector_load %arg5[%get3A_143] {strides = array<i32>} : memref<1024xf32, #tpu.memory_space<vmem>>, vector<16xf32>,
      %get3A_145 = arith.index_cast %mul3A_139 : i32 to index
      %get3A_146 = tpu.vector_load %arg5[%get3A_145] {strides = array<i32>} : memref<1024xf32, #tpu.memory_space<vmem>>, vector<16xf32>,
      %get3A_147 = arith.index_cast %mul3A_127 : i32 to index
      %get3A_148 = tpu.vector_load %arg6[%get3A_147] {strides = array<i32>} : memref<1024xi32, #tpu.memory_space<vmem>>, vector<16xi32>,
      %get3A_149 = arith.index_cast %mul3A_131 : i32 to index
      %get3A_150 = tpu.vector_load %arg6[%get3A_149] {strides = array<i32>} : memref<1024xi32, #tpu.memory_space<vmem>>, vector<16xi32>,
      %get3A_151 = arith.index_cast %mul3A_135 : i32 to index
      %get3A_152 = tpu.vector_load %arg6[%get3A_151] {strides = array<i32>} : memref<1024xi32, #tpu.memory_space<vmem>>, vector<16xi32>,
      %get3A_153 = arith.index_cast %mul3A_139 : i32 to index
      %get3A_154 = tpu.vector_load %arg6[%get3A_153] {strides = array<i32>} : memref<1024xi32, #tpu.memory_space<vmem>>, vector<16xi32>,
      %lt3A = arith.cmpf olt, %get3A_144, %get3A_140 : vector<16xf32>
      %select_n3A = arith.select %lt3A, %get3A_144, %get3A_140 : vector<16xi1>, vector<16xf32>
      %select_n3A_155 = arith.select %lt3A, %get3A_140, %get3A_144 : vector<16xi1>, vector<16xf32>
      %select_n3A_156 = arith.select %lt3A, %get3A_152, %get3A_148 : vector<16xi1>, vector<16xi32>
      %select_n3A_157 = arith.select %lt3A, %get3A_148, %get3A_152 : vector<16xi1>, vector<16xi32>
      %lt3A_158 = arith.cmpf olt, %get3A_146, %get3A_142 : vector<16xf32>
      %select_n3A_159 = arith.select %lt3A_158, %get3A_146, %get3A_142 : vector<16xi1>, vector<16xf32>
      %select_n3A_160 = arith.select %lt3A_158, %get3A_142, %get3A_146 : vector<16xi1>, vector<16xf32>
      %select_n3A_161 = arith.select %lt3A_158, %get3A_154, %get3A_150 : vector<16xi1>, vector<16xi32>
      %select_n3A_162 = arith.select %lt3A_158, %get3A_150, %get3A_154 : vector<16xi1>, vector<16xi32>
      %lt3A_163 = arith.cmpf olt, %select_n3A_159, %select_n3A : vector<16xf32>
      %select_n3A_164 = arith.select %lt3A_163, %select_n3A_159, %select_n3A : vector<16xi1>, vector<16xf32>
      %select_n3A_165 = arith.select %lt3A_163, %select_n3A, %select_n3A_159 : vector<16xi1>, vector<16xf32>
      %select_n3A_166 = arith.select %lt3A_163, %select_n3A_161, %select_n3A_156 : vector<16xi1>, vector<16xi32>
      %select_n3A_167 = arith.select %lt3A_163, %select_n3A_156, %select_n3A_161 : vector<16xi1>, vector<16xi32>
      %lt3A_168 = arith.cmpf olt, %select_n3A_160, %select_n3A_155 : vector<16xf32>
      %select_n3A_169 = arith.select %lt3A_168, %select_n3A_160, %select_n3A_155 : vector<16xi1>, vector<16xf32>
      %select_n3A_170 = arith.select %lt3A_168, %select_n3A_155, %select_n3A_160 : vector<16xi1>, vector<16xf32>
      %select_n3A_171 = arith.select %lt3A_168, %select_n3A_162, %select_n3A_157 : vector<16xi1>, vector<16xi32>
      %select_n3A_172 = arith.select %lt3A_168, %select_n3A_157, %select_n3A_162 : vector<16xi1>, vector<16xi32>
      %masked_sort3A = arith.constant dense<true> : vector<16xi1>
      %masked_sort3A_173, %masked_sort3A_174, %masked_sort3A_175 = tpu.sort %select_n3A_164, %select_n3A_166 masked %masked_sort3A : (vector<16xf32>, vector<16xi32>, vector<16xi1>) -> (vector<16xi1>, vector<16xf32>, vector<16xi32>)
      %swap3A = arith.index_cast %mul3A_127 : i32 to index
      %swap3A_176 = tpu.vector_load %arg5[%swap3A] {strides = array<i32>} : memref<1024xf32, #tpu.memory_space<vmem>>, vector<16xf32>,
      tpu.vector_store %arg5[%swap3A], %masked_sort3A_174 {strides = array<i32>} : memref<1024xf32, #tpu.memory_space<vmem>>, vector<16xf32>,
      %swap3A_177 = arith.index_cast %mul3A_127 : i32 to index
      %swap3A_178 = tpu.vector_load %arg6[%swap3A_177] {strides = array<i32>} : memref<1024xi32, #tpu.memory_space<vmem>>, vector<16xi32>,
      tpu.vector_store %arg6[%swap3A_177], %masked_sort3A_175 {strides = array<i32>} : memref<1024xi32, #tpu.memory_space<vmem>>, vector<16xi32>,
      %masked_sort3A_179 = arith.constant dense<true> : vector<16xi1>
      %masked_sort3A_180, %masked_sort3A_181, %masked_sort3A_182 = tpu.sort %select_n3A_165, %select_n3A_167 masked %masked_sort3A_179 : (vector<16xf32>, vector<16xi32>, vector<16xi1>) -> (vector<16xi1>, vector<16xf32>, vector<16xi32>)
      %swap3A_183 = arith.index_cast %mul3A_131 : i32 to index
      %swap3A_184 = tpu.vector_load %arg5[%swap3A_183] {strides = array<i32>} : memref<1024xf32, #tpu.memory_space<vmem>>, vector<16xf32>,
      tpu.vector_store %arg5[%swap3A_183], %masked_sort3A_181 {strides = array<i32>} : memref<1024xf32, #tpu.memory_space<vmem>>, vector<16xf32>,
      %swap3A_185 = arith.index_cast %mul3A_131 : i32 to index
      %swap3A_186 = tpu.vector_load %arg6[%swap3A_185] {strides = array<i32>} : memref<1024xi32, #tpu.memory_space<vmem>>, vector<16xi32>,
      tpu.vector_store %arg6[%swap3A_185], %masked_sort3A_182 {strides = array<i32>} : memref<1024xi32, #tpu.memory_space<vmem>>, vector<16xi32>,
      %masked_sort3A_187 = arith.constant dense<true> : vector<16xi1>
      %masked_sort3A_188, %masked_sort3A_189, %masked_sort3A_190 = tpu.sort %select_n3A_169, %select_n3A_171 masked %masked_sort3A_187 : (vector<16xf32>, vector<16xi32>, vector<16xi1>) -> (vector<16xi1>, vector<16xf32>, vector<16xi32>)
      %swap3A_191 = arith.index_cast %mul3A_135 : i32 to index
      %swap3A_192 = tpu.vector_load %arg5[%swap3A_191] {strides = array<i32>} : memref<1024xf32, #tpu.memory_space<vmem>>, vector<16xf32>,
      tpu.vector_store %arg5[%swap3A_191], %masked_sort3A_189 {strides = array<i32>} : memref<1024xf32, #tpu.memory_space<vmem>>, vector<16xf32>,
      %swap3A_193 = arith.index_cast %mul3A_135 : i32 to index
      %swap3A_194 = tpu.vector_load %arg6[%swap3A_193] {strides = array<i32>} : memref<1024xi32, #tpu.memory_space<vmem>>, vector<16xi32>,
      tpu.vector_store %arg6[%swap3A_193], %masked_sort3A_190 {strides = array<i32>} : memref<1024xi32, #tpu.memory_space<vmem>>, vector<16xi32>,
      %masked_sort3A_195 = arith.constant dense<true> : vector<16xi1>
      %masked_sort3A_196, %masked_sort3A_197, %masked_sort3A_198 = tpu.sort %select_n3A_170, %select_n3A_172 masked %masked_sort3A_195 : (vector<16xf32>, vector<16xi32>, vector<16xi1>) -> (vector<16xi1>, vector<16xf32>, vector<16xi32>)
      %swap3A_199 = arith.index_cast %mul3A_139 : i32 to index
      %swap3A_200 = tpu.vector_load %arg5[%swap3A_199] {strides = array<i32>} : memref<1024xf32, #tpu.memory_space<vmem>>, vector<16xf32>,
      tpu.vector_store %arg5[%swap3A_199], %masked_sort3A_197 {strides = array<i32>} : memref<1024xf32, #tpu.memory_space<vmem>>, vector<16xf32>,
      %swap3A_201 = arith.index_cast %mul3A_139 : i32 to index
      %swap3A_202 = tpu.vector_load %arg6[%swap3A_201] {strides = array<i32>} : memref<1024xi32, #tpu.memory_space<vmem>>, vector<16xi32>,
      tpu.vector_store %arg6[%swap3A_201], %masked_sort3A_198 {strides = array<i32>} : memref<1024xi32, #tpu.memory_space<vmem>>, vector<16xi32>,
    }
    %scan3A_41 = arith.constant 8 : i32
    %scan3A_42 = arith.constant 0 : i32
    %scan3A_43 = arith.constant 8 : i32
    %scan3A_44 = arith.addi %scan3A_42, %scan3A_43 : i32
    %scan3A_45 = arith.constant 1 : i32
    scf.for %scan3A_117 = %scan3A_42 to %scan3A_44 step %scan3A_45  : i32 {
      %mul3A_118 = arith.constant 2 : i32
      %mul3A_119 = arith.muli %scan3A_117, %mul3A_118 : i32
      %add3A_120 = arith.constant 1 : i32
      %add3A_121 = arith.addi %add3A_120, %mul3A_119 : i32
      %mul3A_122 = arith.constant 4 : i32
      %mul3A_123 = arith.muli %mul3A_122, %add3A_121 : i32
      %add3A_124 = arith.constant 0 : i32
      %add3A_125 = arith.addi %mul3A_123, %add3A_124 : i32
      %mul3A_126 = arith.constant 16 : i32
      %mul3A_127 = arith.muli %add3A_125, %mul3A_126 : i32
      %add3A_128 = arith.constant 1 : i32
      %add3A_129 = arith.addi %mul3A_123, %add3A_128 : i32
      %mul3A_130 = arith.constant 16 : i32
      %mul3A_131 = arith.muli %add3A_129, %mul3A_130 : i32
      %add3A_132 = arith.constant 2 : i32
      %add3A_133 = arith.addi %mul3A_123, %add3A_132 : i32
      %mul3A_134 = arith.constant 16 : i32
      %mul3A_135 = arith.muli %add3A_133, %mul3A_134 : i32
      %add3A_136 = arith.constant 3 : i32
      %add3A_137 = arith.addi %mul3A_123, %add3A_136 : i32
      %mul3A_138 = arith.constant 16 : i32
      %mul3A_139 = arith.muli %add3A_137, %mul3A_138 : i32
      %get3A = arith.index_cast %mul3A_127 : i32 to index
      %get3A_140 = tpu.vector_load %arg5[%get3A] {strides = array<i32>} : memref<1024xf32, #tpu.memory_space<vmem>>, vector<16xf32>,
      %get3A_141 = arith.index_cast %mul3A_131 : i32 to index
      %get3A_142 = tpu.vector_load %arg5[%get3A_141] {strides = array<i32>} : memref<1024xf32, #tpu.memory_space<vmem>>, vector<16xf32>,
      %get3A_143 = arith.index_cast %mul3A_135 : i32 to index
      %get3A_144 = tpu.vector_load %arg5[%get3A_143] {strides = array<i32>} : memref<1024xf32, #tpu.memory_space<vmem>>, vector<16xf32>,
      %get3A_145 = arith.index_cast %mul3A_139 : i32 to index
      %get3A_146 = tpu.vector_load %arg5[%get3A_145] {strides = array<i32>} : memref<1024xf32, #tpu.memory_space<vmem>>, vector<16xf32>,
      %get3A_147 = arith.index_cast %mul3A_127 : i32 to index
      %get3A_148 = tpu.vector_load %arg6[%get3A_147] {strides = array<i32>} : memref<1024xi32, #tpu.memory_space<vmem>>, vector<16xi32>,
      %get3A_149 = arith.index_cast %mul3A_131 : i32 to index
      %get3A_150 = tpu.vector_load %arg6[%get3A_149] {strides = array<i32>} : memref<1024xi32, #tpu.memory_space<vmem>>, vector<16xi32>,
      %get3A_151 = arith.index_cast %mul3A_135 : i32 to index
      %get3A_152 = tpu.vector_load %arg6[%get3A_151] {strides = array<i32>} : memref<1024xi32, #tpu.memory_space<vmem>>, vector<16xi32>,
      %get3A_153 = arith.index_cast %mul3A_139 : i32 to index
      %get3A_154 = tpu.vector_load %arg6[%get3A_153] {strides = array<i32>} : memref<1024xi32, #tpu.memory_space<vmem>>, vector<16xi32>,
      %lt3A = arith.cmpf olt, %get3A_140, %get3A_144 : vector<16xf32>
      %select_n3A = arith.select %lt3A, %get3A_144, %get3A_140 : vector<16xi1>, vector<16xf32>
      %select_n3A_155 = arith.select %lt3A, %get3A_140, %get3A_144 : vector<16xi1>, vector<16xf32>
      %select_n3A_156 = arith.select %lt3A, %get3A_152, %get3A_148 : vector<16xi1>, vector<16xi32>
      %select_n3A_157 = arith.select %lt3A, %get3A_148, %get3A_152 : vector<16xi1>, vector<16xi32>
      %lt3A_158 = arith.cmpf olt, %get3A_142, %get3A_146 : vector<16xf32>
      %select_n3A_159 = arith.select %lt3A_158, %get3A_146, %get3A_142 : vector<16xi1>, vector<16xf32>
      %select_n3A_160 = arith.select %lt3A_158, %get3A_142, %get3A_146 : vector<16xi1>, vector<16xf32>
      %select_n3A_161 = arith.select %lt3A_158, %get3A_154, %get3A_150 : vector<16xi1>, vector<16xi32>
      %select_n3A_162 = arith.select %lt3A_158, %get3A_150, %get3A_154 : vector<16xi1>, vector<16xi32>
      %lt3A_163 = arith.cmpf olt, %select_n3A, %select_n3A_159 : vector<16xf32>
      %select_n3A_164 = arith.select %lt3A_163, %select_n3A_159, %select_n3A : vector<16xi1>, vector<16xf32>
      %select_n3A_165 = arith.select %lt3A_163, %select_n3A, %select_n3A_159 : vector<16xi1>, vector<16xf32>
      %select_n3A_166 = arith.select %lt3A_163, %select_n3A_161, %select_n3A_156 : vector<16xi1>, vector<16xi32>
      %select_n3A_167 = arith.select %lt3A_163, %select_n3A_156, %select_n3A_161 : vector<16xi1>, vector<16xi32>
      %lt3A_168 = arith.cmpf olt, %select_n3A_155, %select_n3A_160 : vector<16xf32>
      %select_n3A_169 = arith.select %lt3A_168, %select_n3A_160, %select_n3A_155 : vector<16xi1>, vector<16xf32>
      %select_n3A_170 = arith.select %lt3A_168, %select_n3A_155, %select_n3A_160 : vector<16xi1>, vector<16xf32>
      %select_n3A_171 = arith.select %lt3A_168, %select_n3A_162, %select_n3A_157 : vector<16xi1>, vector<16xi32>
      %select_n3A_172 = arith.select %lt3A_168, %select_n3A_157, %select_n3A_162 : vector<16xi1>, vector<16xi32>
      %masked_sort3A = arith.constant dense<true> : vector<16xi1>
      %masked_sort3A_173, %masked_sort3A_174, %masked_sort3A_175 = tpu.sort %select_n3A_164, %select_n3A_166 masked %masked_sort3A {descending = true} : (vector<16xf32>, vector<16xi32>, vector<16xi1>) -> (vector<16xi1>, vector<16xf32>, vector<16xi32>)
      %swap3A = arith.index_cast %mul3A_127 : i32 to index
      %swap3A_176 = tpu.vector_load %arg5[%swap3A] {strides = array<i32>} : memref<1024xf32, #tpu.memory_space<vmem>>, vector<16xf32>,
      tpu.vector_store %arg5[%swap3A], %masked_sort3A_174 {strides = array<i32>} : memref<1024xf32, #tpu.memory_space<vmem>>, vector<16xf32>,
      %swap3A_177 = arith.index_cast %mul3A_127 : i32 to index
      %swap3A_178 = tpu.vector_load %arg6[%swap3A_177] {strides = array<i32>} : memref<1024xi32, #tpu.memory_space<vmem>>, vector<16xi32>,
      tpu.vector_store %arg6[%swap3A_177], %masked_sort3A_175 {strides = array<i32>} : memref<1024xi32, #tpu.memory_space<vmem>>, vector<16xi32>,
      %masked_sort3A_179 = arith.constant dense<true> : vector<16xi1>
      %masked_sort3A_180, %masked_sort3A_181, %masked_sort3A_182 = tpu.sort %select_n3A_165, %select_n3A_167 masked %masked_sort3A_179 {descending = true} : (vector<16xf32>, vector<16xi32>, vector<16xi1>) -> (vector<16xi1>, vector<16xf32>, vector<16xi32>)
      %swap3A_183 = arith.index_cast %mul3A_131 : i32 to index
      %swap3A_184 = tpu.vector_load %arg5[%swap3A_183] {strides = array<i32>} : memref<1024xf32, #tpu.memory_space<vmem>>, vector<16xf32>,
      tpu.vector_store %arg5[%swap3A_183], %masked_sort3A_181 {strides = array<i32>} : memref<1024xf32, #tpu.memory_space<vmem>>, vector<16xf32>,
      %swap3A_185 = arith.index_cast %mul3A_131 : i32 to index
      %swap3A_186 = tpu.vector_load %arg6[%swap3A_185] {strides = array<i32>} : memref<1024xi32, #tpu.memory_space<vmem>>, vector<16xi32>,
      tpu.vector_store %arg6[%swap3A_185], %masked_sort3A_182 {strides = array<i32>} : memref<1024xi32, #tpu.memory_space<vmem>>, vector<16xi32>,
      %masked_sort3A_187 = arith.constant dense<true> : vector<16xi1>
      %masked_sort3A_188, %masked_sort3A_189, %masked_sort3A_190 = tpu.sort %select_n3A_169, %select_n3A_171 masked %masked_sort3A_187 {descending = true} : (vector<16xf32>, vector<16xi32>, vector<16xi1>) -> (vector<16xi1>, vector<16xf32>, vector<16xi32>)
      %swap3A_191 = arith.index_cast %mul3A_135 : i32 to index
      %swap3A_192 = tpu.vector_load %arg5[%swap3A_191] {strides = array<i32>} : memref<1024xf32, #tpu.memory_space<vmem>>, vector<16xf32>,
      tpu.vector_store %arg5[%swap3A_191], %masked_sort3A_189 {strides = array<i32>} : memref<1024xf32, #tpu.memory_space<vmem>>, vector<16xf32>,
      %swap3A_193 = arith.index_cast %mul3A_135 : i32 to index
      %swap3A_194 = tpu.vector_load %arg6[%swap3A_193] {strides = array<i32>} : memref<1024xi32, #tpu.memory_space<vmem>>, vector<16xi32>,
      tpu.vector_store %arg6[%swap3A_193], %masked_sort3A_190 {strides = array<i32>} : memref<1024xi32, #tpu.memory_space<vmem>>, vector<16xi32>,
      %masked_sort3A_195 = arith.constant dense<true> : vector<16xi1>
      %masked_sort3A_196, %masked_sort3A_197, %masked_sort3A_198 = tpu.sort %select_n3A_170, %select_n3A_172 masked %masked_sort3A_195 {descending = true} : (vector<16xf32>, vector<16xi32>, vector<16xi1>) -> (vector<16xi1>, vector<16xf32>, vector<16xi32>)
      %swap3A_199 = arith.index_cast %mul3A_139 : i32 to index
      %swap3A_200 = tpu.vector_load %arg5[%swap3A_199] {strides = array<i32>} : memref<1024xf32, #tpu.memory_space<vmem>>, vector<16xf32>,
      tpu.vector_store %arg5[%swap3A_199], %masked_sort3A_197 {strides = array<i32>} : memref<1024xf32, #tpu.memory_space<vmem>>, vector<16xf32>,
      %swap3A_201 = arith.index_cast %mul3A_139 : i32 to index
      %swap3A_202 = tpu.vector_load %arg6[%swap3A_201] {strides = array<i32>} : memref<1024xi32, #tpu.memory_space<vmem>>, vector<16xi32>,
      tpu.vector_store %arg6[%swap3A_201], %masked_sort3A_198 {strides = array<i32>} : memref<1024xi32, #tpu.memory_space<vmem>>, vector<16xi32>,
    }
    %scan3A_46 = arith.constant 8 : i32
    %scan3A_47 = arith.constant 0 : i32
    %scan3A_48 = arith.constant 4 : i32
    %scan3A_49 = arith.addi %scan3A_47, %scan3A_48 : i32
    %scan3A_50 = arith.constant 1 : i32
    scf.for %scan3A_117 = %scan3A_47 to %scan3A_49 step %scan3A_50  : i32 {
      %mul3A_118 = arith.constant 1 : i32
      %mul3A_119 = arith.muli %scan3A_117, %mul3A_118 : i32
      %add3A_120 = arith.constant 0 : i32
      %add3A_121 = arith.addi %add3A_120, %mul3A_119 : i32
      %shift_right_arithmetic3A = arith.constant 0 : i32
      %shift_right_arithmetic3A_122 = arith.shrsi %add3A_121, %shift_right_arithmetic3A : i32
      %shift_left3A = arith.constant 1 : i32
      %shift_left3A_123 = arith.shli %shift_right_arithmetic3A_122, %shift_left3A : i32
      %and3A_124 = arith.constant 0 : i32
      %and3A_125 = arith.andi %add3A_121, %and3A_124 : i32
      %add3A_126 = arith.addi %shift_left3A_123, %and3A_125 : i32
      %mul3A_127 = arith.constant 8 : i32
      %mul3A_128 = arith.muli %mul3A_127, %add3A_126 : i32
      %add3A_129 = arith.constant 0 : i32
      %add3A_130 = arith.addi %mul3A_128, %add3A_129 : i32
      %mul3A_131 = arith.constant 16 : i32
      %mul3A_132 = arith.muli %add3A_130, %mul3A_131 : i32
      %add3A_133 = arith.constant 1 : i32
      %add3A_134 = arith.addi %mul3A_128, %add3A_133 : i32
      %mul3A_135 = arith.constant 16 : i32
      %mul3A_136 = arith.muli %add3A_134, %mul3A_135 : i32
      %add3A_137 = arith.constant 2 : i32
      %add3A_138 = arith.addi %mul3A_128, %add3A_137 : i32
      %mul3A_139 = arith.constant 16 : i32
      %mul3A_140 = arith.muli %add3A_138, %mul3A_139 : i32
      %add3A_141 = arith.constant 3 : i32
      %add3A_142 = arith.addi %mul3A_128, %add3A_141 : i32
      %mul3A_143 = arith.constant 16 : i32
      %mul3A_144 = arith.muli %add3A_142, %mul3A_143 : i32
      %add3A_145 = arith.constant 4 : i32
      %add3A_146 = arith.addi %mul3A_128, %add3A_145 : i32
      %mul3A_147 = arith.constant 16 : i32
      %mul3A_148 = arith.muli %add3A_146, %mul3A_147 : i32
      %add3A_149 = arith.constant 5 : i32
      %add3A_150 = arith.addi %mul3A_128, %add3A_149 : i32
      %mul3A_151 = arith.constant 16 : i32
      %mul3A_152 = arith.muli %add3A_150, %mul3A_151 : i32
      %add3A_153 = arith.constant 6 : i32
      %add3A_154 = arith.addi %mul3A_128, %add3A_153 : i32
      %mul3A_155 = arith.constant 16 : i32
      %mul3A_156 = arith.muli %add3A_154, %mul3A_155 : i32
      %add3A_157 = arith.constant 7 : i32
      %add3A_158 = arith.addi %mul3A_128, %add3A_157 : i32
      %mul3A_159 = arith.constant 16 : i32
      %mul3A_160 = arith.muli %add3A_158, %mul3A_159 : i32
      %get3A = arith.index_cast %mul3A_132 : i32 to index
      %get3A_161 = tpu.vector_load %arg5[%get3A] {strides = array<i32>} : memref<1024xf32, #tpu.memory_space<vmem>>, vector<16xf32>,
      %get3A_162 = arith.index_cast %mul3A_136 : i32 to index
      %get3A_163 = tpu.vector_load %arg5[%get3A_162] {strides = array<i32>} : memref<1024xf32, #tpu.memory_space<vmem>>, vector<16xf32>,
      %get3A_164 = arith.index_cast %mul3A_140 : i32 to index
      %get3A_165 = tpu.vector_load %arg5[%get3A_164] {strides = array<i32>} : memref<1024xf32, #tpu.memory_space<vmem>>, vector<16xf32>,
      %get3A_166 = arith.index_cast %mul3A_144 : i32 to index
      %get3A_167 = tpu.vector_load %arg5[%get3A_166] {strides = array<i32>} : memref<1024xf32, #tpu.memory_space<vmem>>, vector<16xf32>,
      %get3A_168 = arith.index_cast %mul3A_148 : i32 to index
      %get3A_169 = tpu.vector_load %arg5[%get3A_168] {strides = array<i32>} : memref<1024xf32, #tpu.memory_space<vmem>>, vector<16xf32>,
      %get3A_170 = arith.index_cast %mul3A_152 : i32 to index
      %get3A_171 = tpu.vector_load %arg5[%get3A_170] {strides = array<i32>} : memref<1024xf32, #tpu.memory_space<vmem>>, vector<16xf32>,
      %get3A_172 = arith.index_cast %mul3A_156 : i32 to index
      %get3A_173 = tpu.vector_load %arg5[%get3A_172] {strides = array<i32>} : memref<1024xf32, #tpu.memory_space<vmem>>, vector<16xf32>,
      %get3A_174 = arith.index_cast %mul3A_160 : i32 to index
      %get3A_175 = tpu.vector_load %arg5[%get3A_174] {strides = array<i32>} : memref<1024xf32, #tpu.memory_space<vmem>>, vector<16xf32>,
      %get3A_176 = arith.index_cast %mul3A_132 : i32 to index
      %get3A_177 = tpu.vector_load %arg6[%get3A_176] {strides = array<i32>} : memref<1024xi32, #tpu.memory_space<vmem>>, vector<16xi32>,
      %get3A_178 = arith.index_cast %mul3A_136 : i32 to index
      %get3A_179 = tpu.vector_load %arg6[%get3A_178] {strides = array<i32>} : memref<1024xi32, #tpu.memory_space<vmem>>, vector<16xi32>,
      %get3A_180 = arith.index_cast %mul3A_140 : i32 to index
      %get3A_181 = tpu.vector_load %arg6[%get3A_180] {strides = array<i32>} : memref<1024xi32, #tpu.memory_space<vmem>>, vector<16xi32>,
      %get3A_182 = arith.index_cast %mul3A_144 : i32 to index
      %get3A_183 = tpu.vector_load %arg6[%get3A_182] {strides = array<i32>} : memref<1024xi32, #tpu.memory_space<vmem>>, vector<16xi32>,
      %get3A_184 = arith.index_cast %mul3A_148 : i32 to index
      %get3A_185 = tpu.vector_load %arg6[%get3A_184] {strides = array<i32>} : memref<1024xi32, #tpu.memory_space<vmem>>, vector<16xi32>,
      %get3A_186 = arith.index_cast %mul3A_152 : i32 to index
      %get3A_187 = tpu.vector_load %arg6[%get3A_186] {strides = array<i32>} : memref<1024xi32, #tpu.memory_space<vmem>>, vector<16xi32>,
      %get3A_188 = arith.index_cast %mul3A_156 : i32 to index
      %get3A_189 = tpu.vector_load %arg6[%get3A_188] {strides = array<i32>} : memref<1024xi32, #tpu.memory_space<vmem>>, vector<16xi32>,
      %get3A_190 = arith.index_cast %mul3A_160 : i32 to index
      %get3A_191 = tpu.vector_load %arg6[%get3A_190] {strides = array<i32>} : memref<1024xi32, #tpu.memory_space<vmem>>, vector<16xi32>,
      %lt3A = arith.cmpf olt, %get3A_169, %get3A_161 : vector<16xf32>
      %select_n3A = arith.select %lt3A, %get3A_169, %get3A_161 : vector<16xi1>, vector<16xf32>
      %select_n3A_192 = arith.select %lt3A, %get3A_161, %get3A_169 : vector<16xi1>, vector<16xf32>
      %select_n3A_193 = arith.select %lt3A, %get3A_185, %get3A_177 : vector<16xi1>, vector<16xi32>
      %select_n3A_194 = arith.select %lt3A, %get3A_177, %get3A_185 : vector<16xi1>, vector<16xi32>
      %lt3A_195 = arith.cmpf olt, %get3A_171, %get3A_163 : vector<16xf32>
      %select_n3A_196 = arith.select %lt3A_195, %get3A_171, %get3A_163 : vector<16xi1>, vector<16xf32>
      %select_n3A_197 = arith.select %lt3A_195, %get3A_163, %get3A_171 : vector<16xi1>, vector<16xf32>
      %select_n3A_198 = arith.select %lt3A_195, %get3A_187, %get3A_179 : vector<16xi1>, vector<16xi32>
      %select_n3A_199 = arith.select %lt3A_195, %get3A_179, %get3A_187 : vector<16xi1>, vector<16xi32>
      %lt3A_200 = arith.cmpf olt, %get3A_173, %get3A_165 : vector<16xf32>
      %select_n3A_201 = arith.select %lt3A_200, %get3A_173, %get3A_165 : vector<16xi1>, vector<16xf32>
      %select_n3A_202 = arith.select %lt3A_200, %get3A_165, %get3A_173 : vector<16xi1>, vector<16xf32>
      %select_n3A_203 = arith.select %lt3A_200, %get3A_189, %get3A_181 : vector<16xi1>, vector<16xi32>
      %select_n3A_204 = arith.select %lt3A_200, %get3A_181, %get3A_189 : vector<16xi1>, vector<16xi32>
      %lt3A_205 = arith.cmpf olt, %get3A_175, %get3A_167 : vector<16xf32>
      %select_n3A_206 = arith.select %lt3A_205, %get3A_175, %get3A_167 : vector<16xi1>, vector<16xf32>
      %select_n3A_207 = arith.select %lt3A_205, %get3A_167, %get3A_175 : vector<16xi1>, vector<16xf32>
      %select_n3A_208 = arith.select %lt3A_205, %get3A_191, %get3A_183 : vector<16xi1>, vector<16xi32>
      %select_n3A_209 = arith.select %lt3A_205, %get3A_183, %get3A_191 : vector<16xi1>, vector<16xi32>
      %lt3A_210 = arith.cmpf olt, %select_n3A_201, %select_n3A : vector<16xf32>
      %select_n3A_211 = arith.select %lt3A_210, %select_n3A_201, %select_n3A : vector<16xi1>, vector<16xf32>
      %select_n3A_212 = arith.select %lt3A_210, %select_n3A, %select_n3A_201 : vector<16xi1>, vector<16xf32>
      %select_n3A_213 = arith.select %lt3A_210, %select_n3A_203, %select_n3A_193 : vector<16xi1>, vector<16xi32>
      %select_n3A_214 = arith.select %lt3A_210, %select_n3A_193, %select_n3A_203 : vector<16xi1>, vector<16xi32>
      %lt3A_215 = arith.cmpf olt, %select_n3A_206, %select_n3A_196 : vector<16xf32>
      %select_n3A_216 = arith.select %lt3A_215, %select_n3A_206, %select_n3A_196 : vector<16xi1>, vector<16xf32>
      %select_n3A_217 = arith.select %lt3A_215, %select_n3A_196, %select_n3A_206 : vector<16xi1>, vector<16xf32>
      %select_n3A_218 = arith.select %lt3A_215, %select_n3A_208, %select_n3A_198 : vector<16xi1>, vector<16xi32>
      %select_n3A_219 = arith.select %lt3A_215, %select_n3A_198, %select_n3A_208 : vector<16xi1>, vector<16xi32>
      %lt3A_220 = arith.cmpf olt, %select_n3A_202, %select_n3A_192 : vector<16xf32>
      %select_n3A_221 = arith.select %lt3A_220, %select_n3A_202, %select_n3A_192 : vector<16xi1>, vector<16xf32>
      %select_n3A_222 = arith.select %lt3A_220, %select_n3A_192, %select_n3A_202 : vector<16xi1>, vector<16xf32>
      %select_n3A_223 = arith.select %lt3A_220, %select_n3A_204, %select_n3A_194 : vector<16xi1>, vector<16xi32>
      %select_n3A_224 = arith.select %lt3A_220, %select_n3A_194, %select_n3A_204 : vector<16xi1>, vector<16xi32>
      %lt3A_225 = arith.cmpf olt, %select_n3A_207, %select_n3A_197 : vector<16xf32>
      %select_n3A_226 = arith.select %lt3A_225, %select_n3A_207, %select_n3A_197 : vector<16xi1>, vector<16xf32>
      %select_n3A_227 = arith.select %lt3A_225, %select_n3A_197, %select_n3A_207 : vector<16xi1>, vector<16xf32>
      %select_n3A_228 = arith.select %lt3A_225, %select_n3A_209, %select_n3A_199 : vector<16xi1>, vector<16xi32>
      %select_n3A_229 = arith.select %lt3A_225, %select_n3A_199, %select_n3A_209 : vector<16xi1>, vector<16xi32>
      %lt3A_230 = arith.cmpf olt, %select_n3A_216, %select_n3A_211 : vector<16xf32>
      %select_n3A_231 = arith.select %lt3A_230, %select_n3A_216, %select_n3A_211 : vector<16xi1>, vector<16xf32>
      %select_n3A_232 = arith.select %lt3A_230, %select_n3A_211, %select_n3A_216 : vector<16xi1>, vector<16xf32>
      %select_n3A_233 = arith.select %lt3A_230, %select_n3A_218, %select_n3A_213 : vector<16xi1>, vector<16xi32>
      %select_n3A_234 = arith.select %lt3A_230, %select_n3A_213, %select_n3A_218 : vector<16xi1>, vector<16xi32>
      %lt3A_235 = arith.cmpf olt, %select_n3A_217, %select_n3A_212 : vector<16xf32>
      %select_n3A_236 = arith.select %lt3A_235, %select_n3A_217, %select_n3A_212 : vector<16xi1>, vector<16xf32>
      %select_n3A_237 = arith.select %lt3A_235, %select_n3A_212, %select_n3A_217 : vector<16xi1>, vector<16xf32>
      %select_n3A_238 = arith.select %lt3A_235, %select_n3A_219, %select_n3A_214 : vector<16xi1>, vector<16xi32>
      %select_n3A_239 = arith.select %lt3A_235, %select_n3A_214, %select_n3A_219 : vector<16xi1>, vector<16xi32>
      %lt3A_240 = arith.cmpf olt, %select_n3A_226, %select_n3A_221 : vector<16xf32>
      %select_n3A_241 = arith.select %lt3A_240, %select_n3A_226, %select_n3A_221 : vector<16xi1>, vector<16xf32>
      %select_n3A_242 = arith.select %lt3A_240, %select_n3A_221, %select_n3A_226 : vector<16xi1>, vector<16xf32>
      %select_n3A_243 = arith.select %lt3A_240, %select_n3A_228, %select_n3A_223 : vector<16xi1>, vector<16xi32>
      %select_n3A_244 = arith.select %lt3A_240, %select_n3A_223, %select_n3A_228 : vector<16xi1>, vector<16xi32>
      %lt3A_245 = arith.cmpf olt, %select_n3A_227, %select_n3A_222 : vector<16xf32>
      %select_n3A_246 = arith.select %lt3A_245, %select_n3A_227, %select_n3A_222 : vector<16xi1>, vector<16xf32>
      %select_n3A_247 = arith.select %lt3A_245, %select_n3A_222, %select_n3A_227 : vector<16xi1>, vector<16xf32>
      %select_n3A_248 = arith.select %lt3A_245, %select_n3A_229, %select_n3A_224 : vector<16xi1>, vector<16xi32>
      %select_n3A_249 = arith.select %lt3A_245, %select_n3A_224, %select_n3A_229 : vector<16xi1>, vector<16xi32>
      %masked_sort3A = arith.constant dense<true> : vector<16xi1>
      %masked_sort3A_250, %masked_sort3A_251, %masked_sort3A_252 = tpu.sort %select_n3A_231, %select_n3A_233 masked %masked_sort3A : (vector<16xf32>, vector<16xi32>, vector<16xi1>) -> (vector<16xi1>, vector<16xf32>, vector<16xi32>)
      %masked_sort3A_253 = arith.constant dense<true> : vector<16xi1>
      %masked_sort3A_254, %masked_sort3A_255, %masked_sort3A_256 = tpu.sort %select_n3A_232, %select_n3A_234 masked %masked_sort3A_253 : (vector<16xf32>, vector<16xi32>, vector<16xi1>) -> (vector<16xi1>, vector<16xf32>, vector<16xi32>)
      %masked_sort3A_257 = arith.constant dense<true> : vector<16xi1>
      %masked_sort3A_258, %masked_sort3A_259, %masked_sort3A_260 = tpu.sort %select_n3A_236, %select_n3A_238 masked %masked_sort3A_257 : (vector<16xf32>, vector<16xi32>, vector<16xi1>) -> (vector<16xi1>, vector<16xf32>, vector<16xi32>)
      %masked_sort3A_261 = arith.constant dense<true> : vector<16xi1>
      %masked_sort3A_262, %masked_sort3A_263, %masked_sort3A_264 = tpu.sort %select_n3A_237, %select_n3A_239 masked %masked_sort3A_261 : (vector<16xf32>, vector<16xi32>, vector<16xi1>) -> (vector<16xi1>, vector<16xf32>, vector<16xi32>)
      %masked_sort3A_265 = arith.constant dense<true> : vector<16xi1>
      %masked_sort3A_266, %masked_sort3A_267, %masked_sort3A_268 = tpu.sort %select_n3A_241, %select_n3A_243 masked %masked_sort3A_265 : (vector<16xf32>, vector<16xi32>, vector<16xi1>) -> (vector<16xi1>, vector<16xf32>, vector<16xi32>)
      %masked_sort3A_269 = arith.constant dense<true> : vector<16xi1>
      %masked_sort3A_270, %masked_sort3A_271, %masked_sort3A_272 = tpu.sort %select_n3A_242, %select_n3A_244 masked %masked_sort3A_269 : (vector<16xf32>, vector<16xi32>, vector<16xi1>) -> (vector<16xi1>, vector<16xf32>, vector<16xi32>)
      %masked_sort3A_273 = arith.constant dense<true> : vector<16xi1>
      %masked_sort3A_274, %masked_sort3A_275, %masked_sort3A_276 = tpu.sort %select_n3A_246, %select_n3A_248 masked %masked_sort3A_273 : (vector<16xf32>, vector<16xi32>, vector<16xi1>) -> (vector<16xi1>, vector<16xf32>, vector<16xi32>)
      %masked_sort3A_277 = arith.constant dense<true> : vector<16xi1>
      %masked_sort3A_278, %masked_sort3A_279, %masked_sort3A_280 = tpu.sort %select_n3A_247, %select_n3A_249 masked %masked_sort3A_277 : (vector<16xf32>, vector<16xi32>, vector<16xi1>) -> (vector<16xi1>, vector<16xf32>, vector<16xi32>)
      %swap3A = arith.index_cast %mul3A_132 : i32 to index
      %swap3A_281 = tpu.vector_load %arg5[%swap3A] {strides = array<i32>} : memref<1024xf32, #tpu.memory_space<vmem>>, vector<16xf32>,
      tpu.vector_store %arg5[%swap3A], %masked_sort3A_251 {strides = array<i32>} : memref<1024xf32, #tpu.memory_space<vmem>>, vector<16xf32>,
      %swap3A_282 = arith.index_cast %mul3A_132 : i32 to index
      %swap3A_283 = tpu.vector_load %arg6[%swap3A_282] {strides = array<i32>} : memref<1024xi32, #tpu.memory_space<vmem>>, vector<16xi32>,
      tpu.vector_store %arg6[%swap3A_282], %masked_sort3A_252 {strides = array<i32>} : memref<1024xi32, #tpu.memory_space<vmem>>, vector<16xi32>,
      %swap3A_284 = arith.index_cast %mul3A_136 : i32 to index
      %swap3A_285 = tpu.vector_load %arg5[%swap3A_284] {strides = array<i32>} : memref<1024xf32, #tpu.memory_space<vmem>>, vector<16xf32>,
      tpu.vector_store %arg5[%swap3A_284], %masked_sort3A_255 {strides = array<i32>} : memref<1024xf32, #tpu.memory_space<vmem>>, vector<16xf32>,
      %swap3A_286 = arith.index_cast %mul3A_136 : i32 to index
      %swap3A_287 = tpu.vector_load %arg6[%swap3A_286] {strides = array<i32>} : memref<1024xi32, #tpu.memory_space<vmem>>, vector<16xi32>,
      tpu.vector_store %arg6[%swap3A_286], %masked_sort3A_256 {strides = array<i32>} : memref<1024xi32, #tpu.memory_space<vmem>>, vector<16xi32>,
      %swap3A_288 = arith.index_cast %mul3A_140 : i32 to index
      %swap3A_289 = tpu.vector_load %arg5[%swap3A_288] {strides = array<i32>} : memref<1024xf32, #tpu.memory_space<vmem>>, vector<16xf32>,
      tpu.vector_store %arg5[%swap3A_288], %masked_sort3A_259 {strides = array<i32>} : memref<1024xf32, #tpu.memory_space<vmem>>, vector<16xf32>,
      %swap3A_290 = arith.index_cast %mul3A_140 : i32 to index
      %swap3A_291 = tpu.vector_load %arg6[%swap3A_290] {strides = array<i32>} : memref<1024xi32, #tpu.memory_space<vmem>>, vector<16xi32>,
      tpu.vector_store %arg6[%swap3A_290], %masked_sort3A_260 {strides = array<i32>} : memref<1024xi32, #tpu.memory_space<vmem>>, vector<16xi32>,
      %swap3A_292 = arith.index_cast %mul3A_144 : i32 to index
      %swap3A_293 = tpu.vector_load %arg5[%swap3A_292] {strides = array<i32>} : memref<1024xf32, #tpu.memory_space<vmem>>, vector<16xf32>,
      tpu.vector_store %arg5[%swap3A_292], %masked_sort3A_263 {strides = array<i32>} : memref<1024xf32, #tpu.memory_space<vmem>>, vector<16xf32>,
      %swap3A_294 = arith.index_cast %mul3A_144 : i32 to index
      %swap3A_295 = tpu.vector_load %arg6[%swap3A_294] {strides = array<i32>} : memref<1024xi32, #tpu.memory_space<vmem>>, vector<16xi32>,
      tpu.vector_store %arg6[%swap3A_294], %masked_sort3A_264 {strides = array<i32>} : memref<1024xi32, #tpu.memory_space<vmem>>, vector<16xi32>,
      %swap3A_296 = arith.index_cast %mul3A_148 : i32 to index
      %swap3A_297 = tpu.vector_load %arg5[%swap3A_296] {strides = array<i32>} : memref<1024xf32, #tpu.memory_space<vmem>>, vector<16xf32>,
      tpu.vector_store %arg5[%swap3A_296], %masked_sort3A_267 {strides = array<i32>} : memref<1024xf32, #tpu.memory_space<vmem>>, vector<16xf32>,
      %swap3A_298 = arith.index_cast %mul3A_148 : i32 to index
      %swap3A_299 = tpu.vector_load %arg6[%swap3A_298] {strides = array<i32>} : memref<1024xi32, #tpu.memory_space<vmem>>, vector<16xi32>,
      tpu.vector_store %arg6[%swap3A_298], %masked_sort3A_268 {strides = array<i32>} : memref<1024xi32, #tpu.memory_space<vmem>>, vector<16xi32>,
      %swap3A_300 = arith.index_cast %mul3A_152 : i32 to index
      %swap3A_301 = tpu.vector_load %arg5[%swap3A_300] {strides = array<i32>} : memref<1024xf32, #tpu.memory_space<vmem>>, vector<16xf32>,
      tpu.vector_store %arg5[%swap3A_300], %masked_sort3A_271 {strides = array<i32>} : memref<1024xf32, #tpu.memory_space<vmem>>, vector<16xf32>,
      %swap3A_302 = arith.index_cast %mul3A_152 : i32 to index
      %swap3A_303 = tpu.vector_load %arg6[%swap3A_302] {strides = array<i32>} : memref<1024xi32, #tpu.memory_space<vmem>>, vector<16xi32>,
      tpu.vector_store %arg6[%swap3A_302], %masked_sort3A_272 {strides = array<i32>} : memref<1024xi32, #tpu.memory_space<vmem>>, vector<16xi32>,
      %swap3A_304 = arith.index_cast %mul3A_156 : i32 to index
      %swap3A_305 = tpu.vector_load %arg5[%swap3A_304] {strides = array<i32>} : memref<1024xf32, #tpu.memory_space<vmem>>, vector<16xf32>,
      tpu.vector_store %arg5[%swap3A_304], %masked_sort3A_275 {strides = array<i32>} : memref<1024xf32, #tpu.memory_space<vmem>>, vector<16xf32>,
      %swap3A_306 = arith.index_cast %mul3A_156 : i32 to index
      %swap3A_307 = tpu.vector_load %arg6[%swap3A_306] {strides = array<i32>} : memref<1024xi32, #tpu.memory_space<vmem>>, vector<16xi32>,
      tpu.vector_store %arg6[%swap3A_306], %masked_sort3A_276 {strides = array<i32>} : memref<1024xi32, #tpu.memory_space<vmem>>, vector<16xi32>,
      %swap3A_308 = arith.index_cast %mul3A_160 : i32 to index
      %swap3A_309 = tpu.vector_load %arg5[%swap3A_308] {strides = array<i32>} : memref<1024xf32, #tpu.memory_space<vmem>>, vector<16xf32>,
      tpu.vector_store %arg5[%swap3A_308], %masked_sort3A_279 {strides = array<i32>} : memref<1024xf32, #tpu.memory_space<vmem>>, vector<16xf32>,
      %swap3A_310 = arith.index_cast %mul3A_160 : i32 to index
      %swap3A_311 = tpu.vector_load %arg6[%swap3A_310] {strides = array<i32>} : memref<1024xi32, #tpu.memory_space<vmem>>, vector<16xi32>,
      tpu.vector_store %arg6[%swap3A_310], %masked_sort3A_280 {strides = array<i32>} : memref<1024xi32, #tpu.memory_space<vmem>>, vector<16xi32>,
    }
    %scan3A_51 = arith.constant 4 : i32
    %scan3A_52 = arith.constant 0 : i32
    %scan3A_53 = arith.constant 4 : i32
    %scan3A_54 = arith.addi %scan3A_52, %scan3A_53 : i32
    %scan3A_55 = arith.constant 1 : i32
    scf.for %scan3A_117 = %scan3A_52 to %scan3A_54 step %scan3A_55  : i32 {
      %mul3A_118 = arith.constant 1 : i32
      %mul3A_119 = arith.muli %scan3A_117, %mul3A_118 : i32
      %add3A_120 = arith.constant 0 : i32
      %add3A_121 = arith.addi %add3A_120, %mul3A_119 : i32
      %shift_right_arithmetic3A = arith.constant 0 : i32
      %shift_right_arithmetic3A_122 = arith.shrsi %add3A_121, %shift_right_arithmetic3A : i32
      %shift_left3A = arith.constant 1 : i32
      %shift_left3A_123 = arith.shli %shift_right_arithmetic3A_122, %shift_left3A : i32
      %and3A_124 = arith.constant 0 : i32
      %and3A_125 = arith.andi %add3A_121, %and3A_124 : i32
      %add3A_126 = arith.addi %shift_left3A_123, %and3A_125 : i32
      %add3A_127 = arith.constant 1 : i32
      %add3A_128 = arith.addi %add3A_126, %add3A_127 : i32
      %mul3A_129 = arith.constant 8 : i32
      %mul3A_130 = arith.muli %mul3A_129, %add3A_128 : i32
      %add3A_131 = arith.constant 0 : i32
      %add3A_132 = arith.addi %mul3A_130, %add3A_131 : i32
      %mul3A_133 = arith.constant 16 : i32
      %mul3A_134 = arith.muli %add3A_132, %mul3A_133 : i32
      %add3A_135 = arith.constant 1 : i32
      %add3A_136 = arith.addi %mul3A_130, %add3A_135 : i32
      %mul3A_137 = arith.constant 16 : i32
      %mul3A_138 = arith.muli %add3A_136, %mul3A_137 : i32
      %add3A_139 = arith.constant 2 : i32
      %add3A_140 = arith.addi %mul3A_130, %add3A_139 : i32
      %mul3A_141 = arith.constant 16 : i32
      %mul3A_142 = arith.muli %add3A_140, %mul3A_141 : i32
      %add3A_143 = arith.constant 3 : i32
      %add3A_144 = arith.addi %mul3A_130, %add3A_143 : i32
      %mul3A_145 = arith.constant 16 : i32
      %mul3A_146 = arith.muli %add3A_144, %mul3A_145 : i32
      %add3A_147 = arith.constant 4 : i32
      %add3A_148 = arith.addi %mul3A_130, %add3A_147 : i32
      %mul3A_149 = arith.constant 16 : i32
      %mul3A_150 = arith.muli %add3A_148, %mul3A_149 : i32
      %add3A_151 = arith.constant 5 : i32
      %add3A_152 = arith.addi %mul3A_130, %add3A_151 : i32
      %mul3A_153 = arith.constant 16 : i32
      %mul3A_154 = arith.muli %add3A_152, %mul3A_153 : i32
      %add3A_155 = arith.constant 6 : i32
      %add3A_156 = arith.addi %mul3A_130, %add3A_155 : i32
      %mul3A_157 = arith.constant 16 : i32
      %mul3A_158 = arith.muli %add3A_156, %mul3A_157 : i32
      %add3A_159 = arith.constant 7 : i32
      %add3A_160 = arith.addi %mul3A_130, %add3A_159 : i32
      %mul3A_161 = arith.constant 16 : i32
      %mul3A_162 = arith.muli %add3A_160, %mul3A_161 : i32
      %get3A = arith.index_cast %mul3A_134 : i32 to index
      %get3A_163 = tpu.vector_load %arg5[%get3A] {strides = array<i32>} : memref<1024xf32, #tpu.memory_space<vmem>>, vector<16xf32>,
      %get3A_164 = arith.index_cast %mul3A_138 : i32 to index
      %get3A_165 = tpu.vector_load %arg5[%get3A_164] {strides = array<i32>} : memref<1024xf32, #tpu.memory_space<vmem>>, vector<16xf32>,
      %get3A_166 = arith.index_cast %mul3A_142 : i32 to index
      %get3A_167 = tpu.vector_load %arg5[%get3A_166] {strides = array<i32>} : memref<1024xf32, #tpu.memory_space<vmem>>, vector<16xf32>,
      %get3A_168 = arith.index_cast %mul3A_146 : i32 to index
      %get3A_169 = tpu.vector_load %arg5[%get3A_168] {strides = array<i32>} : memref<1024xf32, #tpu.memory_space<vmem>>, vector<16xf32>,
      %get3A_170 = arith.index_cast %mul3A_150 : i32 to index
      %get3A_171 = tpu.vector_load %arg5[%get3A_170] {strides = array<i32>} : memref<1024xf32, #tpu.memory_space<vmem>>, vector<16xf32>,
      %get3A_172 = arith.index_cast %mul3A_154 : i32 to index
      %get3A_173 = tpu.vector_load %arg5[%get3A_172] {strides = array<i32>} : memref<1024xf32, #tpu.memory_space<vmem>>, vector<16xf32>,
      %get3A_174 = arith.index_cast %mul3A_158 : i32 to index
      %get3A_175 = tpu.vector_load %arg5[%get3A_174] {strides = array<i32>} : memref<1024xf32, #tpu.memory_space<vmem>>, vector<16xf32>,
      %get3A_176 = arith.index_cast %mul3A_162 : i32 to index
      %get3A_177 = tpu.vector_load %arg5[%get3A_176] {strides = array<i32>} : memref<1024xf32, #tpu.memory_space<vmem>>, vector<16xf32>,
      %get3A_178 = arith.index_cast %mul3A_134 : i32 to index
      %get3A_179 = tpu.vector_load %arg6[%get3A_178] {strides = array<i32>} : memref<1024xi32, #tpu.memory_space<vmem>>, vector<16xi32>,
      %get3A_180 = arith.index_cast %mul3A_138 : i32 to index
      %get3A_181 = tpu.vector_load %arg6[%get3A_180] {strides = array<i32>} : memref<1024xi32, #tpu.memory_space<vmem>>, vector<16xi32>,
      %get3A_182 = arith.index_cast %mul3A_142 : i32 to index
      %get3A_183 = tpu.vector_load %arg6[%get3A_182] {strides = array<i32>} : memref<1024xi32, #tpu.memory_space<vmem>>, vector<16xi32>,
      %get3A_184 = arith.index_cast %mul3A_146 : i32 to index
      %get3A_185 = tpu.vector_load %arg6[%get3A_184] {strides = array<i32>} : memref<1024xi32, #tpu.memory_space<vmem>>, vector<16xi32>,
      %get3A_186 = arith.index_cast %mul3A_150 : i32 to index
      %get3A_187 = tpu.vector_load %arg6[%get3A_186] {strides = array<i32>} : memref<1024xi32, #tpu.memory_space<vmem>>, vector<16xi32>,
      %get3A_188 = arith.index_cast %mul3A_154 : i32 to index
      %get3A_189 = tpu.vector_load %arg6[%get3A_188] {strides = array<i32>} : memref<1024xi32, #tpu.memory_space<vmem>>, vector<16xi32>,
      %get3A_190 = arith.index_cast %mul3A_158 : i32 to index
      %get3A_191 = tpu.vector_load %arg6[%get3A_190] {strides = array<i32>} : memref<1024xi32, #tpu.memory_space<vmem>>, vector<16xi32>,
      %get3A_192 = arith.index_cast %mul3A_162 : i32 to index
      %get3A_193 = tpu.vector_load %arg6[%get3A_192] {strides = array<i32>} : memref<1024xi32, #tpu.memory_space<vmem>>, vector<16xi32>,
      %lt3A = arith.cmpf olt, %get3A_163, %get3A_171 : vector<16xf32>
      %select_n3A = arith.select %lt3A, %get3A_171, %get3A_163 : vector<16xi1>, vector<16xf32>
      %select_n3A_194 = arith.select %lt3A, %get3A_163, %get3A_171 : vector<16xi1>, vector<16xf32>
      %select_n3A_195 = arith.select %lt3A, %get3A_187, %get3A_179 : vector<16xi1>, vector<16xi32>
      %select_n3A_196 = arith.select %lt3A, %get3A_179, %get3A_187 : vector<16xi1>, vector<16xi32>
      %lt3A_197 = arith.cmpf olt, %get3A_165, %get3A_173 : vector<16xf32>
      %select_n3A_198 = arith.select %lt3A_197, %get3A_173, %get3A_165 : vector<16xi1>, vector<16xf32>
      %select_n3A_199 = arith.select %lt3A_197, %get3A_165, %get3A_173 : vector<16xi1>, vector<16xf32>
      %select_n3A_200 = arith.select %lt3A_197, %get3A_189, %get3A_181 : vector<16xi1>, vector<16xi32>
      %select_n3A_201 = arith.select %lt3A_197, %get3A_181, %get3A_189 : vector<16xi1>, vector<16xi32>
      %lt3A_202 = arith.cmpf olt, %get3A_167, %get3A_175 : vector<16xf32>
      %select_n3A_203 = arith.select %lt3A_202, %get3A_175, %get3A_167 : vector<16xi1>, vector<16xf32>
      %select_n3A_204 = arith.select %lt3A_202, %get3A_167, %get3A_175 : vector<16xi1>, vector<16xf32>
      %select_n3A_205 = arith.select %lt3A_202, %get3A_191, %get3A_183 : vector<16xi1>, vector<16xi32>
      %select_n3A_206 = arith.select %lt3A_202, %get3A_183, %get3A_191 : vector<16xi1>, vector<16xi32>
      %lt3A_207 = arith.cmpf olt, %get3A_169, %get3A_177 : vector<16xf32>
      %select_n3A_208 = arith.select %lt3A_207, %get3A_177, %get3A_169 : vector<16xi1>, vector<16xf32>
      %select_n3A_209 = arith.select %lt3A_207, %get3A_169, %get3A_177 : vector<16xi1>, vector<16xf32>
      %select_n3A_210 = arith.select %lt3A_207, %get3A_193, %get3A_185 : vector<16xi1>, vector<16xi32>
      %select_n3A_211 = arith.select %lt3A_207, %get3A_185, %get3A_193 : vector<16xi1>, vector<16xi32>
      %lt3A_212 = arith.cmpf olt, %select_n3A, %select_n3A_203 : vector<16xf32>
      %select_n3A_213 = arith.select %lt3A_212, %select_n3A_203, %select_n3A : vector<16xi1>, vector<16xf32>
      %select_n3A_214 = arith.select %lt3A_212, %select_n3A, %select_n3A_203 : vector<16xi1>, vector<16xf32>
      %select_n3A_215 = arith.select %lt3A_212, %select_n3A_205, %select_n3A_195 : vector<16xi1>, vector<16xi32>
      %select_n3A_216 = arith.select %lt3A_212, %select_n3A_195, %select_n3A_205 : vector<16xi1>, vector<16xi32>
      %lt3A_217 = arith.cmpf olt, %select_n3A_198, %select_n3A_208 : vector<16xf32>
      %select_n3A_218 = arith.select %lt3A_217, %select_n3A_208, %select_n3A_198 : vector<16xi1>, vector<16xf32>
      %select_n3A_219 = arith.select %lt3A_217, %select_n3A_198, %select_n3A_208 : vector<16xi1>, vector<16xf32>
      %select_n3A_220 = arith.select %lt3A_217, %select_n3A_210, %select_n3A_200 : vector<16xi1>, vector<16xi32>
      %select_n3A_221 = arith.select %lt3A_217, %select_n3A_200, %select_n3A_210 : vector<16xi1>, vector<16xi32>
      %lt3A_222 = arith.cmpf olt, %select_n3A_194, %select_n3A_204 : vector<16xf32>
      %select_n3A_223 = arith.select %lt3A_222, %select_n3A_204, %select_n3A_194 : vector<16xi1>, vector<16xf32>
      %select_n3A_224 = arith.select %lt3A_222, %select_n3A_194, %select_n3A_204 : vector<16xi1>, vector<16xf32>
      %select_n3A_225 = arith.select %lt3A_222, %select_n3A_206, %select_n3A_196 : vector<16xi1>, vector<16xi32>
      %select_n3A_226 = arith.select %lt3A_222, %select_n3A_196, %select_n3A_206 : vector<16xi1>, vector<16xi32>
      %lt3A_227 = arith.cmpf olt, %select_n3A_199, %select_n3A_209 : vector<16xf32>
      %select_n3A_228 = arith.select %lt3A_227, %select_n3A_209, %select_n3A_199 : vector<16xi1>, vector<16xf32>
      %select_n3A_229 = arith.select %lt3A_227, %select_n3A_199, %select_n3A_209 : vector<16xi1>, vector<16xf32>
      %select_n3A_230 = arith.select %lt3A_227, %select_n3A_211, %select_n3A_201 : vector<16xi1>, vector<16xi32>
      %select_n3A_231 = arith.select %lt3A_227, %select_n3A_201, %select_n3A_211 : vector<16xi1>, vector<16xi32>
      %lt3A_232 = arith.cmpf olt, %select_n3A_213, %select_n3A_218 : vector<16xf32>
      %select_n3A_233 = arith.select %lt3A_232, %select_n3A_218, %select_n3A_213 : vector<16xi1>, vector<16xf32>
      %select_n3A_234 = arith.select %lt3A_232, %select_n3A_213, %select_n3A_218 : vector<16xi1>, vector<16xf32>
      %select_n3A_235 = arith.select %lt3A_232, %select_n3A_220, %select_n3A_215 : vector<16xi1>, vector<16xi32>
      %select_n3A_236 = arith.select %lt3A_232, %select_n3A_215, %select_n3A_220 : vector<16xi1>, vector<16xi32>
      %lt3A_237 = arith.cmpf olt, %select_n3A_214, %select_n3A_219 : vector<16xf32>
      %select_n3A_238 = arith.select %lt3A_237, %select_n3A_219, %select_n3A_214 : vector<16xi1>, vector<16xf32>
      %select_n3A_239 = arith.select %lt3A_237, %select_n3A_214, %select_n3A_219 : vector<16xi1>, vector<16xf32>
      %select_n3A_240 = arith.select %lt3A_237, %select_n3A_221, %select_n3A_216 : vector<16xi1>, vector<16xi32>
      %select_n3A_241 = arith.select %lt3A_237, %select_n3A_216, %select_n3A_221 : vector<16xi1>, vector<16xi32>
      %lt3A_242 = arith.cmpf olt, %select_n3A_223, %select_n3A_228 : vector<16xf32>
      %select_n3A_243 = arith.select %lt3A_242, %select_n3A_228, %select_n3A_223 : vector<16xi1>, vector<16xf32>
      %select_n3A_244 = arith.select %lt3A_242, %select_n3A_223, %select_n3A_228 : vector<16xi1>, vector<16xf32>
      %select_n3A_245 = arith.select %lt3A_242, %select_n3A_230, %select_n3A_225 : vector<16xi1>, vector<16xi32>
      %select_n3A_246 = arith.select %lt3A_242, %select_n3A_225, %select_n3A_230 : vector<16xi1>, vector<16xi32>
      %lt3A_247 = arith.cmpf olt, %select_n3A_224, %select_n3A_229 : vector<16xf32>
      %select_n3A_248 = arith.select %lt3A_247, %select_n3A_229, %select_n3A_224 : vector<16xi1>, vector<16xf32>
      %select_n3A_249 = arith.select %lt3A_247, %select_n3A_224, %select_n3A_229 : vector<16xi1>, vector<16xf32>
      %select_n3A_250 = arith.select %lt3A_247, %select_n3A_231, %select_n3A_226 : vector<16xi1>, vector<16xi32>
      %select_n3A_251 = arith.select %lt3A_247, %select_n3A_226, %select_n3A_231 : vector<16xi1>, vector<16xi32>
      %masked_sort3A = arith.constant dense<true> : vector<16xi1>
      %masked_sort3A_252, %masked_sort3A_253, %masked_sort3A_254 = tpu.sort %select_n3A_233, %select_n3A_235 masked %masked_sort3A {descending = true} : (vector<16xf32>, vector<16xi32>, vector<16xi1>) -> (vector<16xi1>, vector<16xf32>, vector<16xi32>)
      %masked_sort3A_255 = arith.constant dense<true> : vector<16xi1>
      %masked_sort3A_256, %masked_sort3A_257, %masked_sort3A_258 = tpu.sort %select_n3A_234, %select_n3A_236 masked %masked_sort3A_255 {descending = true} : (vector<16xf32>, vector<16xi32>, vector<16xi1>) -> (vector<16xi1>, vector<16xf32>, vector<16xi32>)
      %masked_sort3A_259 = arith.constant dense<true> : vector<16xi1>
      %masked_sort3A_260, %masked_sort3A_261, %masked_sort3A_262 = tpu.sort %select_n3A_238, %select_n3A_240 masked %masked_sort3A_259 {descending = true} : (vector<16xf32>, vector<16xi32>, vector<16xi1>) -> (vector<16xi1>, vector<16xf32>, vector<16xi32>)
      %masked_sort3A_263 = arith.constant dense<true> : vector<16xi1>
      %masked_sort3A_264, %masked_sort3A_265, %masked_sort3A_266 = tpu.sort %select_n3A_239, %select_n3A_241 masked %masked_sort3A_263 {descending = true} : (vector<16xf32>, vector<16xi32>, vector<16xi1>) -> (vector<16xi1>, vector<16xf32>, vector<16xi32>)
      %masked_sort3A_267 = arith.constant dense<true> : vector<16xi1>
      %masked_sort3A_268, %masked_sort3A_269, %masked_sort3A_270 = tpu.sort %select_n3A_243, %select_n3A_245 masked %masked_sort3A_267 {descending = true} : (vector<16xf32>, vector<16xi32>, vector<16xi1>) -> (vector<16xi1>, vector<16xf32>, vector<16xi32>)
      %masked_sort3A_271 = arith.constant dense<true> : vector<16xi1>
      %masked_sort3A_272, %masked_sort3A_273, %masked_sort3A_274 = tpu.sort %select_n3A_244, %select_n3A_246 masked %masked_sort3A_271 {descending = true} : (vector<16xf32>, vector<16xi32>, vector<16xi1>) -> (vector<16xi1>, vector<16xf32>, vector<16xi32>)
      %masked_sort3A_275 = arith.constant dense<true> : vector<16xi1>
      %masked_sort3A_276, %masked_sort3A_277, %masked_sort3A_278 = tpu.sort %select_n3A_248, %select_n3A_250 masked %masked_sort3A_275 {descending = true} : (vector<16xf32>, vector<16xi32>, vector<16xi1>) -> (vector<16xi1>, vector<16xf32>, vector<16xi32>)
      %masked_sort3A_279 = arith.constant dense<true> : vector<16xi1>
      %masked_sort3A_280, %masked_sort3A_281, %masked_sort3A_282 = tpu.sort %select_n3A_249, %select_n3A_251 masked %masked_sort3A_279 {descending = true} : (vector<16xf32>, vector<16xi32>, vector<16xi1>) -> (vector<16xi1>, vector<16xf32>, vector<16xi32>)
      %swap3A = arith.index_cast %mul3A_134 : i32 to index
      %swap3A_283 = tpu.vector_load %arg5[%swap3A] {strides = array<i32>} : memref<1024xf32, #tpu.memory_space<vmem>>, vector<16xf32>,
      tpu.vector_store %arg5[%swap3A], %masked_sort3A_253 {strides = array<i32>} : memref<1024xf32, #tpu.memory_space<vmem>>, vector<16xf32>,
      %swap3A_284 = arith.index_cast %mul3A_134 : i32 to index
      %swap3A_285 = tpu.vector_load %arg6[%swap3A_284] {strides = array<i32>} : memref<1024xi32, #tpu.memory_space<vmem>>, vector<16xi32>,
      tpu.vector_store %arg6[%swap3A_284], %masked_sort3A_254 {strides = array<i32>} : memref<1024xi32, #tpu.memory_space<vmem>>, vector<16xi32>,
      %swap3A_286 = arith.index_cast %mul3A_138 : i32 to index
      %swap3A_287 = tpu.vector_load %arg5[%swap3A_286] {strides = array<i32>} : memref<1024xf32, #tpu.memory_space<vmem>>, vector<16xf32>,
      tpu.vector_store %arg5[%swap3A_286], %masked_sort3A_257 {strides = array<i32>} : memref<1024xf32, #tpu.memory_space<vmem>>, vector<16xf32>,
      %swap3A_288 = arith.index_cast %mul3A_138 : i32 to index
      %swap3A_289 = tpu.vector_load %arg6[%swap3A_288] {strides = array<i32>} : memref<1024xi32, #tpu.memory_space<vmem>>, vector<16xi32>,
      tpu.vector_store %arg6[%swap3A_288], %masked_sort3A_258 {strides = array<i32>} : memref<1024xi32, #tpu.memory_space<vmem>>, vector<16xi32>,
      %swap3A_290 = arith.index_cast %mul3A_142 : i32 to index
      %swap3A_291 = tpu.vector_load %arg5[%swap3A_290] {strides = array<i32>} : memref<1024xf32, #tpu.memory_space<vmem>>, vector<16xf32>,
      tpu.vector_store %arg5[%swap3A_290], %masked_sort3A_261 {strides = array<i32>} : memref<1024xf32, #tpu.memory_space<vmem>>, vector<16xf32>,
      %swap3A_292 = arith.index_cast %mul3A_142 : i32 to index
      %swap3A_293 = tpu.vector_load %arg6[%swap3A_292] {strides = array<i32>} : memref<1024xi32, #tpu.memory_space<vmem>>, vector<16xi32>,
      tpu.vector_store %arg6[%swap3A_292], %masked_sort3A_262 {strides = array<i32>} : memref<1024xi32, #tpu.memory_space<vmem>>, vector<16xi32>,
      %swap3A_294 = arith.index_cast %mul3A_146 : i32 to index
      %swap3A_295 = tpu.vector_load %arg5[%swap3A_294] {strides = array<i32>} : memref<1024xf32, #tpu.memory_space<vmem>>, vector<16xf32>,
      tpu.vector_store %arg5[%swap3A_294], %masked_sort3A_265 {strides = array<i32>} : memref<1024xf32, #tpu.memory_space<vmem>>, vector<16xf32>,
      %swap3A_296 = arith.index_cast %mul3A_146 : i32 to index
      %swap3A_297 = tpu.vector_load %arg6[%swap3A_296] {strides = array<i32>} : memref<1024xi32, #tpu.memory_space<vmem>>, vector<16xi32>,
      tpu.vector_store %arg6[%swap3A_296], %masked_sort3A_266 {strides = array<i32>} : memref<1024xi32, #tpu.memory_space<vmem>>, vector<16xi32>,
      %swap3A_298 = arith.index_cast %mul3A_150 : i32 to index
      %swap3A_299 = tpu.vector_load %arg5[%swap3A_298] {strides = array<i32>} : memref<1024xf32, #tpu.memory_space<vmem>>, vector<16xf32>,
      tpu.vector_store %arg5[%swap3A_298], %masked_sort3A_269 {strides = array<i32>} : memref<1024xf32, #tpu.memory_space<vmem>>, vector<16xf32>,
      %swap3A_300 = arith.index_cast %mul3A_150 : i32 to index
      %swap3A_301 = tpu.vector_load %arg6[%swap3A_300] {strides = array<i32>} : memref<1024xi32, #tpu.memory_space<vmem>>, vector<16xi32>,
      tpu.vector_store %arg6[%swap3A_300], %masked_sort3A_270 {strides = array<i32>} : memref<1024xi32, #tpu.memory_space<vmem>>, vector<16xi32>,
      %swap3A_302 = arith.index_cast %mul3A_154 : i32 to index
      %swap3A_303 = tpu.vector_load %arg5[%swap3A_302] {strides = array<i32>} : memref<1024xf32, #tpu.memory_space<vmem>>, vector<16xf32>,
      tpu.vector_store %arg5[%swap3A_302], %masked_sort3A_273 {strides = array<i32>} : memref<1024xf32, #tpu.memory_space<vmem>>, vector<16xf32>,
      %swap3A_304 = arith.index_cast %mul3A_154 : i32 to index
      %swap3A_305 = tpu.vector_load %arg6[%swap3A_304] {strides = array<i32>} : memref<1024xi32, #tpu.memory_space<vmem>>, vector<16xi32>,
      tpu.vector_store %arg6[%swap3A_304], %masked_sort3A_274 {strides = array<i32>} : memref<1024xi32, #tpu.memory_space<vmem>>, vector<16xi32>,
      %swap3A_306 = arith.index_cast %mul3A_158 : i32 to index
      %swap3A_307 = tpu.vector_load %arg5[%swap3A_306] {strides = array<i32>} : memref<1024xf32, #tpu.memory_space<vmem>>, vector<16xf32>,
      tpu.vector_store %arg5[%swap3A_306], %masked_sort3A_277 {strides = array<i32>} : memref<1024xf32, #tpu.memory_space<vmem>>, vector<16xf32>,
      %swap3A_308 = arith.index_cast %mul3A_158 : i32 to index
      %swap3A_309 = tpu.vector_load %arg6[%swap3A_308] {strides = array<i32>} : memref<1024xi32, #tpu.memory_space<vmem>>, vector<16xi32>,
      tpu.vector_store %arg6[%swap3A_308], %masked_sort3A_278 {strides = array<i32>} : memref<1024xi32, #tpu.memory_space<vmem>>, vector<16xi32>,
      %swap3A_310 = arith.index_cast %mul3A_162 : i32 to index
      %swap3A_311 = tpu.vector_load %arg5[%swap3A_310] {strides = array<i32>} : memref<1024xf32, #tpu.memory_space<vmem>>, vector<16xf32>,
      tpu.vector_store %arg5[%swap3A_310], %masked_sort3A_281 {strides = array<i32>} : memref<1024xf32, #tpu.memory_space<vmem>>, vector<16xf32>,
      %swap3A_312 = arith.index_cast %mul3A_162 : i32 to index
      %swap3A_313 = tpu.vector_load %arg6[%swap3A_312] {strides = array<i32>} : memref<1024xi32, #tpu.memory_space<vmem>>, vector<16xi32>,
      tpu.vector_store %arg6[%swap3A_312], %masked_sort3A_282 {strides = array<i32>} : memref<1024xi32, #tpu.memory_space<vmem>>, vector<16xi32>,
    }
    %scan3A_56 = arith.constant 4 : i32
    %scan3A_57 = arith.constant 0 : i32
    %scan3A_58 = arith.constant 32 : i32
    %scan3A_59 = arith.addi %scan3A_57, %scan3A_58 : i32
    %scan3A_60 = arith.constant 2 : i32
    scf.for %scan3A_117 = %scan3A_57 to %scan3A_59 step %scan3A_60  : i32 {
      %mul3A_118 = arith.constant 1 : i32
      %mul3A_119 = arith.muli %scan3A_117, %mul3A_118 : i32
      %add3A_120 = arith.constant 0 : i32
      %add3A_121 = arith.addi %add3A_120, %mul3A_119 : i32
      %shift_right_arithmetic3A = arith.constant 3 : i32
      %shift_right_arithmetic3A_122 = arith.shrsi %add3A_121, %shift_right_arithmetic3A : i32
      %shift_left3A = arith.constant 4 : i32
      %shift_left3A_123 = arith.shli %shift_right_arithmetic3A_122, %shift_left3A : i32
      %and3A_124 = arith.constant 7 : i32
      %and3A_125 = arith.andi %add3A_121, %and3A_124 : i32
      %add3A_126 = arith.addi %shift_left3A_123, %and3A_125 : i32
      %add3A_127 = arith.constant 8 : i32
      %add3A_128 = arith.addi %add3A_126, %add3A_127 : i32
      %mul3A_129 = arith.constant 16 : i32
      %mul3A_130 = arith.muli %add3A_126, %mul3A_129 : i32
      %get3A = arith.index_cast %mul3A_130 : i32 to index
      %get3A_131 = tpu.vector_load %arg5[%get3A] {strides = array<i32>} : memref<1024xf32, #tpu.memory_space<vmem>>, vector<16xf32>,
      %mul3A_132 = arith.constant 16 : i32
      %mul3A_133 = arith.muli %add3A_128, %mul3A_132 : i32
      %get3A_134 = arith.index_cast %mul3A_133 : i32 to index
      %get3A_135 = tpu.vector_load %arg5[%get3A_134] {strides = array<i32>} : memref<1024xf32, #tpu.memory_space<vmem>>, vector<16xf32>,
      %mul3A_136 = arith.constant 16 : i32
      %mul3A_137 = arith.muli %add3A_126, %mul3A_136 : i32
      %get3A_138 = arith.index_cast %mul3A_137 : i32 to index
      %get3A_139 = tpu.vector_load %arg6[%get3A_138] {strides = array<i32>} : memref<1024xi32, #tpu.memory_space<vmem>>, vector<16xi32>,
      %mul3A_140 = arith.constant 16 : i32
      %mul3A_141 = arith.muli %add3A_128, %mul3A_140 : i32
      %get3A_142 = arith.index_cast %mul3A_141 : i32 to index
      %get3A_143 = tpu.vector_load %arg6[%get3A_142] {strides = array<i32>} : memref<1024xi32, #tpu.memory_space<vmem>>, vector<16xi32>,
      %mul3A_144 = arith.constant 16 : i32
      %mul3A_145 = arith.muli %add3A_126, %mul3A_144 : i32
      %and3A_146 = arith.constant 256 : i32
      %and3A_147 = arith.andi %mul3A_145, %and3A_146 : i32
      %eq3A_148 = arith.constant 0 : i32
      %eq3A_149 = arith.cmpi eq, %and3A_147, %eq3A_148 : i32
      %lt3A = arith.cmpf olt, %get3A_135, %get3A_131 : vector<16xf32>
      %eq3A_150 = vector.broadcast %eq3A_149 : i1 to vector<16xi1>
      %eq3A_151 = vector.broadcast %eq3A_150 : vector<16xi1> to vector<16xi1>
      %eq3A_152 = arith.xori %lt3A, %eq3A_151 : vector<16xi1>
      %eq3A_153 = arith.constant dense<true> : vector<16xi1>
      %eq3A_154 = arith.xori %eq3A_152, %eq3A_153 : vector<16xi1>
      %select_n3A = arith.select %eq3A_154, %get3A_135, %get3A_131 : vector<16xi1>, vector<16xf32>
      %mul3A_155 = arith.constant 16 : i32
      %mul3A_156 = arith.muli %add3A_126, %mul3A_155 : i32
      %swap3A = arith.index_cast %mul3A_156 : i32 to index
      %swap3A_157 = tpu.vector_load %arg5[%swap3A] {strides = array<i32>} : memref<1024xf32, #tpu.memory_space<vmem>>, vector<16xf32>,
      tpu.vector_store %arg5[%swap3A], %select_n3A {strides = array<i32>} : memref<1024xf32, #tpu.memory_space<vmem>>, vector<16xf32>,
      %select_n3A_158 = arith.select %eq3A_154, %get3A_131, %get3A_135 : vector<16xi1>, vector<16xf32>
      %mul3A_159 = arith.constant 16 : i32
      %mul3A_160 = arith.muli %add3A_128, %mul3A_159 : i32
      %swap3A_161 = arith.index_cast %mul3A_160 : i32 to index
      %swap3A_162 = tpu.vector_load %arg5[%swap3A_161] {strides = array<i32>} : memref<1024xf32, #tpu.memory_space<vmem>>, vector<16xf32>,
      tpu.vector_store %arg5[%swap3A_161], %select_n3A_158 {strides = array<i32>} : memref<1024xf32, #tpu.memory_space<vmem>>, vector<16xf32>,
      %select_n3A_163 = arith.select %eq3A_154, %get3A_143, %get3A_139 : vector<16xi1>, vector<16xi32>
      %mul3A_164 = arith.constant 16 : i32
      %mul3A_165 = arith.muli %add3A_126, %mul3A_164 : i32
      %swap3A_166 = arith.index_cast %mul3A_165 : i32 to index
      %swap3A_167 = tpu.vector_load %arg6[%swap3A_166] {strides = array<i32>} : memref<1024xi32, #tpu.memory_space<vmem>>, vector<16xi32>,
      tpu.vector_store %arg6[%swap3A_166], %select_n3A_163 {strides = array<i32>} : memref<1024xi32, #tpu.memory_space<vmem>>, vector<16xi32>,
      %select_n3A_168 = arith.select %eq3A_154, %get3A_139, %get3A_143 : vector<16xi1>, vector<16xi32>
      %mul3A_169 = arith.constant 16 : i32
      %mul3A_170 = arith.muli %add3A_128, %mul3A_169 : i32
      %swap3A_171 = arith.index_cast %mul3A_170 : i32 to index
      %swap3A_172 = tpu.vector_load %arg6[%swap3A_171] {strides = array<i32>} : memref<1024xi32, #tpu.memory_space<vmem>>, vector<16xi32>,
      tpu.vector_store %arg6[%swap3A_171], %select_n3A_168 {strides = array<i32>} : memref<1024xi32, #tpu.memory_space<vmem>>, vector<16xi32>,
      %scan3A_173 = arith.constant 1 : i32
      %scan3A_174 = arith.addi %scan3A_117, %scan3A_173 : i32
      %mul3A_175 = arith.constant 1 : i32
      %mul3A_176 = arith.muli %scan3A_174, %mul3A_175 : i32
      %add3A_177 = arith.constant 0 : i32
      %add3A_178 = arith.addi %add3A_177, %mul3A_176 : i32
      %shift_right_arithmetic3A_179 = arith.constant 3 : i32
      %shift_right_arithmetic3A_180 = arith.shrsi %add3A_178, %shift_right_arithmetic3A_179 : i32
      %shift_left3A_181 = arith.constant 4 : i32
      %shift_left3A_182 = arith.shli %shift_right_arithmetic3A_180, %shift_left3A_181 : i32
      %and3A_183 = arith.constant 7 : i32
      %and3A_184 = arith.andi %add3A_178, %and3A_183 : i32
      %add3A_185 = arith.addi %shift_left3A_182, %and3A_184 : i32
      %add3A_186 = arith.constant 8 : i32
      %add3A_187 = arith.addi %add3A_185, %add3A_186 : i32
      %mul3A_188 = arith.constant 16 : i32
      %mul3A_189 = arith.muli %add3A_185, %mul3A_188 : i32
      %get3A_190 = arith.index_cast %mul3A_189 : i32 to index
      %get3A_191 = tpu.vector_load %arg5[%get3A_190] {strides = array<i32>} : memref<1024xf32, #tpu.memory_space<vmem>>, vector<16xf32>,
      %mul3A_192 = arith.constant 16 : i32
      %mul3A_193 = arith.muli %add3A_187, %mul3A_192 : i32
      %get3A_194 = arith.index_cast %mul3A_193 : i32 to index
      %get3A_195 = tpu.vector_load %arg5[%get3A_194] {strides = array<i32>} : memref<1024xf32, #tpu.memory_space<vmem>>, vector<16xf32>,
      %mul3A_196 = arith.constant 16 : i32
      %mul3A_197 = arith.muli %add3A_185, %mul3A_196 : i32
      %get3A_198 = arith.index_cast %mul3A_197 : i32 to index
      %get3A_199 = tpu.vector_load %arg6[%get3A_198] {strides = array<i32>} : memref<1024xi32, #tpu.memory_space<vmem>>, vector<16xi32>,
      %mul3A_200 = arith.constant 16 : i32
      %mul3A_201 = arith.muli %add3A_187, %mul3A_200 : i32
      %get3A_202 = arith.index_cast %mul3A_201 : i32 to index
      %get3A_203 = tpu.vector_load %arg6[%get3A_202] {strides = array<i32>} : memref<1024xi32, #tpu.memory_space<vmem>>, vector<16xi32>,
      %mul3A_204 = arith.constant 16 : i32
      %mul3A_205 = arith.muli %add3A_185, %mul3A_204 : i32
      %and3A_206 = arith.constant 256 : i32
      %and3A_207 = arith.andi %mul3A_205, %and3A_206 : i32
      %eq3A_208 = arith.constant 0 : i32
      %eq3A_209 = arith.cmpi eq, %and3A_207, %eq3A_208 : i32
      %lt3A_210 = arith.cmpf olt, %get3A_195, %get3A_191 : vector<16xf32>
      %eq3A_211 = vector.broadcast %eq3A_209 : i1 to vector<16xi1>
      %eq3A_212 = vector.broadcast %eq3A_211 : vector<16xi1> to vector<16xi1>
      %eq3A_213 = arith.xori %lt3A_210, %eq3A_212 : vector<16xi1>
      %eq3A_214 = arith.constant dense<true> : vector<16xi1>
      %eq3A_215 = arith.xori %eq3A_213, %eq3A_214 : vector<16xi1>
      %select_n3A_216 = arith.select %eq3A_215, %get3A_195, %get3A_191 : vector<16xi1>, vector<16xf32>
      %mul3A_217 = arith.constant 16 : i32
      %mul3A_218 = arith.muli %add3A_185, %mul3A_217 : i32
      %swap3A_219 = arith.index_cast %mul3A_218 : i32 to index
      %swap3A_220 = tpu.vector_load %arg5[%swap3A_219] {strides = array<i32>} : memref<1024xf32, #tpu.memory_space<vmem>>, vector<16xf32>,
      tpu.vector_store %arg5[%swap3A_219], %select_n3A_216 {strides = array<i32>} : memref<1024xf32, #tpu.memory_space<vmem>>, vector<16xf32>,
      %select_n3A_221 = arith.select %eq3A_215, %get3A_191, %get3A_195 : vector<16xi1>, vector<16xf32>
      %mul3A_222 = arith.constant 16 : i32
      %mul3A_223 = arith.muli %add3A_187, %mul3A_222 : i32
      %swap3A_224 = arith.index_cast %mul3A_223 : i32 to index
      %swap3A_225 = tpu.vector_load %arg5[%swap3A_224] {strides = array<i32>} : memref<1024xf32, #tpu.memory_space<vmem>>, vector<16xf32>,
      tpu.vector_store %arg5[%swap3A_224], %select_n3A_221 {strides = array<i32>} : memref<1024xf32, #tpu.memory_space<vmem>>, vector<16xf32>,
      %select_n3A_226 = arith.select %eq3A_215, %get3A_203, %get3A_199 : vector<16xi1>, vector<16xi32>
      %mul3A_227 = arith.constant 16 : i32
      %mul3A_228 = arith.muli %add3A_185, %mul3A_227 : i32
      %swap3A_229 = arith.index_cast %mul3A_228 : i32 to index
      %swap3A_230 = tpu.vector_load %arg6[%swap3A_229] {strides = array<i32>} : memref<1024xi32, #tpu.memory_space<vmem>>, vector<16xi32>,
      tpu.vector_store %arg6[%swap3A_229], %select_n3A_226 {strides = array<i32>} : memref<1024xi32, #tpu.memory_space<vmem>>, vector<16xi32>,
      %select_n3A_231 = arith.select %eq3A_215, %get3A_199, %get3A_203 : vector<16xi1>, vector<16xi32>
      %mul3A_232 = arith.constant 16 : i32
      %mul3A_233 = arith.muli %add3A_187, %mul3A_232 : i32
      %swap3A_234 = arith.index_cast %mul3A_233 : i32 to index
      %swap3A_235 = tpu.vector_load %arg6[%swap3A_234] {strides = array<i32>} : memref<1024xi32, #tpu.memory_space<vmem>>, vector<16xi32>,
      tpu.vector_store %arg6[%swap3A_234], %select_n3A_231 {strides = array<i32>} : memref<1024xi32, #tpu.memory_space<vmem>>, vector<16xi32>,
    }
    %scan3A_61 = arith.constant 32 : i32
    %scan3A_62 = arith.constant 0 : i32
    %scan3A_63 = arith.constant 4 : i32
    %scan3A_64 = arith.addi %scan3A_62, %scan3A_63 : i32
    %scan3A_65 = arith.constant 1 : i32
    scf.for %scan3A_117 = %scan3A_62 to %scan3A_64 step %scan3A_65  : i32 {
      %mul3A_118 = arith.constant 1 : i32
      %mul3A_119 = arith.muli %scan3A_117, %mul3A_118 : i32
      %add3A_120 = arith.constant 0 : i32
      %add3A_121 = arith.addi %add3A_120, %mul3A_119 : i32
      %shift_right_arithmetic3A = arith.constant 1 : i32
      %shift_right_arithmetic3A_122 = arith.shrsi %add3A_121, %shift_right_arithmetic3A : i32
      %shift_left3A = arith.constant 2 : i32
      %shift_left3A_123 = arith.shli %shift_right_arithmetic3A_122, %shift_left3A : i32
      %and3A_124 = arith.constant 1 : i32
      %and3A_125 = arith.andi %add3A_121, %and3A_124 : i32
      %add3A_126 = arith.addi %shift_left3A_123, %and3A_125 : i32
      %mul3A_127 = arith.constant 8 : i32
      %mul3A_128 = arith.muli %mul3A_127, %add3A_126 : i32
      %add3A_129 = arith.constant 0 : i32
      %add3A_130 = arith.addi %mul3A_128, %add3A_129 : i32
      %mul3A_131 = arith.constant 16 : i32
      %mul3A_132 = arith.muli %add3A_130, %mul3A_131 : i32
      %add3A_133 = arith.constant 1 : i32
      %add3A_134 = arith.addi %mul3A_128, %add3A_133 : i32
      %mul3A_135 = arith.constant 16 : i32
      %mul3A_136 = arith.muli %add3A_134, %mul3A_135 : i32
      %add3A_137 = arith.constant 2 : i32
      %add3A_138 = arith.addi %mul3A_128, %add3A_137 : i32
      %mul3A_139 = arith.constant 16 : i32
      %mul3A_140 = arith.muli %add3A_138, %mul3A_139 : i32
      %add3A_141 = arith.constant 3 : i32
      %add3A_142 = arith.addi %mul3A_128, %add3A_141 : i32
      %mul3A_143 = arith.constant 16 : i32
      %mul3A_144 = arith.muli %add3A_142, %mul3A_143 : i32
      %add3A_145 = arith.constant 4 : i32
      %add3A_146 = arith.addi %mul3A_128, %add3A_145 : i32
      %mul3A_147 = arith.constant 16 : i32
      %mul3A_148 = arith.muli %add3A_146, %mul3A_147 : i32
      %add3A_149 = arith.constant 5 : i32
      %add3A_150 = arith.addi %mul3A_128, %add3A_149 : i32
      %mul3A_151 = arith.constant 16 : i32
      %mul3A_152 = arith.muli %add3A_150, %mul3A_151 : i32
      %add3A_153 = arith.constant 6 : i32
      %add3A_154 = arith.addi %mul3A_128, %add3A_153 : i32
      %mul3A_155 = arith.constant 16 : i32
      %mul3A_156 = arith.muli %add3A_154, %mul3A_155 : i32
      %add3A_157 = arith.constant 7 : i32
      %add3A_158 = arith.addi %mul3A_128, %add3A_157 : i32
      %mul3A_159 = arith.constant 16 : i32
      %mul3A_160 = arith.muli %add3A_158, %mul3A_159 : i32
      %get3A = arith.index_cast %mul3A_132 : i32 to index
      %get3A_161 = tpu.vector_load %arg5[%get3A] {strides = array<i32>} : memref<1024xf32, #tpu.memory_space<vmem>>, vector<16xf32>,
      %get3A_162 = arith.index_cast %mul3A_136 : i32 to index
      %get3A_163 = tpu.vector_load %arg5[%get3A_162] {strides = array<i32>} : memref<1024xf32, #tpu.memory_space<vmem>>, vector<16xf32>,
      %get3A_164 = arith.index_cast %mul3A_140 : i32 to index
      %get3A_165 = tpu.vector_load %arg5[%get3A_164] {strides = array<i32>} : memref<1024xf32, #tpu.memory_space<vmem>>, vector<16xf32>,
      %get3A_166 = arith.index_cast %mul3A_144 : i32 to index
      %get3A_167 = tpu.vector_load %arg5[%get3A_166] {strides = array<i32>} : memref<1024xf32, #tpu.memory_space<vmem>>, vector<16xf32>,
      %get3A_168 = arith.index_cast %mul3A_148 : i32 to index
      %get3A_169 = tpu.vector_load %arg5[%get3A_168] {strides = array<i32>} : memref<1024xf32, #tpu.memory_space<vmem>>, vector<16xf32>,
      %get3A_170 = arith.index_cast %mul3A_152 : i32 to index
      %get3A_171 = tpu.vector_load %arg5[%get3A_170] {strides = array<i32>} : memref<1024xf32, #tpu.memory_space<vmem>>, vector<16xf32>,
      %get3A_172 = arith.index_cast %mul3A_156 : i32 to index
      %get3A_173 = tpu.vector_load %arg5[%get3A_172] {strides = array<i32>} : memref<1024xf32, #tpu.memory_space<vmem>>, vector<16xf32>,
      %get3A_174 = arith.index_cast %mul3A_160 : i32 to index
      %get3A_175 = tpu.vector_load %arg5[%get3A_174] {strides = array<i32>} : memref<1024xf32, #tpu.memory_space<vmem>>, vector<16xf32>,
      %get3A_176 = arith.index_cast %mul3A_132 : i32 to index
      %get3A_177 = tpu.vector_load %arg6[%get3A_176] {strides = array<i32>} : memref<1024xi32, #tpu.memory_space<vmem>>, vector<16xi32>,
      %get3A_178 = arith.index_cast %mul3A_136 : i32 to index
      %get3A_179 = tpu.vector_load %arg6[%get3A_178] {strides = array<i32>} : memref<1024xi32, #tpu.memory_space<vmem>>, vector<16xi32>,
      %get3A_180 = arith.index_cast %mul3A_140 : i32 to index
      %get3A_181 = tpu.vector_load %arg6[%get3A_180] {strides = array<i32>} : memref<1024xi32, #tpu.memory_space<vmem>>, vector<16xi32>,
      %get3A_182 = arith.index_cast %mul3A_144 : i32 to index
      %get3A_183 = tpu.vector_load %arg6[%get3A_182] {strides = array<i32>} : memref<1024xi32, #tpu.memory_space<vmem>>, vector<16xi32>,
      %get3A_184 = arith.index_cast %mul3A_148 : i32 to index
      %get3A_185 = tpu.vector_load %arg6[%get3A_184] {strides = array<i32>} : memref<1024xi32, #tpu.memory_space<vmem>>, vector<16xi32>,
      %get3A_186 = arith.index_cast %mul3A_152 : i32 to index
      %get3A_187 = tpu.vector_load %arg6[%get3A_186] {strides = array<i32>} : memref<1024xi32, #tpu.memory_space<vmem>>, vector<16xi32>,
      %get3A_188 = arith.index_cast %mul3A_156 : i32 to index
      %get3A_189 = tpu.vector_load %arg6[%get3A_188] {strides = array<i32>} : memref<1024xi32, #tpu.memory_space<vmem>>, vector<16xi32>,
      %get3A_190 = arith.index_cast %mul3A_160 : i32 to index
      %get3A_191 = tpu.vector_load %arg6[%get3A_190] {strides = array<i32>} : memref<1024xi32, #tpu.memory_space<vmem>>, vector<16xi32>,
      %lt3A = arith.cmpf olt, %get3A_169, %get3A_161 : vector<16xf32>
      %select_n3A = arith.select %lt3A, %get3A_169, %get3A_161 : vector<16xi1>, vector<16xf32>
      %select_n3A_192 = arith.select %lt3A, %get3A_161, %get3A_169 : vector<16xi1>, vector<16xf32>
      %select_n3A_193 = arith.select %lt3A, %get3A_185, %get3A_177 : vector<16xi1>, vector<16xi32>
      %select_n3A_194 = arith.select %lt3A, %get3A_177, %get3A_185 : vector<16xi1>, vector<16xi32>
      %lt3A_195 = arith.cmpf olt, %get3A_171, %get3A_163 : vector<16xf32>
      %select_n3A_196 = arith.select %lt3A_195, %get3A_171, %get3A_163 : vector<16xi1>, vector<16xf32>
      %select_n3A_197 = arith.select %lt3A_195, %get3A_163, %get3A_171 : vector<16xi1>, vector<16xf32>
      %select_n3A_198 = arith.select %lt3A_195, %get3A_187, %get3A_179 : vector<16xi1>, vector<16xi32>
      %select_n3A_199 = arith.select %lt3A_195, %get3A_179, %get3A_187 : vector<16xi1>, vector<16xi32>
      %lt3A_200 = arith.cmpf olt, %get3A_173, %get3A_165 : vector<16xf32>
      %select_n3A_201 = arith.select %lt3A_200, %get3A_173, %get3A_165 : vector<16xi1>, vector<16xf32>
      %select_n3A_202 = arith.select %lt3A_200, %get3A_165, %get3A_173 : vector<16xi1>, vector<16xf32>
      %select_n3A_203 = arith.select %lt3A_200, %get3A_189, %get3A_181 : vector<16xi1>, vector<16xi32>
      %select_n3A_204 = arith.select %lt3A_200, %get3A_181, %get3A_189 : vector<16xi1>, vector<16xi32>
      %lt3A_205 = arith.cmpf olt, %get3A_175, %get3A_167 : vector<16xf32>
      %select_n3A_206 = arith.select %lt3A_205, %get3A_175, %get3A_167 : vector<16xi1>, vector<16xf32>
      %select_n3A_207 = arith.select %lt3A_205, %get3A_167, %get3A_175 : vector<16xi1>, vector<16xf32>
      %select_n3A_208 = arith.select %lt3A_205, %get3A_191, %get3A_183 : vector<16xi1>, vector<16xi32>
      %select_n3A_209 = arith.select %lt3A_205, %get3A_183, %get3A_191 : vector<16xi1>, vector<16xi32>
      %lt3A_210 = arith.cmpf olt, %select_n3A_201, %select_n3A : vector<16xf32>
      %select_n3A_211 = arith.select %lt3A_210, %select_n3A_201, %select_n3A : vector<16xi1>, vector<16xf32>
      %select_n3A_212 = arith.select %lt3A_210, %select_n3A, %select_n3A_201 : vector<16xi1>, vector<16xf32>
      %select_n3A_213 = arith.select %lt3A_210, %select_n3A_203, %select_n3A_193 : vector<16xi1>, vector<16xi32>
      %select_n3A_214 = arith.select %lt3A_210, %select_n3A_193, %select_n3A_203 : vector<16xi1>, vector<16xi32>
      %lt3A_215 = arith.cmpf olt, %select_n3A_206, %select_n3A_196 : vector<16xf32>
      %select_n3A_216 = arith.select %lt3A_215, %select_n3A_206, %select_n3A_196 : vector<16xi1>, vector<16xf32>
      %select_n3A_217 = arith.select %lt3A_215, %select_n3A_196, %select_n3A_206 : vector<16xi1>, vector<16xf32>
      %select_n3A_218 = arith.select %lt3A_215, %select_n3A_208, %select_n3A_198 : vector<16xi1>, vector<16xi32>
      %select_n3A_219 = arith.select %lt3A_215, %select_n3A_198, %select_n3A_208 : vector<16xi1>, vector<16xi32>
      %lt3A_220 = arith.cmpf olt, %select_n3A_202, %select_n3A_192 : vector<16xf32>
      %select_n3A_221 = arith.select %lt3A_220, %select_n3A_202, %select_n3A_192 : vector<16xi1>, vector<16xf32>
      %select_n3A_222 = arith.select %lt3A_220, %select_n3A_192, %select_n3A_202 : vector<16xi1>, vector<16xf32>
      %select_n3A_223 = arith.select %lt3A_220, %select_n3A_204, %select_n3A_194 : vector<16xi1>, vector<16xi32>
      %select_n3A_224 = arith.select %lt3A_220, %select_n3A_194, %select_n3A_204 : vector<16xi1>, vector<16xi32>
      %lt3A_225 = arith.cmpf olt, %select_n3A_207, %select_n3A_197 : vector<16xf32>
      %select_n3A_226 = arith.select %lt3A_225, %select_n3A_207, %select_n3A_197 : vector<16xi1>, vector<16xf32>
      %select_n3A_227 = arith.select %lt3A_225, %select_n3A_197, %select_n3A_207 : vector<16xi1>, vector<16xf32>
      %select_n3A_228 = arith.select %lt3A_225, %select_n3A_209, %select_n3A_199 : vector<16xi1>, vector<16xi32>
      %select_n3A_229 = arith.select %lt3A_225, %select_n3A_199, %select_n3A_209 : vector<16xi1>, vector<16xi32>
      %lt3A_230 = arith.cmpf olt, %select_n3A_216, %select_n3A_211 : vector<16xf32>
      %select_n3A_231 = arith.select %lt3A_230, %select_n3A_216, %select_n3A_211 : vector<16xi1>, vector<16xf32>
      %select_n3A_232 = arith.select %lt3A_230, %select_n3A_211, %select_n3A_216 : vector<16xi1>, vector<16xf32>
      %select_n3A_233 = arith.select %lt3A_230, %select_n3A_218, %select_n3A_213 : vector<16xi1>, vector<16xi32>
      %select_n3A_234 = arith.select %lt3A_230, %select_n3A_213, %select_n3A_218 : vector<16xi1>, vector<16xi32>
      %lt3A_235 = arith.cmpf olt, %select_n3A_217, %select_n3A_212 : vector<16xf32>
      %select_n3A_236 = arith.select %lt3A_235, %select_n3A_217, %select_n3A_212 : vector<16xi1>, vector<16xf32>
      %select_n3A_237 = arith.select %lt3A_235, %select_n3A_212, %select_n3A_217 : vector<16xi1>, vector<16xf32>
      %select_n3A_238 = arith.select %lt3A_235, %select_n3A_219, %select_n3A_214 : vector<16xi1>, vector<16xi32>
      %select_n3A_239 = arith.select %lt3A_235, %select_n3A_214, %select_n3A_219 : vector<16xi1>, vector<16xi32>
      %lt3A_240 = arith.cmpf olt, %select_n3A_226, %select_n3A_221 : vector<16xf32>
      %select_n3A_241 = arith.select %lt3A_240, %select_n3A_226, %select_n3A_221 : vector<16xi1>, vector<16xf32>
      %select_n3A_242 = arith.select %lt3A_240, %select_n3A_221, %select_n3A_226 : vector<16xi1>, vector<16xf32>
      %select_n3A_243 = arith.select %lt3A_240, %select_n3A_228, %select_n3A_223 : vector<16xi1>, vector<16xi32>
      %select_n3A_244 = arith.select %lt3A_240, %select_n3A_223, %select_n3A_228 : vector<16xi1>, vector<16xi32>
      %lt3A_245 = arith.cmpf olt, %select_n3A_227, %select_n3A_222 : vector<16xf32>
      %select_n3A_246 = arith.select %lt3A_245, %select_n3A_227, %select_n3A_222 : vector<16xi1>, vector<16xf32>
      %select_n3A_247 = arith.select %lt3A_245, %select_n3A_222, %select_n3A_227 : vector<16xi1>, vector<16xf32>
      %select_n3A_248 = arith.select %lt3A_245, %select_n3A_229, %select_n3A_224 : vector<16xi1>, vector<16xi32>
      %select_n3A_249 = arith.select %lt3A_245, %select_n3A_224, %select_n3A_229 : vector<16xi1>, vector<16xi32>
      %masked_sort3A = arith.constant dense<true> : vector<16xi1>
      %masked_sort3A_250, %masked_sort3A_251, %masked_sort3A_252 = tpu.sort %select_n3A_231, %select_n3A_233 masked %masked_sort3A : (vector<16xf32>, vector<16xi32>, vector<16xi1>) -> (vector<16xi1>, vector<16xf32>, vector<16xi32>)
      %masked_sort3A_253 = arith.constant dense<true> : vector<16xi1>
      %masked_sort3A_254, %masked_sort3A_255, %masked_sort3A_256 = tpu.sort %select_n3A_232, %select_n3A_234 masked %masked_sort3A_253 : (vector<16xf32>, vector<16xi32>, vector<16xi1>) -> (vector<16xi1>, vector<16xf32>, vector<16xi32>)
      %masked_sort3A_257 = arith.constant dense<true> : vector<16xi1>
      %masked_sort3A_258, %masked_sort3A_259, %masked_sort3A_260 = tpu.sort %select_n3A_236, %select_n3A_238 masked %masked_sort3A_257 : (vector<16xf32>, vector<16xi32>, vector<16xi1>) -> (vector<16xi1>, vector<16xf32>, vector<16xi32>)
      %masked_sort3A_261 = arith.constant dense<true> : vector<16xi1>
      %masked_sort3A_262, %masked_sort3A_263, %masked_sort3A_264 = tpu.sort %select_n3A_237, %select_n3A_239 masked %masked_sort3A_261 : (vector<16xf32>, vector<16xi32>, vector<16xi1>) -> (vector<16xi1>, vector<16xf32>, vector<16xi32>)
      %masked_sort3A_265 = arith.constant dense<true> : vector<16xi1>
      %masked_sort3A_266, %masked_sort3A_267, %masked_sort3A_268 = tpu.sort %select_n3A_241, %select_n3A_243 masked %masked_sort3A_265 : (vector<16xf32>, vector<16xi32>, vector<16xi1>) -> (vector<16xi1>, vector<16xf32>, vector<16xi32>)
      %masked_sort3A_269 = arith.constant dense<true> : vector<16xi1>
      %masked_sort3A_270, %masked_sort3A_271, %masked_sort3A_272 = tpu.sort %select_n3A_242, %select_n3A_244 masked %masked_sort3A_269 : (vector<16xf32>, vector<16xi32>, vector<16xi1>) -> (vector<16xi1>, vector<16xf32>, vector<16xi32>)
      %masked_sort3A_273 = arith.constant dense<true> : vector<16xi1>
      %masked_sort3A_274, %masked_sort3A_275, %masked_sort3A_276 = tpu.sort %select_n3A_246, %select_n3A_248 masked %masked_sort3A_273 : (vector<16xf32>, vector<16xi32>, vector<16xi1>) -> (vector<16xi1>, vector<16xf32>, vector<16xi32>)
      %masked_sort3A_277 = arith.constant dense<true> : vector<16xi1>
      %masked_sort3A_278, %masked_sort3A_279, %masked_sort3A_280 = tpu.sort %select_n3A_247, %select_n3A_249 masked %masked_sort3A_277 : (vector<16xf32>, vector<16xi32>, vector<16xi1>) -> (vector<16xi1>, vector<16xf32>, vector<16xi32>)
      %swap3A = arith.index_cast %mul3A_132 : i32 to index
      %swap3A_281 = tpu.vector_load %arg5[%swap3A] {strides = array<i32>} : memref<1024xf32, #tpu.memory_space<vmem>>, vector<16xf32>,
      tpu.vector_store %arg5[%swap3A], %masked_sort3A_251 {strides = array<i32>} : memref<1024xf32, #tpu.memory_space<vmem>>, vector<16xf32>,
      %swap3A_282 = arith.index_cast %mul3A_132 : i32 to index
      %swap3A_283 = tpu.vector_load %arg6[%swap3A_282] {strides = array<i32>} : memref<1024xi32, #tpu.memory_space<vmem>>, vector<16xi32>,
      tpu.vector_store %arg6[%swap3A_282], %masked_sort3A_252 {strides = array<i32>} : memref<1024xi32, #tpu.memory_space<vmem>>, vector<16xi32>,
      %swap3A_284 = arith.index_cast %mul3A_136 : i32 to index
      %swap3A_285 = tpu.vector_load %arg5[%swap3A_284] {strides = array<i32>} : memref<1024xf32, #tpu.memory_space<vmem>>, vector<16xf32>,
      tpu.vector_store %arg5[%swap3A_284], %masked_sort3A_255 {strides = array<i32>} : memref<1024xf32, #tpu.memory_space<vmem>>, vector<16xf32>,
      %swap3A_286 = arith.index_cast %mul3A_136 : i32 to index
      %swap3A_287 = tpu.vector_load %arg6[%swap3A_286] {strides = array<i32>} : memref<1024xi32, #tpu.memory_space<vmem>>, vector<16xi32>,
      tpu.vector_store %arg6[%swap3A_286], %masked_sort3A_256 {strides = array<i32>} : memref<1024xi32, #tpu.memory_space<vmem>>, vector<16xi32>,
      %swap3A_288 = arith.index_cast %mul3A_140 : i32 to index
      %swap3A_289 = tpu.vector_load %arg5[%swap3A_288] {strides = array<i32>} : memref<1024xf32, #tpu.memory_space<vmem>>, vector<16xf32>,
      tpu.vector_store %arg5[%swap3A_288], %masked_sort3A_259 {strides = array<i32>} : memref<1024xf32, #tpu.memory_space<vmem>>, vector<16xf32>,
      %swap3A_290 = arith.index_cast %mul3A_140 : i32 to index
      %swap3A_291 = tpu.vector_load %arg6[%swap3A_290] {strides = array<i32>} : memref<1024xi32, #tpu.memory_space<vmem>>, vector<16xi32>,
      tpu.vector_store %arg6[%swap3A_290], %masked_sort3A_260 {strides = array<i32>} : memref<1024xi32, #tpu.memory_space<vmem>>, vector<16xi32>,
      %swap3A_292 = arith.index_cast %mul3A_144 : i32 to index
      %swap3A_293 = tpu.vector_load %arg5[%swap3A_292] {strides = array<i32>} : memref<1024xf32, #tpu.memory_space<vmem>>, vector<16xf32>,
      tpu.vector_store %arg5[%swap3A_292], %masked_sort3A_263 {strides = array<i32>} : memref<1024xf32, #tpu.memory_space<vmem>>, vector<16xf32>,
      %swap3A_294 = arith.index_cast %mul3A_144 : i32 to index
      %swap3A_295 = tpu.vector_load %arg6[%swap3A_294] {strides = array<i32>} : memref<1024xi32, #tpu.memory_space<vmem>>, vector<16xi32>,
      tpu.vector_store %arg6[%swap3A_294], %masked_sort3A_264 {strides = array<i32>} : memref<1024xi32, #tpu.memory_space<vmem>>, vector<16xi32>,
      %swap3A_296 = arith.index_cast %mul3A_148 : i32 to index
      %swap3A_297 = tpu.vector_load %arg5[%swap3A_296] {strides = array<i32>} : memref<1024xf32, #tpu.memory_space<vmem>>, vector<16xf32>,
      tpu.vector_store %arg5[%swap3A_296], %masked_sort3A_267 {strides = array<i32>} : memref<1024xf32, #tpu.memory_space<vmem>>, vector<16xf32>,
      %swap3A_298 = arith.index_cast %mul3A_148 : i32 to index
      %swap3A_299 = tpu.vector_load %arg6[%swap3A_298] {strides = array<i32>} : memref<1024xi32, #tpu.memory_space<vmem>>, vector<16xi32>,
      tpu.vector_store %arg6[%swap3A_298], %masked_sort3A_268 {strides = array<i32>} : memref<1024xi32, #tpu.memory_space<vmem>>, vector<16xi32>,
      %swap3A_300 = arith.index_cast %mul3A_152 : i32 to index
      %swap3A_301 = tpu.vector_load %arg5[%swap3A_300] {strides = array<i32>} : memref<1024xf32, #tpu.memory_space<vmem>>, vector<16xf32>,
      tpu.vector_store %arg5[%swap3A_300], %masked_sort3A_271 {strides = array<i32>} : memref<1024xf32, #tpu.memory_space<vmem>>, vector<16xf32>,
      %swap3A_302 = arith.index_cast %mul3A_152 : i32 to index
      %swap3A_303 = tpu.vector_load %arg6[%swap3A_302] {strides = array<i32>} : memref<1024xi32, #tpu.memory_space<vmem>>, vector<16xi32>,
      tpu.vector_store %arg6[%swap3A_302], %masked_sort3A_272 {strides = array<i32>} : memref<1024xi32, #tpu.memory_space<vmem>>, vector<16xi32>,
      %swap3A_304 = arith.index_cast %mul3A_156 : i32 to index
      %swap3A_305 = tpu.vector_load %arg5[%swap3A_304] {strides = array<i32>} : memref<1024xf32, #tpu.memory_space<vmem>>, vector<16xf32>,
      tpu.vector_store %arg5[%swap3A_304], %masked_sort3A_275 {strides = array<i32>} : memref<1024xf32, #tpu.memory_space<vmem>>, vector<16xf32>,
      %swap3A_306 = arith.index_cast %mul3A_156 : i32 to index
      %swap3A_307 = tpu.vector_load %arg6[%swap3A_306] {strides = array<i32>} : memref<1024xi32, #tpu.memory_space<vmem>>, vector<16xi32>,
      tpu.vector_store %arg6[%swap3A_306], %masked_sort3A_276 {strides = array<i32>} : memref<1024xi32, #tpu.memory_space<vmem>>, vector<16xi32>,
      %swap3A_308 = arith.index_cast %mul3A_160 : i32 to index
      %swap3A_309 = tpu.vector_load %arg5[%swap3A_308] {strides = array<i32>} : memref<1024xf32, #tpu.memory_space<vmem>>, vector<16xf32>,
      tpu.vector_store %arg5[%swap3A_308], %masked_sort3A_279 {strides = array<i32>} : memref<1024xf32, #tpu.memory_space<vmem>>, vector<16xf32>,
      %swap3A_310 = arith.index_cast %mul3A_160 : i32 to index
      %swap3A_311 = tpu.vector_load %arg6[%swap3A_310] {strides = array<i32>} : memref<1024xi32, #tpu.memory_space<vmem>>, vector<16xi32>,
      tpu.vector_store %arg6[%swap3A_310], %masked_sort3A_280 {strides = array<i32>} : memref<1024xi32, #tpu.memory_space<vmem>>, vector<16xi32>,
    }
    %scan3A_66 = arith.constant 4 : i32
    %scan3A_67 = arith.constant 0 : i32
    %scan3A_68 = arith.constant 4 : i32
    %scan3A_69 = arith.addi %scan3A_67, %scan3A_68 : i32
    %scan3A_70 = arith.constant 1 : i32
    scf.for %scan3A_117 = %scan3A_67 to %scan3A_69 step %scan3A_70  : i32 {
      %mul3A_118 = arith.constant 1 : i32
      %mul3A_119 = arith.muli %scan3A_117, %mul3A_118 : i32
      %add3A_120 = arith.constant 0 : i32
      %add3A_121 = arith.addi %add3A_120, %mul3A_119 : i32
      %shift_right_arithmetic3A = arith.constant 1 : i32
      %shift_right_arithmetic3A_122 = arith.shrsi %add3A_121, %shift_right_arithmetic3A : i32
      %shift_left3A = arith.constant 2 : i32
      %shift_left3A_123 = arith.shli %shift_right_arithmetic3A_122, %shift_left3A : i32
      %and3A_124 = arith.constant 1 : i32
      %and3A_125 = arith.andi %add3A_121, %and3A_124 : i32
      %add3A_126 = arith.addi %shift_left3A_123, %and3A_125 : i32
      %add3A_127 = arith.constant 2 : i32
      %add3A_128 = arith.addi %add3A_126, %add3A_127 : i32
      %mul3A_129 = arith.constant 8 : i32
      %mul3A_130 = arith.muli %mul3A_129, %add3A_128 : i32
      %add3A_131 = arith.constant 0 : i32
      %add3A_132 = arith.addi %mul3A_130, %add3A_131 : i32
      %mul3A_133 = arith.constant 16 : i32
      %mul3A_134 = arith.muli %add3A_132, %mul3A_133 : i32
      %add3A_135 = arith.constant 1 : i32
      %add3A_136 = arith.addi %mul3A_130, %add3A_135 : i32
      %mul3A_137 = arith.constant 16 : i32
      %mul3A_138 = arith.muli %add3A_136, %mul3A_137 : i32
      %add3A_139 = arith.constant 2 : i32
      %add3A_140 = arith.addi %mul3A_130, %add3A_139 : i32
      %mul3A_141 = arith.constant 16 : i32
      %mul3A_142 = arith.muli %add3A_140, %mul3A_141 : i32
      %add3A_143 = arith.constant 3 : i32
      %add3A_144 = arith.addi %mul3A_130, %add3A_143 : i32
      %mul3A_145 = arith.constant 16 : i32
      %mul3A_146 = arith.muli %add3A_144, %mul3A_145 : i32
      %add3A_147 = arith.constant 4 : i32
      %add3A_148 = arith.addi %mul3A_130, %add3A_147 : i32
      %mul3A_149 = arith.constant 16 : i32
      %mul3A_150 = arith.muli %add3A_148, %mul3A_149 : i32
      %add3A_151 = arith.constant 5 : i32
      %add3A_152 = arith.addi %mul3A_130, %add3A_151 : i32
      %mul3A_153 = arith.constant 16 : i32
      %mul3A_154 = arith.muli %add3A_152, %mul3A_153 : i32
      %add3A_155 = arith.constant 6 : i32
      %add3A_156 = arith.addi %mul3A_130, %add3A_155 : i32
      %mul3A_157 = arith.constant 16 : i32
      %mul3A_158 = arith.muli %add3A_156, %mul3A_157 : i32
      %add3A_159 = arith.constant 7 : i32
      %add3A_160 = arith.addi %mul3A_130, %add3A_159 : i32
      %mul3A_161 = arith.constant 16 : i32
      %mul3A_162 = arith.muli %add3A_160, %mul3A_161 : i32
      %get3A = arith.index_cast %mul3A_134 : i32 to index
      %get3A_163 = tpu.vector_load %arg5[%get3A] {strides = array<i32>} : memref<1024xf32, #tpu.memory_space<vmem>>, vector<16xf32>,
      %get3A_164 = arith.index_cast %mul3A_138 : i32 to index
      %get3A_165 = tpu.vector_load %arg5[%get3A_164] {strides = array<i32>} : memref<1024xf32, #tpu.memory_space<vmem>>, vector<16xf32>,
      %get3A_166 = arith.index_cast %mul3A_142 : i32 to index
      %get3A_167 = tpu.vector_load %arg5[%get3A_166] {strides = array<i32>} : memref<1024xf32, #tpu.memory_space<vmem>>, vector<16xf32>,
      %get3A_168 = arith.index_cast %mul3A_146 : i32 to index
      %get3A_169 = tpu.vector_load %arg5[%get3A_168] {strides = array<i32>} : memref<1024xf32, #tpu.memory_space<vmem>>, vector<16xf32>,
      %get3A_170 = arith.index_cast %mul3A_150 : i32 to index
      %get3A_171 = tpu.vector_load %arg5[%get3A_170] {strides = array<i32>} : memref<1024xf32, #tpu.memory_space<vmem>>, vector<16xf32>,
      %get3A_172 = arith.index_cast %mul3A_154 : i32 to index
      %get3A_173 = tpu.vector_load %arg5[%get3A_172] {strides = array<i32>} : memref<1024xf32, #tpu.memory_space<vmem>>, vector<16xf32>,
      %get3A_174 = arith.index_cast %mul3A_158 : i32 to index
      %get3A_175 = tpu.vector_load %arg5[%get3A_174] {strides = array<i32>} : memref<1024xf32, #tpu.memory_space<vmem>>, vector<16xf32>,
      %get3A_176 = arith.index_cast %mul3A_162 : i32 to index
      %get3A_177 = tpu.vector_load %arg5[%get3A_176] {strides = array<i32>} : memref<1024xf32, #tpu.memory_space<vmem>>, vector<16xf32>,
      %get3A_178 = arith.index_cast %mul3A_134 : i32 to index
      %get3A_179 = tpu.vector_load %arg6[%get3A_178] {strides = array<i32>} : memref<1024xi32, #tpu.memory_space<vmem>>, vector<16xi32>,
      %get3A_180 = arith.index_cast %mul3A_138 : i32 to index
      %get3A_181 = tpu.vector_load %arg6[%get3A_180] {strides = array<i32>} : memref<1024xi32, #tpu.memory_space<vmem>>, vector<16xi32>,
      %get3A_182 = arith.index_cast %mul3A_142 : i32 to index
      %get3A_183 = tpu.vector_load %arg6[%get3A_182] {strides = array<i32>} : memref<1024xi32, #tpu.memory_space<vmem>>, vector<16xi32>,
      %get3A_184 = arith.index_cast %mul3A_146 : i32 to index
      %get3A_185 = tpu.vector_load %arg6[%get3A_184] {strides = array<i32>} : memref<1024xi32, #tpu.memory_space<vmem>>, vector<16xi32>,
      %get3A_186 = arith.index_cast %mul3A_150 : i32 to index
      %get3A_187 = tpu.vector_load %arg6[%get3A_186] {strides = array<i32>} : memref<1024xi32, #tpu.memory_space<vmem>>, vector<16xi32>,
      %get3A_188 = arith.index_cast %mul3A_154 : i32 to index
      %get3A_189 = tpu.vector_load %arg6[%get3A_188] {strides = array<i32>} : memref<1024xi32, #tpu.memory_space<vmem>>, vector<16xi32>,
      %get3A_190 = arith.index_cast %mul3A_158 : i32 to index
      %get3A_191 = tpu.vector_load %arg6[%get3A_190] {strides = array<i32>} : memref<1024xi32, #tpu.memory_space<vmem>>, vector<16xi32>,
      %get3A_192 = arith.index_cast %mul3A_162 : i32 to index
      %get3A_193 = tpu.vector_load %arg6[%get3A_192] {strides = array<i32>} : memref<1024xi32, #tpu.memory_space<vmem>>, vector<16xi32>,
      %lt3A = arith.cmpf olt, %get3A_163, %get3A_171 : vector<16xf32>
      %select_n3A = arith.select %lt3A, %get3A_171, %get3A_163 : vector<16xi1>, vector<16xf32>
      %select_n3A_194 = arith.select %lt3A, %get3A_163, %get3A_171 : vector<16xi1>, vector<16xf32>
      %select_n3A_195 = arith.select %lt3A, %get3A_187, %get3A_179 : vector<16xi1>, vector<16xi32>
      %select_n3A_196 = arith.select %lt3A, %get3A_179, %get3A_187 : vector<16xi1>, vector<16xi32>
      %lt3A_197 = arith.cmpf olt, %get3A_165, %get3A_173 : vector<16xf32>
      %select_n3A_198 = arith.select %lt3A_197, %get3A_173, %get3A_165 : vector<16xi1>, vector<16xf32>
      %select_n3A_199 = arith.select %lt3A_197, %get3A_165, %get3A_173 : vector<16xi1>, vector<16xf32>
      %select_n3A_200 = arith.select %lt3A_197, %get3A_189, %get3A_181 : vector<16xi1>, vector<16xi32>
      %select_n3A_201 = arith.select %lt3A_197, %get3A_181, %get3A_189 : vector<16xi1>, vector<16xi32>
      %lt3A_202 = arith.cmpf olt, %get3A_167, %get3A_175 : vector<16xf32>
      %select_n3A_203 = arith.select %lt3A_202, %get3A_175, %get3A_167 : vector<16xi1>, vector<16xf32>
      %select_n3A_204 = arith.select %lt3A_202, %get3A_167, %get3A_175 : vector<16xi1>, vector<16xf32>
      %select_n3A_205 = arith.select %lt3A_202, %get3A_191, %get3A_183 : vector<16xi1>, vector<16xi32>
      %select_n3A_206 = arith.select %lt3A_202, %get3A_183, %get3A_191 : vector<16xi1>, vector<16xi32>
      %lt3A_207 = arith.cmpf olt, %get3A_169, %get3A_177 : vector<16xf32>
      %select_n3A_208 = arith.select %lt3A_207, %get3A_177, %get3A_169 : vector<16xi1>, vector<16xf32>
      %select_n3A_209 = arith.select %lt3A_207, %get3A_169, %get3A_177 : vector<16xi1>, vector<16xf32>
      %select_n3A_210 = arith.select %lt3A_207, %get3A_193, %get3A_185 : vector<16xi1>, vector<16xi32>
      %select_n3A_211 = arith.select %lt3A_207, %get3A_185, %get3A_193 : vector<16xi1>, vector<16xi32>
      %lt3A_212 = arith.cmpf olt, %select_n3A, %select_n3A_203 : vector<16xf32>
      %select_n3A_213 = arith.select %lt3A_212, %select_n3A_203, %select_n3A : vector<16xi1>, vector<16xf32>
      %select_n3A_214 = arith.select %lt3A_212, %select_n3A, %select_n3A_203 : vector<16xi1>, vector<16xf32>
      %select_n3A_215 = arith.select %lt3A_212, %select_n3A_205, %select_n3A_195 : vector<16xi1>, vector<16xi32>
      %select_n3A_216 = arith.select %lt3A_212, %select_n3A_195, %select_n3A_205 : vector<16xi1>, vector<16xi32>
      %lt3A_217 = arith.cmpf olt, %select_n3A_198, %select_n3A_208 : vector<16xf32>
      %select_n3A_218 = arith.select %lt3A_217, %select_n3A_208, %select_n3A_198 : vector<16xi1>, vector<16xf32>
      %select_n3A_219 = arith.select %lt3A_217, %select_n3A_198, %select_n3A_208 : vector<16xi1>, vector<16xf32>
      %select_n3A_220 = arith.select %lt3A_217, %select_n3A_210, %select_n3A_200 : vector<16xi1>, vector<16xi32>
      %select_n3A_221 = arith.select %lt3A_217, %select_n3A_200, %select_n3A_210 : vector<16xi1>, vector<16xi32>
      %lt3A_222 = arith.cmpf olt, %select_n3A_194, %select_n3A_204 : vector<16xf32>
      %select_n3A_223 = arith.select %lt3A_222, %select_n3A_204, %select_n3A_194 : vector<16xi1>, vector<16xf32>
      %select_n3A_224 = arith.select %lt3A_222, %select_n3A_194, %select_n3A_204 : vector<16xi1>, vector<16xf32>
      %select_n3A_225 = arith.select %lt3A_222, %select_n3A_206, %select_n3A_196 : vector<16xi1>, vector<16xi32>
      %select_n3A_226 = arith.select %lt3A_222, %select_n3A_196, %select_n3A_206 : vector<16xi1>, vector<16xi32>
      %lt3A_227 = arith.cmpf olt, %select_n3A_199, %select_n3A_209 : vector<16xf32>
      %select_n3A_228 = arith.select %lt3A_227, %select_n3A_209, %select_n3A_199 : vector<16xi1>, vector<16xf32>
      %select_n3A_229 = arith.select %lt3A_227, %select_n3A_199, %select_n3A_209 : vector<16xi1>, vector<16xf32>
      %select_n3A_230 = arith.select %lt3A_227, %select_n3A_211, %select_n3A_201 : vector<16xi1>, vector<16xi32>
      %select_n3A_231 = arith.select %lt3A_227, %select_n3A_201, %select_n3A_211 : vector<16xi1>, vector<16xi32>
      %lt3A_232 = arith.cmpf olt, %select_n3A_213, %select_n3A_218 : vector<16xf32>
      %select_n3A_233 = arith.select %lt3A_232, %select_n3A_218, %select_n3A_213 : vector<16xi1>, vector<16xf32>
      %select_n3A_234 = arith.select %lt3A_232, %select_n3A_213, %select_n3A_218 : vector<16xi1>, vector<16xf32>
      %select_n3A_235 = arith.select %lt3A_232, %select_n3A_220, %select_n3A_215 : vector<16xi1>, vector<16xi32>
      %select_n3A_236 = arith.select %lt3A_232, %select_n3A_215, %select_n3A_220 : vector<16xi1>, vector<16xi32>
      %lt3A_237 = arith.cmpf olt, %select_n3A_214, %select_n3A_219 : vector<16xf32>
      %select_n3A_238 = arith.select %lt3A_237, %select_n3A_219, %select_n3A_214 : vector<16xi1>, vector<16xf32>
      %select_n3A_239 = arith.select %lt3A_237, %select_n3A_214, %select_n3A_219 : vector<16xi1>, vector<16xf32>
      %select_n3A_240 = arith.select %lt3A_237, %select_n3A_221, %select_n3A_216 : vector<16xi1>, vector<16xi32>
      %select_n3A_241 = arith.select %lt3A_237, %select_n3A_216, %select_n3A_221 : vector<16xi1>, vector<16xi32>
      %lt3A_242 = arith.cmpf olt, %select_n3A_223, %select_n3A_228 : vector<16xf32>
      %select_n3A_243 = arith.select %lt3A_242, %select_n3A_228, %select_n3A_223 : vector<16xi1>, vector<16xf32>
      %select_n3A_244 = arith.select %lt3A_242, %select_n3A_223, %select_n3A_228 : vector<16xi1>, vector<16xf32>
      %select_n3A_245 = arith.select %lt3A_242, %select_n3A_230, %select_n3A_225 : vector<16xi1>, vector<16xi32>
      %select_n3A_246 = arith.select %lt3A_242, %select_n3A_225, %select_n3A_230 : vector<16xi1>, vector<16xi32>
      %lt3A_247 = arith.cmpf olt, %select_n3A_224, %select_n3A_229 : vector<16xf32>
      %select_n3A_248 = arith.select %lt3A_247, %select_n3A_229, %select_n3A_224 : vector<16xi1>, vector<16xf32>
      %select_n3A_249 = arith.select %lt3A_247, %select_n3A_224, %select_n3A_229 : vector<16xi1>, vector<16xf32>
      %select_n3A_250 = arith.select %lt3A_247, %select_n3A_231, %select_n3A_226 : vector<16xi1>, vector<16xi32>
      %select_n3A_251 = arith.select %lt3A_247, %select_n3A_226, %select_n3A_231 : vector<16xi1>, vector<16xi32>
      %masked_sort3A = arith.constant dense<true> : vector<16xi1>
      %masked_sort3A_252, %masked_sort3A_253, %masked_sort3A_254 = tpu.sort %select_n3A_233, %select_n3A_235 masked %masked_sort3A {descending = true} : (vector<16xf32>, vector<16xi32>, vector<16xi1>) -> (vector<16xi1>, vector<16xf32>, vector<16xi32>)
      %masked_sort3A_255 = arith.constant dense<true> : vector<16xi1>
      %masked_sort3A_256, %masked_sort3A_257, %masked_sort3A_258 = tpu.sort %select_n3A_234, %select_n3A_236 masked %masked_sort3A_255 {descending = true} : (vector<16xf32>, vector<16xi32>, vector<16xi1>) -> (vector<16xi1>, vector<16xf32>, vector<16xi32>)
      %masked_sort3A_259 = arith.constant dense<true> : vector<16xi1>
      %masked_sort3A_260, %masked_sort3A_261, %masked_sort3A_262 = tpu.sort %select_n3A_238, %select_n3A_240 masked %masked_sort3A_259 {descending = true} : (vector<16xf32>, vector<16xi32>, vector<16xi1>) -> (vector<16xi1>, vector<16xf32>, vector<16xi32>)
      %masked_sort3A_263 = arith.constant dense<true> : vector<16xi1>
      %masked_sort3A_264, %masked_sort3A_265, %masked_sort3A_266 = tpu.sort %select_n3A_239, %select_n3A_241 masked %masked_sort3A_263 {descending = true} : (vector<16xf32>, vector<16xi32>, vector<16xi1>) -> (vector<16xi1>, vector<16xf32>, vector<16xi32>)
      %masked_sort3A_267 = arith.constant dense<true> : vector<16xi1>
      %masked_sort3A_268, %masked_sort3A_269, %masked_sort3A_270 = tpu.sort %select_n3A_243, %select_n3A_245 masked %masked_sort3A_267 {descending = true} : (vector<16xf32>, vector<16xi32>, vector<16xi1>) -> (vector<16xi1>, vector<16xf32>, vector<16xi32>)
      %masked_sort3A_271 = arith.constant dense<true> : vector<16xi1>
      %masked_sort3A_272, %masked_sort3A_273, %masked_sort3A_274 = tpu.sort %select_n3A_244, %select_n3A_246 masked %masked_sort3A_271 {descending = true} : (vector<16xf32>, vector<16xi32>, vector<16xi1>) -> (vector<16xi1>, vector<16xf32>, vector<16xi32>)
      %masked_sort3A_275 = arith.constant dense<true> : vector<16xi1>
      %masked_sort3A_276, %masked_sort3A_277, %masked_sort3A_278 = tpu.sort %select_n3A_248, %select_n3A_250 masked %masked_sort3A_275 {descending = true} : (vector<16xf32>, vector<16xi32>, vector<16xi1>) -> (vector<16xi1>, vector<16xf32>, vector<16xi32>)
      %masked_sort3A_279 = arith.constant dense<true> : vector<16xi1>
      %masked_sort3A_280, %masked_sort3A_281, %masked_sort3A_282 = tpu.sort %select_n3A_249, %select_n3A_251 masked %masked_sort3A_279 {descending = true} : (vector<16xf32>, vector<16xi32>, vector<16xi1>) -> (vector<16xi1>, vector<16xf32>, vector<16xi32>)
      %swap3A = arith.index_cast %mul3A_134 : i32 to index
      %swap3A_283 = tpu.vector_load %arg5[%swap3A] {strides = array<i32>} : memref<1024xf32, #tpu.memory_space<vmem>>, vector<16xf32>,
      tpu.vector_store %arg5[%swap3A], %masked_sort3A_253 {strides = array<i32>} : memref<1024xf32, #tpu.memory_space<vmem>>, vector<16xf32>,
      %swap3A_284 = arith.index_cast %mul3A_134 : i32 to index
      %swap3A_285 = tpu.vector_load %arg6[%swap3A_284] {strides = array<i32>} : memref<1024xi32, #tpu.memory_space<vmem>>, vector<16xi32>,
      tpu.vector_store %arg6[%swap3A_284], %masked_sort3A_254 {strides = array<i32>} : memref<1024xi32, #tpu.memory_space<vmem>>, vector<16xi32>,
      %swap3A_286 = arith.index_cast %mul3A_138 : i32 to index
      %swap3A_287 = tpu.vector_load %arg5[%swap3A_286] {strides = array<i32>} : memref<1024xf32, #tpu.memory_space<vmem>>, vector<16xf32>,
      tpu.vector_store %arg5[%swap3A_286], %masked_sort3A_257 {strides = array<i32>} : memref<1024xf32, #tpu.memory_space<vmem>>, vector<16xf32>,
      %swap3A_288 = arith.index_cast %mul3A_138 : i32 to index
      %swap3A_289 = tpu.vector_load %arg6[%swap3A_288] {strides = array<i32>} : memref<1024xi32, #tpu.memory_space<vmem>>, vector<16xi32>,
      tpu.vector_store %arg6[%swap3A_288], %masked_sort3A_258 {strides = array<i32>} : memref<1024xi32, #tpu.memory_space<vmem>>, vector<16xi32>,
      %swap3A_290 = arith.index_cast %mul3A_142 : i32 to index
      %swap3A_291 = tpu.vector_load %arg5[%swap3A_290] {strides = array<i32>} : memref<1024xf32, #tpu.memory_space<vmem>>, vector<16xf32>,
      tpu.vector_store %arg5[%swap3A_290], %masked_sort3A_261 {strides = array<i32>} : memref<1024xf32, #tpu.memory_space<vmem>>, vector<16xf32>,
      %swap3A_292 = arith.index_cast %mul3A_142 : i32 to index
      %swap3A_293 = tpu.vector_load %arg6[%swap3A_292] {strides = array<i32>} : memref<1024xi32, #tpu.memory_space<vmem>>, vector<16xi32>,
      tpu.vector_store %arg6[%swap3A_292], %masked_sort3A_262 {strides = array<i32>} : memref<1024xi32, #tpu.memory_space<vmem>>, vector<16xi32>,
      %swap3A_294 = arith.index_cast %mul3A_146 : i32 to index
      %swap3A_295 = tpu.vector_load %arg5[%swap3A_294] {strides = array<i32>} : memref<1024xf32, #tpu.memory_space<vmem>>, vector<16xf32>,
      tpu.vector_store %arg5[%swap3A_294], %masked_sort3A_265 {strides = array<i32>} : memref<1024xf32, #tpu.memory_space<vmem>>, vector<16xf32>,
      %swap3A_296 = arith.index_cast %mul3A_146 : i32 to index
      %swap3A_297 = tpu.vector_load %arg6[%swap3A_296] {strides = array<i32>} : memref<1024xi32, #tpu.memory_space<vmem>>, vector<16xi32>,
      tpu.vector_store %arg6[%swap3A_296], %masked_sort3A_266 {strides = array<i32>} : memref<1024xi32, #tpu.memory_space<vmem>>, vector<16xi32>,
      %swap3A_298 = arith.index_cast %mul3A_150 : i32 to index
      %swap3A_299 = tpu.vector_load %arg5[%swap3A_298] {strides = array<i32>} : memref<1024xf32, #tpu.memory_space<vmem>>, vector<16xf32>,
      tpu.vector_store %arg5[%swap3A_298], %masked_sort3A_269 {strides = array<i32>} : memref<1024xf32, #tpu.memory_space<vmem>>, vector<16xf32>,
      %swap3A_300 = arith.index_cast %mul3A_150 : i32 to index
      %swap3A_301 = tpu.vector_load %arg6[%swap3A_300] {strides = array<i32>} : memref<1024xi32, #tpu.memory_space<vmem>>, vector<16xi32>,
      tpu.vector_store %arg6[%swap3A_300], %masked_sort3A_270 {strides = array<i32>} : memref<1024xi32, #tpu.memory_space<vmem>>, vector<16xi32>,
      %swap3A_302 = arith.index_cast %mul3A_154 : i32 to index
      %swap3A_303 = tpu.vector_load %arg5[%swap3A_302] {strides = array<i32>} : memref<1024xf32, #tpu.memory_space<vmem>>, vector<16xf32>,
      tpu.vector_store %arg5[%swap3A_302], %masked_sort3A_273 {strides = array<i32>} : memref<1024xf32, #tpu.memory_space<vmem>>, vector<16xf32>,
      %swap3A_304 = arith.index_cast %mul3A_154 : i32 to index
      %swap3A_305 = tpu.vector_load %arg6[%swap3A_304] {strides = array<i32>} : memref<1024xi32, #tpu.memory_space<vmem>>, vector<16xi32>,
      tpu.vector_store %arg6[%swap3A_304], %masked_sort3A_274 {strides = array<i32>} : memref<1024xi32, #tpu.memory_space<vmem>>, vector<16xi32>,
      %swap3A_306 = arith.index_cast %mul3A_158 : i32 to index
      %swap3A_307 = tpu.vector_load %arg5[%swap3A_306] {strides = array<i32>} : memref<1024xf32, #tpu.memory_space<vmem>>, vector<16xf32>,
      tpu.vector_store %arg5[%swap3A_306], %masked_sort3A_277 {strides = array<i32>} : memref<1024xf32, #tpu.memory_space<vmem>>, vector<16xf32>,
      %swap3A_308 = arith.index_cast %mul3A_158 : i32 to index
      %swap3A_309 = tpu.vector_load %arg6[%swap3A_308] {strides = array<i32>} : memref<1024xi32, #tpu.memory_space<vmem>>, vector<16xi32>,
      tpu.vector_store %arg6[%swap3A_308], %masked_sort3A_278 {strides = array<i32>} : memref<1024xi32, #tpu.memory_space<vmem>>, vector<16xi32>,
      %swap3A_310 = arith.index_cast %mul3A_162 : i32 to index
      %swap3A_311 = tpu.vector_load %arg5[%swap3A_310] {strides = array<i32>} : memref<1024xf32, #tpu.memory_space<vmem>>, vector<16xf32>,
      tpu.vector_store %arg5[%swap3A_310], %masked_sort3A_281 {strides = array<i32>} : memref<1024xf32, #tpu.memory_space<vmem>>, vector<16xf32>,
      %swap3A_312 = arith.index_cast %mul3A_162 : i32 to index
      %swap3A_313 = tpu.vector_load %arg6[%swap3A_312] {strides = array<i32>} : memref<1024xi32, #tpu.memory_space<vmem>>, vector<16xi32>,
      tpu.vector_store %arg6[%swap3A_312], %masked_sort3A_282 {strides = array<i32>} : memref<1024xi32, #tpu.memory_space<vmem>>, vector<16xi32>,
    }
    %scan3A_71 = arith.constant 4 : i32
    %scan3A_72 = arith.constant 0 : i32
    %scan3A_73 = arith.constant 32 : i32
    %scan3A_74 = arith.addi %scan3A_72, %scan3A_73 : i32
    %scan3A_75 = arith.constant 2 : i32
    scf.for %scan3A_117 = %scan3A_72 to %scan3A_74 step %scan3A_75  : i32 {
      %mul3A_118 = arith.constant 1 : i32
      %mul3A_119 = arith.muli %scan3A_117, %mul3A_118 : i32
      %add3A_120 = arith.constant 0 : i32
      %add3A_121 = arith.addi %add3A_120, %mul3A_119 : i32
      %shift_right_arithmetic3A = arith.constant 4 : i32
      %shift_right_arithmetic3A_122 = arith.shrsi %add3A_121, %shift_right_arithmetic3A : i32
      %shift_left3A = arith.constant 5 : i32
      %shift_left3A_123 = arith.shli %shift_right_arithmetic3A_122, %shift_left3A : i32
      %and3A_124 = arith.constant 15 : i32
      %and3A_125 = arith.andi %add3A_121, %and3A_124 : i32
      %add3A_126 = arith.addi %shift_left3A_123, %and3A_125 : i32
      %add3A_127 = arith.constant 16 : i32
      %add3A_128 = arith.addi %add3A_126, %add3A_127 : i32
      %mul3A_129 = arith.constant 16 : i32
      %mul3A_130 = arith.muli %add3A_126, %mul3A_129 : i32
      %get3A = arith.index_cast %mul3A_130 : i32 to index
      %get3A_131 = tpu.vector_load %arg5[%get3A] {strides = array<i32>} : memref<1024xf32, #tpu.memory_space<vmem>>, vector<16xf32>,
      %mul3A_132 = arith.constant 16 : i32
      %mul3A_133 = arith.muli %add3A_128, %mul3A_132 : i32
      %get3A_134 = arith.index_cast %mul3A_133 : i32 to index
      %get3A_135 = tpu.vector_load %arg5[%get3A_134] {strides = array<i32>} : memref<1024xf32, #tpu.memory_space<vmem>>, vector<16xf32>,
      %mul3A_136 = arith.constant 16 : i32
      %mul3A_137 = arith.muli %add3A_126, %mul3A_136 : i32
      %get3A_138 = arith.index_cast %mul3A_137 : i32 to index
      %get3A_139 = tpu.vector_load %arg6[%get3A_138] {strides = array<i32>} : memref<1024xi32, #tpu.memory_space<vmem>>, vector<16xi32>,
      %mul3A_140 = arith.constant 16 : i32
      %mul3A_141 = arith.muli %add3A_128, %mul3A_140 : i32
      %get3A_142 = arith.index_cast %mul3A_141 : i32 to index
      %get3A_143 = tpu.vector_load %arg6[%get3A_142] {strides = array<i32>} : memref<1024xi32, #tpu.memory_space<vmem>>, vector<16xi32>,
      %mul3A_144 = arith.constant 16 : i32
      %mul3A_145 = arith.muli %add3A_126, %mul3A_144 : i32
      %and3A_146 = arith.constant 512 : i32
      %and3A_147 = arith.andi %mul3A_145, %and3A_146 : i32
      %eq3A_148 = arith.constant 0 : i32
      %eq3A_149 = arith.cmpi eq, %and3A_147, %eq3A_148 : i32
      %lt3A = arith.cmpf olt, %get3A_135, %get3A_131 : vector<16xf32>
      %eq3A_150 = vector.broadcast %eq3A_149 : i1 to vector<16xi1>
      %eq3A_151 = vector.broadcast %eq3A_150 : vector<16xi1> to vector<16xi1>
      %eq3A_152 = arith.xori %lt3A, %eq3A_151 : vector<16xi1>
      %eq3A_153 = arith.constant dense<true> : vector<16xi1>
      %eq3A_154 = arith.xori %eq3A_152, %eq3A_153 : vector<16xi1>
      %select_n3A = arith.select %eq3A_154, %get3A_135, %get3A_131 : vector<16xi1>, vector<16xf32>
      %mul3A_155 = arith.constant 16 : i32
      %mul3A_156 = arith.muli %add3A_126, %mul3A_155 : i32
      %swap3A = arith.index_cast %mul3A_156 : i32 to index
      %swap3A_157 = tpu.vector_load %arg5[%swap3A] {strides = array<i32>} : memref<1024xf32, #tpu.memory_space<vmem>>, vector<16xf32>,
      tpu.vector_store %arg5[%swap3A], %select_n3A {strides = array<i32>} : memref<1024xf32, #tpu.memory_space<vmem>>, vector<16xf32>,
      %select_n3A_158 = arith.select %eq3A_154, %get3A_131, %get3A_135 : vector<16xi1>, vector<16xf32>
      %mul3A_159 = arith.constant 16 : i32
      %mul3A_160 = arith.muli %add3A_128, %mul3A_159 : i32
      %swap3A_161 = arith.index_cast %mul3A_160 : i32 to index
      %swap3A_162 = tpu.vector_load %arg5[%swap3A_161] {strides = array<i32>} : memref<1024xf32, #tpu.memory_space<vmem>>, vector<16xf32>,
      tpu.vector_store %arg5[%swap3A_161], %select_n3A_158 {strides = array<i32>} : memref<1024xf32, #tpu.memory_space<vmem>>, vector<16xf32>,
      %select_n3A_163 = arith.select %eq3A_154, %get3A_143, %get3A_139 : vector<16xi1>, vector<16xi32>
      %mul3A_164 = arith.constant 16 : i32
      %mul3A_165 = arith.muli %add3A_126, %mul3A_164 : i32
      %swap3A_166 = arith.index_cast %mul3A_165 : i32 to index
      %swap3A_167 = tpu.vector_load %arg6[%swap3A_166] {strides = array<i32>} : memref<1024xi32, #tpu.memory_space<vmem>>, vector<16xi32>,
      tpu.vector_store %arg6[%swap3A_166], %select_n3A_163 {strides = array<i32>} : memref<1024xi32, #tpu.memory_space<vmem>>, vector<16xi32>,
      %select_n3A_168 = arith.select %eq3A_154, %get3A_139, %get3A_143 : vector<16xi1>, vector<16xi32>
      %mul3A_169 = arith.constant 16 : i32
      %mul3A_170 = arith.muli %add3A_128, %mul3A_169 : i32
      %swap3A_171 = arith.index_cast %mul3A_170 : i32 to index
      %swap3A_172 = tpu.vector_load %arg6[%swap3A_171] {strides = array<i32>} : memref<1024xi32, #tpu.memory_space<vmem>>, vector<16xi32>,
      tpu.vector_store %arg6[%swap3A_171], %select_n3A_168 {strides = array<i32>} : memref<1024xi32, #tpu.memory_space<vmem>>, vector<16xi32>,
      %scan3A_173 = arith.constant 1 : i32
      %scan3A_174 = arith.addi %scan3A_117, %scan3A_173 : i32
      %mul3A_175 = arith.constant 1 : i32
      %mul3A_176 = arith.muli %scan3A_174, %mul3A_175 : i32
      %add3A_177 = arith.constant 0 : i32
      %add3A_178 = arith.addi %add3A_177, %mul3A_176 : i32
      %shift_right_arithmetic3A_179 = arith.constant 4 : i32
      %shift_right_arithmetic3A_180 = arith.shrsi %add3A_178, %shift_right_arithmetic3A_179 : i32
      %shift_left3A_181 = arith.constant 5 : i32
      %shift_left3A_182 = arith.shli %shift_right_arithmetic3A_180, %shift_left3A_181 : i32
      %and3A_183 = arith.constant 15 : i32
      %and3A_184 = arith.andi %add3A_178, %and3A_183 : i32
      %add3A_185 = arith.addi %shift_left3A_182, %and3A_184 : i32
      %add3A_186 = arith.constant 16 : i32
      %add3A_187 = arith.addi %add3A_185, %add3A_186 : i32
      %mul3A_188 = arith.constant 16 : i32
      %mul3A_189 = arith.muli %add3A_185, %mul3A_188 : i32
      %get3A_190 = arith.index_cast %mul3A_189 : i32 to index
      %get3A_191 = tpu.vector_load %arg5[%get3A_190] {strides = array<i32>} : memref<1024xf32, #tpu.memory_space<vmem>>, vector<16xf32>,
      %mul3A_192 = arith.constant 16 : i32
      %mul3A_193 = arith.muli %add3A_187, %mul3A_192 : i32
      %get3A_194 = arith.index_cast %mul3A_193 : i32 to index
      %get3A_195 = tpu.vector_load %arg5[%get3A_194] {strides = array<i32>} : memref<1024xf32, #tpu.memory_space<vmem>>, vector<16xf32>,
      %mul3A_196 = arith.constant 16 : i32
      %mul3A_197 = arith.muli %add3A_185, %mul3A_196 : i32
      %get3A_198 = arith.index_cast %mul3A_197 : i32 to index
      %get3A_199 = tpu.vector_load %arg6[%get3A_198] {strides = array<i32>} : memref<1024xi32, #tpu.memory_space<vmem>>, vector<16xi32>,
      %mul3A_200 = arith.constant 16 : i32
      %mul3A_201 = arith.muli %add3A_187, %mul3A_200 : i32
      %get3A_202 = arith.index_cast %mul3A_201 : i32 to index
      %get3A_203 = tpu.vector_load %arg6[%get3A_202] {strides = array<i32>} : memref<1024xi32, #tpu.memory_space<vmem>>, vector<16xi32>,
      %mul3A_204 = arith.constant 16 : i32
      %mul3A_205 = arith.muli %add3A_185, %mul3A_204 : i32
      %and3A_206 = arith.constant 512 : i32
      %and3A_207 = arith.andi %mul3A_205, %and3A_206 : i32
      %eq3A_208 = arith.constant 0 : i32
      %eq3A_209 = arith.cmpi eq, %and3A_207, %eq3A_208 : i32
      %lt3A_210 = arith.cmpf olt, %get3A_195, %get3A_191 : vector<16xf32>
      %eq3A_211 = vector.broadcast %eq3A_209 : i1 to vector<16xi1>
      %eq3A_212 = vector.broadcast %eq3A_211 : vector<16xi1> to vector<16xi1>
      %eq3A_213 = arith.xori %lt3A_210, %eq3A_212 : vector<16xi1>
      %eq3A_214 = arith.constant dense<true> : vector<16xi1>
      %eq3A_215 = arith.xori %eq3A_213, %eq3A_214 : vector<16xi1>
      %select_n3A_216 = arith.select %eq3A_215, %get3A_195, %get3A_191 : vector<16xi1>, vector<16xf32>
      %mul3A_217 = arith.constant 16 : i32
      %mul3A_218 = arith.muli %add3A_185, %mul3A_217 : i32
      %swap3A_219 = arith.index_cast %mul3A_218 : i32 to index
      %swap3A_220 = tpu.vector_load %arg5[%swap3A_219] {strides = array<i32>} : memref<1024xf32, #tpu.memory_space<vmem>>, vector<16xf32>,
      tpu.vector_store %arg5[%swap3A_219], %select_n3A_216 {strides = array<i32>} : memref<1024xf32, #tpu.memory_space<vmem>>, vector<16xf32>,
      %select_n3A_221 = arith.select %eq3A_215, %get3A_191, %get3A_195 : vector<16xi1>, vector<16xf32>
      %mul3A_222 = arith.constant 16 : i32
      %mul3A_223 = arith.muli %add3A_187, %mul3A_222 : i32
      %swap3A_224 = arith.index_cast %mul3A_223 : i32 to index
      %swap3A_225 = tpu.vector_load %arg5[%swap3A_224] {strides = array<i32>} : memref<1024xf32, #tpu.memory_space<vmem>>, vector<16xf32>,
      tpu.vector_store %arg5[%swap3A_224], %select_n3A_221 {strides = array<i32>} : memref<1024xf32, #tpu.memory_space<vmem>>, vector<16xf32>,
      %select_n3A_226 = arith.select %eq3A_215, %get3A_203, %get3A_199 : vector<16xi1>, vector<16xi32>
      %mul3A_227 = arith.constant 16 : i32
      %mul3A_228 = arith.muli %add3A_185, %mul3A_227 : i32
      %swap3A_229 = arith.index_cast %mul3A_228 : i32 to index
      %swap3A_230 = tpu.vector_load %arg6[%swap3A_229] {strides = array<i32>} : memref<1024xi32, #tpu.memory_space<vmem>>, vector<16xi32>,
      tpu.vector_store %arg6[%swap3A_229], %select_n3A_226 {strides = array<i32>} : memref<1024xi32, #tpu.memory_space<vmem>>, vector<16xi32>,
      %select_n3A_231 = arith.select %eq3A_215, %get3A_199, %get3A_203 : vector<16xi1>, vector<16xi32>
      %mul3A_232 = arith.constant 16 : i32
      %mul3A_233 = arith.muli %add3A_187, %mul3A_232 : i32
      %swap3A_234 = arith.index_cast %mul3A_233 : i32 to index
      %swap3A_235 = tpu.vector_load %arg6[%swap3A_234] {strides = array<i32>} : memref<1024xi32, #tpu.memory_space<vmem>>, vector<16xi32>,
      tpu.vector_store %arg6[%swap3A_234], %select_n3A_231 {strides = array<i32>} : memref<1024xi32, #tpu.memory_space<vmem>>, vector<16xi32>,
    }
    %scan3A_76 = arith.constant 32 : i32
    %scan3A_77 = arith.constant 0 : i32
    %scan3A_78 = arith.constant 32 : i32
    %scan3A_79 = arith.addi %scan3A_77, %scan3A_78 : i32
    %scan3A_80 = arith.constant 2 : i32
    scf.for %scan3A_117 = %scan3A_77 to %scan3A_79 step %scan3A_80  : i32 {
      %mul3A_118 = arith.constant 1 : i32
      %mul3A_119 = arith.muli %scan3A_117, %mul3A_118 : i32
      %add3A_120 = arith.constant 0 : i32
      %add3A_121 = arith.addi %add3A_120, %mul3A_119 : i32
      %shift_right_arithmetic3A = arith.constant 3 : i32
      %shift_right_arithmetic3A_122 = arith.shrsi %add3A_121, %shift_right_arithmetic3A : i32
      %shift_left3A = arith.constant 4 : i32
      %shift_left3A_123 = arith.shli %shift_right_arithmetic3A_122, %shift_left3A : i32
      %and3A_124 = arith.constant 7 : i32
      %and3A_125 = arith.andi %add3A_121, %and3A_124 : i32
      %add3A_126 = arith.addi %shift_left3A_123, %and3A_125 : i32
      %add3A_127 = arith.constant 8 : i32
      %add3A_128 = arith.addi %add3A_126, %add3A_127 : i32
      %mul3A_129 = arith.constant 16 : i32
      %mul3A_130 = arith.muli %add3A_126, %mul3A_129 : i32
      %get3A = arith.index_cast %mul3A_130 : i32 to index
      %get3A_131 = tpu.vector_load %arg5[%get3A] {strides = array<i32>} : memref<1024xf32, #tpu.memory_space<vmem>>, vector<16xf32>,
      %mul3A_132 = arith.constant 16 : i32
      %mul3A_133 = arith.muli %add3A_128, %mul3A_132 : i32
      %get3A_134 = arith.index_cast %mul3A_133 : i32 to index
      %get3A_135 = tpu.vector_load %arg5[%get3A_134] {strides = array<i32>} : memref<1024xf32, #tpu.memory_space<vmem>>, vector<16xf32>,
      %mul3A_136 = arith.constant 16 : i32
      %mul3A_137 = arith.muli %add3A_126, %mul3A_136 : i32
      %get3A_138 = arith.index_cast %mul3A_137 : i32 to index
      %get3A_139 = tpu.vector_load %arg6[%get3A_138] {strides = array<i32>} : memref<1024xi32, #tpu.memory_space<vmem>>, vector<16xi32>,
      %mul3A_140 = arith.constant 16 : i32
      %mul3A_141 = arith.muli %add3A_128, %mul3A_140 : i32
      %get3A_142 = arith.index_cast %mul3A_141 : i32 to index
      %get3A_143 = tpu.vector_load %arg6[%get3A_142] {strides = array<i32>} : memref<1024xi32, #tpu.memory_space<vmem>>, vector<16xi32>,
      %mul3A_144 = arith.constant 16 : i32
      %mul3A_145 = arith.muli %add3A_126, %mul3A_144 : i32
      %and3A_146 = arith.constant 512 : i32
      %and3A_147 = arith.andi %mul3A_145, %and3A_146 : i32
      %eq3A_148 = arith.constant 0 : i32
      %eq3A_149 = arith.cmpi eq, %and3A_147, %eq3A_148 : i32
      %lt3A = arith.cmpf olt, %get3A_135, %get3A_131 : vector<16xf32>
      %eq3A_150 = vector.broadcast %eq3A_149 : i1 to vector<16xi1>
      %eq3A_151 = vector.broadcast %eq3A_150 : vector<16xi1> to vector<16xi1>
      %eq3A_152 = arith.xori %lt3A, %eq3A_151 : vector<16xi1>
      %eq3A_153 = arith.constant dense<true> : vector<16xi1>
      %eq3A_154 = arith.xori %eq3A_152, %eq3A_153 : vector<16xi1>
      %select_n3A = arith.select %eq3A_154, %get3A_135, %get3A_131 : vector<16xi1>, vector<16xf32>
      %mul3A_155 = arith.constant 16 : i32
      %mul3A_156 = arith.muli %add3A_126, %mul3A_155 : i32
      %swap3A = arith.index_cast %mul3A_156 : i32 to index
      %swap3A_157 = tpu.vector_load %arg5[%swap3A] {strides = array<i32>} : memref<1024xf32, #tpu.memory_space<vmem>>, vector<16xf32>,
      tpu.vector_store %arg5[%swap3A], %select_n3A {strides = array<i32>} : memref<1024xf32, #tpu.memory_space<vmem>>, vector<16xf32>,
      %select_n3A_158 = arith.select %eq3A_154, %get3A_131, %get3A_135 : vector<16xi1>, vector<16xf32>
      %mul3A_159 = arith.constant 16 : i32
      %mul3A_160 = arith.muli %add3A_128, %mul3A_159 : i32
      %swap3A_161 = arith.index_cast %mul3A_160 : i32 to index
      %swap3A_162 = tpu.vector_load %arg5[%swap3A_161] {strides = array<i32>} : memref<1024xf32, #tpu.memory_space<vmem>>, vector<16xf32>,
      tpu.vector_store %arg5[%swap3A_161], %select_n3A_158 {strides = array<i32>} : memref<1024xf32, #tpu.memory_space<vmem>>, vector<16xf32>,
      %select_n3A_163 = arith.select %eq3A_154, %get3A_143, %get3A_139 : vector<16xi1>, vector<16xi32>
      %mul3A_164 = arith.constant 16 : i32
      %mul3A_165 = arith.muli %add3A_126, %mul3A_164 : i32
      %swap3A_166 = arith.index_cast %mul3A_165 : i32 to index
      %swap3A_167 = tpu.vector_load %arg6[%swap3A_166] {strides = array<i32>} : memref<1024xi32, #tpu.memory_space<vmem>>, vector<16xi32>,
      tpu.vector_store %arg6[%swap3A_166], %select_n3A_163 {strides = array<i32>} : memref<1024xi32, #tpu.memory_space<vmem>>, vector<16xi32>,
      %select_n3A_168 = arith.select %eq3A_154, %get3A_139, %get3A_143 : vector<16xi1>, vector<16xi32>
      %mul3A_169 = arith.constant 16 : i32
      %mul3A_170 = arith.muli %add3A_128, %mul3A_169 : i32
      %swap3A_171 = arith.index_cast %mul3A_170 : i32 to index
      %swap3A_172 = tpu.vector_load %arg6[%swap3A_171] {strides = array<i32>} : memref<1024xi32, #tpu.memory_space<vmem>>, vector<16xi32>,
      tpu.vector_store %arg6[%swap3A_171], %select_n3A_168 {strides = array<i32>} : memref<1024xi32, #tpu.memory_space<vmem>>, vector<16xi32>,
      %scan3A_173 = arith.constant 1 : i32
      %scan3A_174 = arith.addi %scan3A_117, %scan3A_173 : i32
      %mul3A_175 = arith.constant 1 : i32
      %mul3A_176 = arith.muli %scan3A_174, %mul3A_175 : i32
      %add3A_177 = arith.constant 0 : i32
      %add3A_178 = arith.addi %add3A_177, %mul3A_176 : i32
      %shift_right_arithmetic3A_179 = arith.constant 3 : i32
      %shift_right_arithmetic3A_180 = arith.shrsi %add3A_178, %shift_right_arithmetic3A_179 : i32
      %shift_left3A_181 = arith.constant 4 : i32
      %shift_left3A_182 = arith.shli %shift_right_arithmetic3A_180, %shift_left3A_181 : i32
      %and3A_183 = arith.constant 7 : i32
      %and3A_184 = arith.andi %add3A_178, %and3A_183 : i32
      %add3A_185 = arith.addi %shift_left3A_182, %and3A_184 : i32
      %add3A_186 = arith.constant 8 : i32
      %add3A_187 = arith.addi %add3A_185, %add3A_186 : i32
      %mul3A_188 = arith.constant 16 : i32
      %mul3A_189 = arith.muli %add3A_185, %mul3A_188 : i32
      %get3A_190 = arith.index_cast %mul3A_189 : i32 to index
      %get3A_191 = tpu.vector_load %arg5[%get3A_190] {strides = array<i32>} : memref<1024xf32, #tpu.memory_space<vmem>>, vector<16xf32>,
      %mul3A_192 = arith.constant 16 : i32
      %mul3A_193 = arith.muli %add3A_187, %mul3A_192 : i32
      %get3A_194 = arith.index_cast %mul3A_193 : i32 to index
      %get3A_195 = tpu.vector_load %arg5[%get3A_194] {strides = array<i32>} : memref<1024xf32, #tpu.memory_space<vmem>>, vector<16xf32>,
      %mul3A_196 = arith.constant 16 : i32
      %mul3A_197 = arith.muli %add3A_185, %mul3A_196 : i32
      %get3A_198 = arith.index_cast %mul3A_197 : i32 to index
      %get3A_199 = tpu.vector_load %arg6[%get3A_198] {strides = array<i32>} : memref<1024xi32, #tpu.memory_space<vmem>>, vector<16xi32>,
      %mul3A_200 = arith.constant 16 : i32
      %mul3A_201 = arith.muli %add3A_187, %mul3A_200 : i32
      %get3A_202 = arith.index_cast %mul3A_201 : i32 to index
      %get3A_203 = tpu.vector_load %arg6[%get3A_202] {strides = array<i32>} : memref<1024xi32, #tpu.memory_space<vmem>>, vector<16xi32>,
      %mul3A_204 = arith.constant 16 : i32
      %mul3A_205 = arith.muli %add3A_185, %mul3A_204 : i32
      %and3A_206 = arith.constant 512 : i32
      %and3A_207 = arith.andi %mul3A_205, %and3A_206 : i32
      %eq3A_208 = arith.constant 0 : i32
      %eq3A_209 = arith.cmpi eq, %and3A_207, %eq3A_208 : i32
      %lt3A_210 = arith.cmpf olt, %get3A_195, %get3A_191 : vector<16xf32>
      %eq3A_211 = vector.broadcast %eq3A_209 : i1 to vector<16xi1>
      %eq3A_212 = vector.broadcast %eq3A_211 : vector<16xi1> to vector<16xi1>
      %eq3A_213 = arith.xori %lt3A_210, %eq3A_212 : vector<16xi1>
      %eq3A_214 = arith.constant dense<true> : vector<16xi1>
      %eq3A_215 = arith.xori %eq3A_213, %eq3A_214 : vector<16xi1>
      %select_n3A_216 = arith.select %eq3A_215, %get3A_195, %get3A_191 : vector<16xi1>, vector<16xf32>
      %mul3A_217 = arith.constant 16 : i32
      %mul3A_218 = arith.muli %add3A_185, %mul3A_217 : i32
      %swap3A_219 = arith.index_cast %mul3A_218 : i32 to index
      %swap3A_220 = tpu.vector_load %arg5[%swap3A_219] {strides = array<i32>} : memref<1024xf32, #tpu.memory_space<vmem>>, vector<16xf32>,
      tpu.vector_store %arg5[%swap3A_219], %select_n3A_216 {strides = array<i32>} : memref<1024xf32, #tpu.memory_space<vmem>>, vector<16xf32>,
      %select_n3A_221 = arith.select %eq3A_215, %get3A_191, %get3A_195 : vector<16xi1>, vector<16xf32>
      %mul3A_222 = arith.constant 16 : i32
      %mul3A_223 = arith.muli %add3A_187, %mul3A_222 : i32
      %swap3A_224 = arith.index_cast %mul3A_223 : i32 to index
      %swap3A_225 = tpu.vector_load %arg5[%swap3A_224] {strides = array<i32>} : memref<1024xf32, #tpu.memory_space<vmem>>, vector<16xf32>,
      tpu.vector_store %arg5[%swap3A_224], %select_n3A_221 {strides = array<i32>} : memref<1024xf32, #tpu.memory_space<vmem>>, vector<16xf32>,
      %select_n3A_226 = arith.select %eq3A_215, %get3A_203, %get3A_199 : vector<16xi1>, vector<16xi32>
      %mul3A_227 = arith.constant 16 : i32
      %mul3A_228 = arith.muli %add3A_185, %mul3A_227 : i32
      %swap3A_229 = arith.index_cast %mul3A_228 : i32 to index
      %swap3A_230 = tpu.vector_load %arg6[%swap3A_229] {strides = array<i32>} : memref<1024xi32, #tpu.memory_space<vmem>>, vector<16xi32>,
      tpu.vector_store %arg6[%swap3A_229], %select_n3A_226 {strides = array<i32>} : memref<1024xi32, #tpu.memory_space<vmem>>, vector<16xi32>,
      %select_n3A_231 = arith.select %eq3A_215, %get3A_199, %get3A_203 : vector<16xi1>, vector<16xi32>
      %mul3A_232 = arith.constant 16 : i32
      %mul3A_233 = arith.muli %add3A_187, %mul3A_232 : i32
      %swap3A_234 = arith.index_cast %mul3A_233 : i32 to index
      %swap3A_235 = tpu.vector_load %arg6[%swap3A_234] {strides = array<i32>} : memref<1024xi32, #tpu.memory_space<vmem>>, vector<16xi32>,
      tpu.vector_store %arg6[%swap3A_234], %select_n3A_231 {strides = array<i32>} : memref<1024xi32, #tpu.memory_space<vmem>>, vector<16xi32>,
    }
    %scan3A_81 = arith.constant 32 : i32
    %scan3A_82 = arith.constant 0 : i32
    %scan3A_83 = arith.constant 4 : i32
    %scan3A_84 = arith.addi %scan3A_82, %scan3A_83 : i32
    %scan3A_85 = arith.constant 1 : i32
    scf.for %scan3A_117 = %scan3A_82 to %scan3A_84 step %scan3A_85  : i32 {
      %mul3A_118 = arith.constant 1 : i32
      %mul3A_119 = arith.muli %scan3A_117, %mul3A_118 : i32
      %add3A_120 = arith.constant 0 : i32
      %add3A_121 = arith.addi %add3A_120, %mul3A_119 : i32
      %shift_right_arithmetic3A = arith.constant 2 : i32
      %shift_right_arithmetic3A_122 = arith.shrsi %add3A_121, %shift_right_arithmetic3A : i32
      %shift_left3A = arith.constant 3 : i32
      %shift_left3A_123 = arith.shli %shift_right_arithmetic3A_122, %shift_left3A : i32
      %and3A_124 = arith.constant 3 : i32
      %and3A_125 = arith.andi %add3A_121, %and3A_124 : i32
      %add3A_126 = arith.addi %shift_left3A_123, %and3A_125 : i32
      %mul3A_127 = arith.constant 8 : i32
      %mul3A_128 = arith.muli %mul3A_127, %add3A_126 : i32
      %add3A_129 = arith.constant 0 : i32
      %add3A_130 = arith.addi %mul3A_128, %add3A_129 : i32
      %mul3A_131 = arith.constant 16 : i32
      %mul3A_132 = arith.muli %add3A_130, %mul3A_131 : i32
      %add3A_133 = arith.constant 1 : i32
      %add3A_134 = arith.addi %mul3A_128, %add3A_133 : i32
      %mul3A_135 = arith.constant 16 : i32
      %mul3A_136 = arith.muli %add3A_134, %mul3A_135 : i32
      %add3A_137 = arith.constant 2 : i32
      %add3A_138 = arith.addi %mul3A_128, %add3A_137 : i32
      %mul3A_139 = arith.constant 16 : i32
      %mul3A_140 = arith.muli %add3A_138, %mul3A_139 : i32
      %add3A_141 = arith.constant 3 : i32
      %add3A_142 = arith.addi %mul3A_128, %add3A_141 : i32
      %mul3A_143 = arith.constant 16 : i32
      %mul3A_144 = arith.muli %add3A_142, %mul3A_143 : i32
      %add3A_145 = arith.constant 4 : i32
      %add3A_146 = arith.addi %mul3A_128, %add3A_145 : i32
      %mul3A_147 = arith.constant 16 : i32
      %mul3A_148 = arith.muli %add3A_146, %mul3A_147 : i32
      %add3A_149 = arith.constant 5 : i32
      %add3A_150 = arith.addi %mul3A_128, %add3A_149 : i32
      %mul3A_151 = arith.constant 16 : i32
      %mul3A_152 = arith.muli %add3A_150, %mul3A_151 : i32
      %add3A_153 = arith.constant 6 : i32
      %add3A_154 = arith.addi %mul3A_128, %add3A_153 : i32
      %mul3A_155 = arith.constant 16 : i32
      %mul3A_156 = arith.muli %add3A_154, %mul3A_155 : i32
      %add3A_157 = arith.constant 7 : i32
      %add3A_158 = arith.addi %mul3A_128, %add3A_157 : i32
      %mul3A_159 = arith.constant 16 : i32
      %mul3A_160 = arith.muli %add3A_158, %mul3A_159 : i32
      %get3A = arith.index_cast %mul3A_132 : i32 to index
      %get3A_161 = tpu.vector_load %arg5[%get3A] {strides = array<i32>} : memref<1024xf32, #tpu.memory_space<vmem>>, vector<16xf32>,
      %get3A_162 = arith.index_cast %mul3A_136 : i32 to index
      %get3A_163 = tpu.vector_load %arg5[%get3A_162] {strides = array<i32>} : memref<1024xf32, #tpu.memory_space<vmem>>, vector<16xf32>,
      %get3A_164 = arith.index_cast %mul3A_140 : i32 to index
      %get3A_165 = tpu.vector_load %arg5[%get3A_164] {strides = array<i32>} : memref<1024xf32, #tpu.memory_space<vmem>>, vector<16xf32>,
      %get3A_166 = arith.index_cast %mul3A_144 : i32 to index
      %get3A_167 = tpu.vector_load %arg5[%get3A_166] {strides = array<i32>} : memref<1024xf32, #tpu.memory_space<vmem>>, vector<16xf32>,
      %get3A_168 = arith.index_cast %mul3A_148 : i32 to index
      %get3A_169 = tpu.vector_load %arg5[%get3A_168] {strides = array<i32>} : memref<1024xf32, #tpu.memory_space<vmem>>, vector<16xf32>,
      %get3A_170 = arith.index_cast %mul3A_152 : i32 to index
      %get3A_171 = tpu.vector_load %arg5[%get3A_170] {strides = array<i32>} : memref<1024xf32, #tpu.memory_space<vmem>>, vector<16xf32>,
      %get3A_172 = arith.index_cast %mul3A_156 : i32 to index
      %get3A_173 = tpu.vector_load %arg5[%get3A_172] {strides = array<i32>} : memref<1024xf32, #tpu.memory_space<vmem>>, vector<16xf32>,
      %get3A_174 = arith.index_cast %mul3A_160 : i32 to index
      %get3A_175 = tpu.vector_load %arg5[%get3A_174] {strides = array<i32>} : memref<1024xf32, #tpu.memory_space<vmem>>, vector<16xf32>,
      %get3A_176 = arith.index_cast %mul3A_132 : i32 to index
      %get3A_177 = tpu.vector_load %arg6[%get3A_176] {strides = array<i32>} : memref<1024xi32, #tpu.memory_space<vmem>>, vector<16xi32>,
      %get3A_178 = arith.index_cast %mul3A_136 : i32 to index
      %get3A_179 = tpu.vector_load %arg6[%get3A_178] {strides = array<i32>} : memref<1024xi32, #tpu.memory_space<vmem>>, vector<16xi32>,
      %get3A_180 = arith.index_cast %mul3A_140 : i32 to index
      %get3A_181 = tpu.vector_load %arg6[%get3A_180] {strides = array<i32>} : memref<1024xi32, #tpu.memory_space<vmem>>, vector<16xi32>,
      %get3A_182 = arith.index_cast %mul3A_144 : i32 to index
      %get3A_183 = tpu.vector_load %arg6[%get3A_182] {strides = array<i32>} : memref<1024xi32, #tpu.memory_space<vmem>>, vector<16xi32>,
      %get3A_184 = arith.index_cast %mul3A_148 : i32 to index
      %get3A_185 = tpu.vector_load %arg6[%get3A_184] {strides = array<i32>} : memref<1024xi32, #tpu.memory_space<vmem>>, vector<16xi32>,
      %get3A_186 = arith.index_cast %mul3A_152 : i32 to index
      %get3A_187 = tpu.vector_load %arg6[%get3A_186] {strides = array<i32>} : memref<1024xi32, #tpu.memory_space<vmem>>, vector<16xi32>,
      %get3A_188 = arith.index_cast %mul3A_156 : i32 to index
      %get3A_189 = tpu.vector_load %arg6[%get3A_188] {strides = array<i32>} : memref<1024xi32, #tpu.memory_space<vmem>>, vector<16xi32>,
      %get3A_190 = arith.index_cast %mul3A_160 : i32 to index
      %get3A_191 = tpu.vector_load %arg6[%get3A_190] {strides = array<i32>} : memref<1024xi32, #tpu.memory_space<vmem>>, vector<16xi32>,
      %lt3A = arith.cmpf olt, %get3A_169, %get3A_161 : vector<16xf32>
      %select_n3A = arith.select %lt3A, %get3A_169, %get3A_161 : vector<16xi1>, vector<16xf32>
      %select_n3A_192 = arith.select %lt3A, %get3A_161, %get3A_169 : vector<16xi1>, vector<16xf32>
      %select_n3A_193 = arith.select %lt3A, %get3A_185, %get3A_177 : vector<16xi1>, vector<16xi32>
      %select_n3A_194 = arith.select %lt3A, %get3A_177, %get3A_185 : vector<16xi1>, vector<16xi32>
      %lt3A_195 = arith.cmpf olt, %get3A_171, %get3A_163 : vector<16xf32>
      %select_n3A_196 = arith.select %lt3A_195, %get3A_171, %get3A_163 : vector<16xi1>, vector<16xf32>
      %select_n3A_197 = arith.select %lt3A_195, %get3A_163, %get3A_171 : vector<16xi1>, vector<16xf32>
      %select_n3A_198 = arith.select %lt3A_195, %get3A_187, %get3A_179 : vector<16xi1>, vector<16xi32>
      %select_n3A_199 = arith.select %lt3A_195, %get3A_179, %get3A_187 : vector<16xi1>, vector<16xi32>
      %lt3A_200 = arith.cmpf olt, %get3A_173, %get3A_165 : vector<16xf32>
      %select_n3A_201 = arith.select %lt3A_200, %get3A_173, %get3A_165 : vector<16xi1>, vector<16xf32>
      %select_n3A_202 = arith.select %lt3A_200, %get3A_165, %get3A_173 : vector<16xi1>, vector<16xf32>
      %select_n3A_203 = arith.select %lt3A_200, %get3A_189, %get3A_181 : vector<16xi1>, vector<16xi32>
      %select_n3A_204 = arith.select %lt3A_200, %get3A_181, %get3A_189 : vector<16xi1>, vector<16xi32>
      %lt3A_205 = arith.cmpf olt, %get3A_175, %get3A_167 : vector<16xf32>
      %select_n3A_206 = arith.select %lt3A_205, %get3A_175, %get3A_167 : vector<16xi1>, vector<16xf32>
      %select_n3A_207 = arith.select %lt3A_205, %get3A_167, %get3A_175 : vector<16xi1>, vector<16xf32>
      %select_n3A_208 = arith.select %lt3A_205, %get3A_191, %get3A_183 : vector<16xi1>, vector<16xi32>
      %select_n3A_209 = arith.select %lt3A_205, %get3A_183, %get3A_191 : vector<16xi1>, vector<16xi32>
      %lt3A_210 = arith.cmpf olt, %select_n3A_201, %select_n3A : vector<16xf32>
      %select_n3A_211 = arith.select %lt3A_210, %select_n3A_201, %select_n3A : vector<16xi1>, vector<16xf32>
      %select_n3A_212 = arith.select %lt3A_210, %select_n3A, %select_n3A_201 : vector<16xi1>, vector<16xf32>
      %select_n3A_213 = arith.select %lt3A_210, %select_n3A_203, %select_n3A_193 : vector<16xi1>, vector<16xi32>
      %select_n3A_214 = arith.select %lt3A_210, %select_n3A_193, %select_n3A_203 : vector<16xi1>, vector<16xi32>
      %lt3A_215 = arith.cmpf olt, %select_n3A_206, %select_n3A_196 : vector<16xf32>
      %select_n3A_216 = arith.select %lt3A_215, %select_n3A_206, %select_n3A_196 : vector<16xi1>, vector<16xf32>
      %select_n3A_217 = arith.select %lt3A_215, %select_n3A_196, %select_n3A_206 : vector<16xi1>, vector<16xf32>
      %select_n3A_218 = arith.select %lt3A_215, %select_n3A_208, %select_n3A_198 : vector<16xi1>, vector<16xi32>
      %select_n3A_219 = arith.select %lt3A_215, %select_n3A_198, %select_n3A_208 : vector<16xi1>, vector<16xi32>
      %lt3A_220 = arith.cmpf olt, %select_n3A_202, %select_n3A_192 : vector<16xf32>
      %select_n3A_221 = arith.select %lt3A_220, %select_n3A_202, %select_n3A_192 : vector<16xi1>, vector<16xf32>
      %select_n3A_222 = arith.select %lt3A_220, %select_n3A_192, %select_n3A_202 : vector<16xi1>, vector<16xf32>
      %select_n3A_223 = arith.select %lt3A_220, %select_n3A_204, %select_n3A_194 : vector<16xi1>, vector<16xi32>
      %select_n3A_224 = arith.select %lt3A_220, %select_n3A_194, %select_n3A_204 : vector<16xi1>, vector<16xi32>
      %lt3A_225 = arith.cmpf olt, %select_n3A_207, %select_n3A_197 : vector<16xf32>
      %select_n3A_226 = arith.select %lt3A_225, %select_n3A_207, %select_n3A_197 : vector<16xi1>, vector<16xf32>
      %select_n3A_227 = arith.select %lt3A_225, %select_n3A_197, %select_n3A_207 : vector<16xi1>, vector<16xf32>
      %select_n3A_228 = arith.select %lt3A_225, %select_n3A_209, %select_n3A_199 : vector<16xi1>, vector<16xi32>
      %select_n3A_229 = arith.select %lt3A_225, %select_n3A_199, %select_n3A_209 : vector<16xi1>, vector<16xi32>
      %lt3A_230 = arith.cmpf olt, %select_n3A_216, %select_n3A_211 : vector<16xf32>
      %select_n3A_231 = arith.select %lt3A_230, %select_n3A_216, %select_n3A_211 : vector<16xi1>, vector<16xf32>
      %select_n3A_232 = arith.select %lt3A_230, %select_n3A_211, %select_n3A_216 : vector<16xi1>, vector<16xf32>
      %select_n3A_233 = arith.select %lt3A_230, %select_n3A_218, %select_n3A_213 : vector<16xi1>, vector<16xi32>
      %select_n3A_234 = arith.select %lt3A_230, %select_n3A_213, %select_n3A_218 : vector<16xi1>, vector<16xi32>
      %lt3A_235 = arith.cmpf olt, %select_n3A_217, %select_n3A_212 : vector<16xf32>
      %select_n3A_236 = arith.select %lt3A_235, %select_n3A_217, %select_n3A_212 : vector<16xi1>, vector<16xf32>
      %select_n3A_237 = arith.select %lt3A_235, %select_n3A_212, %select_n3A_217 : vector<16xi1>, vector<16xf32>
      %select_n3A_238 = arith.select %lt3A_235, %select_n3A_219, %select_n3A_214 : vector<16xi1>, vector<16xi32>
      %select_n3A_239 = arith.select %lt3A_235, %select_n3A_214, %select_n3A_219 : vector<16xi1>, vector<16xi32>
      %lt3A_240 = arith.cmpf olt, %select_n3A_226, %select_n3A_221 : vector<16xf32>
      %select_n3A_241 = arith.select %lt3A_240, %select_n3A_226, %select_n3A_221 : vector<16xi1>, vector<16xf32>
      %select_n3A_242 = arith.select %lt3A_240, %select_n3A_221, %select_n3A_226 : vector<16xi1>, vector<16xf32>
      %select_n3A_243 = arith.select %lt3A_240, %select_n3A_228, %select_n3A_223 : vector<16xi1>, vector<16xi32>
      %select_n3A_244 = arith.select %lt3A_240, %select_n3A_223, %select_n3A_228 : vector<16xi1>, vector<16xi32>
      %lt3A_245 = arith.cmpf olt, %select_n3A_227, %select_n3A_222 : vector<16xf32>
      %select_n3A_246 = arith.select %lt3A_245, %select_n3A_227, %select_n3A_222 : vector<16xi1>, vector<16xf32>
      %select_n3A_247 = arith.select %lt3A_245, %select_n3A_222, %select_n3A_227 : vector<16xi1>, vector<16xf32>
      %select_n3A_248 = arith.select %lt3A_245, %select_n3A_229, %select_n3A_224 : vector<16xi1>, vector<16xi32>
      %select_n3A_249 = arith.select %lt3A_245, %select_n3A_224, %select_n3A_229 : vector<16xi1>, vector<16xi32>
      %masked_sort3A = arith.constant dense<true> : vector<16xi1>
      %masked_sort3A_250, %masked_sort3A_251, %masked_sort3A_252 = tpu.sort %select_n3A_231, %select_n3A_233 masked %masked_sort3A : (vector<16xf32>, vector<16xi32>, vector<16xi1>) -> (vector<16xi1>, vector<16xf32>, vector<16xi32>)
      %masked_sort3A_253 = arith.constant dense<true> : vector<16xi1>
      %masked_sort3A_254, %masked_sort3A_255, %masked_sort3A_256 = tpu.sort %select_n3A_232, %select_n3A_234 masked %masked_sort3A_253 : (vector<16xf32>, vector<16xi32>, vector<16xi1>) -> (vector<16xi1>, vector<16xf32>, vector<16xi32>)
      %masked_sort3A_257 = arith.constant dense<true> : vector<16xi1>
      %masked_sort3A_258, %masked_sort3A_259, %masked_sort3A_260 = tpu.sort %select_n3A_236, %select_n3A_238 masked %masked_sort3A_257 : (vector<16xf32>, vector<16xi32>, vector<16xi1>) -> (vector<16xi1>, vector<16xf32>, vector<16xi32>)
      %masked_sort3A_261 = arith.constant dense<true> : vector<16xi1>
      %masked_sort3A_262, %masked_sort3A_263, %masked_sort3A_264 = tpu.sort %select_n3A_237, %select_n3A_239 masked %masked_sort3A_261 : (vector<16xf32>, vector<16xi32>, vector<16xi1>) -> (vector<16xi1>, vector<16xf32>, vector<16xi32>)
      %masked_sort3A_265 = arith.constant dense<true> : vector<16xi1>
      %masked_sort3A_266, %masked_sort3A_267, %masked_sort3A_268 = tpu.sort %select_n3A_241, %select_n3A_243 masked %masked_sort3A_265 : (vector<16xf32>, vector<16xi32>, vector<16xi1>) -> (vector<16xi1>, vector<16xf32>, vector<16xi32>)
      %masked_sort3A_269 = arith.constant dense<true> : vector<16xi1>
      %masked_sort3A_270, %masked_sort3A_271, %masked_sort3A_272 = tpu.sort %select_n3A_242, %select_n3A_244 masked %masked_sort3A_269 : (vector<16xf32>, vector<16xi32>, vector<16xi1>) -> (vector<16xi1>, vector<16xf32>, vector<16xi32>)
      %masked_sort3A_273 = arith.constant dense<true> : vector<16xi1>
      %masked_sort3A_274, %masked_sort3A_275, %masked_sort3A_276 = tpu.sort %select_n3A_246, %select_n3A_248 masked %masked_sort3A_273 : (vector<16xf32>, vector<16xi32>, vector<16xi1>) -> (vector<16xi1>, vector<16xf32>, vector<16xi32>)
      %masked_sort3A_277 = arith.constant dense<true> : vector<16xi1>
      %masked_sort3A_278, %masked_sort3A_279, %masked_sort3A_280 = tpu.sort %select_n3A_247, %select_n3A_249 masked %masked_sort3A_277 : (vector<16xf32>, vector<16xi32>, vector<16xi1>) -> (vector<16xi1>, vector<16xf32>, vector<16xi32>)
      %swap3A = arith.index_cast %mul3A_132 : i32 to index
      %swap3A_281 = tpu.vector_load %arg5[%swap3A] {strides = array<i32>} : memref<1024xf32, #tpu.memory_space<vmem>>, vector<16xf32>,
      tpu.vector_store %arg5[%swap3A], %masked_sort3A_251 {strides = array<i32>} : memref<1024xf32, #tpu.memory_space<vmem>>, vector<16xf32>,
      %swap3A_282 = arith.index_cast %mul3A_132 : i32 to index
      %swap3A_283 = tpu.vector_load %arg6[%swap3A_282] {strides = array<i32>} : memref<1024xi32, #tpu.memory_space<vmem>>, vector<16xi32>,
      tpu.vector_store %arg6[%swap3A_282], %masked_sort3A_252 {strides = array<i32>} : memref<1024xi32, #tpu.memory_space<vmem>>, vector<16xi32>,
      %swap3A_284 = arith.index_cast %mul3A_136 : i32 to index
      %swap3A_285 = tpu.vector_load %arg5[%swap3A_284] {strides = array<i32>} : memref<1024xf32, #tpu.memory_space<vmem>>, vector<16xf32>,
      tpu.vector_store %arg5[%swap3A_284], %masked_sort3A_255 {strides = array<i32>} : memref<1024xf32, #tpu.memory_space<vmem>>, vector<16xf32>,
      %swap3A_286 = arith.index_cast %mul3A_136 : i32 to index
      %swap3A_287 = tpu.vector_load %arg6[%swap3A_286] {strides = array<i32>} : memref<1024xi32, #tpu.memory_space<vmem>>, vector<16xi32>,
      tpu.vector_store %arg6[%swap3A_286], %masked_sort3A_256 {strides = array<i32>} : memref<1024xi32, #tpu.memory_space<vmem>>, vector<16xi32>,
      %swap3A_288 = arith.index_cast %mul3A_140 : i32 to index
      %swap3A_289 = tpu.vector_load %arg5[%swap3A_288] {strides = array<i32>} : memref<1024xf32, #tpu.memory_space<vmem>>, vector<16xf32>,
      tpu.vector_store %arg5[%swap3A_288], %masked_sort3A_259 {strides = array<i32>} : memref<1024xf32, #tpu.memory_space<vmem>>, vector<16xf32>,
      %swap3A_290 = arith.index_cast %mul3A_140 : i32 to index
      %swap3A_291 = tpu.vector_load %arg6[%swap3A_290] {strides = array<i32>} : memref<1024xi32, #tpu.memory_space<vmem>>, vector<16xi32>,
      tpu.vector_store %arg6[%swap3A_290], %masked_sort3A_260 {strides = array<i32>} : memref<1024xi32, #tpu.memory_space<vmem>>, vector<16xi32>,
      %swap3A_292 = arith.index_cast %mul3A_144 : i32 to index
      %swap3A_293 = tpu.vector_load %arg5[%swap3A_292] {strides = array<i32>} : memref<1024xf32, #tpu.memory_space<vmem>>, vector<16xf32>,
      tpu.vector_store %arg5[%swap3A_292], %masked_sort3A_263 {strides = array<i32>} : memref<1024xf32, #tpu.memory_space<vmem>>, vector<16xf32>,
      %swap3A_294 = arith.index_cast %mul3A_144 : i32 to index
      %swap3A_295 = tpu.vector_load %arg6[%swap3A_294] {strides = array<i32>} : memref<1024xi32, #tpu.memory_space<vmem>>, vector<16xi32>,
      tpu.vector_store %arg6[%swap3A_294], %masked_sort3A_264 {strides = array<i32>} : memref<1024xi32, #tpu.memory_space<vmem>>, vector<16xi32>,
      %swap3A_296 = arith.index_cast %mul3A_148 : i32 to index
      %swap3A_297 = tpu.vector_load %arg5[%swap3A_296] {strides = array<i32>} : memref<1024xf32, #tpu.memory_space<vmem>>, vector<16xf32>,
      tpu.vector_store %arg5[%swap3A_296], %masked_sort3A_267 {strides = array<i32>} : memref<1024xf32, #tpu.memory_space<vmem>>, vector<16xf32>,
      %swap3A_298 = arith.index_cast %mul3A_148 : i32 to index
      %swap3A_299 = tpu.vector_load %arg6[%swap3A_298] {strides = array<i32>} : memref<1024xi32, #tpu.memory_space<vmem>>, vector<16xi32>,
      tpu.vector_store %arg6[%swap3A_298], %masked_sort3A_268 {strides = array<i32>} : memref<1024xi32, #tpu.memory_space<vmem>>, vector<16xi32>,
      %swap3A_300 = arith.index_cast %mul3A_152 : i32 to index
      %swap3A_301 = tpu.vector_load %arg5[%swap3A_300] {strides = array<i32>} : memref<1024xf32, #tpu.memory_space<vmem>>, vector<16xf32>,
      tpu.vector_store %arg5[%swap3A_300], %masked_sort3A_271 {strides = array<i32>} : memref<1024xf32, #tpu.memory_space<vmem>>, vector<16xf32>,
      %swap3A_302 = arith.index_cast %mul3A_152 : i32 to index
      %swap3A_303 = tpu.vector_load %arg6[%swap3A_302] {strides = array<i32>} : memref<1024xi32, #tpu.memory_space<vmem>>, vector<16xi32>,
      tpu.vector_store %arg6[%swap3A_302], %masked_sort3A_272 {strides = array<i32>} : memref<1024xi32, #tpu.memory_space<vmem>>, vector<16xi32>,
      %swap3A_304 = arith.index_cast %mul3A_156 : i32 to index
      %swap3A_305 = tpu.vector_load %arg5[%swap3A_304] {strides = array<i32>} : memref<1024xf32, #tpu.memory_space<vmem>>, vector<16xf32>,
      tpu.vector_store %arg5[%swap3A_304], %masked_sort3A_275 {strides = array<i32>} : memref<1024xf32, #tpu.memory_space<vmem>>, vector<16xf32>,
      %swap3A_306 = arith.index_cast %mul3A_156 : i32 to index
      %swap3A_307 = tpu.vector_load %arg6[%swap3A_306] {strides = array<i32>} : memref<1024xi32, #tpu.memory_space<vmem>>, vector<16xi32>,
      tpu.vector_store %arg6[%swap3A_306], %masked_sort3A_276 {strides = array<i32>} : memref<1024xi32, #tpu.memory_space<vmem>>, vector<16xi32>,
      %swap3A_308 = arith.index_cast %mul3A_160 : i32 to index
      %swap3A_309 = tpu.vector_load %arg5[%swap3A_308] {strides = array<i32>} : memref<1024xf32, #tpu.memory_space<vmem>>, vector<16xf32>,
      tpu.vector_store %arg5[%swap3A_308], %masked_sort3A_279 {strides = array<i32>} : memref<1024xf32, #tpu.memory_space<vmem>>, vector<16xf32>,
      %swap3A_310 = arith.index_cast %mul3A_160 : i32 to index
      %swap3A_311 = tpu.vector_load %arg6[%swap3A_310] {strides = array<i32>} : memref<1024xi32, #tpu.memory_space<vmem>>, vector<16xi32>,
      tpu.vector_store %arg6[%swap3A_310], %masked_sort3A_280 {strides = array<i32>} : memref<1024xi32, #tpu.memory_space<vmem>>, vector<16xi32>,
    }
    %scan3A_86 = arith.constant 4 : i32
    %scan3A_87 = arith.constant 0 : i32
    %scan3A_88 = arith.constant 4 : i32
    %scan3A_89 = arith.addi %scan3A_87, %scan3A_88 : i32
    %scan3A_90 = arith.constant 1 : i32
    scf.for %scan3A_117 = %scan3A_87 to %scan3A_89 step %scan3A_90  : i32 {
      %mul3A_118 = arith.constant 1 : i32
      %mul3A_119 = arith.muli %scan3A_117, %mul3A_118 : i32
      %add3A_120 = arith.constant 0 : i32
      %add3A_121 = arith.addi %add3A_120, %mul3A_119 : i32
      %shift_right_arithmetic3A = arith.constant 2 : i32
      %shift_right_arithmetic3A_122 = arith.shrsi %add3A_121, %shift_right_arithmetic3A : i32
      %shift_left3A = arith.constant 3 : i32
      %shift_left3A_123 = arith.shli %shift_right_arithmetic3A_122, %shift_left3A : i32
      %and3A_124 = arith.constant 3 : i32
      %and3A_125 = arith.andi %add3A_121, %and3A_124 : i32
      %add3A_126 = arith.addi %shift_left3A_123, %and3A_125 : i32
      %add3A_127 = arith.constant 4 : i32
      %add3A_128 = arith.addi %add3A_126, %add3A_127 : i32
      %mul3A_129 = arith.constant 8 : i32
      %mul3A_130 = arith.muli %mul3A_129, %add3A_128 : i32
      %add3A_131 = arith.constant 0 : i32
      %add3A_132 = arith.addi %mul3A_130, %add3A_131 : i32
      %mul3A_133 = arith.constant 16 : i32
      %mul3A_134 = arith.muli %add3A_132, %mul3A_133 : i32
      %add3A_135 = arith.constant 1 : i32
      %add3A_136 = arith.addi %mul3A_130, %add3A_135 : i32
      %mul3A_137 = arith.constant 16 : i32
      %mul3A_138 = arith.muli %add3A_136, %mul3A_137 : i32
      %add3A_139 = arith.constant 2 : i32
      %add3A_140 = arith.addi %mul3A_130, %add3A_139 : i32
      %mul3A_141 = arith.constant 16 : i32
      %mul3A_142 = arith.muli %add3A_140, %mul3A_141 : i32
      %add3A_143 = arith.constant 3 : i32
      %add3A_144 = arith.addi %mul3A_130, %add3A_143 : i32
      %mul3A_145 = arith.constant 16 : i32
      %mul3A_146 = arith.muli %add3A_144, %mul3A_145 : i32
      %add3A_147 = arith.constant 4 : i32
      %add3A_148 = arith.addi %mul3A_130, %add3A_147 : i32
      %mul3A_149 = arith.constant 16 : i32
      %mul3A_150 = arith.muli %add3A_148, %mul3A_149 : i32
      %add3A_151 = arith.constant 5 : i32
      %add3A_152 = arith.addi %mul3A_130, %add3A_151 : i32
      %mul3A_153 = arith.constant 16 : i32
      %mul3A_154 = arith.muli %add3A_152, %mul3A_153 : i32
      %add3A_155 = arith.constant 6 : i32
      %add3A_156 = arith.addi %mul3A_130, %add3A_155 : i32
      %mul3A_157 = arith.constant 16 : i32
      %mul3A_158 = arith.muli %add3A_156, %mul3A_157 : i32
      %add3A_159 = arith.constant 7 : i32
      %add3A_160 = arith.addi %mul3A_130, %add3A_159 : i32
      %mul3A_161 = arith.constant 16 : i32
      %mul3A_162 = arith.muli %add3A_160, %mul3A_161 : i32
      %get3A = arith.index_cast %mul3A_134 : i32 to index
      %get3A_163 = tpu.vector_load %arg5[%get3A] {strides = array<i32>} : memref<1024xf32, #tpu.memory_space<vmem>>, vector<16xf32>,
      %get3A_164 = arith.index_cast %mul3A_138 : i32 to index
      %get3A_165 = tpu.vector_load %arg5[%get3A_164] {strides = array<i32>} : memref<1024xf32, #tpu.memory_space<vmem>>, vector<16xf32>,
      %get3A_166 = arith.index_cast %mul3A_142 : i32 to index
      %get3A_167 = tpu.vector_load %arg5[%get3A_166] {strides = array<i32>} : memref<1024xf32, #tpu.memory_space<vmem>>, vector<16xf32>,
      %get3A_168 = arith.index_cast %mul3A_146 : i32 to index
      %get3A_169 = tpu.vector_load %arg5[%get3A_168] {strides = array<i32>} : memref<1024xf32, #tpu.memory_space<vmem>>, vector<16xf32>,
      %get3A_170 = arith.index_cast %mul3A_150 : i32 to index
      %get3A_171 = tpu.vector_load %arg5[%get3A_170] {strides = array<i32>} : memref<1024xf32, #tpu.memory_space<vmem>>, vector<16xf32>,
      %get3A_172 = arith.index_cast %mul3A_154 : i32 to index
      %get3A_173 = tpu.vector_load %arg5[%get3A_172] {strides = array<i32>} : memref<1024xf32, #tpu.memory_space<vmem>>, vector<16xf32>,
      %get3A_174 = arith.index_cast %mul3A_158 : i32 to index
      %get3A_175 = tpu.vector_load %arg5[%get3A_174] {strides = array<i32>} : memref<1024xf32, #tpu.memory_space<vmem>>, vector<16xf32>,
      %get3A_176 = arith.index_cast %mul3A_162 : i32 to index
      %get3A_177 = tpu.vector_load %arg5[%get3A_176] {strides = array<i32>} : memref<1024xf32, #tpu.memory_space<vmem>>, vector<16xf32>,
      %get3A_178 = arith.index_cast %mul3A_134 : i32 to index
      %get3A_179 = tpu.vector_load %arg6[%get3A_178] {strides = array<i32>} : memref<1024xi32, #tpu.memory_space<vmem>>, vector<16xi32>,
      %get3A_180 = arith.index_cast %mul3A_138 : i32 to index
      %get3A_181 = tpu.vector_load %arg6[%get3A_180] {strides = array<i32>} : memref<1024xi32, #tpu.memory_space<vmem>>, vector<16xi32>,
      %get3A_182 = arith.index_cast %mul3A_142 : i32 to index
      %get3A_183 = tpu.vector_load %arg6[%get3A_182] {strides = array<i32>} : memref<1024xi32, #tpu.memory_space<vmem>>, vector<16xi32>,
      %get3A_184 = arith.index_cast %mul3A_146 : i32 to index
      %get3A_185 = tpu.vector_load %arg6[%get3A_184] {strides = array<i32>} : memref<1024xi32, #tpu.memory_space<vmem>>, vector<16xi32>,
      %get3A_186 = arith.index_cast %mul3A_150 : i32 to index
      %get3A_187 = tpu.vector_load %arg6[%get3A_186] {strides = array<i32>} : memref<1024xi32, #tpu.memory_space<vmem>>, vector<16xi32>,
      %get3A_188 = arith.index_cast %mul3A_154 : i32 to index
      %get3A_189 = tpu.vector_load %arg6[%get3A_188] {strides = array<i32>} : memref<1024xi32, #tpu.memory_space<vmem>>, vector<16xi32>,
      %get3A_190 = arith.index_cast %mul3A_158 : i32 to index
      %get3A_191 = tpu.vector_load %arg6[%get3A_190] {strides = array<i32>} : memref<1024xi32, #tpu.memory_space<vmem>>, vector<16xi32>,
      %get3A_192 = arith.index_cast %mul3A_162 : i32 to index
      %get3A_193 = tpu.vector_load %arg6[%get3A_192] {strides = array<i32>} : memref<1024xi32, #tpu.memory_space<vmem>>, vector<16xi32>,
      %lt3A = arith.cmpf olt, %get3A_163, %get3A_171 : vector<16xf32>
      %select_n3A = arith.select %lt3A, %get3A_171, %get3A_163 : vector<16xi1>, vector<16xf32>
      %select_n3A_194 = arith.select %lt3A, %get3A_163, %get3A_171 : vector<16xi1>, vector<16xf32>
      %select_n3A_195 = arith.select %lt3A, %get3A_187, %get3A_179 : vector<16xi1>, vector<16xi32>
      %select_n3A_196 = arith.select %lt3A, %get3A_179, %get3A_187 : vector<16xi1>, vector<16xi32>
      %lt3A_197 = arith.cmpf olt, %get3A_165, %get3A_173 : vector<16xf32>
      %select_n3A_198 = arith.select %lt3A_197, %get3A_173, %get3A_165 : vector<16xi1>, vector<16xf32>
      %select_n3A_199 = arith.select %lt3A_197, %get3A_165, %get3A_173 : vector<16xi1>, vector<16xf32>
      %select_n3A_200 = arith.select %lt3A_197, %get3A_189, %get3A_181 : vector<16xi1>, vector<16xi32>
      %select_n3A_201 = arith.select %lt3A_197, %get3A_181, %get3A_189 : vector<16xi1>, vector<16xi32>
      %lt3A_202 = arith.cmpf olt, %get3A_167, %get3A_175 : vector<16xf32>
      %select_n3A_203 = arith.select %lt3A_202, %get3A_175, %get3A_167 : vector<16xi1>, vector<16xf32>
      %select_n3A_204 = arith.select %lt3A_202, %get3A_167, %get3A_175 : vector<16xi1>, vector<16xf32>
      %select_n3A_205 = arith.select %lt3A_202, %get3A_191, %get3A_183 : vector<16xi1>, vector<16xi32>
      %select_n3A_206 = arith.select %lt3A_202, %get3A_183, %get3A_191 : vector<16xi1>, vector<16xi32>
      %lt3A_207 = arith.cmpf olt, %get3A_169, %get3A_177 : vector<16xf32>
      %select_n3A_208 = arith.select %lt3A_207, %get3A_177, %get3A_169 : vector<16xi1>, vector<16xf32>
      %select_n3A_209 = arith.select %lt3A_207, %get3A_169, %get3A_177 : vector<16xi1>, vector<16xf32>
      %select_n3A_210 = arith.select %lt3A_207, %get3A_193, %get3A_185 : vector<16xi1>, vector<16xi32>
      %select_n3A_211 = arith.select %lt3A_207, %get3A_185, %get3A_193 : vector<16xi1>, vector<16xi32>
      %lt3A_212 = arith.cmpf olt, %select_n3A, %select_n3A_203 : vector<16xf32>
      %select_n3A_213 = arith.select %lt3A_212, %select_n3A_203, %select_n3A : vector<16xi1>, vector<16xf32>
      %select_n3A_214 = arith.select %lt3A_212, %select_n3A, %select_n3A_203 : vector<16xi1>, vector<16xf32>
      %select_n3A_215 = arith.select %lt3A_212, %select_n3A_205, %select_n3A_195 : vector<16xi1>, vector<16xi32>
      %select_n3A_216 = arith.select %lt3A_212, %select_n3A_195, %select_n3A_205 : vector<16xi1>, vector<16xi32>
      %lt3A_217 = arith.cmpf olt, %select_n3A_198, %select_n3A_208 : vector<16xf32>
      %select_n3A_218 = arith.select %lt3A_217, %select_n3A_208, %select_n3A_198 : vector<16xi1>, vector<16xf32>
      %select_n3A_219 = arith.select %lt3A_217, %select_n3A_198, %select_n3A_208 : vector<16xi1>, vector<16xf32>
      %select_n3A_220 = arith.select %lt3A_217, %select_n3A_210, %select_n3A_200 : vector<16xi1>, vector<16xi32>
      %select_n3A_221 = arith.select %lt3A_217, %select_n3A_200, %select_n3A_210 : vector<16xi1>, vector<16xi32>
      %lt3A_222 = arith.cmpf olt, %select_n3A_194, %select_n3A_204 : vector<16xf32>
      %select_n3A_223 = arith.select %lt3A_222, %select_n3A_204, %select_n3A_194 : vector<16xi1>, vector<16xf32>
      %select_n3A_224 = arith.select %lt3A_222, %select_n3A_194, %select_n3A_204 : vector<16xi1>, vector<16xf32>
      %select_n3A_225 = arith.select %lt3A_222, %select_n3A_206, %select_n3A_196 : vector<16xi1>, vector<16xi32>
      %select_n3A_226 = arith.select %lt3A_222, %select_n3A_196, %select_n3A_206 : vector<16xi1>, vector<16xi32>
      %lt3A_227 = arith.cmpf olt, %select_n3A_199, %select_n3A_209 : vector<16xf32>
      %select_n3A_228 = arith.select %lt3A_227, %select_n3A_209, %select_n3A_199 : vector<16xi1>, vector<16xf32>
      %select_n3A_229 = arith.select %lt3A_227, %select_n3A_199, %select_n3A_209 : vector<16xi1>, vector<16xf32>
      %select_n3A_230 = arith.select %lt3A_227, %select_n3A_211, %select_n3A_201 : vector<16xi1>, vector<16xi32>
      %select_n3A_231 = arith.select %lt3A_227, %select_n3A_201, %select_n3A_211 : vector<16xi1>, vector<16xi32>
      %lt3A_232 = arith.cmpf olt, %select_n3A_213, %select_n3A_218 : vector<16xf32>
      %select_n3A_233 = arith.select %lt3A_232, %select_n3A_218, %select_n3A_213 : vector<16xi1>, vector<16xf32>
      %select_n3A_234 = arith.select %lt3A_232, %select_n3A_213, %select_n3A_218 : vector<16xi1>, vector<16xf32>
      %select_n3A_235 = arith.select %lt3A_232, %select_n3A_220, %select_n3A_215 : vector<16xi1>, vector<16xi32>
      %select_n3A_236 = arith.select %lt3A_232, %select_n3A_215, %select_n3A_220 : vector<16xi1>, vector<16xi32>
      %lt3A_237 = arith.cmpf olt, %select_n3A_214, %select_n3A_219 : vector<16xf32>
      %select_n3A_238 = arith.select %lt3A_237, %select_n3A_219, %select_n3A_214 : vector<16xi1>, vector<16xf32>
      %select_n3A_239 = arith.select %lt3A_237, %select_n3A_214, %select_n3A_219 : vector<16xi1>, vector<16xf32>
      %select_n3A_240 = arith.select %lt3A_237, %select_n3A_221, %select_n3A_216 : vector<16xi1>, vector<16xi32>
      %select_n3A_241 = arith.select %lt3A_237, %select_n3A_216, %select_n3A_221 : vector<16xi1>, vector<16xi32>
      %lt3A_242 = arith.cmpf olt, %select_n3A_223, %select_n3A_228 : vector<16xf32>
      %select_n3A_243 = arith.select %lt3A_242, %select_n3A_228, %select_n3A_223 : vector<16xi1>, vector<16xf32>
      %select_n3A_244 = arith.select %lt3A_242, %select_n3A_223, %select_n3A_228 : vector<16xi1>, vector<16xf32>
      %select_n3A_245 = arith.select %lt3A_242, %select_n3A_230, %select_n3A_225 : vector<16xi1>, vector<16xi32>
      %select_n3A_246 = arith.select %lt3A_242, %select_n3A_225, %select_n3A_230 : vector<16xi1>, vector<16xi32>
      %lt3A_247 = arith.cmpf olt, %select_n3A_224, %select_n3A_229 : vector<16xf32>
      %select_n3A_248 = arith.select %lt3A_247, %select_n3A_229, %select_n3A_224 : vector<16xi1>, vector<16xf32>
      %select_n3A_249 = arith.select %lt3A_247, %select_n3A_224, %select_n3A_229 : vector<16xi1>, vector<16xf32>
      %select_n3A_250 = arith.select %lt3A_247, %select_n3A_231, %select_n3A_226 : vector<16xi1>, vector<16xi32>
      %select_n3A_251 = arith.select %lt3A_247, %select_n3A_226, %select_n3A_231 : vector<16xi1>, vector<16xi32>
      %masked_sort3A = arith.constant dense<true> : vector<16xi1>
      %masked_sort3A_252, %masked_sort3A_253, %masked_sort3A_254 = tpu.sort %select_n3A_233, %select_n3A_235 masked %masked_sort3A {descending = true} : (vector<16xf32>, vector<16xi32>, vector<16xi1>) -> (vector<16xi1>, vector<16xf32>, vector<16xi32>)
      %masked_sort3A_255 = arith.constant dense<true> : vector<16xi1>
      %masked_sort3A_256, %masked_sort3A_257, %masked_sort3A_258 = tpu.sort %select_n3A_234, %select_n3A_236 masked %masked_sort3A_255 {descending = true} : (vector<16xf32>, vector<16xi32>, vector<16xi1>) -> (vector<16xi1>, vector<16xf32>, vector<16xi32>)
      %masked_sort3A_259 = arith.constant dense<true> : vector<16xi1>
      %masked_sort3A_260, %masked_sort3A_261, %masked_sort3A_262 = tpu.sort %select_n3A_238, %select_n3A_240 masked %masked_sort3A_259 {descending = true} : (vector<16xf32>, vector<16xi32>, vector<16xi1>) -> (vector<16xi1>, vector<16xf32>, vector<16xi32>)
      %masked_sort3A_263 = arith.constant dense<true> : vector<16xi1>
      %masked_sort3A_264, %masked_sort3A_265, %masked_sort3A_266 = tpu.sort %select_n3A_239, %select_n3A_241 masked %masked_sort3A_263 {descending = true} : (vector<16xf32>, vector<16xi32>, vector<16xi1>) -> (vector<16xi1>, vector<16xf32>, vector<16xi32>)
      %masked_sort3A_267 = arith.constant dense<true> : vector<16xi1>
      %masked_sort3A_268, %masked_sort3A_269, %masked_sort3A_270 = tpu.sort %select_n3A_243, %select_n3A_245 masked %masked_sort3A_267 {descending = true} : (vector<16xf32>, vector<16xi32>, vector<16xi1>) -> (vector<16xi1>, vector<16xf32>, vector<16xi32>)
      %masked_sort3A_271 = arith.constant dense<true> : vector<16xi1>
      %masked_sort3A_272, %masked_sort3A_273, %masked_sort3A_274 = tpu.sort %select_n3A_244, %select_n3A_246 masked %masked_sort3A_271 {descending = true} : (vector<16xf32>, vector<16xi32>, vector<16xi1>) -> (vector<16xi1>, vector<16xf32>, vector<16xi32>)
      %masked_sort3A_275 = arith.constant dense<true> : vector<16xi1>
      %masked_sort3A_276, %masked_sort3A_277, %masked_sort3A_278 = tpu.sort %select_n3A_248, %select_n3A_250 masked %masked_sort3A_275 {descending = true} : (vector<16xf32>, vector<16xi32>, vector<16xi1>) -> (vector<16xi1>, vector<16xf32>, vector<16xi32>)
      %masked_sort3A_279 = arith.constant dense<true> : vector<16xi1>
      %masked_sort3A_280, %masked_sort3A_281, %masked_sort3A_282 = tpu.sort %select_n3A_249, %select_n3A_251 masked %masked_sort3A_279 {descending = true} : (vector<16xf32>, vector<16xi32>, vector<16xi1>) -> (vector<16xi1>, vector<16xf32>, vector<16xi32>)
      %swap3A = arith.index_cast %mul3A_134 : i32 to index
      %swap3A_283 = tpu.vector_load %arg5[%swap3A] {strides = array<i32>} : memref<1024xf32, #tpu.memory_space<vmem>>, vector<16xf32>,
      tpu.vector_store %arg5[%swap3A], %masked_sort3A_253 {strides = array<i32>} : memref<1024xf32, #tpu.memory_space<vmem>>, vector<16xf32>,
      %swap3A_284 = arith.index_cast %mul3A_134 : i32 to index
      %swap3A_285 = tpu.vector_load %arg6[%swap3A_284] {strides = array<i32>} : memref<1024xi32, #tpu.memory_space<vmem>>, vector<16xi32>,
      tpu.vector_store %arg6[%swap3A_284], %masked_sort3A_254 {strides = array<i32>} : memref<1024xi32, #tpu.memory_space<vmem>>, vector<16xi32>,
      %swap3A_286 = arith.index_cast %mul3A_138 : i32 to index
      %swap3A_287 = tpu.vector_load %arg5[%swap3A_286] {strides = array<i32>} : memref<1024xf32, #tpu.memory_space<vmem>>, vector<16xf32>,
      tpu.vector_store %arg5[%swap3A_286], %masked_sort3A_257 {strides = array<i32>} : memref<1024xf32, #tpu.memory_space<vmem>>, vector<16xf32>,
      %swap3A_288 = arith.index_cast %mul3A_138 : i32 to index
      %swap3A_289 = tpu.vector_load %arg6[%swap3A_288] {strides = array<i32>} : memref<1024xi32, #tpu.memory_space<vmem>>, vector<16xi32>,
      tpu.vector_store %arg6[%swap3A_288], %masked_sort3A_258 {strides = array<i32>} : memref<1024xi32, #tpu.memory_space<vmem>>, vector<16xi32>,
      %swap3A_290 = arith.index_cast %mul3A_142 : i32 to index
      %swap3A_291 = tpu.vector_load %arg5[%swap3A_290] {strides = array<i32>} : memref<1024xf32, #tpu.memory_space<vmem>>, vector<16xf32>,
      tpu.vector_store %arg5[%swap3A_290], %masked_sort3A_261 {strides = array<i32>} : memref<1024xf32, #tpu.memory_space<vmem>>, vector<16xf32>,
      %swap3A_292 = arith.index_cast %mul3A_142 : i32 to index
      %swap3A_293 = tpu.vector_load %arg6[%swap3A_292] {strides = array<i32>} : memref<1024xi32, #tpu.memory_space<vmem>>, vector<16xi32>,
      tpu.vector_store %arg6[%swap3A_292], %masked_sort3A_262 {strides = array<i32>} : memref<1024xi32, #tpu.memory_space<vmem>>, vector<16xi32>,
      %swap3A_294 = arith.index_cast %mul3A_146 : i32 to index
      %swap3A_295 = tpu.vector_load %arg5[%swap3A_294] {strides = array<i32>} : memref<1024xf32, #tpu.memory_space<vmem>>, vector<16xf32>,
      tpu.vector_store %arg5[%swap3A_294], %masked_sort3A_265 {strides = array<i32>} : memref<1024xf32, #tpu.memory_space<vmem>>, vector<16xf32>,
      %swap3A_296 = arith.index_cast %mul3A_146 : i32 to index
      %swap3A_297 = tpu.vector_load %arg6[%swap3A_296] {strides = array<i32>} : memref<1024xi32, #tpu.memory_space<vmem>>, vector<16xi32>,
      tpu.vector_store %arg6[%swap3A_296], %masked_sort3A_266 {strides = array<i32>} : memref<1024xi32, #tpu.memory_space<vmem>>, vector<16xi32>,
      %swap3A_298 = arith.index_cast %mul3A_150 : i32 to index
      %swap3A_299 = tpu.vector_load %arg5[%swap3A_298] {strides = array<i32>} : memref<1024xf32, #tpu.memory_space<vmem>>, vector<16xf32>,
      tpu.vector_store %arg5[%swap3A_298], %masked_sort3A_269 {strides = array<i32>} : memref<1024xf32, #tpu.memory_space<vmem>>, vector<16xf32>,
      %swap3A_300 = arith.index_cast %mul3A_150 : i32 to index
      %swap3A_301 = tpu.vector_load %arg6[%swap3A_300] {strides = array<i32>} : memref<1024xi32, #tpu.memory_space<vmem>>, vector<16xi32>,
      tpu.vector_store %arg6[%swap3A_300], %masked_sort3A_270 {strides = array<i32>} : memref<1024xi32, #tpu.memory_space<vmem>>, vector<16xi32>,
      %swap3A_302 = arith.index_cast %mul3A_154 : i32 to index
      %swap3A_303 = tpu.vector_load %arg5[%swap3A_302] {strides = array<i32>} : memref<1024xf32, #tpu.memory_space<vmem>>, vector<16xf32>,
      tpu.vector_store %arg5[%swap3A_302], %masked_sort3A_273 {strides = array<i32>} : memref<1024xf32, #tpu.memory_space<vmem>>, vector<16xf32>,
      %swap3A_304 = arith.index_cast %mul3A_154 : i32 to index
      %swap3A_305 = tpu.vector_load %arg6[%swap3A_304] {strides = array<i32>} : memref<1024xi32, #tpu.memory_space<vmem>>, vector<16xi32>,
      tpu.vector_store %arg6[%swap3A_304], %masked_sort3A_274 {strides = array<i32>} : memref<1024xi32, #tpu.memory_space<vmem>>, vector<16xi32>,
      %swap3A_306 = arith.index_cast %mul3A_158 : i32 to index
      %swap3A_307 = tpu.vector_load %arg5[%swap3A_306] {strides = array<i32>} : memref<1024xf32, #tpu.memory_space<vmem>>, vector<16xf32>,
      tpu.vector_store %arg5[%swap3A_306], %masked_sort3A_277 {strides = array<i32>} : memref<1024xf32, #tpu.memory_space<vmem>>, vector<16xf32>,
      %swap3A_308 = arith.index_cast %mul3A_158 : i32 to index
      %swap3A_309 = tpu.vector_load %arg6[%swap3A_308] {strides = array<i32>} : memref<1024xi32, #tpu.memory_space<vmem>>, vector<16xi32>,
      tpu.vector_store %arg6[%swap3A_308], %masked_sort3A_278 {strides = array<i32>} : memref<1024xi32, #tpu.memory_space<vmem>>, vector<16xi32>,
      %swap3A_310 = arith.index_cast %mul3A_162 : i32 to index
      %swap3A_311 = tpu.vector_load %arg5[%swap3A_310] {strides = array<i32>} : memref<1024xf32, #tpu.memory_space<vmem>>, vector<16xf32>,
      tpu.vector_store %arg5[%swap3A_310], %masked_sort3A_281 {strides = array<i32>} : memref<1024xf32, #tpu.memory_space<vmem>>, vector<16xf32>,
      %swap3A_312 = arith.index_cast %mul3A_162 : i32 to index
      %swap3A_313 = tpu.vector_load %arg6[%swap3A_312] {strides = array<i32>} : memref<1024xi32, #tpu.memory_space<vmem>>, vector<16xi32>,
      tpu.vector_store %arg6[%swap3A_312], %masked_sort3A_282 {strides = array<i32>} : memref<1024xi32, #tpu.memory_space<vmem>>, vector<16xi32>,
    }
    %scan3A_91 = arith.constant 4 : i32
    %scan3A_92 = arith.constant 0 : i32
    %scan3A_93 = arith.constant 32 : i32
    %scan3A_94 = arith.addi %scan3A_92, %scan3A_93 : i32
    %scan3A_95 = arith.constant 2 : i32
    scf.for %scan3A_117 = %scan3A_92 to %scan3A_94 step %scan3A_95  : i32 {
      %mul3A_118 = arith.constant 1 : i32
      %mul3A_119 = arith.muli %scan3A_117, %mul3A_118 : i32
      %add3A_120 = arith.constant 0 : i32
      %add3A_121 = arith.addi %add3A_120, %mul3A_119 : i32
      %shift_right_arithmetic3A = arith.constant 5 : i32
      %shift_right_arithmetic3A_122 = arith.shrsi %add3A_121, %shift_right_arithmetic3A : i32
      %shift_left3A = arith.constant 6 : i32
      %shift_left3A_123 = arith.shli %shift_right_arithmetic3A_122, %shift_left3A : i32
      %and3A_124 = arith.constant 31 : i32
      %and3A_125 = arith.andi %add3A_121, %and3A_124 : i32
      %add3A_126 = arith.addi %shift_left3A_123, %and3A_125 : i32
      %add3A_127 = arith.constant 32 : i32
      %add3A_128 = arith.addi %add3A_126, %add3A_127 : i32
      %mul3A_129 = arith.constant 16 : i32
      %mul3A_130 = arith.muli %add3A_126, %mul3A_129 : i32
      %get3A = arith.index_cast %mul3A_130 : i32 to index
      %get3A_131 = tpu.vector_load %arg5[%get3A] {strides = array<i32>} : memref<1024xf32, #tpu.memory_space<vmem>>, vector<16xf32>,
      %mul3A_132 = arith.constant 16 : i32
      %mul3A_133 = arith.muli %add3A_128, %mul3A_132 : i32
      %get3A_134 = arith.index_cast %mul3A_133 : i32 to index
      %get3A_135 = tpu.vector_load %arg5[%get3A_134] {strides = array<i32>} : memref<1024xf32, #tpu.memory_space<vmem>>, vector<16xf32>,
      %mul3A_136 = arith.constant 16 : i32
      %mul3A_137 = arith.muli %add3A_126, %mul3A_136 : i32
      %get3A_138 = arith.index_cast %mul3A_137 : i32 to index
      %get3A_139 = tpu.vector_load %arg6[%get3A_138] {strides = array<i32>} : memref<1024xi32, #tpu.memory_space<vmem>>, vector<16xi32>,
      %mul3A_140 = arith.constant 16 : i32
      %mul3A_141 = arith.muli %add3A_128, %mul3A_140 : i32
      %get3A_142 = arith.index_cast %mul3A_141 : i32 to index
      %get3A_143 = tpu.vector_load %arg6[%get3A_142] {strides = array<i32>} : memref<1024xi32, #tpu.memory_space<vmem>>, vector<16xi32>,
      %mul3A_144 = arith.constant 16 : i32
      %mul3A_145 = arith.muli %add3A_126, %mul3A_144 : i32
      %and3A_146 = arith.constant 1024 : i32
      %and3A_147 = arith.andi %mul3A_145, %and3A_146 : i32
      %eq3A_148 = arith.constant 0 : i32
      %eq3A_149 = arith.cmpi eq, %and3A_147, %eq3A_148 : i32
      %lt3A = arith.cmpf olt, %get3A_135, %get3A_131 : vector<16xf32>
      %eq3A_150 = vector.broadcast %eq3A_149 : i1 to vector<16xi1>
      %eq3A_151 = vector.broadcast %eq3A_150 : vector<16xi1> to vector<16xi1>
      %eq3A_152 = arith.xori %lt3A, %eq3A_151 : vector<16xi1>
      %eq3A_153 = arith.constant dense<true> : vector<16xi1>
      %eq3A_154 = arith.xori %eq3A_152, %eq3A_153 : vector<16xi1>
      %select_n3A = arith.select %eq3A_154, %get3A_135, %get3A_131 : vector<16xi1>, vector<16xf32>
      %mul3A_155 = arith.constant 16 : i32
      %mul3A_156 = arith.muli %add3A_126, %mul3A_155 : i32
      %swap3A = arith.index_cast %mul3A_156 : i32 to index
      %swap3A_157 = tpu.vector_load %arg5[%swap3A] {strides = array<i32>} : memref<1024xf32, #tpu.memory_space<vmem>>, vector<16xf32>,
      tpu.vector_store %arg5[%swap3A], %select_n3A {strides = array<i32>} : memref<1024xf32, #tpu.memory_space<vmem>>, vector<16xf32>,
      %select_n3A_158 = arith.select %eq3A_154, %get3A_131, %get3A_135 : vector<16xi1>, vector<16xf32>
      %mul3A_159 = arith.constant 16 : i32
      %mul3A_160 = arith.muli %add3A_128, %mul3A_159 : i32
      %swap3A_161 = arith.index_cast %mul3A_160 : i32 to index
      %swap3A_162 = tpu.vector_load %arg5[%swap3A_161] {strides = array<i32>} : memref<1024xf32, #tpu.memory_space<vmem>>, vector<16xf32>,
      tpu.vector_store %arg5[%swap3A_161], %select_n3A_158 {strides = array<i32>} : memref<1024xf32, #tpu.memory_space<vmem>>, vector<16xf32>,
      %select_n3A_163 = arith.select %eq3A_154, %get3A_143, %get3A_139 : vector<16xi1>, vector<16xi32>
      %mul3A_164 = arith.constant 16 : i32
      %mul3A_165 = arith.muli %add3A_126, %mul3A_164 : i32
      %swap3A_166 = arith.index_cast %mul3A_165 : i32 to index
      %swap3A_167 = tpu.vector_load %arg6[%swap3A_166] {strides = array<i32>} : memref<1024xi32, #tpu.memory_space<vmem>>, vector<16xi32>,
      tpu.vector_store %arg6[%swap3A_166], %select_n3A_163 {strides = array<i32>} : memref<1024xi32, #tpu.memory_space<vmem>>, vector<16xi32>,
      %select_n3A_168 = arith.select %eq3A_154, %get3A_139, %get3A_143 : vector<16xi1>, vector<16xi32>
      %mul3A_169 = arith.constant 16 : i32
      %mul3A_170 = arith.muli %add3A_128, %mul3A_169 : i32
      %swap3A_171 = arith.index_cast %mul3A_170 : i32 to index
      %swap3A_172 = tpu.vector_load %arg6[%swap3A_171] {strides = array<i32>} : memref<1024xi32, #tpu.memory_space<vmem>>, vector<16xi32>,
      tpu.vector_store %arg6[%swap3A_171], %select_n3A_168 {strides = array<i32>} : memref<1024xi32, #tpu.memory_space<vmem>>, vector<16xi32>,
      %scan3A_173 = arith.constant 1 : i32
      %scan3A_174 = arith.addi %scan3A_117, %scan3A_173 : i32
      %mul3A_175 = arith.constant 1 : i32
      %mul3A_176 = arith.muli %scan3A_174, %mul3A_175 : i32
      %add3A_177 = arith.constant 0 : i32
      %add3A_178 = arith.addi %add3A_177, %mul3A_176 : i32
      %shift_right_arithmetic3A_179 = arith.constant 5 : i32
      %shift_right_arithmetic3A_180 = arith.shrsi %add3A_178, %shift_right_arithmetic3A_179 : i32
      %shift_left3A_181 = arith.constant 6 : i32
      %shift_left3A_182 = arith.shli %shift_right_arithmetic3A_180, %shift_left3A_181 : i32
      %and3A_183 = arith.constant 31 : i32
      %and3A_184 = arith.andi %add3A_178, %and3A_183 : i32
      %add3A_185 = arith.addi %shift_left3A_182, %and3A_184 : i32
      %add3A_186 = arith.constant 32 : i32
      %add3A_187 = arith.addi %add3A_185, %add3A_186 : i32
      %mul3A_188 = arith.constant 16 : i32
      %mul3A_189 = arith.muli %add3A_185, %mul3A_188 : i32
      %get3A_190 = arith.index_cast %mul3A_189 : i32 to index
      %get3A_191 = tpu.vector_load %arg5[%get3A_190] {strides = array<i32>} : memref<1024xf32, #tpu.memory_space<vmem>>, vector<16xf32>,
      %mul3A_192 = arith.constant 16 : i32
      %mul3A_193 = arith.muli %add3A_187, %mul3A_192 : i32
      %get3A_194 = arith.index_cast %mul3A_193 : i32 to index
      %get3A_195 = tpu.vector_load %arg5[%get3A_194] {strides = array<i32>} : memref<1024xf32, #tpu.memory_space<vmem>>, vector<16xf32>,
      %mul3A_196 = arith.constant 16 : i32
      %mul3A_197 = arith.muli %add3A_185, %mul3A_196 : i32
      %get3A_198 = arith.index_cast %mul3A_197 : i32 to index
      %get3A_199 = tpu.vector_load %arg6[%get3A_198] {strides = array<i32>} : memref<1024xi32, #tpu.memory_space<vmem>>, vector<16xi32>,
      %mul3A_200 = arith.constant 16 : i32
      %mul3A_201 = arith.muli %add3A_187, %mul3A_200 : i32
      %get3A_202 = arith.index_cast %mul3A_201 : i32 to index
      %get3A_203 = tpu.vector_load %arg6[%get3A_202] {strides = array<i32>} : memref<1024xi32, #tpu.memory_space<vmem>>, vector<16xi32>,
      %mul3A_204 = arith.constant 16 : i32
      %mul3A_205 = arith.muli %add3A_185, %mul3A_204 : i32
      %and3A_206 = arith.constant 1024 : i32
      %and3A_207 = arith.andi %mul3A_205, %and3A_206 : i32
      %eq3A_208 = arith.constant 0 : i32
      %eq3A_209 = arith.cmpi eq, %and3A_207, %eq3A_208 : i32
      %lt3A_210 = arith.cmpf olt, %get3A_195, %get3A_191 : vector<16xf32>
      %eq3A_211 = vector.broadcast %eq3A_209 : i1 to vector<16xi1>
      %eq3A_212 = vector.broadcast %eq3A_211 : vector<16xi1> to vector<16xi1>
      %eq3A_213 = arith.xori %lt3A_210, %eq3A_212 : vector<16xi1>
      %eq3A_214 = arith.constant dense<true> : vector<16xi1>
      %eq3A_215 = arith.xori %eq3A_213, %eq3A_214 : vector<16xi1>
      %select_n3A_216 = arith.select %eq3A_215, %get3A_195, %get3A_191 : vector<16xi1>, vector<16xf32>
      %mul3A_217 = arith.constant 16 : i32
      %mul3A_218 = arith.muli %add3A_185, %mul3A_217 : i32
      %swap3A_219 = arith.index_cast %mul3A_218 : i32 to index
      %swap3A_220 = tpu.vector_load %arg5[%swap3A_219] {strides = array<i32>} : memref<1024xf32, #tpu.memory_space<vmem>>, vector<16xf32>,
      tpu.vector_store %arg5[%swap3A_219], %select_n3A_216 {strides = array<i32>} : memref<1024xf32, #tpu.memory_space<vmem>>, vector<16xf32>,
      %select_n3A_221 = arith.select %eq3A_215, %get3A_191, %get3A_195 : vector<16xi1>, vector<16xf32>
      %mul3A_222 = arith.constant 16 : i32
      %mul3A_223 = arith.muli %add3A_187, %mul3A_222 : i32
      %swap3A_224 = arith.index_cast %mul3A_223 : i32 to index
      %swap3A_225 = tpu.vector_load %arg5[%swap3A_224] {strides = array<i32>} : memref<1024xf32, #tpu.memory_space<vmem>>, vector<16xf32>,
      tpu.vector_store %arg5[%swap3A_224], %select_n3A_221 {strides = array<i32>} : memref<1024xf32, #tpu.memory_space<vmem>>, vector<16xf32>,
      %select_n3A_226 = arith.select %eq3A_215, %get3A_203, %get3A_199 : vector<16xi1>, vector<16xi32>
      %mul3A_227 = arith.constant 16 : i32
      %mul3A_228 = arith.muli %add3A_185, %mul3A_227 : i32
      %swap3A_229 = arith.index_cast %mul3A_228 : i32 to index
      %swap3A_230 = tpu.vector_load %arg6[%swap3A_229] {strides = array<i32>} : memref<1024xi32, #tpu.memory_space<vmem>>, vector<16xi32>,
      tpu.vector_store %arg6[%swap3A_229], %select_n3A_226 {strides = array<i32>} : memref<1024xi32, #tpu.memory_space<vmem>>, vector<16xi32>,
      %select_n3A_231 = arith.select %eq3A_215, %get3A_199, %get3A_203 : vector<16xi1>, vector<16xi32>
      %mul3A_232 = arith.constant 16 : i32
      %mul3A_233 = arith.muli %add3A_187, %mul3A_232 : i32
      %swap3A_234 = arith.index_cast %mul3A_233 : i32 to index
      %swap3A_235 = tpu.vector_load %arg6[%swap3A_234] {strides = array<i32>} : memref<1024xi32, #tpu.memory_space<vmem>>, vector<16xi32>,
      tpu.vector_store %arg6[%swap3A_234], %select_n3A_231 {strides = array<i32>} : memref<1024xi32, #tpu.memory_space<vmem>>, vector<16xi32>,
    }
    %scan3A_96 = arith.constant 32 : i32
    %scan3A_97 = arith.constant 0 : i32
    %scan3A_98 = arith.constant 32 : i32
    %scan3A_99 = arith.addi %scan3A_97, %scan3A_98 : i32
    %scan3A_100 = arith.constant 2 : i32
    scf.for %scan3A_117 = %scan3A_97 to %scan3A_99 step %scan3A_100  : i32 {
      %mul3A_118 = arith.constant 1 : i32
      %mul3A_119 = arith.muli %scan3A_117, %mul3A_118 : i32
      %add3A_120 = arith.constant 0 : i32
      %add3A_121 = arith.addi %add3A_120, %mul3A_119 : i32
      %shift_right_arithmetic3A = arith.constant 4 : i32
      %shift_right_arithmetic3A_122 = arith.shrsi %add3A_121, %shift_right_arithmetic3A : i32
      %shift_left3A = arith.constant 5 : i32
      %shift_left3A_123 = arith.shli %shift_right_arithmetic3A_122, %shift_left3A : i32
      %and3A_124 = arith.constant 15 : i32
      %and3A_125 = arith.andi %add3A_121, %and3A_124 : i32
      %add3A_126 = arith.addi %shift_left3A_123, %and3A_125 : i32
      %add3A_127 = arith.constant 16 : i32
      %add3A_128 = arith.addi %add3A_126, %add3A_127 : i32
      %mul3A_129 = arith.constant 16 : i32
      %mul3A_130 = arith.muli %add3A_126, %mul3A_129 : i32
      %get3A = arith.index_cast %mul3A_130 : i32 to index
      %get3A_131 = tpu.vector_load %arg5[%get3A] {strides = array<i32>} : memref<1024xf32, #tpu.memory_space<vmem>>, vector<16xf32>,
      %mul3A_132 = arith.constant 16 : i32
      %mul3A_133 = arith.muli %add3A_128, %mul3A_132 : i32
      %get3A_134 = arith.index_cast %mul3A_133 : i32 to index
      %get3A_135 = tpu.vector_load %arg5[%get3A_134] {strides = array<i32>} : memref<1024xf32, #tpu.memory_space<vmem>>, vector<16xf32>,
      %mul3A_136 = arith.constant 16 : i32
      %mul3A_137 = arith.muli %add3A_126, %mul3A_136 : i32
      %get3A_138 = arith.index_cast %mul3A_137 : i32 to index
      %get3A_139 = tpu.vector_load %arg6[%get3A_138] {strides = array<i32>} : memref<1024xi32, #tpu.memory_space<vmem>>, vector<16xi32>,
      %mul3A_140 = arith.constant 16 : i32
      %mul3A_141 = arith.muli %add3A_128, %mul3A_140 : i32
      %get3A_142 = arith.index_cast %mul3A_141 : i32 to index
      %get3A_143 = tpu.vector_load %arg6[%get3A_142] {strides = array<i32>} : memref<1024xi32, #tpu.memory_space<vmem>>, vector<16xi32>,
      %mul3A_144 = arith.constant 16 : i32
      %mul3A_145 = arith.muli %add3A_126, %mul3A_144 : i32
      %and3A_146 = arith.constant 1024 : i32
      %and3A_147 = arith.andi %mul3A_145, %and3A_146 : i32
      %eq3A_148 = arith.constant 0 : i32
      %eq3A_149 = arith.cmpi eq, %and3A_147, %eq3A_148 : i32
      %lt3A = arith.cmpf olt, %get3A_135, %get3A_131 : vector<16xf32>
      %eq3A_150 = vector.broadcast %eq3A_149 : i1 to vector<16xi1>
      %eq3A_151 = vector.broadcast %eq3A_150 : vector<16xi1> to vector<16xi1>
      %eq3A_152 = arith.xori %lt3A, %eq3A_151 : vector<16xi1>
      %eq3A_153 = arith.constant dense<true> : vector<16xi1>
      %eq3A_154 = arith.xori %eq3A_152, %eq3A_153 : vector<16xi1>
      %select_n3A = arith.select %eq3A_154, %get3A_135, %get3A_131 : vector<16xi1>, vector<16xf32>
      %mul3A_155 = arith.constant 16 : i32
      %mul3A_156 = arith.muli %add3A_126, %mul3A_155 : i32
      %swap3A = arith.index_cast %mul3A_156 : i32 to index
      %swap3A_157 = tpu.vector_load %arg5[%swap3A] {strides = array<i32>} : memref<1024xf32, #tpu.memory_space<vmem>>, vector<16xf32>,
      tpu.vector_store %arg5[%swap3A], %select_n3A {strides = array<i32>} : memref<1024xf32, #tpu.memory_space<vmem>>, vector<16xf32>,
      %select_n3A_158 = arith.select %eq3A_154, %get3A_131, %get3A_135 : vector<16xi1>, vector<16xf32>
      %mul3A_159 = arith.constant 16 : i32
      %mul3A_160 = arith.muli %add3A_128, %mul3A_159 : i32
      %swap3A_161 = arith.index_cast %mul3A_160 : i32 to index
      %swap3A_162 = tpu.vector_load %arg5[%swap3A_161] {strides = array<i32>} : memref<1024xf32, #tpu.memory_space<vmem>>, vector<16xf32>,
      tpu.vector_store %arg5[%swap3A_161], %select_n3A_158 {strides = array<i32>} : memref<1024xf32, #tpu.memory_space<vmem>>, vector<16xf32>,
      %select_n3A_163 = arith.select %eq3A_154, %get3A_143, %get3A_139 : vector<16xi1>, vector<16xi32>
      %mul3A_164 = arith.constant 16 : i32
      %mul3A_165 = arith.muli %add3A_126, %mul3A_164 : i32
      %swap3A_166 = arith.index_cast %mul3A_165 : i32 to index
      %swap3A_167 = tpu.vector_load %arg6[%swap3A_166] {strides = array<i32>} : memref<1024xi32, #tpu.memory_space<vmem>>, vector<16xi32>,
      tpu.vector_store %arg6[%swap3A_166], %select_n3A_163 {strides = array<i32>} : memref<1024xi32, #tpu.memory_space<vmem>>, vector<16xi32>,
      %select_n3A_168 = arith.select %eq3A_154, %get3A_139, %get3A_143 : vector<16xi1>, vector<16xi32>
      %mul3A_169 = arith.constant 16 : i32
      %mul3A_170 = arith.muli %add3A_128, %mul3A_169 : i32
      %swap3A_171 = arith.index_cast %mul3A_170 : i32 to index
      %swap3A_172 = tpu.vector_load %arg6[%swap3A_171] {strides = array<i32>} : memref<1024xi32, #tpu.memory_space<vmem>>, vector<16xi32>,
      tpu.vector_store %arg6[%swap3A_171], %select_n3A_168 {strides = array<i32>} : memref<1024xi32, #tpu.memory_space<vmem>>, vector<16xi32>,
      %scan3A_173 = arith.constant 1 : i32
      %scan3A_174 = arith.addi %scan3A_117, %scan3A_173 : i32
      %mul3A_175 = arith.constant 1 : i32
      %mul3A_176 = arith.muli %scan3A_174, %mul3A_175 : i32
      %add3A_177 = arith.constant 0 : i32
      %add3A_178 = arith.addi %add3A_177, %mul3A_176 : i32
      %shift_right_arithmetic3A_179 = arith.constant 4 : i32
      %shift_right_arithmetic3A_180 = arith.shrsi %add3A_178, %shift_right_arithmetic3A_179 : i32
      %shift_left3A_181 = arith.constant 5 : i32
      %shift_left3A_182 = arith.shli %shift_right_arithmetic3A_180, %shift_left3A_181 : i32
      %and3A_183 = arith.constant 15 : i32
      %and3A_184 = arith.andi %add3A_178, %and3A_183 : i32
      %add3A_185 = arith.addi %shift_left3A_182, %and3A_184 : i32
      %add3A_186 = arith.constant 16 : i32
      %add3A_187 = arith.addi %add3A_185, %add3A_186 : i32
      %mul3A_188 = arith.constant 16 : i32
      %mul3A_189 = arith.muli %add3A_185, %mul3A_188 : i32
      %get3A_190 = arith.index_cast %mul3A_189 : i32 to index
      %get3A_191 = tpu.vector_load %arg5[%get3A_190] {strides = array<i32>} : memref<1024xf32, #tpu.memory_space<vmem>>, vector<16xf32>,
      %mul3A_192 = arith.constant 16 : i32
      %mul3A_193 = arith.muli %add3A_187, %mul3A_192 : i32
      %get3A_194 = arith.index_cast %mul3A_193 : i32 to index
      %get3A_195 = tpu.vector_load %arg5[%get3A_194] {strides = array<i32>} : memref<1024xf32, #tpu.memory_space<vmem>>, vector<16xf32>,
      %mul3A_196 = arith.constant 16 : i32
      %mul3A_197 = arith.muli %add3A_185, %mul3A_196 : i32
      %get3A_198 = arith.index_cast %mul3A_197 : i32 to index
      %get3A_199 = tpu.vector_load %arg6[%get3A_198] {strides = array<i32>} : memref<1024xi32, #tpu.memory_space<vmem>>, vector<16xi32>,
      %mul3A_200 = arith.constant 16 : i32
      %mul3A_201 = arith.muli %add3A_187, %mul3A_200 : i32
      %get3A_202 = arith.index_cast %mul3A_201 : i32 to index
      %get3A_203 = tpu.vector_load %arg6[%get3A_202] {strides = array<i32>} : memref<1024xi32, #tpu.memory_space<vmem>>, vector<16xi32>,
      %mul3A_204 = arith.constant 16 : i32
      %mul3A_205 = arith.muli %add3A_185, %mul3A_204 : i32
      %and3A_206 = arith.constant 1024 : i32
      %and3A_207 = arith.andi %mul3A_205, %and3A_206 : i32
      %eq3A_208 = arith.constant 0 : i32
      %eq3A_209 = arith.cmpi eq, %and3A_207, %eq3A_208 : i32
      %lt3A_210 = arith.cmpf olt, %get3A_195, %get3A_191 : vector<16xf32>
      %eq3A_211 = vector.broadcast %eq3A_209 : i1 to vector<16xi1>
      %eq3A_212 = vector.broadcast %eq3A_211 : vector<16xi1> to vector<16xi1>
      %eq3A_213 = arith.xori %lt3A_210, %eq3A_212 : vector<16xi1>
      %eq3A_214 = arith.constant dense<true> : vector<16xi1>
      %eq3A_215 = arith.xori %eq3A_213, %eq3A_214 : vector<16xi1>
      %select_n3A_216 = arith.select %eq3A_215, %get3A_195, %get3A_191 : vector<16xi1>, vector<16xf32>
      %mul3A_217 = arith.constant 16 : i32
      %mul3A_218 = arith.muli %add3A_185, %mul3A_217 : i32
      %swap3A_219 = arith.index_cast %mul3A_218 : i32 to index
      %swap3A_220 = tpu.vector_load %arg5[%swap3A_219] {strides = array<i32>} : memref<1024xf32, #tpu.memory_space<vmem>>, vector<16xf32>,
      tpu.vector_store %arg5[%swap3A_219], %select_n3A_216 {strides = array<i32>} : memref<1024xf32, #tpu.memory_space<vmem>>, vector<16xf32>,
      %select_n3A_221 = arith.select %eq3A_215, %get3A_191, %get3A_195 : vector<16xi1>, vector<16xf32>
      %mul3A_222 = arith.constant 16 : i32
      %mul3A_223 = arith.muli %add3A_187, %mul3A_222 : i32
      %swap3A_224 = arith.index_cast %mul3A_223 : i32 to index
      %swap3A_225 = tpu.vector_load %arg5[%swap3A_224] {strides = array<i32>} : memref<1024xf32, #tpu.memory_space<vmem>>, vector<16xf32>,
      tpu.vector_store %arg5[%swap3A_224], %select_n3A_221 {strides = array<i32>} : memref<1024xf32, #tpu.memory_space<vmem>>, vector<16xf32>,
      %select_n3A_226 = arith.select %eq3A_215, %get3A_203, %get3A_199 : vector<16xi1>, vector<16xi32>
      %mul3A_227 = arith.constant 16 : i32
      %mul3A_228 = arith.muli %add3A_185, %mul3A_227 : i32
      %swap3A_229 = arith.index_cast %mul3A_228 : i32 to index
      %swap3A_230 = tpu.vector_load %arg6[%swap3A_229] {strides = array<i32>} : memref<1024xi32, #tpu.memory_space<vmem>>, vector<16xi32>,
      tpu.vector_store %arg6[%swap3A_229], %select_n3A_226 {strides = array<i32>} : memref<1024xi32, #tpu.memory_space<vmem>>, vector<16xi32>,
      %select_n3A_231 = arith.select %eq3A_215, %get3A_199, %get3A_203 : vector<16xi1>, vector<16xi32>
      %mul3A_232 = arith.constant 16 : i32
      %mul3A_233 = arith.muli %add3A_187, %mul3A_232 : i32
      %swap3A_234 = arith.index_cast %mul3A_233 : i32 to index
      %swap3A_235 = tpu.vector_load %arg6[%swap3A_234] {strides = array<i32>} : memref<1024xi32, #tpu.memory_space<vmem>>, vector<16xi32>,
      tpu.vector_store %arg6[%swap3A_234], %select_n3A_231 {strides = array<i32>} : memref<1024xi32, #tpu.memory_space<vmem>>, vector<16xi32>,
    }
    %scan3A_101 = arith.constant 32 : i32
    %scan3A_102 = arith.constant 0 : i32
    %scan3A_103 = arith.constant 32 : i32
    %scan3A_104 = arith.addi %scan3A_102, %scan3A_103 : i32
    %scan3A_105 = arith.constant 2 : i32
    scf.for %scan3A_117 = %scan3A_102 to %scan3A_104 step %scan3A_105  : i32 {
      %mul3A_118 = arith.constant 1 : i32
      %mul3A_119 = arith.muli %scan3A_117, %mul3A_118 : i32
      %add3A_120 = arith.constant 0 : i32
      %add3A_121 = arith.addi %add3A_120, %mul3A_119 : i32
      %shift_right_arithmetic3A = arith.constant 3 : i32
      %shift_right_arithmetic3A_122 = arith.shrsi %add3A_121, %shift_right_arithmetic3A : i32
      %shift_left3A = arith.constant 4 : i32
      %shift_left3A_123 = arith.shli %shift_right_arithmetic3A_122, %shift_left3A : i32
      %and3A_124 = arith.constant 7 : i32
      %and3A_125 = arith.andi %add3A_121, %and3A_124 : i32
      %add3A_126 = arith.addi %shift_left3A_123, %and3A_125 : i32
      %add3A_127 = arith.constant 8 : i32
      %add3A_128 = arith.addi %add3A_126, %add3A_127 : i32
      %mul3A_129 = arith.constant 16 : i32
      %mul3A_130 = arith.muli %add3A_126, %mul3A_129 : i32
      %get3A = arith.index_cast %mul3A_130 : i32 to index
      %get3A_131 = tpu.vector_load %arg5[%get3A] {strides = array<i32>} : memref<1024xf32, #tpu.memory_space<vmem>>, vector<16xf32>,
      %mul3A_132 = arith.constant 16 : i32
      %mul3A_133 = arith.muli %add3A_128, %mul3A_132 : i32
      %get3A_134 = arith.index_cast %mul3A_133 : i32 to index
      %get3A_135 = tpu.vector_load %arg5[%get3A_134] {strides = array<i32>} : memref<1024xf32, #tpu.memory_space<vmem>>, vector<16xf32>,
      %mul3A_136 = arith.constant 16 : i32
      %mul3A_137 = arith.muli %add3A_126, %mul3A_136 : i32
      %get3A_138 = arith.index_cast %mul3A_137 : i32 to index
      %get3A_139 = tpu.vector_load %arg6[%get3A_138] {strides = array<i32>} : memref<1024xi32, #tpu.memory_space<vmem>>, vector<16xi32>,
      %mul3A_140 = arith.constant 16 : i32
      %mul3A_141 = arith.muli %add3A_128, %mul3A_140 : i32
      %get3A_142 = arith.index_cast %mul3A_141 : i32 to index
      %get3A_143 = tpu.vector_load %arg6[%get3A_142] {strides = array<i32>} : memref<1024xi32, #tpu.memory_space<vmem>>, vector<16xi32>,
      %mul3A_144 = arith.constant 16 : i32
      %mul3A_145 = arith.muli %add3A_126, %mul3A_144 : i32
      %and3A_146 = arith.constant 1024 : i32
      %and3A_147 = arith.andi %mul3A_145, %and3A_146 : i32
      %eq3A_148 = arith.constant 0 : i32
      %eq3A_149 = arith.cmpi eq, %and3A_147, %eq3A_148 : i32
      %lt3A = arith.cmpf olt, %get3A_135, %get3A_131 : vector<16xf32>
      %eq3A_150 = vector.broadcast %eq3A_149 : i1 to vector<16xi1>
      %eq3A_151 = vector.broadcast %eq3A_150 : vector<16xi1> to vector<16xi1>
      %eq3A_152 = arith.xori %lt3A, %eq3A_151 : vector<16xi1>
      %eq3A_153 = arith.constant dense<true> : vector<16xi1>
      %eq3A_154 = arith.xori %eq3A_152, %eq3A_153 : vector<16xi1>
      %select_n3A = arith.select %eq3A_154, %get3A_135, %get3A_131 : vector<16xi1>, vector<16xf32>
      %mul3A_155 = arith.constant 16 : i32
      %mul3A_156 = arith.muli %add3A_126, %mul3A_155 : i32
      %swap3A = arith.index_cast %mul3A_156 : i32 to index
      %swap3A_157 = tpu.vector_load %arg5[%swap3A] {strides = array<i32>} : memref<1024xf32, #tpu.memory_space<vmem>>, vector<16xf32>,
      tpu.vector_store %arg5[%swap3A], %select_n3A {strides = array<i32>} : memref<1024xf32, #tpu.memory_space<vmem>>, vector<16xf32>,
      %select_n3A_158 = arith.select %eq3A_154, %get3A_131, %get3A_135 : vector<16xi1>, vector<16xf32>
      %mul3A_159 = arith.constant 16 : i32
      %mul3A_160 = arith.muli %add3A_128, %mul3A_159 : i32
      %swap3A_161 = arith.index_cast %mul3A_160 : i32 to index
      %swap3A_162 = tpu.vector_load %arg5[%swap3A_161] {strides = array<i32>} : memref<1024xf32, #tpu.memory_space<vmem>>, vector<16xf32>,
      tpu.vector_store %arg5[%swap3A_161], %select_n3A_158 {strides = array<i32>} : memref<1024xf32, #tpu.memory_space<vmem>>, vector<16xf32>,
      %select_n3A_163 = arith.select %eq3A_154, %get3A_143, %get3A_139 : vector<16xi1>, vector<16xi32>
      %mul3A_164 = arith.constant 16 : i32
      %mul3A_165 = arith.muli %add3A_126, %mul3A_164 : i32
      %swap3A_166 = arith.index_cast %mul3A_165 : i32 to index
      %swap3A_167 = tpu.vector_load %arg6[%swap3A_166] {strides = array<i32>} : memref<1024xi32, #tpu.memory_space<vmem>>, vector<16xi32>,
      tpu.vector_store %arg6[%swap3A_166], %select_n3A_163 {strides = array<i32>} : memref<1024xi32, #tpu.memory_space<vmem>>, vector<16xi32>,
      %select_n3A_168 = arith.select %eq3A_154, %get3A_139, %get3A_143 : vector<16xi1>, vector<16xi32>
      %mul3A_169 = arith.constant 16 : i32
      %mul3A_170 = arith.muli %add3A_128, %mul3A_169 : i32
      %swap3A_171 = arith.index_cast %mul3A_170 : i32 to index
      %swap3A_172 = tpu.vector_load %arg6[%swap3A_171] {strides = array<i32>} : memref<1024xi32, #tpu.memory_space<vmem>>, vector<16xi32>,
      tpu.vector_store %arg6[%swap3A_171], %select_n3A_168 {strides = array<i32>} : memref<1024xi32, #tpu.memory_space<vmem>>, vector<16xi32>,
      %scan3A_173 = arith.constant 1 : i32
      %scan3A_174 = arith.addi %scan3A_117, %scan3A_173 : i32
      %mul3A_175 = arith.constant 1 : i32
      %mul3A_176 = arith.muli %scan3A_174, %mul3A_175 : i32
      %add3A_177 = arith.constant 0 : i32
      %add3A_178 = arith.addi %add3A_177, %mul3A_176 : i32
      %shift_right_arithmetic3A_179 = arith.constant 3 : i32
      %shift_right_arithmetic3A_180 = arith.shrsi %add3A_178, %shift_right_arithmetic3A_179 : i32
      %shift_left3A_181 = arith.constant 4 : i32
      %shift_left3A_182 = arith.shli %shift_right_arithmetic3A_180, %shift_left3A_181 : i32
      %and3A_183 = arith.constant 7 : i32
      %and3A_184 = arith.andi %add3A_178, %and3A_183 : i32
      %add3A_185 = arith.addi %shift_left3A_182, %and3A_184 : i32
      %add3A_186 = arith.constant 8 : i32
      %add3A_187 = arith.addi %add3A_185, %add3A_186 : i32
      %mul3A_188 = arith.constant 16 : i32
      %mul3A_189 = arith.muli %add3A_185, %mul3A_188 : i32
      %get3A_190 = arith.index_cast %mul3A_189 : i32 to index
      %get3A_191 = tpu.vector_load %arg5[%get3A_190] {strides = array<i32>} : memref<1024xf32, #tpu.memory_space<vmem>>, vector<16xf32>,
      %mul3A_192 = arith.constant 16 : i32
      %mul3A_193 = arith.muli %add3A_187, %mul3A_192 : i32
      %get3A_194 = arith.index_cast %mul3A_193 : i32 to index
      %get3A_195 = tpu.vector_load %arg5[%get3A_194] {strides = array<i32>} : memref<1024xf32, #tpu.memory_space<vmem>>, vector<16xf32>,
      %mul3A_196 = arith.constant 16 : i32
      %mul3A_197 = arith.muli %add3A_185, %mul3A_196 : i32
      %get3A_198 = arith.index_cast %mul3A_197 : i32 to index
      %get3A_199 = tpu.vector_load %arg6[%get3A_198] {strides = array<i32>} : memref<1024xi32, #tpu.memory_space<vmem>>, vector<16xi32>,
      %mul3A_200 = arith.constant 16 : i32
      %mul3A_201 = arith.muli %add3A_187, %mul3A_200 : i32
      %get3A_202 = arith.index_cast %mul3A_201 : i32 to index
      %get3A_203 = tpu.vector_load %arg6[%get3A_202] {strides = array<i32>} : memref<1024xi32, #tpu.memory_space<vmem>>, vector<16xi32>,
      %mul3A_204 = arith.constant 16 : i32
      %mul3A_205 = arith.muli %add3A_185, %mul3A_204 : i32
      %and3A_206 = arith.constant 1024 : i32
      %and3A_207 = arith.andi %mul3A_205, %and3A_206 : i32
      %eq3A_208 = arith.constant 0 : i32
      %eq3A_209 = arith.cmpi eq, %and3A_207, %eq3A_208 : i32
      %lt3A_210 = arith.cmpf olt, %get3A_195, %get3A_191 : vector<16xf32>
      %eq3A_211 = vector.broadcast %eq3A_209 : i1 to vector<16xi1>
      %eq3A_212 = vector.broadcast %eq3A_211 : vector<16xi1> to vector<16xi1>
      %eq3A_213 = arith.xori %lt3A_210, %eq3A_212 : vector<16xi1>
      %eq3A_214 = arith.constant dense<true> : vector<16xi1>
      %eq3A_215 = arith.xori %eq3A_213, %eq3A_214 : vector<16xi1>
      %select_n3A_216 = arith.select %eq3A_215, %get3A_195, %get3A_191 : vector<16xi1>, vector<16xf32>
      %mul3A_217 = arith.constant 16 : i32
      %mul3A_218 = arith.muli %add3A_185, %mul3A_217 : i32
      %swap3A_219 = arith.index_cast %mul3A_218 : i32 to index
      %swap3A_220 = tpu.vector_load %arg5[%swap3A_219] {strides = array<i32>} : memref<1024xf32, #tpu.memory_space<vmem>>, vector<16xf32>,
      tpu.vector_store %arg5[%swap3A_219], %select_n3A_216 {strides = array<i32>} : memref<1024xf32, #tpu.memory_space<vmem>>, vector<16xf32>,
      %select_n3A_221 = arith.select %eq3A_215, %get3A_191, %get3A_195 : vector<16xi1>, vector<16xf32>
      %mul3A_222 = arith.constant 16 : i32
      %mul3A_223 = arith.muli %add3A_187, %mul3A_222 : i32
      %swap3A_224 = arith.index_cast %mul3A_223 : i32 to index
      %swap3A_225 = tpu.vector_load %arg5[%swap3A_224] {strides = array<i32>} : memref<1024xf32, #tpu.memory_space<vmem>>, vector<16xf32>,
      tpu.vector_store %arg5[%swap3A_224], %select_n3A_221 {strides = array<i32>} : memref<1024xf32, #tpu.memory_space<vmem>>, vector<16xf32>,
      %select_n3A_226 = arith.select %eq3A_215, %get3A_203, %get3A_199 : vector<16xi1>, vector<16xi32>
      %mul3A_227 = arith.constant 16 : i32
      %mul3A_228 = arith.muli %add3A_185, %mul3A_227 : i32
      %swap3A_229 = arith.index_cast %mul3A_228 : i32 to index
      %swap3A_230 = tpu.vector_load %arg6[%swap3A_229] {strides = array<i32>} : memref<1024xi32, #tpu.memory_space<vmem>>, vector<16xi32>,
      tpu.vector_store %arg6[%swap3A_229], %select_n3A_226 {strides = array<i32>} : memref<1024xi32, #tpu.memory_space<vmem>>, vector<16xi32>,
      %select_n3A_231 = arith.select %eq3A_215, %get3A_199, %get3A_203 : vector<16xi1>, vector<16xi32>
      %mul3A_232 = arith.constant 16 : i32
      %mul3A_233 = arith.muli %add3A_187, %mul3A_232 : i32
      %swap3A_234 = arith.index_cast %mul3A_233 : i32 to index
      %swap3A_235 = tpu.vector_load %arg6[%swap3A_234] {strides = array<i32>} : memref<1024xi32, #tpu.memory_space<vmem>>, vector<16xi32>,
      tpu.vector_store %arg6[%swap3A_234], %select_n3A_231 {strides = array<i32>} : memref<1024xi32, #tpu.memory_space<vmem>>, vector<16xi32>,
    }
    %scan3A_106 = arith.constant 32 : i32
    %scan3A_107 = arith.constant 0 : i32
    %scan3A_108 = arith.constant 8 : i32
    %scan3A_109 = arith.addi %scan3A_107, %scan3A_108 : i32
    %scan3A_110 = arith.constant 1 : i32
    scf.for %scan3A_117 = %scan3A_107 to %scan3A_109 step %scan3A_110  : i32 {
      %mul3A_118 = arith.constant 1 : i32
      %mul3A_119 = arith.muli %scan3A_117, %mul3A_118 : i32
      %add3A_120 = arith.constant 0 : i32
      %add3A_121 = arith.addi %add3A_120, %mul3A_119 : i32
      %mul3A_122 = arith.constant 8 : i32
      %mul3A_123 = arith.muli %mul3A_122, %add3A_121 : i32
      %add3A_124 = arith.constant 0 : i32
      %add3A_125 = arith.addi %mul3A_123, %add3A_124 : i32
      %mul3A_126 = arith.constant 16 : i32
      %mul3A_127 = arith.muli %add3A_125, %mul3A_126 : i32
      %add3A_128 = arith.constant 1 : i32
      %add3A_129 = arith.addi %mul3A_123, %add3A_128 : i32
      %mul3A_130 = arith.constant 16 : i32
      %mul3A_131 = arith.muli %add3A_129, %mul3A_130 : i32
      %add3A_132 = arith.constant 2 : i32
      %add3A_133 = arith.addi %mul3A_123, %add3A_132 : i32
      %mul3A_134 = arith.constant 16 : i32
      %mul3A_135 = arith.muli %add3A_133, %mul3A_134 : i32
      %add3A_136 = arith.constant 3 : i32
      %add3A_137 = arith.addi %mul3A_123, %add3A_136 : i32
      %mul3A_138 = arith.constant 16 : i32
      %mul3A_139 = arith.muli %add3A_137, %mul3A_138 : i32
      %add3A_140 = arith.constant 4 : i32
      %add3A_141 = arith.addi %mul3A_123, %add3A_140 : i32
      %mul3A_142 = arith.constant 16 : i32
      %mul3A_143 = arith.muli %add3A_141, %mul3A_142 : i32
      %add3A_144 = arith.constant 5 : i32
      %add3A_145 = arith.addi %mul3A_123, %add3A_144 : i32
      %mul3A_146 = arith.constant 16 : i32
      %mul3A_147 = arith.muli %add3A_145, %mul3A_146 : i32
      %add3A_148 = arith.constant 6 : i32
      %add3A_149 = arith.addi %mul3A_123, %add3A_148 : i32
      %mul3A_150 = arith.constant 16 : i32
      %mul3A_151 = arith.muli %add3A_149, %mul3A_150 : i32
      %add3A_152 = arith.constant 7 : i32
      %add3A_153 = arith.addi %mul3A_123, %add3A_152 : i32
      %mul3A_154 = arith.constant 16 : i32
      %mul3A_155 = arith.muli %add3A_153, %mul3A_154 : i32
      %get3A = arith.index_cast %mul3A_127 : i32 to index
      %get3A_156 = tpu.vector_load %arg5[%get3A] {strides = array<i32>} : memref<1024xf32, #tpu.memory_space<vmem>>, vector<16xf32>,
      %get3A_157 = arith.index_cast %mul3A_131 : i32 to index
      %get3A_158 = tpu.vector_load %arg5[%get3A_157] {strides = array<i32>} : memref<1024xf32, #tpu.memory_space<vmem>>, vector<16xf32>,
      %get3A_159 = arith.index_cast %mul3A_135 : i32 to index
      %get3A_160 = tpu.vector_load %arg5[%get3A_159] {strides = array<i32>} : memref<1024xf32, #tpu.memory_space<vmem>>, vector<16xf32>,
      %get3A_161 = arith.index_cast %mul3A_139 : i32 to index
      %get3A_162 = tpu.vector_load %arg5[%get3A_161] {strides = array<i32>} : memref<1024xf32, #tpu.memory_space<vmem>>, vector<16xf32>,
      %get3A_163 = arith.index_cast %mul3A_143 : i32 to index
      %get3A_164 = tpu.vector_load %arg5[%get3A_163] {strides = array<i32>} : memref<1024xf32, #tpu.memory_space<vmem>>, vector<16xf32>,
      %get3A_165 = arith.index_cast %mul3A_147 : i32 to index
      %get3A_166 = tpu.vector_load %arg5[%get3A_165] {strides = array<i32>} : memref<1024xf32, #tpu.memory_space<vmem>>, vector<16xf32>,
      %get3A_167 = arith.index_cast %mul3A_151 : i32 to index
      %get3A_168 = tpu.vector_load %arg5[%get3A_167] {strides = array<i32>} : memref<1024xf32, #tpu.memory_space<vmem>>, vector<16xf32>,
      %get3A_169 = arith.index_cast %mul3A_155 : i32 to index
      %get3A_170 = tpu.vector_load %arg5[%get3A_169] {strides = array<i32>} : memref<1024xf32, #tpu.memory_space<vmem>>, vector<16xf32>,
      %get3A_171 = arith.index_cast %mul3A_127 : i32 to index
      %get3A_172 = tpu.vector_load %arg6[%get3A_171] {strides = array<i32>} : memref<1024xi32, #tpu.memory_space<vmem>>, vector<16xi32>,
      %get3A_173 = arith.index_cast %mul3A_131 : i32 to index
      %get3A_174 = tpu.vector_load %arg6[%get3A_173] {strides = array<i32>} : memref<1024xi32, #tpu.memory_space<vmem>>, vector<16xi32>,
      %get3A_175 = arith.index_cast %mul3A_135 : i32 to index
      %get3A_176 = tpu.vector_load %arg6[%get3A_175] {strides = array<i32>} : memref<1024xi32, #tpu.memory_space<vmem>>, vector<16xi32>,
      %get3A_177 = arith.index_cast %mul3A_139 : i32 to index
      %get3A_178 = tpu.vector_load %arg6[%get3A_177] {strides = array<i32>} : memref<1024xi32, #tpu.memory_space<vmem>>, vector<16xi32>,
      %get3A_179 = arith.index_cast %mul3A_143 : i32 to index
      %get3A_180 = tpu.vector_load %arg6[%get3A_179] {strides = array<i32>} : memref<1024xi32, #tpu.memory_space<vmem>>, vector<16xi32>,
      %get3A_181 = arith.index_cast %mul3A_147 : i32 to index
      %get3A_182 = tpu.vector_load %arg6[%get3A_181] {strides = array<i32>} : memref<1024xi32, #tpu.memory_space<vmem>>, vector<16xi32>,
      %get3A_183 = arith.index_cast %mul3A_151 : i32 to index
      %get3A_184 = tpu.vector_load %arg6[%get3A_183] {strides = array<i32>} : memref<1024xi32, #tpu.memory_space<vmem>>, vector<16xi32>,
      %get3A_185 = arith.index_cast %mul3A_155 : i32 to index
      %get3A_186 = tpu.vector_load %arg6[%get3A_185] {strides = array<i32>} : memref<1024xi32, #tpu.memory_space<vmem>>, vector<16xi32>,
      %lt3A = arith.cmpf olt, %get3A_164, %get3A_156 : vector<16xf32>
      %select_n3A = arith.select %lt3A, %get3A_164, %get3A_156 : vector<16xi1>, vector<16xf32>
      %select_n3A_187 = arith.select %lt3A, %get3A_156, %get3A_164 : vector<16xi1>, vector<16xf32>
      %select_n3A_188 = arith.select %lt3A, %get3A_180, %get3A_172 : vector<16xi1>, vector<16xi32>
      %select_n3A_189 = arith.select %lt3A, %get3A_172, %get3A_180 : vector<16xi1>, vector<16xi32>
      %lt3A_190 = arith.cmpf olt, %get3A_166, %get3A_158 : vector<16xf32>
      %select_n3A_191 = arith.select %lt3A_190, %get3A_166, %get3A_158 : vector<16xi1>, vector<16xf32>
      %select_n3A_192 = arith.select %lt3A_190, %get3A_158, %get3A_166 : vector<16xi1>, vector<16xf32>
      %select_n3A_193 = arith.select %lt3A_190, %get3A_182, %get3A_174 : vector<16xi1>, vector<16xi32>
      %select_n3A_194 = arith.select %lt3A_190, %get3A_174, %get3A_182 : vector<16xi1>, vector<16xi32>
      %lt3A_195 = arith.cmpf olt, %get3A_168, %get3A_160 : vector<16xf32>
      %select_n3A_196 = arith.select %lt3A_195, %get3A_168, %get3A_160 : vector<16xi1>, vector<16xf32>
      %select_n3A_197 = arith.select %lt3A_195, %get3A_160, %get3A_168 : vector<16xi1>, vector<16xf32>
      %select_n3A_198 = arith.select %lt3A_195, %get3A_184, %get3A_176 : vector<16xi1>, vector<16xi32>
      %select_n3A_199 = arith.select %lt3A_195, %get3A_176, %get3A_184 : vector<16xi1>, vector<16xi32>
      %lt3A_200 = arith.cmpf olt, %get3A_170, %get3A_162 : vector<16xf32>
      %select_n3A_201 = arith.select %lt3A_200, %get3A_170, %get3A_162 : vector<16xi1>, vector<16xf32>
      %select_n3A_202 = arith.select %lt3A_200, %get3A_162, %get3A_170 : vector<16xi1>, vector<16xf32>
      %select_n3A_203 = arith.select %lt3A_200, %get3A_186, %get3A_178 : vector<16xi1>, vector<16xi32>
      %select_n3A_204 = arith.select %lt3A_200, %get3A_178, %get3A_186 : vector<16xi1>, vector<16xi32>
      %lt3A_205 = arith.cmpf olt, %select_n3A_196, %select_n3A : vector<16xf32>
      %select_n3A_206 = arith.select %lt3A_205, %select_n3A_196, %select_n3A : vector<16xi1>, vector<16xf32>
      %select_n3A_207 = arith.select %lt3A_205, %select_n3A, %select_n3A_196 : vector<16xi1>, vector<16xf32>
      %select_n3A_208 = arith.select %lt3A_205, %select_n3A_198, %select_n3A_188 : vector<16xi1>, vector<16xi32>
      %select_n3A_209 = arith.select %lt3A_205, %select_n3A_188, %select_n3A_198 : vector<16xi1>, vector<16xi32>
      %lt3A_210 = arith.cmpf olt, %select_n3A_201, %select_n3A_191 : vector<16xf32>
      %select_n3A_211 = arith.select %lt3A_210, %select_n3A_201, %select_n3A_191 : vector<16xi1>, vector<16xf32>
      %select_n3A_212 = arith.select %lt3A_210, %select_n3A_191, %select_n3A_201 : vector<16xi1>, vector<16xf32>
      %select_n3A_213 = arith.select %lt3A_210, %select_n3A_203, %select_n3A_193 : vector<16xi1>, vector<16xi32>
      %select_n3A_214 = arith.select %lt3A_210, %select_n3A_193, %select_n3A_203 : vector<16xi1>, vector<16xi32>
      %lt3A_215 = arith.cmpf olt, %select_n3A_197, %select_n3A_187 : vector<16xf32>
      %select_n3A_216 = arith.select %lt3A_215, %select_n3A_197, %select_n3A_187 : vector<16xi1>, vector<16xf32>
      %select_n3A_217 = arith.select %lt3A_215, %select_n3A_187, %select_n3A_197 : vector<16xi1>, vector<16xf32>
      %select_n3A_218 = arith.select %lt3A_215, %select_n3A_199, %select_n3A_189 : vector<16xi1>, vector<16xi32>
      %select_n3A_219 = arith.select %lt3A_215, %select_n3A_189, %select_n3A_199 : vector<16xi1>, vector<16xi32>
      %lt3A_220 = arith.cmpf olt, %select_n3A_202, %select_n3A_192 : vector<16xf32>
      %select_n3A_221 = arith.select %lt3A_220, %select_n3A_202, %select_n3A_192 : vector<16xi1>, vector<16xf32>
      %select_n3A_222 = arith.select %lt3A_220, %select_n3A_192, %select_n3A_202 : vector<16xi1>, vector<16xf32>
      %select_n3A_223 = arith.select %lt3A_220, %select_n3A_204, %select_n3A_194 : vector<16xi1>, vector<16xi32>
      %select_n3A_224 = arith.select %lt3A_220, %select_n3A_194, %select_n3A_204 : vector<16xi1>, vector<16xi32>
      %lt3A_225 = arith.cmpf olt, %select_n3A_211, %select_n3A_206 : vector<16xf32>
      %select_n3A_226 = arith.select %lt3A_225, %select_n3A_211, %select_n3A_206 : vector<16xi1>, vector<16xf32>
      %select_n3A_227 = arith.select %lt3A_225, %select_n3A_206, %select_n3A_211 : vector<16xi1>, vector<16xf32>
      %select_n3A_228 = arith.select %lt3A_225, %select_n3A_213, %select_n3A_208 : vector<16xi1>, vector<16xi32>
      %select_n3A_229 = arith.select %lt3A_225, %select_n3A_208, %select_n3A_213 : vector<16xi1>, vector<16xi32>
      %lt3A_230 = arith.cmpf olt, %select_n3A_212, %select_n3A_207 : vector<16xf32>
      %select_n3A_231 = arith.select %lt3A_230, %select_n3A_212, %select_n3A_207 : vector<16xi1>, vector<16xf32>
      %select_n3A_232 = arith.select %lt3A_230, %select_n3A_207, %select_n3A_212 : vector<16xi1>, vector<16xf32>
      %select_n3A_233 = arith.select %lt3A_230, %select_n3A_214, %select_n3A_209 : vector<16xi1>, vector<16xi32>
      %select_n3A_234 = arith.select %lt3A_230, %select_n3A_209, %select_n3A_214 : vector<16xi1>, vector<16xi32>
      %lt3A_235 = arith.cmpf olt, %select_n3A_221, %select_n3A_216 : vector<16xf32>
      %select_n3A_236 = arith.select %lt3A_235, %select_n3A_221, %select_n3A_216 : vector<16xi1>, vector<16xf32>
      %select_n3A_237 = arith.select %lt3A_235, %select_n3A_216, %select_n3A_221 : vector<16xi1>, vector<16xf32>
      %select_n3A_238 = arith.select %lt3A_235, %select_n3A_223, %select_n3A_218 : vector<16xi1>, vector<16xi32>
      %select_n3A_239 = arith.select %lt3A_235, %select_n3A_218, %select_n3A_223 : vector<16xi1>, vector<16xi32>
      %lt3A_240 = arith.cmpf olt, %select_n3A_222, %select_n3A_217 : vector<16xf32>
      %select_n3A_241 = arith.select %lt3A_240, %select_n3A_222, %select_n3A_217 : vector<16xi1>, vector<16xf32>
      %select_n3A_242 = arith.select %lt3A_240, %select_n3A_217, %select_n3A_222 : vector<16xi1>, vector<16xf32>
      %select_n3A_243 = arith.select %lt3A_240, %select_n3A_224, %select_n3A_219 : vector<16xi1>, vector<16xi32>
      %select_n3A_244 = arith.select %lt3A_240, %select_n3A_219, %select_n3A_224 : vector<16xi1>, vector<16xi32>
      %masked_sort3A = arith.constant dense<true> : vector<16xi1>
      %masked_sort3A_245, %masked_sort3A_246, %masked_sort3A_247 = tpu.sort %select_n3A_226, %select_n3A_228 masked %masked_sort3A : (vector<16xf32>, vector<16xi32>, vector<16xi1>) -> (vector<16xi1>, vector<16xf32>, vector<16xi32>)
      %broadcast_in_dim3A_248 = vector.shape_cast %xor3A_6 : vector<16xi32> to vector<16x1xi32>
      %gather3A = vector.shape_cast %broadcast_in_dim3A_248 : vector<16x1xi32> to vector<16xi32>
      %gather3A_249 = tpu.dynamic_gather %masked_sort3A_246[%gather3A] in [0] : vector<16xf32>, vector<16xi32> -> vector<16xf32>
      %broadcast_in_dim3A_250 = vector.shape_cast %xor3A_6 : vector<16xi32> to vector<16x1xi32>
      %gather3A_251 = vector.shape_cast %broadcast_in_dim3A_250 : vector<16x1xi32> to vector<16xi32>
      %gather3A_252 = tpu.dynamic_gather %masked_sort3A_247[%gather3A_251] in [0] : vector<16xi32>, vector<16xi32> -> vector<16xi32>
      %eq3A_253 = arith.cmpf oeq, %masked_sort3A_246, %gather3A_249 : vector<16xf32>
      %lt3A_254 = arith.cmpi slt, %gather3A_252, %masked_sort3A_247 : vector<16xi32>
      %and3A_255 = arith.andi %eq3A_4, %lt3A_254 : vector<16xi1>
      %not3A = arith.constant dense<true> : vector<16xi1>
      %not3A_256 = arith.xori %eq3A_4, %not3A : vector<16xi1>
      %gt3A = arith.cmpi sgt, %gather3A_252, %masked_sort3A_247 : vector<16xi32>
      %and3A_257 = arith.andi %not3A_256, %gt3A : vector<16xi1>
      %or3A = arith.ori %and3A_255, %and3A_257 : vector<16xi1>
      %and3A_258 = arith.andi %eq3A_253, %or3A : vector<16xi1>
      %select_n3A_259 = arith.select %and3A_258, %gather3A_252, %masked_sort3A_247 : vector<16xi1>, vector<16xi32>
      %broadcast_in_dim3A_260 = vector.shape_cast %min3A_18 : vector<16xi32> to vector<16x1xi32>
      %gather3A_261 = vector.shape_cast %broadcast_in_dim3A_260 : vector<16x1xi32> to vector<16xi32>
      %gather3A_262 = tpu.dynamic_gather %masked_sort3A_246[%gather3A_261] in [0] : vector<16xf32>, vector<16xi32> -> vector<16xf32>
      %broadcast_in_dim3A_263 = vector.shape_cast %min3A_18 : vector<16xi32> to vector<16x1xi32>
      %gather3A_264 = vector.shape_cast %broadcast_in_dim3A_263 : vector<16x1xi32> to vector<16xi32>
      %gather3A_265 = tpu.dynamic_gather %select_n3A_259[%gather3A_264] in [0] : vector<16xi32>, vector<16xi32> -> vector<16xi32>
      %eq3A_266 = arith.cmpf oeq, %masked_sort3A_246, %gather3A_262 : vector<16xf32>
      %not3A_267 = arith.constant dense<true> : vector<16xi1>
      %not3A_268 = arith.xori %eq3A_4, %not3A_267 : vector<16xi1>
      %lt3A_269 = arith.cmpi slt, %gather3A_265, %select_n3A_259 : vector<16xi32>
      %and3A_270 = arith.andi %not3A_268, %lt3A_269 : vector<16xi1>
      %gt3A_271 = arith.cmpi sgt, %gather3A_265, %select_n3A_259 : vector<16xi32>
      %and3A_272 = arith.andi %eq3A_4, %gt3A_271 : vector<16xi1>
      %or3A_273 = arith.ori %and3A_270, %and3A_272 : vector<16xi1>
      %and3A_274 = arith.andi %eq3A_266, %or3A_273 : vector<16xi1>
      %select_n3A_275 = arith.select %and3A_274, %gather3A_265, %select_n3A_259 : vector<16xi1>, vector<16xi32>
      %masked_sort3A_276 = arith.constant dense<true> : vector<16xi1>
      %masked_sort3A_277, %masked_sort3A_278, %masked_sort3A_279 = tpu.sort %select_n3A_227, %select_n3A_229 masked %masked_sort3A_276 : (vector<16xf32>, vector<16xi32>, vector<16xi1>) -> (vector<16xi1>, vector<16xf32>, vector<16xi32>)
      %broadcast_in_dim3A_280 = vector.shape_cast %xor3A_6 : vector<16xi32> to vector<16x1xi32>
      %gather3A_281 = vector.shape_cast %broadcast_in_dim3A_280 : vector<16x1xi32> to vector<16xi32>
      %gather3A_282 = tpu.dynamic_gather %masked_sort3A_278[%gather3A_281] in [0] : vector<16xf32>, vector<16xi32> -> vector<16xf32>
      %broadcast_in_dim3A_283 = vector.shape_cast %xor3A_6 : vector<16xi32> to vector<16x1xi32>
      %gather3A_284 = vector.shape_cast %broadcast_in_dim3A_283 : vector<16x1xi32> to vector<16xi32>
      %gather3A_285 = tpu.dynamic_gather %masked_sort3A_279[%gather3A_284] in [0] : vector<16xi32>, vector<16xi32> -> vector<16xi32>
      %eq3A_286 = arith.cmpf oeq, %masked_sort3A_278, %gather3A_282 : vector<16xf32>
      %lt3A_287 = arith.cmpi slt, %gather3A_285, %masked_sort3A_279 : vector<16xi32>
      %and3A_288 = arith.andi %eq3A_4, %lt3A_287 : vector<16xi1>
      %not3A_289 = arith.constant dense<true> : vector<16xi1>
      %not3A_290 = arith.xori %eq3A_4, %not3A_289 : vector<16xi1>
      %gt3A_291 = arith.cmpi sgt, %gather3A_285, %masked_sort3A_279 : vector<16xi32>
      %and3A_292 = arith.andi %not3A_290, %gt3A_291 : vector<16xi1>
      %or3A_293 = arith.ori %and3A_288, %and3A_292 : vector<16xi1>
      %and3A_294 = arith.andi %eq3A_286, %or3A_293 : vector<16xi1>
      %select_n3A_295 = arith.select %and3A_294, %gather3A_285, %masked_sort3A_279 : vector<16xi1>, vector<16xi32>
      %broadcast_in_dim3A_296 = vector.shape_cast %min3A_18 : vector<16xi32> to vector<16x1xi32>
      %gather3A_297 = vector.shape_cast %broadcast_in_dim3A_296 : vector<16x1xi32> to vector<16xi32>
      %gather3A_298 = tpu.dynamic_gather %masked_sort3A_278[%gather3A_297] in [0] : vector<16xf32>, vector<16xi32> -> vector<16xf32>
      %broadcast_in_dim3A_299 = vector.shape_cast %min3A_18 : vector<16xi32> to vector<16x1xi32>
      %gather3A_300 = vector.shape_cast %broadcast_in_dim3A_299 : vector<16x1xi32> to vector<16xi32>
      %gather3A_301 = tpu.dynamic_gather %select_n3A_295[%gather3A_300] in [0] : vector<16xi32>, vector<16xi32> -> vector<16xi32>
      %eq3A_302 = arith.cmpf oeq, %masked_sort3A_278, %gather3A_298 : vector<16xf32>
      %not3A_303 = arith.constant dense<true> : vector<16xi1>
      %not3A_304 = arith.xori %eq3A_4, %not3A_303 : vector<16xi1>
      %lt3A_305 = arith.cmpi slt, %gather3A_301, %select_n3A_295 : vector<16xi32>
      %and3A_306 = arith.andi %not3A_304, %lt3A_305 : vector<16xi1>
      %gt3A_307 = arith.cmpi sgt, %gather3A_301, %select_n3A_295 : vector<16xi32>
      %and3A_308 = arith.andi %eq3A_4, %gt3A_307 : vector<16xi1>
      %or3A_309 = arith.ori %and3A_306, %and3A_308 : vector<16xi1>
      %and3A_310 = arith.andi %eq3A_302, %or3A_309 : vector<16xi1>
      %select_n3A_311 = arith.select %and3A_310, %gather3A_301, %select_n3A_295 : vector<16xi1>, vector<16xi32>
      %masked_sort3A_312 = arith.constant dense<true> : vector<16xi1>
      %masked_sort3A_313, %masked_sort3A_314, %masked_sort3A_315 = tpu.sort %select_n3A_231, %select_n3A_233 masked %masked_sort3A_312 : (vector<16xf32>, vector<16xi32>, vector<16xi1>) -> (vector<16xi1>, vector<16xf32>, vector<16xi32>)
      %broadcast_in_dim3A_316 = vector.shape_cast %xor3A_6 : vector<16xi32> to vector<16x1xi32>
      %gather3A_317 = vector.shape_cast %broadcast_in_dim3A_316 : vector<16x1xi32> to vector<16xi32>
      %gather3A_318 = tpu.dynamic_gather %masked_sort3A_314[%gather3A_317] in [0] : vector<16xf32>, vector<16xi32> -> vector<16xf32>
      %broadcast_in_dim3A_319 = vector.shape_cast %xor3A_6 : vector<16xi32> to vector<16x1xi32>
      %gather3A_320 = vector.shape_cast %broadcast_in_dim3A_319 : vector<16x1xi32> to vector<16xi32>
      %gather3A_321 = tpu.dynamic_gather %masked_sort3A_315[%gather3A_320] in [0] : vector<16xi32>, vector<16xi32> -> vector<16xi32>
      %eq3A_322 = arith.cmpf oeq, %masked_sort3A_314, %gather3A_318 : vector<16xf32>
      %lt3A_323 = arith.cmpi slt, %gather3A_321, %masked_sort3A_315 : vector<16xi32>
      %and3A_324 = arith.andi %eq3A_4, %lt3A_323 : vector<16xi1>
      %not3A_325 = arith.constant dense<true> : vector<16xi1>
      %not3A_326 = arith.xori %eq3A_4, %not3A_325 : vector<16xi1>
      %gt3A_327 = arith.cmpi sgt, %gather3A_321, %masked_sort3A_315 : vector<16xi32>
      %and3A_328 = arith.andi %not3A_326, %gt3A_327 : vector<16xi1>
      %or3A_329 = arith.ori %and3A_324, %and3A_328 : vector<16xi1>
      %and3A_330 = arith.andi %eq3A_322, %or3A_329 : vector<16xi1>
      %select_n3A_331 = arith.select %and3A_330, %gather3A_321, %masked_sort3A_315 : vector<16xi1>, vector<16xi32>
      %broadcast_in_dim3A_332 = vector.shape_cast %min3A_18 : vector<16xi32> to vector<16x1xi32>
      %gather3A_333 = vector.shape_cast %broadcast_in_dim3A_332 : vector<16x1xi32> to vector<16xi32>
      %gather3A_334 = tpu.dynamic_gather %masked_sort3A_314[%gather3A_333] in [0] : vector<16xf32>, vector<16xi32> -> vector<16xf32>
      %broadcast_in_dim3A_335 = vector.shape_cast %min3A_18 : vector<16xi32> to vector<16x1xi32>
      %gather3A_336 = vector.shape_cast %broadcast_in_dim3A_335 : vector<16x1xi32> to vector<16xi32>
      %gather3A_337 = tpu.dynamic_gather %select_n3A_331[%gather3A_336] in [0] : vector<16xi32>, vector<16xi32> -> vector<16xi32>
      %eq3A_338 = arith.cmpf oeq, %masked_sort3A_314, %gather3A_334 : vector<16xf32>
      %not3A_339 = arith.constant dense<true> : vector<16xi1>
      %not3A_340 = arith.xori %eq3A_4, %not3A_339 : vector<16xi1>
      %lt3A_341 = arith.cmpi slt, %gather3A_337, %select_n3A_331 : vector<16xi32>
      %and3A_342 = arith.andi %not3A_340, %lt3A_341 : vector<16xi1>
      %gt3A_343 = arith.cmpi sgt, %gather3A_337, %select_n3A_331 : vector<16xi32>
      %and3A_344 = arith.andi %eq3A_4, %gt3A_343 : vector<16xi1>
      %or3A_345 = arith.ori %and3A_342, %and3A_344 : vector<16xi1>
      %and3A_346 = arith.andi %eq3A_338, %or3A_345 : vector<16xi1>
      %select_n3A_347 = arith.select %and3A_346, %gather3A_337, %select_n3A_331 : vector<16xi1>, vector<16xi32>
      %masked_sort3A_348 = arith.constant dense<true> : vector<16xi1>
      %masked_sort3A_349, %masked_sort3A_350, %masked_sort3A_351 = tpu.sort %select_n3A_232, %select_n3A_234 masked %masked_sort3A_348 : (vector<16xf32>, vector<16xi32>, vector<16xi1>) -> (vector<16xi1>, vector<16xf32>, vector<16xi32>)
      %broadcast_in_dim3A_352 = vector.shape_cast %xor3A_6 : vector<16xi32> to vector<16x1xi32>
      %gather3A_353 = vector.shape_cast %broadcast_in_dim3A_352 : vector<16x1xi32> to vector<16xi32>
      %gather3A_354 = tpu.dynamic_gather %masked_sort3A_350[%gather3A_353] in [0] : vector<16xf32>, vector<16xi32> -> vector<16xf32>
      %broadcast_in_dim3A_355 = vector.shape_cast %xor3A_6 : vector<16xi32> to vector<16x1xi32>
      %gather3A_356 = vector.shape_cast %broadcast_in_dim3A_355 : vector<16x1xi32> to vector<16xi32>
      %gather3A_357 = tpu.dynamic_gather %masked_sort3A_351[%gather3A_356] in [0] : vector<16xi32>, vector<16xi32> -> vector<16xi32>
      %eq3A_358 = arith.cmpf oeq, %masked_sort3A_350, %gather3A_354 : vector<16xf32>
      %lt3A_359 = arith.cmpi slt, %gather3A_357, %masked_sort3A_351 : vector<16xi32>
      %and3A_360 = arith.andi %eq3A_4, %lt3A_359 : vector<16xi1>
      %not3A_361 = arith.constant dense<true> : vector<16xi1>
      %not3A_362 = arith.xori %eq3A_4, %not3A_361 : vector<16xi1>
      %gt3A_363 = arith.cmpi sgt, %gather3A_357, %masked_sort3A_351 : vector<16xi32>
      %and3A_364 = arith.andi %not3A_362, %gt3A_363 : vector<16xi1>
      %or3A_365 = arith.ori %and3A_360, %and3A_364 : vector<16xi1>
      %and3A_366 = arith.andi %eq3A_358, %or3A_365 : vector<16xi1>
      %select_n3A_367 = arith.select %and3A_366, %gather3A_357, %masked_sort3A_351 : vector<16xi1>, vector<16xi32>
      %broadcast_in_dim3A_368 = vector.shape_cast %min3A_18 : vector<16xi32> to vector<16x1xi32>
      %gather3A_369 = vector.shape_cast %broadcast_in_dim3A_368 : vector<16x1xi32> to vector<16xi32>
      %gather3A_370 = tpu.dynamic_gather %masked_sort3A_350[%gather3A_369] in [0] : vector<16xf32>, vector<16xi32> -> vector<16xf32>
      %broadcast_in_dim3A_371 = vector.shape_cast %min3A_18 : vector<16xi32> to vector<16x1xi32>
      %gather3A_372 = vector.shape_cast %broadcast_in_dim3A_371 : vector<16x1xi32> to vector<16xi32>
      %gather3A_373 = tpu.dynamic_gather %select_n3A_367[%gather3A_372] in [0] : vector<16xi32>, vector<16xi32> -> vector<16xi32>
      %eq3A_374 = arith.cmpf oeq, %masked_sort3A_350, %gather3A_370 : vector<16xf32>
      %not3A_375 = arith.constant dense<true> : vector<16xi1>
      %not3A_376 = arith.xori %eq3A_4, %not3A_375 : vector<16xi1>
      %lt3A_377 = arith.cmpi slt, %gather3A_373, %select_n3A_367 : vector<16xi32>
      %and3A_378 = arith.andi %not3A_376, %lt3A_377 : vector<16xi1>
      %gt3A_379 = arith.cmpi sgt, %gather3A_373, %select_n3A_367 : vector<16xi32>
      %and3A_380 = arith.andi %eq3A_4, %gt3A_379 : vector<16xi1>
      %or3A_381 = arith.ori %and3A_378, %and3A_380 : vector<16xi1>
      %and3A_382 = arith.andi %eq3A_374, %or3A_381 : vector<16xi1>
      %select_n3A_383 = arith.select %and3A_382, %gather3A_373, %select_n3A_367 : vector<16xi1>, vector<16xi32>
      %masked_sort3A_384 = arith.constant dense<true> : vector<16xi1>
      %masked_sort3A_385, %masked_sort3A_386, %masked_sort3A_387 = tpu.sort %select_n3A_236, %select_n3A_238 masked %masked_sort3A_384 : (vector<16xf32>, vector<16xi32>, vector<16xi1>) -> (vector<16xi1>, vector<16xf32>, vector<16xi32>)
      %broadcast_in_dim3A_388 = vector.shape_cast %xor3A_6 : vector<16xi32> to vector<16x1xi32>
      %gather3A_389 = vector.shape_cast %broadcast_in_dim3A_388 : vector<16x1xi32> to vector<16xi32>
      %gather3A_390 = tpu.dynamic_gather %masked_sort3A_386[%gather3A_389] in [0] : vector<16xf32>, vector<16xi32> -> vector<16xf32>
      %broadcast_in_dim3A_391 = vector.shape_cast %xor3A_6 : vector<16xi32> to vector<16x1xi32>
      %gather3A_392 = vector.shape_cast %broadcast_in_dim3A_391 : vector<16x1xi32> to vector<16xi32>
      %gather3A_393 = tpu.dynamic_gather %masked_sort3A_387[%gather3A_392] in [0] : vector<16xi32>, vector<16xi32> -> vector<16xi32>
      %eq3A_394 = arith.cmpf oeq, %masked_sort3A_386, %gather3A_390 : vector<16xf32>
      %lt3A_395 = arith.cmpi slt, %gather3A_393, %masked_sort3A_387 : vector<16xi32>
      %and3A_396 = arith.andi %eq3A_4, %lt3A_395 : vector<16xi1>
      %not3A_397 = arith.constant dense<true> : vector<16xi1>
      %not3A_398 = arith.xori %eq3A_4, %not3A_397 : vector<16xi1>
      %gt3A_399 = arith.cmpi sgt, %gather3A_393, %masked_sort3A_387 : vector<16xi32>
      %and3A_400 = arith.andi %not3A_398, %gt3A_399 : vector<16xi1>
      %or3A_401 = arith.ori %and3A_396, %and3A_400 : vector<16xi1>
      %and3A_402 = arith.andi %eq3A_394, %or3A_401 : vector<16xi1>
      %select_n3A_403 = arith.select %and3A_402, %gather3A_393, %masked_sort3A_387 : vector<16xi1>, vector<16xi32>
      %broadcast_in_dim3A_404 = vector.shape_cast %min3A_18 : vector<16xi32> to vector<16x1xi32>
      %gather3A_405 = vector.shape_cast %broadcast_in_dim3A_404 : vector<16x1xi32> to vector<16xi32>
      %gather3A_406 = tpu.dynamic_gather %masked_sort3A_386[%gather3A_405] in [0] : vector<16xf32>, vector<16xi32> -> vector<16xf32>
      %broadcast_in_dim3A_407 = vector.shape_cast %min3A_18 : vector<16xi32> to vector<16x1xi32>
      %gather3A_408 = vector.shape_cast %broadcast_in_dim3A_407 : vector<16x1xi32> to vector<16xi32>
      %gather3A_409 = tpu.dynamic_gather %select_n3A_403[%gather3A_408] in [0] : vector<16xi32>, vector<16xi32> -> vector<16xi32>
      %eq3A_410 = arith.cmpf oeq, %masked_sort3A_386, %gather3A_406 : vector<16xf32>
      %not3A_411 = arith.constant dense<true> : vector<16xi1>
      %not3A_412 = arith.xori %eq3A_4, %not3A_411 : vector<16xi1>
      %lt3A_413 = arith.cmpi slt, %gather3A_409, %select_n3A_403 : vector<16xi32>
      %and3A_414 = arith.andi %not3A_412, %lt3A_413 : vector<16xi1>
      %gt3A_415 = arith.cmpi sgt, %gather3A_409, %select_n3A_403 : vector<16xi32>
      %and3A_416 = arith.andi %eq3A_4, %gt3A_415 : vector<16xi1>
      %or3A_417 = arith.ori %and3A_414, %and3A_416 : vector<16xi1>
      %and3A_418 = arith.andi %eq3A_410, %or3A_417 : vector<16xi1>
      %select_n3A_419 = arith.select %and3A_418, %gather3A_409, %select_n3A_403 : vector<16xi1>, vector<16xi32>
      %masked_sort3A_420 = arith.constant dense<true> : vector<16xi1>
      %masked_sort3A_421, %masked_sort3A_422, %masked_sort3A_423 = tpu.sort %select_n3A_237, %select_n3A_239 masked %masked_sort3A_420 : (vector<16xf32>, vector<16xi32>, vector<16xi1>) -> (vector<16xi1>, vector<16xf32>, vector<16xi32>)
      %broadcast_in_dim3A_424 = vector.shape_cast %xor3A_6 : vector<16xi32> to vector<16x1xi32>
      %gather3A_425 = vector.shape_cast %broadcast_in_dim3A_424 : vector<16x1xi32> to vector<16xi32>
      %gather3A_426 = tpu.dynamic_gather %masked_sort3A_422[%gather3A_425] in [0] : vector<16xf32>, vector<16xi32> -> vector<16xf32>
      %broadcast_in_dim3A_427 = vector.shape_cast %xor3A_6 : vector<16xi32> to vector<16x1xi32>
      %gather3A_428 = vector.shape_cast %broadcast_in_dim3A_427 : vector<16x1xi32> to vector<16xi32>
      %gather3A_429 = tpu.dynamic_gather %masked_sort3A_423[%gather3A_428] in [0] : vector<16xi32>, vector<16xi32> -> vector<16xi32>
      %eq3A_430 = arith.cmpf oeq, %masked_sort3A_422, %gather3A_426 : vector<16xf32>
      %lt3A_431 = arith.cmpi slt, %gather3A_429, %masked_sort3A_423 : vector<16xi32>
      %and3A_432 = arith.andi %eq3A_4, %lt3A_431 : vector<16xi1>
      %not3A_433 = arith.constant dense<true> : vector<16xi1>
      %not3A_434 = arith.xori %eq3A_4, %not3A_433 : vector<16xi1>
      %gt3A_435 = arith.cmpi sgt, %gather3A_429, %masked_sort3A_423 : vector<16xi32>
      %and3A_436 = arith.andi %not3A_434, %gt3A_435 : vector<16xi1>
      %or3A_437 = arith.ori %and3A_432, %and3A_436 : vector<16xi1>
      %and3A_438 = arith.andi %eq3A_430, %or3A_437 : vector<16xi1>
      %select_n3A_439 = arith.select %and3A_438, %gather3A_429, %masked_sort3A_423 : vector<16xi1>, vector<16xi32>
      %broadcast_in_dim3A_440 = vector.shape_cast %min3A_18 : vector<16xi32> to vector<16x1xi32>
      %gather3A_441 = vector.shape_cast %broadcast_in_dim3A_440 : vector<16x1xi32> to vector<16xi32>
      %gather3A_442 = tpu.dynamic_gather %masked_sort3A_422[%gather3A_441] in [0] : vector<16xf32>, vector<16xi32> -> vector<16xf32>
      %broadcast_in_dim3A_443 = vector.shape_cast %min3A_18 : vector<16xi32> to vector<16x1xi32>
      %gather3A_444 = vector.shape_cast %broadcast_in_dim3A_443 : vector<16x1xi32> to vector<16xi32>
      %gather3A_445 = tpu.dynamic_gather %select_n3A_439[%gather3A_444] in [0] : vector<16xi32>, vector<16xi32> -> vector<16xi32>
      %eq3A_446 = arith.cmpf oeq, %masked_sort3A_422, %gather3A_442 : vector<16xf32>
      %not3A_447 = arith.constant dense<true> : vector<16xi1>
      %not3A_448 = arith.xori %eq3A_4, %not3A_447 : vector<16xi1>
      %lt3A_449 = arith.cmpi slt, %gather3A_445, %select_n3A_439 : vector<16xi32>
      %and3A_450 = arith.andi %not3A_448, %lt3A_449 : vector<16xi1>
      %gt3A_451 = arith.cmpi sgt, %gather3A_445, %select_n3A_439 : vector<16xi32>
      %and3A_452 = arith.andi %eq3A_4, %gt3A_451 : vector<16xi1>
      %or3A_453 = arith.ori %and3A_450, %and3A_452 : vector<16xi1>
      %and3A_454 = arith.andi %eq3A_446, %or3A_453 : vector<16xi1>
      %select_n3A_455 = arith.select %and3A_454, %gather3A_445, %select_n3A_439 : vector<16xi1>, vector<16xi32>
      %masked_sort3A_456 = arith.constant dense<true> : vector<16xi1>
      %masked_sort3A_457, %masked_sort3A_458, %masked_sort3A_459 = tpu.sort %select_n3A_241, %select_n3A_243 masked %masked_sort3A_456 : (vector<16xf32>, vector<16xi32>, vector<16xi1>) -> (vector<16xi1>, vector<16xf32>, vector<16xi32>)
      %broadcast_in_dim3A_460 = vector.shape_cast %xor3A_6 : vector<16xi32> to vector<16x1xi32>
      %gather3A_461 = vector.shape_cast %broadcast_in_dim3A_460 : vector<16x1xi32> to vector<16xi32>
      %gather3A_462 = tpu.dynamic_gather %masked_sort3A_458[%gather3A_461] in [0] : vector<16xf32>, vector<16xi32> -> vector<16xf32>
      %broadcast_in_dim3A_463 = vector.shape_cast %xor3A_6 : vector<16xi32> to vector<16x1xi32>
      %gather3A_464 = vector.shape_cast %broadcast_in_dim3A_463 : vector<16x1xi32> to vector<16xi32>
      %gather3A_465 = tpu.dynamic_gather %masked_sort3A_459[%gather3A_464] in [0] : vector<16xi32>, vector<16xi32> -> vector<16xi32>
      %eq3A_466 = arith.cmpf oeq, %masked_sort3A_458, %gather3A_462 : vector<16xf32>
      %lt3A_467 = arith.cmpi slt, %gather3A_465, %masked_sort3A_459 : vector<16xi32>
      %and3A_468 = arith.andi %eq3A_4, %lt3A_467 : vector<16xi1>
      %not3A_469 = arith.constant dense<true> : vector<16xi1>
      %not3A_470 = arith.xori %eq3A_4, %not3A_469 : vector<16xi1>
      %gt3A_471 = arith.cmpi sgt, %gather3A_465, %masked_sort3A_459 : vector<16xi32>
      %and3A_472 = arith.andi %not3A_470, %gt3A_471 : vector<16xi1>
      %or3A_473 = arith.ori %and3A_468, %and3A_472 : vector<16xi1>
      %and3A_474 = arith.andi %eq3A_466, %or3A_473 : vector<16xi1>
      %select_n3A_475 = arith.select %and3A_474, %gather3A_465, %masked_sort3A_459 : vector<16xi1>, vector<16xi32>
      %broadcast_in_dim3A_476 = vector.shape_cast %min3A_18 : vector<16xi32> to vector<16x1xi32>
      %gather3A_477 = vector.shape_cast %broadcast_in_dim3A_476 : vector<16x1xi32> to vector<16xi32>
      %gather3A_478 = tpu.dynamic_gather %masked_sort3A_458[%gather3A_477] in [0] : vector<16xf32>, vector<16xi32> -> vector<16xf32>
      %broadcast_in_dim3A_479 = vector.shape_cast %min3A_18 : vector<16xi32> to vector<16x1xi32>
      %gather3A_480 = vector.shape_cast %broadcast_in_dim3A_479 : vector<16x1xi32> to vector<16xi32>
      %gather3A_481 = tpu.dynamic_gather %select_n3A_475[%gather3A_480] in [0] : vector<16xi32>, vector<16xi32> -> vector<16xi32>
      %eq3A_482 = arith.cmpf oeq, %masked_sort3A_458, %gather3A_478 : vector<16xf32>
      %not3A_483 = arith.constant dense<true> : vector<16xi1>
      %not3A_484 = arith.xori %eq3A_4, %not3A_483 : vector<16xi1>
      %lt3A_485 = arith.cmpi slt, %gather3A_481, %select_n3A_475 : vector<16xi32>
      %and3A_486 = arith.andi %not3A_484, %lt3A_485 : vector<16xi1>
      %gt3A_487 = arith.cmpi sgt, %gather3A_481, %select_n3A_475 : vector<16xi32>
      %and3A_488 = arith.andi %eq3A_4, %gt3A_487 : vector<16xi1>
      %or3A_489 = arith.ori %and3A_486, %and3A_488 : vector<16xi1>
      %and3A_490 = arith.andi %eq3A_482, %or3A_489 : vector<16xi1>
      %select_n3A_491 = arith.select %and3A_490, %gather3A_481, %select_n3A_475 : vector<16xi1>, vector<16xi32>
      %masked_sort3A_492 = arith.constant dense<true> : vector<16xi1>
      %masked_sort3A_493, %masked_sort3A_494, %masked_sort3A_495 = tpu.sort %select_n3A_242, %select_n3A_244 masked %masked_sort3A_492 : (vector<16xf32>, vector<16xi32>, vector<16xi1>) -> (vector<16xi1>, vector<16xf32>, vector<16xi32>)
      %broadcast_in_dim3A_496 = vector.shape_cast %xor3A_6 : vector<16xi32> to vector<16x1xi32>
      %gather3A_497 = vector.shape_cast %broadcast_in_dim3A_496 : vector<16x1xi32> to vector<16xi32>
      %gather3A_498 = tpu.dynamic_gather %masked_sort3A_494[%gather3A_497] in [0] : vector<16xf32>, vector<16xi32> -> vector<16xf32>
      %broadcast_in_dim3A_499 = vector.shape_cast %xor3A_6 : vector<16xi32> to vector<16x1xi32>
      %gather3A_500 = vector.shape_cast %broadcast_in_dim3A_499 : vector<16x1xi32> to vector<16xi32>
      %gather3A_501 = tpu.dynamic_gather %masked_sort3A_495[%gather3A_500] in [0] : vector<16xi32>, vector<16xi32> -> vector<16xi32>
      %eq3A_502 = arith.cmpf oeq, %masked_sort3A_494, %gather3A_498 : vector<16xf32>
      %lt3A_503 = arith.cmpi slt, %gather3A_501, %masked_sort3A_495 : vector<16xi32>
      %and3A_504 = arith.andi %eq3A_4, %lt3A_503 : vector<16xi1>
      %not3A_505 = arith.constant dense<true> : vector<16xi1>
      %not3A_506 = arith.xori %eq3A_4, %not3A_505 : vector<16xi1>
      %gt3A_507 = arith.cmpi sgt, %gather3A_501, %masked_sort3A_495 : vector<16xi32>
      %and3A_508 = arith.andi %not3A_506, %gt3A_507 : vector<16xi1>
      %or3A_509 = arith.ori %and3A_504, %and3A_508 : vector<16xi1>
      %and3A_510 = arith.andi %eq3A_502, %or3A_509 : vector<16xi1>
      %select_n3A_511 = arith.select %and3A_510, %gather3A_501, %masked_sort3A_495 : vector<16xi1>, vector<16xi32>
      %broadcast_in_dim3A_512 = vector.shape_cast %min3A_18 : vector<16xi32> to vector<16x1xi32>
      %gather3A_513 = vector.shape_cast %broadcast_in_dim3A_512 : vector<16x1xi32> to vector<16xi32>
      %gather3A_514 = tpu.dynamic_gather %masked_sort3A_494[%gather3A_513] in [0] : vector<16xf32>, vector<16xi32> -> vector<16xf32>
      %broadcast_in_dim3A_515 = vector.shape_cast %min3A_18 : vector<16xi32> to vector<16x1xi32>
      %gather3A_516 = vector.shape_cast %broadcast_in_dim3A_515 : vector<16x1xi32> to vector<16xi32>
      %gather3A_517 = tpu.dynamic_gather %select_n3A_511[%gather3A_516] in [0] : vector<16xi32>, vector<16xi32> -> vector<16xi32>
      %eq3A_518 = arith.cmpf oeq, %masked_sort3A_494, %gather3A_514 : vector<16xf32>
      %not3A_519 = arith.constant dense<true> : vector<16xi1>
      %not3A_520 = arith.xori %eq3A_4, %not3A_519 : vector<16xi1>
      %lt3A_521 = arith.cmpi slt, %gather3A_517, %select_n3A_511 : vector<16xi32>
      %and3A_522 = arith.andi %not3A_520, %lt3A_521 : vector<16xi1>
      %gt3A_523 = arith.cmpi sgt, %gather3A_517, %select_n3A_511 : vector<16xi32>
      %and3A_524 = arith.andi %eq3A_4, %gt3A_523 : vector<16xi1>
      %or3A_525 = arith.ori %and3A_522, %and3A_524 : vector<16xi1>
      %and3A_526 = arith.andi %eq3A_518, %or3A_525 : vector<16xi1>
      %select_n3A_527 = arith.select %and3A_526, %gather3A_517, %select_n3A_511 : vector<16xi1>, vector<16xi32>
      %broadcast_in_dim3A_528 = vector.shape_cast %broadcast_in_dim3A_19 : vector<16xi32> to vector<16x1xi32>
      %gather3A_529 = vector.shape_cast %broadcast_in_dim3A_528 : vector<16x1xi32> to vector<16xi32>
      %gather3A_530 = tpu.dynamic_gather %masked_sort3A_246[%gather3A_529] in [0] : vector<16xf32>, vector<16xi32> -> vector<16xf32>
      %broadcast_in_dim3A_531 = vector.shape_cast %broadcast_in_dim3A_19 : vector<16xi32> to vector<16x1xi32>
      %gather3A_532 = vector.shape_cast %broadcast_in_dim3A_531 : vector<16x1xi32> to vector<16xi32>
      %gather3A_533 = tpu.dynamic_gather %select_n3A_275[%gather3A_532] in [0] : vector<16xi32>, vector<16xi32> -> vector<16xi32>
      %broadcast_in_dim3A_534 = vector.shape_cast %broadcast_in_dim3A_21 : vector<16xi32> to vector<16x1xi32>
      %gather3A_535 = vector.shape_cast %broadcast_in_dim3A_534 : vector<16x1xi32> to vector<16xi32>
      %gather3A_536 = tpu.dynamic_gather %masked_sort3A_278[%gather3A_535] in [0] : vector<16xf32>, vector<16xi32> -> vector<16xf32>
      %broadcast_in_dim3A_537 = vector.shape_cast %broadcast_in_dim3A_21 : vector<16xi32> to vector<16x1xi32>
      %gather3A_538 = vector.shape_cast %broadcast_in_dim3A_537 : vector<16x1xi32> to vector<16xi32>
      %gather3A_539 = tpu.dynamic_gather %select_n3A_311[%gather3A_538] in [0] : vector<16xi32>, vector<16xi32> -> vector<16xi32>
      %eq3A_540 = arith.cmpf oeq, %gather3A_530, %gather3A_536 : vector<16xf32>
      %gt3A_541 = arith.cmpi sgt, %gather3A_533, %gather3A_539 : vector<16xi32>
      %and3A_542 = arith.andi %eq3A_540, %gt3A_541 : vector<16xi1>
      %and3A_543 = arith.andi %and3A_542, %eq3A_24 : vector<16xi1>
      %select_n3A_544 = arith.select %and3A_543, %gather3A_539, %select_n3A_275 : vector<16xi1>, vector<16xi32>
      %and3A_545 = arith.andi %and3A_542, %eq3A_27 : vector<16xi1>
      %select_n3A_546 = arith.select %and3A_545, %gather3A_533, %select_n3A_311 : vector<16xi1>, vector<16xi32>
      %broadcast_in_dim3A_547 = vector.shape_cast %broadcast_in_dim3A_19 : vector<16xi32> to vector<16x1xi32>
      %gather3A_548 = vector.shape_cast %broadcast_in_dim3A_547 : vector<16x1xi32> to vector<16xi32>
      %gather3A_549 = tpu.dynamic_gather %masked_sort3A_278[%gather3A_548] in [0] : vector<16xf32>, vector<16xi32> -> vector<16xf32>
      %broadcast_in_dim3A_550 = vector.shape_cast %broadcast_in_dim3A_19 : vector<16xi32> to vector<16x1xi32>
      %gather3A_551 = vector.shape_cast %broadcast_in_dim3A_550 : vector<16x1xi32> to vector<16xi32>
      %gather3A_552 = tpu.dynamic_gather %select_n3A_546[%gather3A_551] in [0] : vector<16xi32>, vector<16xi32> -> vector<16xi32>
      %broadcast_in_dim3A_553 = vector.shape_cast %broadcast_in_dim3A_21 : vector<16xi32> to vector<16x1xi32>
      %gather3A_554 = vector.shape_cast %broadcast_in_dim3A_553 : vector<16x1xi32> to vector<16xi32>
      %gather3A_555 = tpu.dynamic_gather %masked_sort3A_314[%gather3A_554] in [0] : vector<16xf32>, vector<16xi32> -> vector<16xf32>
      %broadcast_in_dim3A_556 = vector.shape_cast %broadcast_in_dim3A_21 : vector<16xi32> to vector<16x1xi32>
      %gather3A_557 = vector.shape_cast %broadcast_in_dim3A_556 : vector<16x1xi32> to vector<16xi32>
      %gather3A_558 = tpu.dynamic_gather %select_n3A_347[%gather3A_557] in [0] : vector<16xi32>, vector<16xi32> -> vector<16xi32>
      %eq3A_559 = arith.cmpf oeq, %gather3A_549, %gather3A_555 : vector<16xf32>
      %gt3A_560 = arith.cmpi sgt, %gather3A_552, %gather3A_558 : vector<16xi32>
      %and3A_561 = arith.andi %eq3A_559, %gt3A_560 : vector<16xi1>
      %and3A_562 = arith.andi %and3A_561, %eq3A_24 : vector<16xi1>
      %select_n3A_563 = arith.select %and3A_562, %gather3A_558, %select_n3A_546 : vector<16xi1>, vector<16xi32>
      %and3A_564 = arith.andi %and3A_561, %eq3A_27 : vector<16xi1>
      %select_n3A_565 = arith.select %and3A_564, %gather3A_552, %select_n3A_347 : vector<16xi1>, vector<16xi32>
      %broadcast_in_dim3A_566 = vector.shape_cast %broadcast_in_dim3A_19 : vector<16xi32> to vector<16x1xi32>
      %gather3A_567 = vector.shape_cast %broadcast_in_dim3A_566 : vector<16x1xi32> to vector<16xi32>
      %gather3A_568 = tpu.dynamic_gather %masked_sort3A_314[%gather3A_567] in [0] : vector<16xf32>, vector<16xi32> -> vector<16xf32>
      %broadcast_in_dim3A_569 = vector.shape_cast %broadcast_in_dim3A_19 : vector<16xi32> to vector<16x1xi32>
      %gather3A_570 = vector.shape_cast %broadcast_in_dim3A_569 : vector<16x1xi32> to vector<16xi32>
      %gather3A_571 = tpu.dynamic_gather %select_n3A_565[%gather3A_570] in [0] : vector<16xi32>, vector<16xi32> -> vector<16xi32>
      %broadcast_in_dim3A_572 = vector.shape_cast %broadcast_in_dim3A_21 : vector<16xi32> to vector<16x1xi32>
      %gather3A_573 = vector.shape_cast %broadcast_in_dim3A_572 : vector<16x1xi32> to vector<16xi32>
      %gather3A_574 = tpu.dynamic_gather %masked_sort3A_350[%gather3A_573] in [0] : vector<16xf32>, vector<16xi32> -> vector<16xf32>
      %broadcast_in_dim3A_575 = vector.shape_cast %broadcast_in_dim3A_21 : vector<16xi32> to vector<16x1xi32>
      %gather3A_576 = vector.shape_cast %broadcast_in_dim3A_575 : vector<16x1xi32> to vector<16xi32>
      %gather3A_577 = tpu.dynamic_gather %select_n3A_383[%gather3A_576] in [0] : vector<16xi32>, vector<16xi32> -> vector<16xi32>
      %eq3A_578 = arith.cmpf oeq, %gather3A_568, %gather3A_574 : vector<16xf32>
      %gt3A_579 = arith.cmpi sgt, %gather3A_571, %gather3A_577 : vector<16xi32>
      %and3A_580 = arith.andi %eq3A_578, %gt3A_579 : vector<16xi1>
      %and3A_581 = arith.andi %and3A_580, %eq3A_24 : vector<16xi1>
      %select_n3A_582 = arith.select %and3A_581, %gather3A_577, %select_n3A_565 : vector<16xi1>, vector<16xi32>
      %and3A_583 = arith.andi %and3A_580, %eq3A_27 : vector<16xi1>
      %select_n3A_584 = arith.select %and3A_583, %gather3A_571, %select_n3A_383 : vector<16xi1>, vector<16xi32>
      %broadcast_in_dim3A_585 = vector.shape_cast %broadcast_in_dim3A_19 : vector<16xi32> to vector<16x1xi32>
      %gather3A_586 = vector.shape_cast %broadcast_in_dim3A_585 : vector<16x1xi32> to vector<16xi32>
      %gather3A_587 = tpu.dynamic_gather %masked_sort3A_350[%gather3A_586] in [0] : vector<16xf32>, vector<16xi32> -> vector<16xf32>
      %broadcast_in_dim3A_588 = vector.shape_cast %broadcast_in_dim3A_19 : vector<16xi32> to vector<16x1xi32>
      %gather3A_589 = vector.shape_cast %broadcast_in_dim3A_588 : vector<16x1xi32> to vector<16xi32>
      %gather3A_590 = tpu.dynamic_gather %select_n3A_584[%gather3A_589] in [0] : vector<16xi32>, vector<16xi32> -> vector<16xi32>
      %broadcast_in_dim3A_591 = vector.shape_cast %broadcast_in_dim3A_21 : vector<16xi32> to vector<16x1xi32>
      %gather3A_592 = vector.shape_cast %broadcast_in_dim3A_591 : vector<16x1xi32> to vector<16xi32>
      %gather3A_593 = tpu.dynamic_gather %masked_sort3A_386[%gather3A_592] in [0] : vector<16xf32>, vector<16xi32> -> vector<16xf32>
      %broadcast_in_dim3A_594 = vector.shape_cast %broadcast_in_dim3A_21 : vector<16xi32> to vector<16x1xi32>
      %gather3A_595 = vector.shape_cast %broadcast_in_dim3A_594 : vector<16x1xi32> to vector<16xi32>
      %gather3A_596 = tpu.dynamic_gather %select_n3A_419[%gather3A_595] in [0] : vector<16xi32>, vector<16xi32> -> vector<16xi32>
      %eq3A_597 = arith.cmpf oeq, %gather3A_587, %gather3A_593 : vector<16xf32>
      %gt3A_598 = arith.cmpi sgt, %gather3A_590, %gather3A_596 : vector<16xi32>
      %and3A_599 = arith.andi %eq3A_597, %gt3A_598 : vector<16xi1>
      %and3A_600 = arith.andi %and3A_599, %eq3A_24 : vector<16xi1>
      %select_n3A_601 = arith.select %and3A_600, %gather3A_596, %select_n3A_584 : vector<16xi1>, vector<16xi32>
      %and3A_602 = arith.andi %and3A_599, %eq3A_27 : vector<16xi1>
      %select_n3A_603 = arith.select %and3A_602, %gather3A_590, %select_n3A_419 : vector<16xi1>, vector<16xi32>
      %broadcast_in_dim3A_604 = vector.shape_cast %broadcast_in_dim3A_19 : vector<16xi32> to vector<16x1xi32>
      %gather3A_605 = vector.shape_cast %broadcast_in_dim3A_604 : vector<16x1xi32> to vector<16xi32>
      %gather3A_606 = tpu.dynamic_gather %masked_sort3A_386[%gather3A_605] in [0] : vector<16xf32>, vector<16xi32> -> vector<16xf32>
      %broadcast_in_dim3A_607 = vector.shape_cast %broadcast_in_dim3A_19 : vector<16xi32> to vector<16x1xi32>
      %gather3A_608 = vector.shape_cast %broadcast_in_dim3A_607 : vector<16x1xi32> to vector<16xi32>
      %gather3A_609 = tpu.dynamic_gather %select_n3A_603[%gather3A_608] in [0] : vector<16xi32>, vector<16xi32> -> vector<16xi32>
      %broadcast_in_dim3A_610 = vector.shape_cast %broadcast_in_dim3A_21 : vector<16xi32> to vector<16x1xi32>
      %gather3A_611 = vector.shape_cast %broadcast_in_dim3A_610 : vector<16x1xi32> to vector<16xi32>
      %gather3A_612 = tpu.dynamic_gather %masked_sort3A_422[%gather3A_611] in [0] : vector<16xf32>, vector<16xi32> -> vector<16xf32>
      %broadcast_in_dim3A_613 = vector.shape_cast %broadcast_in_dim3A_21 : vector<16xi32> to vector<16x1xi32>
      %gather3A_614 = vector.shape_cast %broadcast_in_dim3A_613 : vector<16x1xi32> to vector<16xi32>
      %gather3A_615 = tpu.dynamic_gather %select_n3A_455[%gather3A_614] in [0] : vector<16xi32>, vector<16xi32> -> vector<16xi32>
      %eq3A_616 = arith.cmpf oeq, %gather3A_606, %gather3A_612 : vector<16xf32>
      %gt3A_617 = arith.cmpi sgt, %gather3A_609, %gather3A_615 : vector<16xi32>
      %and3A_618 = arith.andi %eq3A_616, %gt3A_617 : vector<16xi1>
      %and3A_619 = arith.andi %and3A_618, %eq3A_24 : vector<16xi1>
      %select_n3A_620 = arith.select %and3A_619, %gather3A_615, %select_n3A_603 : vector<16xi1>, vector<16xi32>
      %and3A_621 = arith.andi %and3A_618, %eq3A_27 : vector<16xi1>
      %select_n3A_622 = arith.select %and3A_621, %gather3A_609, %select_n3A_455 : vector<16xi1>, vector<16xi32>
      %broadcast_in_dim3A_623 = vector.shape_cast %broadcast_in_dim3A_19 : vector<16xi32> to vector<16x1xi32>
      %gather3A_624 = vector.shape_cast %broadcast_in_dim3A_623 : vector<16x1xi32> to vector<16xi32>
      %gather3A_625 = tpu.dynamic_gather %masked_sort3A_422[%gather3A_624] in [0] : vector<16xf32>, vector<16xi32> -> vector<16xf32>
      %broadcast_in_dim3A_626 = vector.shape_cast %broadcast_in_dim3A_19 : vector<16xi32> to vector<16x1xi32>
      %gather3A_627 = vector.shape_cast %broadcast_in_dim3A_626 : vector<16x1xi32> to vector<16xi32>
      %gather3A_628 = tpu.dynamic_gather %select_n3A_622[%gather3A_627] in [0] : vector<16xi32>, vector<16xi32> -> vector<16xi32>
      %broadcast_in_dim3A_629 = vector.shape_cast %broadcast_in_dim3A_21 : vector<16xi32> to vector<16x1xi32>
      %gather3A_630 = vector.shape_cast %broadcast_in_dim3A_629 : vector<16x1xi32> to vector<16xi32>
      %gather3A_631 = tpu.dynamic_gather %masked_sort3A_458[%gather3A_630] in [0] : vector<16xf32>, vector<16xi32> -> vector<16xf32>
      %broadcast_in_dim3A_632 = vector.shape_cast %broadcast_in_dim3A_21 : vector<16xi32> to vector<16x1xi32>
      %gather3A_633 = vector.shape_cast %broadcast_in_dim3A_632 : vector<16x1xi32> to vector<16xi32>
      %gather3A_634 = tpu.dynamic_gather %select_n3A_491[%gather3A_633] in [0] : vector<16xi32>, vector<16xi32> -> vector<16xi32>
      %eq3A_635 = arith.cmpf oeq, %gather3A_625, %gather3A_631 : vector<16xf32>
      %gt3A_636 = arith.cmpi sgt, %gather3A_628, %gather3A_634 : vector<16xi32>
      %and3A_637 = arith.andi %eq3A_635, %gt3A_636 : vector<16xi1>
      %and3A_638 = arith.andi %and3A_637, %eq3A_24 : vector<16xi1>
      %select_n3A_639 = arith.select %and3A_638, %gather3A_634, %select_n3A_622 : vector<16xi1>, vector<16xi32>
      %and3A_640 = arith.andi %and3A_637, %eq3A_27 : vector<16xi1>
      %select_n3A_641 = arith.select %and3A_640, %gather3A_628, %select_n3A_491 : vector<16xi1>, vector<16xi32>
      %broadcast_in_dim3A_642 = vector.shape_cast %broadcast_in_dim3A_19 : vector<16xi32> to vector<16x1xi32>
      %gather3A_643 = vector.shape_cast %broadcast_in_dim3A_642 : vector<16x1xi32> to vector<16xi32>
      %gather3A_644 = tpu.dynamic_gather %masked_sort3A_458[%gather3A_643] in [0] : vector<16xf32>, vector<16xi32> -> vector<16xf32>
      %broadcast_in_dim3A_645 = vector.shape_cast %broadcast_in_dim3A_19 : vector<16xi32> to vector<16x1xi32>
      %gather3A_646 = vector.shape_cast %broadcast_in_dim3A_645 : vector<16x1xi32> to vector<16xi32>
      %gather3A_647 = tpu.dynamic_gather %select_n3A_641[%gather3A_646] in [0] : vector<16xi32>, vector<16xi32> -> vector<16xi32>
      %broadcast_in_dim3A_648 = vector.shape_cast %broadcast_in_dim3A_21 : vector<16xi32> to vector<16x1xi32>
      %gather3A_649 = vector.shape_cast %broadcast_in_dim3A_648 : vector<16x1xi32> to vector<16xi32>
      %gather3A_650 = tpu.dynamic_gather %masked_sort3A_494[%gather3A_649] in [0] : vector<16xf32>, vector<16xi32> -> vector<16xf32>
      %broadcast_in_dim3A_651 = vector.shape_cast %broadcast_in_dim3A_21 : vector<16xi32> to vector<16x1xi32>
      %gather3A_652 = vector.shape_cast %broadcast_in_dim3A_651 : vector<16x1xi32> to vector<16xi32>
      %gather3A_653 = tpu.dynamic_gather %select_n3A_527[%gather3A_652] in [0] : vector<16xi32>, vector<16xi32> -> vector<16xi32>
      %eq3A_654 = arith.cmpf oeq, %gather3A_644, %gather3A_650 : vector<16xf32>
      %gt3A_655 = arith.cmpi sgt, %gather3A_647, %gather3A_653 : vector<16xi32>
      %and3A_656 = arith.andi %eq3A_654, %gt3A_655 : vector<16xi1>
      %and3A_657 = arith.andi %and3A_656, %eq3A_24 : vector<16xi1>
      %select_n3A_658 = arith.select %and3A_657, %gather3A_653, %select_n3A_641 : vector<16xi1>, vector<16xi32>
      %and3A_659 = arith.andi %and3A_656, %eq3A_27 : vector<16xi1>
      %select_n3A_660 = arith.select %and3A_659, %gather3A_647, %select_n3A_527 : vector<16xi1>, vector<16xi32>
      %swap3A = arith.index_cast %mul3A_127 : i32 to index
      %swap3A_661 = tpu.vector_load %arg5[%swap3A] {strides = array<i32>} : memref<1024xf32, #tpu.memory_space<vmem>>, vector<16xf32>,
      tpu.vector_store %arg5[%swap3A], %masked_sort3A_246 {strides = array<i32>} : memref<1024xf32, #tpu.memory_space<vmem>>, vector<16xf32>,
      %swap3A_662 = arith.index_cast %mul3A_127 : i32 to index
      %swap3A_663 = tpu.vector_load %arg6[%swap3A_662] {strides = array<i32>} : memref<1024xi32, #tpu.memory_space<vmem>>, vector<16xi32>,
      tpu.vector_store %arg6[%swap3A_662], %select_n3A_544 {strides = array<i32>} : memref<1024xi32, #tpu.memory_space<vmem>>, vector<16xi32>,
      %swap3A_664 = arith.index_cast %mul3A_131 : i32 to index
      %swap3A_665 = tpu.vector_load %arg5[%swap3A_664] {strides = array<i32>} : memref<1024xf32, #tpu.memory_space<vmem>>, vector<16xf32>,
      tpu.vector_store %arg5[%swap3A_664], %masked_sort3A_278 {strides = array<i32>} : memref<1024xf32, #tpu.memory_space<vmem>>, vector<16xf32>,
      %swap3A_666 = arith.index_cast %mul3A_131 : i32 to index
      %swap3A_667 = tpu.vector_load %arg6[%swap3A_666] {strides = array<i32>} : memref<1024xi32, #tpu.memory_space<vmem>>, vector<16xi32>,
      tpu.vector_store %arg6[%swap3A_666], %select_n3A_563 {strides = array<i32>} : memref<1024xi32, #tpu.memory_space<vmem>>, vector<16xi32>,
      %swap3A_668 = arith.index_cast %mul3A_135 : i32 to index
      %swap3A_669 = tpu.vector_load %arg5[%swap3A_668] {strides = array<i32>} : memref<1024xf32, #tpu.memory_space<vmem>>, vector<16xf32>,
      tpu.vector_store %arg5[%swap3A_668], %masked_sort3A_314 {strides = array<i32>} : memref<1024xf32, #tpu.memory_space<vmem>>, vector<16xf32>,
      %swap3A_670 = arith.index_cast %mul3A_135 : i32 to index
      %swap3A_671 = tpu.vector_load %arg6[%swap3A_670] {strides = array<i32>} : memref<1024xi32, #tpu.memory_space<vmem>>, vector<16xi32>,
      tpu.vector_store %arg6[%swap3A_670], %select_n3A_582 {strides = array<i32>} : memref<1024xi32, #tpu.memory_space<vmem>>, vector<16xi32>,
      %swap3A_672 = arith.index_cast %mul3A_139 : i32 to index
      %swap3A_673 = tpu.vector_load %arg5[%swap3A_672] {strides = array<i32>} : memref<1024xf32, #tpu.memory_space<vmem>>, vector<16xf32>,
      tpu.vector_store %arg5[%swap3A_672], %masked_sort3A_350 {strides = array<i32>} : memref<1024xf32, #tpu.memory_space<vmem>>, vector<16xf32>,
      %swap3A_674 = arith.index_cast %mul3A_139 : i32 to index
      %swap3A_675 = tpu.vector_load %arg6[%swap3A_674] {strides = array<i32>} : memref<1024xi32, #tpu.memory_space<vmem>>, vector<16xi32>,
      tpu.vector_store %arg6[%swap3A_674], %select_n3A_601 {strides = array<i32>} : memref<1024xi32, #tpu.memory_space<vmem>>, vector<16xi32>,
      %swap3A_676 = arith.index_cast %mul3A_143 : i32 to index
      %swap3A_677 = tpu.vector_load %arg5[%swap3A_676] {strides = array<i32>} : memref<1024xf32, #tpu.memory_space<vmem>>, vector<16xf32>,
      tpu.vector_store %arg5[%swap3A_676], %masked_sort3A_386 {strides = array<i32>} : memref<1024xf32, #tpu.memory_space<vmem>>, vector<16xf32>,
      %swap3A_678 = arith.index_cast %mul3A_143 : i32 to index
      %swap3A_679 = tpu.vector_load %arg6[%swap3A_678] {strides = array<i32>} : memref<1024xi32, #tpu.memory_space<vmem>>, vector<16xi32>,
      tpu.vector_store %arg6[%swap3A_678], %select_n3A_620 {strides = array<i32>} : memref<1024xi32, #tpu.memory_space<vmem>>, vector<16xi32>,
      %swap3A_680 = arith.index_cast %mul3A_147 : i32 to index
      %swap3A_681 = tpu.vector_load %arg5[%swap3A_680] {strides = array<i32>} : memref<1024xf32, #tpu.memory_space<vmem>>, vector<16xf32>,
      tpu.vector_store %arg5[%swap3A_680], %masked_sort3A_422 {strides = array<i32>} : memref<1024xf32, #tpu.memory_space<vmem>>, vector<16xf32>,
      %swap3A_682 = arith.index_cast %mul3A_147 : i32 to index
      %swap3A_683 = tpu.vector_load %arg6[%swap3A_682] {strides = array<i32>} : memref<1024xi32, #tpu.memory_space<vmem>>, vector<16xi32>,
      tpu.vector_store %arg6[%swap3A_682], %select_n3A_639 {strides = array<i32>} : memref<1024xi32, #tpu.memory_space<vmem>>, vector<16xi32>,
      %swap3A_684 = arith.index_cast %mul3A_151 : i32 to index
      %swap3A_685 = tpu.vector_load %arg5[%swap3A_684] {strides = array<i32>} : memref<1024xf32, #tpu.memory_space<vmem>>, vector<16xf32>,
      tpu.vector_store %arg5[%swap3A_684], %masked_sort3A_458 {strides = array<i32>} : memref<1024xf32, #tpu.memory_space<vmem>>, vector<16xf32>,
      %swap3A_686 = arith.index_cast %mul3A_151 : i32 to index
      %swap3A_687 = tpu.vector_load %arg6[%swap3A_686] {strides = array<i32>} : memref<1024xi32, #tpu.memory_space<vmem>>, vector<16xi32>,
      tpu.vector_store %arg6[%swap3A_686], %select_n3A_658 {strides = array<i32>} : memref<1024xi32, #tpu.memory_space<vmem>>, vector<16xi32>,
      %swap3A_688 = arith.index_cast %mul3A_155 : i32 to index
      %swap3A_689 = tpu.vector_load %arg5[%swap3A_688] {strides = array<i32>} : memref<1024xf32, #tpu.memory_space<vmem>>, vector<16xf32>,
      tpu.vector_store %arg5[%swap3A_688], %masked_sort3A_494 {strides = array<i32>} : memref<1024xf32, #tpu.memory_space<vmem>>, vector<16xf32>,
      %swap3A_690 = arith.index_cast %mul3A_155 : i32 to index
      %swap3A_691 = tpu.vector_load %arg6[%swap3A_690] {strides = array<i32>} : memref<1024xi32, #tpu.memory_space<vmem>>, vector<16xi32>,
      tpu.vector_store %arg6[%swap3A_690], %select_n3A_660 {strides = array<i32>} : memref<1024xi32, #tpu.memory_space<vmem>>, vector<16xi32>,
    }
    %scan3A_111 = arith.constant 8 : i32
    %scan3A_112 = arith.constant 0 : i32
    %scan3A_113 = arith.constant 7 : i32
    %scan3A_114 = arith.addi %scan3A_112, %scan3A_113 : i32
    %scan3A_115 = arith.constant 1 : i32
    scf.for %scan3A_117 = %scan3A_112 to %scan3A_114 step %scan3A_115  : i32 {
      %mul3A_118 = arith.constant 1 : i32
      %mul3A_119 = arith.muli %scan3A_117, %mul3A_118 : i32
      %add3A_120 = arith.constant 0 : i32
      %add3A_121 = arith.addi %add3A_120, %mul3A_119 : i32
      %mul3A_122 = arith.constant 8 : i32
      %mul3A_123 = arith.muli %mul3A_122, %add3A_121 : i32
      %add3A_124 = arith.constant 7 : i32
      %add3A_125 = arith.addi %mul3A_123, %add3A_124 : i32
      %mul3A_126 = arith.constant 16 : i32
      %mul3A_127 = arith.muli %add3A_125, %mul3A_126 : i32
      %add3A_128 = arith.constant 1 : i32
      %add3A_129 = arith.addi %add3A_125, %add3A_128 : i32
      %mul3A_130 = arith.constant 16 : i32
      %mul3A_131 = arith.muli %add3A_129, %mul3A_130 : i32
      %get3A = arith.index_cast %mul3A_127 : i32 to index
      %get3A_132 = tpu.vector_load %arg5[%get3A] {strides = array<i32>} : memref<1024xf32, #tpu.memory_space<vmem>>, vector<16xf32>,
      %get3A_133 = arith.index_cast %mul3A_127 : i32 to index
      %get3A_134 = tpu.vector_load %arg6[%get3A_133] {strides = array<i32>} : memref<1024xi32, #tpu.memory_space<vmem>>, vector<16xi32>,
      %get3A_135 = arith.index_cast %mul3A_131 : i32 to index
      %get3A_136 = tpu.vector_load %arg5[%get3A_135] {strides = array<i32>} : memref<1024xf32, #tpu.memory_space<vmem>>, vector<16xf32>,
      %get3A_137 = arith.index_cast %mul3A_131 : i32 to index
      %get3A_138 = tpu.vector_load %arg6[%get3A_137] {strides = array<i32>} : memref<1024xi32, #tpu.memory_space<vmem>>, vector<16xi32>,
      %broadcast_in_dim3A_139 = vector.shape_cast %broadcast_in_dim3A_19 : vector<16xi32> to vector<16x1xi32>
      %gather3A = vector.shape_cast %broadcast_in_dim3A_139 : vector<16x1xi32> to vector<16xi32>
      %gather3A_140 = tpu.dynamic_gather %get3A_132[%gather3A] in [0] : vector<16xf32>, vector<16xi32> -> vector<16xf32>
      %broadcast_in_dim3A_141 = vector.shape_cast %broadcast_in_dim3A_19 : vector<16xi32> to vector<16x1xi32>
      %gather3A_142 = vector.shape_cast %broadcast_in_dim3A_141 : vector<16x1xi32> to vector<16xi32>
      %gather3A_143 = tpu.dynamic_gather %get3A_134[%gather3A_142] in [0] : vector<16xi32>, vector<16xi32> -> vector<16xi32>
      %broadcast_in_dim3A_144 = vector.shape_cast %broadcast_in_dim3A_21 : vector<16xi32> to vector<16x1xi32>
      %gather3A_145 = vector.shape_cast %broadcast_in_dim3A_144 : vector<16x1xi32> to vector<16xi32>
      %gather3A_146 = tpu.dynamic_gather %get3A_136[%gather3A_145] in [0] : vector<16xf32>, vector<16xi32> -> vector<16xf32>
      %broadcast_in_dim3A_147 = vector.shape_cast %broadcast_in_dim3A_21 : vector<16xi32> to vector<16x1xi32>
      %gather3A_148 = vector.shape_cast %broadcast_in_dim3A_147 : vector<16x1xi32> to vector<16xi32>
      %gather3A_149 = tpu.dynamic_gather %get3A_138[%gather3A_148] in [0] : vector<16xi32>, vector<16xi32> -> vector<16xi32>
      %eq3A_150 = arith.cmpf oeq, %gather3A_140, %gather3A_146 : vector<16xf32>
      %gt3A = arith.cmpi sgt, %gather3A_143, %gather3A_149 : vector<16xi32>
      %and3A_151 = arith.andi %eq3A_150, %gt3A : vector<16xi1>
      %and3A_152 = arith.andi %and3A_151, %eq3A_24 : vector<16xi1>
      %select_n3A = arith.select %and3A_152, %gather3A_149, %get3A_134 : vector<16xi1>, vector<16xi32>
      %and3A_153 = arith.andi %and3A_151, %eq3A_27 : vector<16xi1>
      %select_n3A_154 = arith.select %and3A_153, %gather3A_143, %get3A_138 : vector<16xi1>, vector<16xi32>
      %swap3A = arith.index_cast %mul3A_127 : i32 to index
      %swap3A_155 = tpu.vector_load %arg6[%swap3A] {strides = array<i32>} : memref<1024xi32, #tpu.memory_space<vmem>>, vector<16xi32>,
      tpu.vector_store %arg6[%swap3A], %select_n3A {strides = array<i32>} : memref<1024xi32, #tpu.memory_space<vmem>>, vector<16xi32>,
      %swap3A_156 = arith.index_cast %mul3A_131 : i32 to index
      %swap3A_157 = tpu.vector_load %arg6[%swap3A_156] {strides = array<i32>} : memref<1024xi32, #tpu.memory_space<vmem>>, vector<16xi32>,
      tpu.vector_store %arg6[%swap3A_156], %select_n3A_154 {strides = array<i32>} : memref<1024xi32, #tpu.memory_space<vmem>>, vector<16xi32>,
    }
    %scan3A_116 = arith.constant 7 : i32
    "tpu.region"() ({
      %run_scoped3A = tpu.sem_alloc : memref<!tpu.dma_semaphore, #tpu.memory_space<semaphore_mem>>
      %dma_start3A = arith.constant 0 : i32
      %dma_start3A_117 = tpu.memref_slice %arg3[%add3A, %dma_start3A] : memref<32x1024xf32, #tpu.memory_space<hbm>> -> memref<1x1024xf32, #tpu.memory_space<hbm>>
      %dma_start3A_118 = tpu.memref_squeeze %dma_start3A_117 : memref<1x1024xf32, #tpu.memory_space<hbm>> -> memref<1024xf32, #tpu.memory_space<hbm>>
      %dma_start3A_119 = arith.constant 0 : i32
      %dma_start3A_120 = tpu.memref_slice %arg3[%add3A, %dma_start3A_119] : memref<32x1024xf32, #tpu.memory_space<hbm>> -> memref<1x1024xf32, #tpu.memory_space<hbm>>
      %dma_start3A_121 = tpu.memref_squeeze %dma_start3A_120 : memref<1x1024xf32, #tpu.memory_space<hbm>> -> memref<1024xf32, #tpu.memory_space<hbm>>
      tpu.enqueue_dma source(%arg5 : memref<1024xf32, #tpu.memory_space<vmem>>) target(%dma_start3A_121 : memref<1024xf32, #tpu.memory_space<hbm>>) target_semaphore(%run_scoped3A : memref<!tpu.dma_semaphore, #tpu.memory_space<semaphore_mem>>)
      %dma_wait3A = arith.constant 0 : i32
      %dma_wait3A_122 = tpu.memref_slice %arg3[%add3A, %dma_wait3A] : memref<32x1024xf32, #tpu.memory_space<hbm>> -> memref<1x1024xf32, #tpu.memory_space<hbm>>
      %dma_wait3A_123 = tpu.memref_squeeze %dma_wait3A_122 : memref<1x1024xf32, #tpu.memory_space<hbm>> -> memref<1024xf32, #tpu.memory_space<hbm>>
      %dma_wait3A_124 = arith.constant 0 : i32
      %dma_wait3A_125 = tpu.memref_slice %arg3[%add3A, %dma_wait3A_124] : memref<32x1024xf32, #tpu.memory_space<hbm>> -> memref<1x1024xf32, #tpu.memory_space<hbm>>
      %dma_wait3A_126 = tpu.memref_squeeze %dma_wait3A_125 : memref<1x1024xf32, #tpu.memory_space<hbm>> -> memref<1024xf32, #tpu.memory_space<hbm>>
      tpu.wait_dma2 semaphore(%run_scoped3A : memref<!tpu.dma_semaphore, #tpu.memory_space<semaphore_mem>>) src(%arg5 : memref<1024xf32, #tpu.memory_space<vmem>>) dst(%dma_wait3A_126 : memref<1024xf32, #tpu.memory_space<hbm>>)
      tpu.yield
    }) : () -> ()
    "tpu.region"() ({
      %run_scoped3A = tpu.sem_alloc : memref<!tpu.dma_semaphore, #tpu.memory_space<semaphore_mem>>
      %dma_start3A = arith.constant 0 : i32
      %dma_start3A_117 = tpu.memref_slice %arg4[%add3A, %dma_start3A] : memref<32x1024xi32, #tpu.memory_space<hbm>> -> memref<1x1024xi32, #tpu.memory_space<hbm>>
      %dma_start3A_118 = tpu.memref_squeeze %dma_start3A_117 : memref<1x1024xi32, #tpu.memory_space<hbm>> -> memref<1024xi32, #tpu.memory_space<hbm>>
      %dma_start3A_119 = arith.constant 0 : i32
      %dma_start3A_120 = tpu.memref_slice %arg4[%add3A, %dma_start3A_119] : memref<32x1024xi32, #tpu.memory_space<hbm>> -> memref<1x1024xi32, #tpu.memory_space<hbm>>
      %dma_start3A_121 = tpu.memref_squeeze %dma_start3A_120 : memref<1x1024xi32, #tpu.memory_space<hbm>> -> memref<1024xi32, #tpu.memory_space<hbm>>
      tpu.enqueue_dma source(%arg6 : memref<1024xi32, #tpu.memory_space<vmem>>) target(%dma_start3A_121 : memref<1024xi32, #tpu.memory_space<hbm>>) target_semaphore(%run_scoped3A : memref<!tpu.dma_semaphore, #tpu.memory_space<semaphore_mem>>)
      %dma_wait3A = arith.constant 0 : i32
      %dma_wait3A_122 = tpu.memref_slice %arg4[%add3A, %dma_wait3A] : memref<32x1024xi32, #tpu.memory_space<hbm>> -> memref<1x1024xi32, #tpu.memory_space<hbm>>
      %dma_wait3A_123 = tpu.memref_squeeze %dma_wait3A_122 : memref<1x1024xi32, #tpu.memory_space<hbm>> -> memref<1024xi32, #tpu.memory_space<hbm>>
      %dma_wait3A_124 = arith.constant 0 : i32
      %dma_wait3A_125 = tpu.memref_slice %arg4[%add3A, %dma_wait3A_124] : memref<32x1024xi32, #tpu.memory_space<hbm>> -> memref<1x1024xi32, #tpu.memory_space<hbm>>
      %dma_wait3A_126 = tpu.memref_squeeze %dma_wait3A_125 : memref<1x1024xi32, #tpu.memory_space<hbm>> -> memref<1024xi32, #tpu.memory_space<hbm>>
      tpu.wait_dma2 semaphore(%run_scoped3A : memref<!tpu.dma_semaphore, #tpu.memory_space<semaphore_mem>>) src(%arg6 : memref<1024xi32, #tpu.memory_space<vmem>>) dst(%dma_wait3A_126 : memref<1024xi32, #tpu.memory_space<hbm>>)
      tpu.yield
    }) : () -> ()
    return
  }
}

module attributes {stable_mosaic.version = 14 : i64} {
  func.func @_mm_body(%arg0: memref<32x128xf32, #tpu.memory_space<vmem>>, %arg1: memref<1024x128xf32, #tpu.memory_space<vmem>>, %arg2: memref<32x1024xf32, #tpu.memory_space<vmem>>) attributes {dimension_semantics = [], scalar_prefetch = 0 : i64, scratch_operands = 0 : i64, tpu.core_type = #tpu.core_type<tc>} {
    %get3A = arith.constant 0 : index
    %get3A_0 = arith.constant 0 : index
    %get3A_1 = vector.load %arg0[%get3A, %get3A_0] : memref<32x128xf32, #tpu.memory_space<vmem>>, vector<32x128xf32>
    %get3A_2 = arith.constant 0 : index
    %get3A_3 = arith.constant 0 : index
    %get3A_4 = vector.load %arg1[%get3A_2, %get3A_3] : memref<1024x128xf32, #tpu.memory_space<vmem>>, vector<1024x128xf32>
    %dot_general3A = arith.constant dense<0.000000e+00> : vector<32x1024xf32>
    %dot_general3A_5 = tpu.matmul %get3A_1, %get3A_4, %dot_general3A {dimension_numbers = #tpu.dot_dimension_numbers<[1], [1], [0], [0], [0, 0, 1, 0], [], []>, transpose_lhs_hint = false} : vector<32x128xf32>, vector<1024x128xf32>, vector<32x1024xf32> -> vector<32x1024xf32>
    %swap3A = arith.constant 0 : index
    %swap3A_6 = arith.constant 0 : index
    %swap3A_7 = vector.load %arg2[%swap3A, %swap3A_6] : memref<32x1024xf32, #tpu.memory_space<vmem>>, vector<32x1024xf32>
    tpu.vector_store %arg2[%swap3A, %swap3A_6], %dot_general3A_5 {strides = array<i32>} : memref<32x1024xf32, #tpu.memory_space<vmem>>, vector<32x1024xf32>,
    return
  }
}

</mosaic_0001>

<sc_bundles>
// kernel: kernel.4.cloned.1.call-start
scs
__scs_entry_jumppad:
0x0: {  	(pc) =	sbr.rel $0x88, $3  }
0x1: {  	(tag) =	ssettag $0x0;
	lr =	simm.s32 $0x1  }
0x2: {  	[smem:$0x3F9E] =	sst lr;
	_ =	strace $0xD0000000  }
0x3: {  	_ = 	snop  }
0x4: {  	_ = 	snop  }
0x5: {  	_ = 	snop  }
0x6: {  	_ = 	snop  }
0x7: {  	_ = 	snop  }
__scs_overlays_trampoline_lowered:
0x8: {  	[smem:$0x3FAD] =	sst s0  }
0x9: {  	[smem:$0x3FAE] =	sst s1  }
0xa: {  	[smem:$0x3FAF] =	sst s2  }
0xb: {  	[smem:$0x3FB0] =	sst s3  }
0xc: {  	[smem:$0x3FB1] =	sst s4  }
0xd: {  	[smem:$0x3FB2] =	sst s5  }
0xe: {  	[smem:$0x3FB3] =	sst s6  }
0xf: {  	[smem:$0x3FB4] =	sst s7  }
0x10: {  	[smem:$0x3FB5] =	sst s8  }
0x11: {  	[smem:$0x3FB6] =	sst s9;
	s0 =	simm.s32 @!p0 $0x0  }
0x12: {  	s1 =	sld [smem:$0x3F9C];
	s0 =	simm.s32 @p0 $0x1  }
0x13: {  	[smem:$0x3FB7] =	sst s0;
	s0 =	simm.s32 @!p1 $0x0  }
0x14: {  	s2 =	sld [smem:$0x3F9B];
	s0 =	simm.s32 @p1 $0x1  }
0x15: {  	[smem:$0x3FB8] =	sst s0;
	s0 =	simm.s32 @!p2 $0x0  }
0x16: {  	s3 =	sld [smem:$0x3FDB];
	s0 =	simm.s32 @p2 $0x1  }
0x17: {  	s4 =	simm.s32 $0x1BF5;
	[smem:$0x3FBA] =	sst s0  }
0x18: {  	s0 =	sld [smem:$0x3F9D];
	_ =	swait.ge [sflag:s4], $0x0  }
0x19: {  	s7 =	sld [smem:$0x3F9E]  }
0x1a: {  	s8 =	sadd.s32 $0xFFFFE003, lr  }
0x1b: {  	s9 =	sadd.s32 $0xFFFFFEF7, lr;
	s5 =	simm.s32 $0xFFFFFFFF;
	p2 =	slt.u32 s8, $0xFFFFF086  }
0x1c: {  	p1 =	slt.u32 s9, $0xF7A;
	s5 =	simm.s32 @!p2 $0x0  }
0x1d: {  	s5 =	simm.s32 @p1 $0x1;
	p0 =	seq.s32 s7, s2  }
0x1e: {  	s7 =	smul.u32 @!p0 $0xF7A, s2;
	p2 =	seq.s32 @!p0 s5, $0x0  }
0x1f: {  	s9 =	smul.u32 $0xF7A, s1;
	s8 =	simm.s32 @!p0 $0x1BF5;
	p2 =	por !p2, p0  }
0x20: {  	[sflag:s8] =	ssyncset.s32 @!p0 $0xFFFFF086;
	s6 =	sadd.s32 @!p0 s3, s7;
	s7 =	simm.s32 @!p0 $0x108  }
0x21: {  	s3 =	sadd.s32 s3, s9;
	s6 =	sadd.s32 @!p0 $0x88, s6;
	s7 =	simm.s32 @p2 $0x1082  }
0x22: {  	[simem:s7], [sflag:s8] =	dma.local @!p0 [hbm:s6], $0xF7A  }
0x23: {  	s9 =	sor.u32 $0xD0000000, s2;
	s6 =	simm.s32 $0x108;
	_ =	swait.ge @!p0 [sflag:s8], $0x0  }
0x24: {  	s3 =	sadd.s32 $0x88, s3;
	s6 =	simm.s32 @!p1 $0x1082;
	[sflag:s4] =	ssyncset.s32 $0xFFFFF086  }
0x25: {  	[simem:s6], [sflag:s4] =	dma.local [hbm:s3], $0xF7A  }
0x26: {  	[smem:$0x3F9E] =	sst s1;
	(tag) =	ssettag s2;
	_ =	strace s9  }
0x27: {  	s1 =	sld [smem:$0x3FAE]  }
0x28: {  	s2 =	sld [smem:$0x3FAF]  }
0x29: {  	s4 =	sld [smem:$0x3FB1]  }
0x2a: {  	p0 =	seq.s32 s5, $0x0;
	s5 =	sld [smem:$0x3FB2]  }
0x2b: {  	s6 =	sld [smem:$0x3FB3]  }
0x2c: {  	s7 =	sld [smem:$0x3FB4]  }
0x2d: {  	s3 =	simm.s32 $0x108;
	s8 =	sld [smem:$0x3FB5]  }
0x2e: {  	s3 =	simm.s32 @!p0 $0x1082;
	s9 =	sld [smem:$0x3FB6]  }
0x2f: {  	lr =	sadd.s32 s0, s3;
	s0 =	sld [smem:$0x3FAD]  }
0x30: {  	s3 =	sld [smem:$0x3FB0]  }
0x31: {  	[smem:$0x3FB9] =	sst s10  }
0x32: {  	s10 =	sld [smem:$0x3FB7];
	_ =	sdelay $0x3  }
0x33: {  	p0 =	seq.s32 s10, $0x1;
	s10 =	sld [smem:$0x3FB9];
	_ =	sdelay $0x3  }
0x34: {  	[smem:$0x3FB9] =	sst s10  }
0x35: {  	s10 =	sld [smem:$0x3FB8];
	_ =	sdelay $0x3  }
0x36: {  	p1 =	seq.s32 s10, $0x1;
	s10 =	sld [smem:$0x3FB9];
	_ =	sdelay $0x3  }
0x37: {  	[smem:$0x3FB9] =	sst s10  }
0x38: {  	s10 =	sld [smem:$0x3FBA]  }
0x39: {  	_ = 	snop;
	(pc) =	sbr.ind lr, $3  }
0x3a: {  	_ = 	snop  }
0x3b: {  	_ = 	snop  }
0x3c: {  	p2 =	seq.s32 s10, $0x1;
	s10 =	sld [smem:$0x3FB9]  }
0x3d: {  	_ =	shalt  }
0x3e: {  	_ =	shalt  }
0x3f: {  	_ =	shalt  }
0x40: {  	_ =	shalt  }
0x41: {  	_ =	shalt  }
0x42: {  	_ =	shalt  }
0x43: {  	_ =	shalt  }
0x44: {  	_ =	shalt  }
0x45: {  	_ =	shalt  }
0x46: {  	_ =	shalt  }
0x47: {  	_ =	shalt  }
0x48: {  	_ =	shalt  }
0x49: {  	_ =	shalt  }
0x4a: {  	_ =	shalt  }
0x4b: {  	_ =	shalt  }
0x4c: {  	_ =	shalt  }
0x4d: {  	_ =	shalt  }
0x4e: {  	_ =	shalt  }
0x4f: {  	_ =	shalt  }
0x50: {  	_ =	shalt  }
0x51: {  	_ =	shalt  }
0x52: {  	_ =	shalt  }
0x53: {  	_ =	shalt  }
0x54: {  	_ =	shalt  }
0x55: {  	_ =	shalt  }
0x56: {  	_ =	shalt  }
0x57: {  	_ =	shalt  }
0x58: {  	_ =	shalt  }
0x59: {  	_ =	shalt  }
0x5a: {  	_ =	shalt  }
0x5b: {  	_ =	shalt  }
0x5c: {  	_ =	shalt  }
0x5d: {  	_ =	shalt  }
0x5e: {  	_ =	shalt  }
0x5f: {  	_ =	shalt  }
0x60: {  	_ =	shalt  }
0x61: {  	_ =	shalt  }
0x62: {  	_ =	shalt  }
0x63: {  	_ =	shalt  }
0x64: {  	_ =	shalt  }
0x65: {  	_ =	shalt  }
0x66: {  	_ =	shalt  }
0x67: {  	_ =	shalt  }
0x68: {  	_ =	shalt  }
0x69: {  	_ =	shalt  }
0x6a: {  	_ =	shalt  }
0x6b: {  	_ =	shalt  }
0x6c: {  	_ =	shalt  }
0x6d: {  	_ =	shalt  }
0x6e: {  	_ =	shalt  }
0x6f: {  	_ =	shalt  }
0x70: {  	_ =	shalt  }
0x71: {  	_ =	shalt  }
0x72: {  	_ =	shalt  }
0x73: {  	_ =	shalt  }
0x74: {  	_ =	shalt  }
0x75: {  	_ =	shalt  }
0x76: {  	_ =	shalt  }
0x77: {  	_ =	shalt  }
0x78: {  	_ =	shalt  }
0x79: {  	_ =	shalt  }
0x7a: {  	_ =	shalt  }
0x7b: {  	_ =	shalt  }
0x7c: {  	_ =	shalt  }
0x7d: {  	_ =	shalt  }
0x7e: {  	_ =	shalt  }
0x7f: {  	_ =	shalt  }
0x80: {  	_ =	shalt  }
0x81: {  	_ =	shalt  }
0x82: {  	_ =	shalt  }
0x83: {  	_ =	shalt  }
0x84: {  	_ =	shalt  }
0x85: {  	_ =	shalt  }
0x86: {  	_ =	shalt  }
0x87: {  	_ =	shalt  }
.Lfunc_end0:
.L_simem_size_0:
called_computation_lowered:
.L_overlay_start_0:
0x88: {  	s2 =	sld [smem:$0x3FD9]  }
0x89: {  	s3 =	sld [smem:$0x3FFE];
	_ =	sdelay $0x1  }
0x8a: {  	s1 =	srdreg.scid  }
0x8b: {  	s0 =	sand.u32 $0x1, s1  }
0x8c: {  	s14 =	sshll.u32 s0, $0xA;
	s2 =	sadd.s32 s3, s2  }
0x8d: {  	s2 =	sadd.s32 s2, s14  }
0x8e: {  	[smem:$0x3FC5] =	sst s2  }
0x8f: {  	_ = 	snop  }
0x90: {  	s2 =	sld [smem:$0x3FD0];
	_ =	sdelay $0x2  }
0x91: {  	s15 =	simm.s32 $0xA;
	s4 =	simm.s32 $0x10  }
0x92: {  	[smem:s4], [sflag:s15] =	dma.local [hbm:s2], $0x1  }
0x93: {  	_ =	swait.eq [sflag:s15], $0x1  }
0x94: {  	[sflag:s15] =	ssyncset.done $0x0  }
0x95: {  	s16 =	sld [smem:$0x10];
	[sflag:s15] =	ssyncadd.s32 $0xFFFFFFFF  }
0x96: {  	s17 =	sld [smem:$0x11];
	(tm) =	ssettm $0x1  }
0x97: {  	s18 =	sld [smem:$0x3FFB];
	_ =	sdelay $0x3  }
0x98: {  	_ =	strace s18  }
0x99: {  	s4 =	sld [smem:$0x3FFC];
	_ =	sdelay $0x3  }
0x9a: {  	_ =	strace s4  }
0x9b: {  	s4 =	sld [smem:$0x3FFD];
	_ =	sdelay $0x3  }
0x9c: {  	_ =	strace s4  }
0x9d: {  	_ =	strace $0x8FFFFFFF  }
0x9e: {  	s19 =	sld [smem:$0x3FDB];
	_ =	sdelay $0x1  }
0x9f: {  	s5 =	simm.s32 $_scs_section_size  }
0xa0: {  	s6 =	simm.s32 $_size__tile_overlayer_lowered;
	s7 =	simm.s32 $_tile_overlayer_lowered  }
0xa1: {  	s22 =	simm.s32 $0x1BFF;
	s21 =	sshll.u32 s7, $0x1;
	s4 =	sadd.s32 s5, s19  }
0xa2: {  	s8 =	simm.s32 $0x0;
	s20 =	sshll.u32 s6, $0x1;
	s6 =	sadd.s32 s21, s4  }
0xa3: {  	[timem:s8], [sflag:s22] =	dma.local [hbm:s6], s20  }
0xa4: {  	_ =	swait.ge [sflag:s22], s20  }
0xa5: {  	s5 =	ssub.s32 $0x0, s20;
	[sflag:s22] =	ssyncset.done $0x0  }
0xa6: {  	[sflag:s22] =	ssyncadd.s32 s5;
	_ =	sdelay $0x1  }
0xa7: {  	s23 =	simm.s32 $0x1B8B  }
0xa8: {  	_ =	swait.ge [sflag:s23], $0x1  }
0xa9: {  	[sflag:s23] =	ssyncset.done $0x0  }
0xaa: {  	s25 =	simm.s32 $0x1B8E;
	s24 =	sld [smem:$0x3FFE];
	[sflag:s23] =	ssyncadd.s32 $0xFFFFFFFF  }
0xab: {  	s26 =	simm.s32 $execute0_lowered;
	[smem:$0x3FD2] =	sst s25  }
0xac: {  	s6 =	sshll.u32 s26, $0x1;
	_ =	strace $0x80000046;
	[dreg:$0x1] =	wrdreg $0xFFFFFFFF  }
0xad: {  	s28 =	simm.s32 $_size_execute0_lowered;
	s4 =	sadd.s32 s4, s6;
	[dreg:$0x0] =	wrdreg $0x0  }
0xae: {  	s6 =	sshll.u32 s28, $0x1;
	[dreg:$0x2] =	wrdreg s4  }
0xaf: {  	[dreg:$0x3] =	wrdreg s6  }
0xb0: {  	[dreg:$0x4] =	wrdreg $0xC0  }
0xb1: {  	_ =	task [dreg:s8], $0x5FFFF  }
0xb2: {  	[dreg:$0x1] =	wrdreg $0xFFFFFFFF  }
0xb3: {  	[dreg:$0x0] =	wrdreg $0x60  }
0xb4: {  	[dreg:$0x2] =	wrdreg s24  }
0xb5: {  	[dreg:$0x3] =	wrdreg s17  }
0xb6: {  	[dreg:$0x4] =	wrdreg s16  }
0xb7: {  	[dreg:$0x5] =	wrdreg $0x9  }
0xb8: {  	_ =	task.clear_ibuf [dreg:s8], $0x6FFFF;
	_ =	strace $0x90000046  }
0xb9: {  	s29 =	simm.s32 $0x9;
	_ =	strace $0x80000048  }
0xba: {  	_ =	swait.ge [sflag:s29], $0x1  }
0xbb: {  	[sflag:s29] =	ssyncadd.s32 $0xFFFFFFFF  }
0xbc: {  	_ =	strace $0x90000048  }
0xbd: {  	_ =	sfence  }
0xbe: {  	s30 =	sld [smem:$0x0];
	_ =	sdelay $0x2  }
0xbf: {  	s31 =	sshll.u32 s1, $0xD;
	s1 =	sshrl.u32 s1, $0x2  }
0xc0: {  	s3 =	sand.u32 $0x4000, s31;
	s1 =	sadd.s32 s1, s30  }
0xc1: {  	s0 =	sor.u32 s3, s0;
	s1 =	sshll.u32 s1, $0x11  }
0xc2: {  	s0 =	sor.u32 s1, s0  }
0xc3: {  	s0 =	sadd.s32 $0x8F2B, s0  }
0xc4: {  	[sflag:s0] =	ssyncadd.remote.s32 $0x1  }
0xc5: {  	_ =	sfence.sel $0xFFFF  }
0xc6: {  	[dreg:$0x0] =	wrdreg $0xFFFFFFFF;
	(pc) =	sbr.abs _section_cstart, $3  }
0xc7: {  	[dreg:$0x1] =	wrdreg $0xFFFFFFFF  }
0xc8: {  	_ =	task.clear_ibuf [dreg:s8], $0x2FFFF;
	_ =	strace $0x9FFFFFFF  }
0xc9: {  	(tm) =	ssettm $0x7FFFFFFF  }
tec
execute0_lowered:
.L_overlay_start_1:
0x0: {  	(tag) =	ssettag $0x1  }
0x1: {  	v0 =	vlaneseq.u32  }
0x2: {  	v2 =	vimm.s32 $0xEFCDAB89;
	s3 =	rddreg [dreg:$0x0];
	v3 =	vimm.s32 $0x67452301;
	vm0 =	vcmask $0xB08  }
0x3: {  	s4 =	rddreg [dreg:$0x1];
	vm1 =	vcmask $0x300;
	v4 =	vimm.s32 $0xFDEBC9A7;
	v5 =	vimm.s32 $0x85634120  }
0x4: {  	s5 =	rddreg [dreg:$0x2];
	vm2 =	vcmask $0x3330;
	v2 =	vunpack.c.l.s4.s8 v2;
	v3 =	vunpack.c.l.s4.s8 v3  }
0x5: {  	s2 =	srdreg.scid;
	s0 =	stileid.u32;
	vm0 =	vmor vm1, vm0;
	vm1 =	vcmask $0x1310;
	v4 =	vunpack.c.l.s4.s8 v4  }
0x6: {  	s1 =	rddreg [dreg:$0x3];
	s10 =	simm.s32 $0x0;
	s6 =	sand.u32 $0x1, s2;
	v5 =	vunpack.c.l.s4.s8 v5;
	vm0 =	vmor vm0, vm1;
	vm1 =	vcmask $0x1B18  }
0x7: {  	s30 =	sshll.u32 s0, $0x5;
	s7 =	sshll.u32 s0, $0x8;
	s2 =	simm.s32 $0x0;
	v2 =	vunpack.c.0.s8.s32 v2;
	v3 =	vunpack.c.0.s8.s32 v3;
	vm0 =	vmor vm0, vm1  }
0x8: {  	s8 =	sshll.u32 s6, $0x4;
	s9 =	sand.u32 $0x60, s30;
	s7 =	sand.u32 $0xC00, s7;
	vm1 =	vcmask $0x2320;
	v4 =	vunpack.c.0.s8.s32 v4;
	v5 =	vunpack.c.0.s8.s32 v5  }
0x9: {  	v1 =	vor.u32 $0x10, v0;
	[smem:$0x7FF] =	sst s2;
	s6 =	ssub.s32 $0x2, s6;
	s8 =	sor.u32 s8, s9;
	vm0 =	vmor vm0, vm1;
	vm1 =	vcmask $0x2B28  }
0xa: {  	_ =	strace $0x80000047;
	s31 =	sshrl.u32 s6, $0x1;
	s9 =	simm.s32 $0x1;
	v2 =	vcombine.low v3, v2;
	vm1 =	vmor vm0, vm1;
	v3 =	vcombine.low v5, v4  }
0xb: {  	s7 =	sor.u32 s7, s8;
	s6 =	ssub.s32 s6, s31;
	s8 =	simm.s32 $0x400;
	vm0 =	vmxor vm0, vm0;
	v4 =	vimm.s32 $0xF;
	v5 =	vimm.s32 $0x0  }
0xc: {  	s3 =	sadd.s32 s7, s3;
	s4 =	sadd.s32 s4, s7;
	s5 =	sadd.s32 s5, s7;
	vm1 =	vmor vm1, vm2;
	vm2 =	vcmask $0x3B38;
	v2 =	vand.u32 $0xF, v2  }
0xd: {  	s6 =	smax.u32 s6, $0x1;
	s7 =	simm.s32 $0x80;
	s3 =	sadd.s32 $0xC00, s3;
	vm1 =	vmor vm1, vm2;
	v3 =	vand.u32 $0xF, v3;
	vm2 =	vcmask $0x3F3C  }
.LBB2_1:
0xe: {  	[tilespmem:s2], [sflag:$0x1] =	stream.strided.gather [hbm4b:s3+s7], $0x400, s8, s7, $0x38;
	[tilespmem:$0x800] =	vst v63  }
0xf: {  	_ =	swait.ge [sflag:s9], $0x400  }
0x10: {  	[sflag:s9] =	ssyncset.done $0x0  }
0x11: {  	s12 =	simm.s32 $0x10;
	[sflag:s9] =	ssyncadd.s32 $0xFFFFFC00  }
0x12: {  	v6 =	vld [tilespmem:s12+$0x0]  }
0x13: {  	v7 =	vld [tilespmem:s12+$0xFFFFFFF0];
	_ =	sdelay $0x2  }
0x14: {  	v8 =	vor.u32 s2, v1  }
0x15: {  	v9 =	vor.u32 s2, v0;
	(xrf1) =	vsort.dscd.msk.f32 $0xffff, v6, v8  }
0x16: {  	(xrf1) =	vsort.ascd.msk.f32 $0xffff, v7, v9;
	_ =	sdelay $0xc  }
0x17: {  	v6, v7, _ =	vpop (xrf1)  }
0x18: {  	v8, v9, _ =	vpop (xrf1)  }
0x19: {  	vm3 =	vlt.f32 v6, v8  }
0x1a: {  	v10 =	vsel vm3, v6, v8;
	v11 =	vsel vm3, v7, v9  }
0x1b: {  	(xrf1) =	vsort.ascd.msk.f32 $0xffff, v10, v11  }
0x1c: {  	v6 =	vsel vm3, v8, v6;
	v7 =	vsel vm3, v9, v7  }
0x1d: {  	(xrf1) =	vsort.ascd.msk.f32 $0xffff, v6, v7;
	_ =	sdelay $0xb  }
0x1e: {  	v6, v7, _ =	vpop (xrf1)  }
0x1f: {  	s11 =	simm.s32 $0x410;
	[tilespmem:s12+$0xFFFFFFF0] =	vst v6  }
0x20: {  	[tilespmem:s11+$0xFFFFFFF0] =	vst v7;
	v6, v7, _ =	vpop (xrf1)  }
0x21: {  	[tilespmem:s12+$0x0] =	vst v6  }
0x22: {  	s12 =	simm.s32 $0x50;
	[tilespmem:s11+$0x0] =	vst v7  }
0x23: {  	v7 =	vld [tilespmem:s12+$0x0]  }
0x24: {  	v6 =	vld [tilespmem:s12+$0xFFFFFFF0];
	_ =	sdelay $0x1  }
0x25: {  	s13 =	simm.s32 $0x40  }
0x26: {  	s14 =	simm.s32 $0x80;
	v8 =	vor.u32 s13, v1  }
.LBB2_2:
0x27: {  	p0 =	sne.s32 s14, $0x3C0;
	v9 =	vor.u32 s13, v0;
	(xrf1) =	vsort.dscd.msk.f32 $0xffff, v7, v8;
	s13 =	smov.u32 s14  }
0x28: {  	(xrf1) =	vsort.ascd.msk.f32 $0xffff, v6, v9;
	_ =	sdelay $0xc  }
0x29: {  	v6, v7, _ =	vpop (xrf1)  }
0x2a: {  	v8, v9, _ =	vpop (xrf1)  }
0x2b: {  	vm3 =	vlt.f32 v6, v8  }
0x2c: {  	v10 =	vsel vm3, v6, v8;
	v11 =	vsel vm3, v7, v9  }
0x2d: {  	(xrf1) =	vsort.ascd.msk.f32 $0xffff, v10, v11  }
0x2e: {  	v6 =	vsel vm3, v8, v6;
	v7 =	vsel vm3, v9, v7  }
0x2f: {  	(xrf1) =	vsort.ascd.msk.f32 $0xffff, v6, v7;
	_ =	sdelay $0xb  }
0x30: {  	v6, v7, _ =	vpop (xrf1)  }
0x31: {  	s11 =	sadd.s32 $0x40, s11;
	[tilespmem:s12+$0xFFFFFFF0] =	vst v6  }
0x32: {  	[tilespmem:s11+$0xFFFFFFF0] =	vst v7;
	v6, v7, _ =	vpop (xrf1)  }
0x33: {  	[tilespmem:s12+$0x0] =	vst v6  }
0x34: {  	s12 =	sadd.s32 $0x40, s12;
	[tilespmem:s11+$0x0] =	vst v7  }
.Ltmp0:
0x35: {  	v7 =	vld [tilespmem:s12+$0x0];
	(pc) =	sbr.rel @p0 .LBB2_2-.Ltmp0, $2  }
0x36: {  	v6 =	vld [tilespmem:s12+$0xFFFFFFF0];
	_ =	sdelay $0x2  }
0x37: {  	s14 =	sadd.s32 $0x40, s14;
	v8 =	vor.u32 s13, v1  }
0x38: {  	v9 =	vor.u32 s13, v0;
	(xrf1) =	vsort.dscd.msk.f32 $0xffff, v7, v8  }
0x39: {  	(xrf1) =	vsort.ascd.msk.f32 $0xffff, v6, v9;
	_ =	sdelay $0xc  }
0x3a: {  	v6, v7, _ =	vpop (xrf1)  }
0x3b: {  	v8, v9, _ =	vpop (xrf1)  }
0x3c: {  	vm3 =	vlt.f32 v6, v8  }
0x3d: {  	v10 =	vsel vm3, v6, v8;
	v11 =	vsel vm3, v7, v9  }
0x3e: {  	(xrf1) =	vsort.ascd.msk.f32 $0xffff, v10, v11  }
0x3f: {  	v6 =	vsel vm3, v8, v6;
	v7 =	vsel vm3, v9, v7  }
0x40: {  	(xrf1) =	vsort.ascd.msk.f32 $0xffff, v6, v7;
	_ =	sdelay $0xb  }
0x41: {  	v6, v7, _ =	vpop (xrf1)  }
0x42: {  	s11 =	sadd.s32 $0x40, s11;
	[tilespmem:s12+$0xFFFFFFF0] =	vst v6  }
0x43: {  	[tilespmem:s11+$0xFFFFFFF0] =	vst v7;
	v6, v7, _ =	vpop (xrf1)  }
0x44: {  	[tilespmem:s12+$0x0] =	vst v6  }
0x45: {  	s30 =	simm.s32 $0x30;
	[tilespmem:s11+$0x0] =	vst v7  }
0x46: {  	v6 =	vld [tilespmem:s30+$0x0]  }
0x47: {  	v7 =	vld [tilespmem:s30+$0xFFFFFFF0];
	_ =	sdelay $0x1  }
0x48: {  	s31 =	simm.s32 $0x20  }
0x49: {  	v8 =	vor.u32 s31, v1  }
0x4a: {  	v9 =	vor.u32 s31, v0;
	(xrf1) =	vsort.dscd.msk.f32 $0xffff, v6, v8  }
0x4b: {  	(xrf1) =	vsort.ascd.msk.f32 $0xffff, v7, v9;
	_ =	sdelay $0xc  }
0x4c: {  	v6, v7, _ =	vpop (xrf1)  }
0x4d: {  	v8, v9, _ =	vpop (xrf1)  }
0x4e: {  	vm3 =	vlt.f32 v8, v6  }
0x4f: {  	v10 =	vsel vm3, v6, v8;
	v11 =	vsel vm3, v7, v9  }
0x50: {  	(xrf1) =	vsort.dscd.msk.f32 $0xffff, v10, v11  }
0x51: {  	v6 =	vsel vm3, v8, v6;
	v7 =	vsel vm3, v9, v7  }
0x52: {  	(xrf1) =	vsort.dscd.msk.f32 $0xffff, v6, v7;
	_ =	sdelay $0xb  }
0x53: {  	v6, v7, _ =	vpop (xrf1)  }
0x54: {  	s11 =	simm.s32 $0x430;
	[tilespmem:s30+$0xFFFFFFF0] =	vst v6  }
0x55: {  	[tilespmem:s11+$0xFFFFFFF0] =	vst v7;
	v6, v7, _ =	vpop (xrf1)  }
0x56: {  	[tilespmem:s30+$0x0] =	vst v6  }
0x57: {  	s12 =	simm.s32 $0x70;
	[tilespmem:s11+$0x0] =	vst v7  }
0x58: {  	v7 =	vld [tilespmem:s12+$0x0]  }
0x59: {  	v6 =	vld [tilespmem:s12+$0xFFFFFFF0];
	_ =	sdelay $0x1  }
0x5a: {  	s13 =	simm.s32 $0x60  }
0x5b: {  	s14 =	simm.s32 $0xA0;
	v8 =	vor.u32 s13, v1  }
.LBB2_4:
0x5c: {  	p0 =	sne.s32 s14, $0x3E0;
	v9 =	vor.u32 s13, v0;
	(xrf1) =	vsort.dscd.msk.f32 $0xffff, v7, v8;
	s13 =	smov.u32 s14  }
0x5d: {  	(xrf1) =	vsort.ascd.msk.f32 $0xffff, v6, v9;
	_ =	sdelay $0xc  }
0x5e: {  	v6, v7, _ =	vpop (xrf1)  }
0x5f: {  	v8, v9, _ =	vpop (xrf1)  }
0x60: {  	vm3 =	vlt.f32 v8, v6  }
0x61: {  	v10 =	vsel vm3, v6, v8;
	v11 =	vsel vm3, v7, v9  }
0x62: {  	(xrf1) =	vsort.dscd.msk.f32 $0xffff, v10, v11  }
0x63: {  	v6 =	vsel vm3, v8, v6;
	v7 =	vsel vm3, v9, v7  }
0x64: {  	(xrf1) =	vsort.dscd.msk.f32 $0xffff, v6, v7;
	_ =	sdelay $0xb  }
0x65: {  	v6, v7, _ =	vpop (xrf1)  }
0x66: {  	s11 =	sadd.s32 $0x40, s11;
	[tilespmem:s12+$0xFFFFFFF0] =	vst v6  }
0x67: {  	[tilespmem:s11+$0xFFFFFFF0] =	vst v7;
	v6, v7, _ =	vpop (xrf1)  }
0x68: {  	[tilespmem:s12+$0x0] =	vst v6  }
0x69: {  	s12 =	sadd.s32 $0x40, s12;
	[tilespmem:s11+$0x0] =	vst v7  }
.Ltmp1:
0x6a: {  	v7 =	vld [tilespmem:s12+$0x0];
	(pc) =	sbr.rel @p0 .LBB2_4-.Ltmp1, $2  }
0x6b: {  	v6 =	vld [tilespmem:s12+$0xFFFFFFF0];
	_ =	sdelay $0x2  }
0x6c: {  	s14 =	sadd.s32 $0x40, s14;
	v8 =	vor.u32 s13, v1  }
0x6d: {  	v9 =	vor.u32 s13, v0;
	(xrf1) =	vsort.dscd.msk.f32 $0xffff, v7, v8  }
0x6e: {  	(xrf1) =	vsort.ascd.msk.f32 $0xffff, v6, v9;
	_ =	sdelay $0xc  }
0x6f: {  	v6, v7, _ =	vpop (xrf1)  }
0x70: {  	v63, v9, _ =	vpop (xrf1)  }
0x71: {  	vm3 =	vlt.f32 v63, v6  }
0x72: {  	v10 =	vsel vm3, v6, v63;
	v11 =	vsel vm3, v7, v9  }
0x73: {  	(xrf1) =	vsort.dscd.msk.f32 $0xffff, v10, v11  }
0x74: {  	v6 =	vsel vm3, v63, v6;
	v7 =	vsel vm3, v9, v7  }
0x75: {  	(xrf1) =	vsort.dscd.msk.f32 $0xffff, v6, v7;
	_ =	sdelay $0xa  }
0x76: {  	p0 =	por $0x1, $0x1  }
.Ltmp2:
0x77: {  	v6, v7, _ =	vpop (xrf1);
	(pc) =	sbr.rel @!p0 .LBB2_9-.Ltmp2, $4  }
0x78: {  	s11 =	sadd.s32 $0x40, s11;
	[tilespmem:s12+$0xFFFFFFF0] =	vst v6  }
0x79: {  	[tilespmem:s11+$0xFFFFFFF0] =	vst v7;
	v6, v7, _ =	vpop (xrf1)  }
0x7a: {  	p1 =	por $0x0, $0x0;
	[tilespmem:s12+$0x0] =	vst v6  }
0x7b: {  	s13 =	simm.s32 $0x0;
	s12 =	simm.s32 $0x200;
	[tilespmem:s11+$0x0] =	vst v7;
	s11 =	simm.s32 $0x0  }
0x7c: {  	v6 =	vld [tilespmem:s11+$0x420]  }
0x7d: {  	v7 =	vld [tilespmem:s11+$0x20]  }
0x7e: {  	v8 =	vld [tilespmem:s11+$0x30]  }
0x7f: {  	v9 =	vld [tilespmem:s11+$0x0]  }
0x80: {  	v10 =	vld [tilespmem:s11+$0x10]  }
0x81: {  	v11 =	vld [tilespmem:s11+$0x430]  }
0x82: {  	v12 =	vld [tilespmem:s11+$0x400]  }
0x83: {  	v13 =	vld [tilespmem:s11+$0x410];
	_ =	sdelay $0x2  }
0x84: {  	vm3 =	vlt.f32 v7, v9;
	vm4 =	vlt.f32 v8, v10  }
0x85: {  	v14 =	vsel vm3, v7, v9;
	v7 =	vsel vm3, v9, v7;
	v60 =	vsel vm4, v10, v8  }
0x86: {  	v15 =	vsel vm3, v12, v6;
	v61 =	vsel vm4, v13, v11;
	vm5 =	vlt.f32 v60, v7  }
0x87: {  	p2 =	por $0x1, $0x1;
	v8 =	vsel vm4, v8, v10;
	v16 =	vsel vm5, v60, v7;
	v17 =	vsel vm5, v61, v15  }
.Ltmp3:
0x88: {  	v11 =	vsel vm4, v11, v13;
	v6 =	vsel vm3, v6, v12;
	(xrf1) =	vsort.ascd.msk.f32 $0xffff, v16, v17;
	(pc) =	sbr.rel @!p2 .LBB2_7-.Ltmp3, $4  }
0x89: {  	vm6 =	vlt.f32 v8, v14;
	v7 =	vsel vm5, v7, v60;
	v62 =	vsel vm5, v15, v61  }
0x8a: {  	v63 =	vsel vm6, v8, v14;
	v12 =	vsel vm6, v11, v6;
	(xrf1) =	vsort.ascd.msk.f32 $0xffff, v7, v62  }
0x8b: {  	s15 =	simm.s32 $0x400;
	v6 =	vsel vm6, v6, v11;
	v7 =	vsel vm6, v14, v8;
	(xrf1) =	vsort.ascd.msk.f32 $0xffff, v63, v12  }
0x8c: {  	s13 =	simm.s32 $0x80;
	p1 =	por $0x1, $0x1;
	s14 =	simm.s32 $0x0;
	(xrf1) =	vsort.ascd.msk.f32 $0xffff, v7, v6  }
.LBB2_8:
0x8d: {  	_ =	sdelay $0x3  }
0x8e: {  	p2 =	sne.s32 s15, $0xE00;
	s16 =	smov.u32 s15;
	s15 =	sadd.s32 $0x200, s15  }
0x8f: {  	_ =	sdelay $0x3  }
0x90: {  	s16 =	sshra.s32 s16, $0x2;
	v6, v7, _ =	vpop (xrf1)  }
0x91: {  	[tilespmem:s14+$0x420] =	vst v7  }
0x92: {  	v7 =	vld [tilespmem:s13+$0x420];
	[tilespmem:s14+$0x20] =	vst v6;
	v6, v8, _ =	vpop (xrf1)  }
0x93: {  	v9 =	vld [tilespmem:s13+$0x20];
	[tilespmem:s14+$0x30] =	vst v6;
	v6, v10, _ =	vpop (xrf1)  }
0x94: {  	v11 =	vld [tilespmem:s13+$0x30];
	[tilespmem:s14+$0x0] =	vst v6;
	v6, v12, _ =	vpop (xrf1)  }
0x95: {  	v13 =	vld [tilespmem:s13+$0x0];
	[tilespmem:s14+$0x10] =	vst v6  }
0x96: {  	v6 =	vld [tilespmem:s13+$0x10];
	[tilespmem:s14+$0x430] =	vst v8  }
0x97: {  	v8 =	vld [tilespmem:s13+$0x430];
	[tilespmem:s14+$0x400] =	vst v10  }
0x98: {  	v10 =	vld [tilespmem:s13+$0x400];
	[tilespmem:s14+$0x410] =	vst v12;
	s14 =	smov.u32 s13;
	s13 =	smov.u32 s16  }
0x99: {  	v12 =	vld [tilespmem:s14+$0x410];
	_ =	sdelay $0x1  }
0x9a: {  	vm3 =	vlt.f32 v9, v13  }
0x9b: {  	v14 =	vsel vm3, v9, v13;
	v9 =	vsel vm3, v13, v9;
	vm4 =	vlt.f32 v11, v6  }
0x9c: {  	v15 =	vsel vm4, v11, v6;
	v6 =	vsel vm4, v6, v11;
	v13 =	vsel vm3, v10, v7  }
0x9d: {  	vm5 =	vlt.f32 v15, v14;
	vm6 =	vlt.f32 v6, v9;
	v11 =	vsel vm4, v12, v8  }
0x9e: {  	v16 =	vsel vm5, v15, v14;
	v17 =	vsel vm6, v6, v9;
	v18 =	vsel vm6, v11, v13  }
.Ltmp4:
0x9f: {  	v8 =	vsel vm4, v8, v12;
	v6 =	vsel vm6, v9, v6;
	(xrf1) =	vsort.ascd.msk.f32 $0xffff, v17, v18;
	(pc) =	sbr.rel @p2 .LBB2_8-.Ltmp4, $4  }
0xa0: {  	v7 =	vsel vm3, v7, v10;
	v9 =	vsel vm5, v14, v15;
	v10 =	vsel vm6, v13, v11  }
0xa1: {  	v11 =	vsel vm5, v8, v7;
	v7 =	vsel vm5, v7, v8;
	(xrf1) =	vsort.ascd.msk.f32 $0xffff, v6, v10  }
0xa2: {  	(xrf1) =	vsort.ascd.msk.f32 $0xffff, v16, v11  }
0xa3: {  	(xrf1) =	vsort.ascd.msk.f32 $0xffff, v9, v7  }
.LBB2_9:
0xa4: {  	_ =	sdelay $0x8  }
0xa5: {  	v6, v7, _ =	vpop @p1 (xrf1)  }
0xa6: {  	[tilespmem:s14+$0x420] =	vst @p1 v7  }
0xa7: {  	v7 =	vld [tilespmem:s13+$0x420];
	[tilespmem:s14+$0x20] =	vst @p1 v6;
	v6, v8, _ =	vpop @p1 (xrf1)  }
0xa8: {  	v9 =	vld [tilespmem:s13+$0x20];
	[tilespmem:s14+$0x30] =	vst @p1 v6;
	v6, v10, _ =	vpop @p1 (xrf1)  }
0xa9: {  	v11 =	vld [tilespmem:s13+$0x30];
	[tilespmem:s14+$0x0] =	vst @p1 v6;
	v6, v12, _ =	vpop @p1 (xrf1)  }
0xaa: {  	v13 =	vld [tilespmem:s13+$0x0];
	[tilespmem:s14+$0x10] =	vst @p1 v6  }
0xab: {  	v6 =	vld [tilespmem:s13+$0x10];
	[tilespmem:s14+$0x430] =	vst @p1 v8  }
0xac: {  	v8 =	vld [tilespmem:s13+$0x430];
	[tilespmem:s14+$0x400] =	vst @p1 v10  }
0xad: {  	v10 =	vld [tilespmem:s13+$0x400];
	[tilespmem:s14+$0x410] =	vst @p1 v12  }
0xae: {  	v12 =	vld [tilespmem:s13+$0x410];
	_ =	sdelay $0x2  }
0xaf: {  	vm3 =	vlt.f32 v9, v13;
	vm4 =	vlt.f32 v11, v6  }
0xb0: {  	v14 =	vsel vm3, v9, v13;
	v9 =	vsel vm3, v13, v9;
	v46 =	vsel vm4, v6, v11  }
0xb1: {  	v15 =	vsel vm3, v10, v7;
	vm5 =	vlt.f32 v46, v9;
	v16 =	vsel vm4, v12, v8  }
0xb2: {  	v47 =	vsel vm5, v46, v9;
	v17 =	vsel vm5, v16, v15  }
0xb3: {  	v6 =	vsel vm4, v11, v6;
	(xrf1) =	vsort.ascd.msk.f32 $0xffff, v47, v17  }
0xb4: {  	vm6 =	vlt.f32 v6, v14;
	v9 =	vsel vm5, v9, v46;
	v48 =	vsel vm5, v15, v16  }
0xb5: {  	v7 =	vsel vm3, v7, v10;
	v8 =	vsel vm4, v8, v12;
	(xrf1) =	vsort.ascd.msk.f32 $0xffff, v9, v48  }
0xb6: {  	v49 =	vsel vm6, v6, v14;
	v12 =	vsel vm6, v8, v7  }
0xb7: {  	(xrf1) =	vsort.ascd.msk.f32 $0xffff, v49, v12  }
0xb8: {  	v6 =	vsel vm6, v14, v6;
	v7 =	vsel vm6, v7, v8  }
0xb9: {  	(xrf1) =	vsort.ascd.msk.f32 $0xffff, v6, v7;
	_ =	sdelay $0x7  }
0xba: {  	v6, v7, _ =	vpop (xrf1)  }
0xbb: {  	[tilespmem:s13+$0x420] =	vst v7  }
0xbc: {  	[tilespmem:s13+$0x20] =	vst v6;
	v6, v7, _ =	vpop (xrf1)  }
0xbd: {  	[tilespmem:s13+$0x30] =	vst v6  }
0xbe: {  	v6, v50, _ =	vpop (xrf1);
	[tilespmem:s13+$0x430] =	vst v7  }
0xbf: {  	[tilespmem:s13+$0x0] =	vst v6  }
0xc0: {  	v6, v51, _ =	vpop (xrf1);
	[tilespmem:s13+$0x400] =	vst v50  }
0xc1: {  	[tilespmem:s13+$0x10] =	vst v6  }
0xc2: {  	[tilespmem:s13+$0x410] =	vst v51  }
0xc3: {  	v6 =	vld [tilespmem:s11+$0x70]  }
0xc4: {  	v7 =	vld [tilespmem:s11+$0x470]  }
0xc5: {  	v8 =	vld [tilespmem:s11+$0x60]  }
0xc6: {  	v9 =	vld [tilespmem:s11+$0x40]  }
0xc7: {  	v52 =	vld [tilespmem:s11+$0x50]  }
0xc8: {  	v53 =	vld [tilespmem:s11+$0x440]  }
0xc9: {  	v54 =	vld [tilespmem:s11+$0x460]  }
0xca: {  	v55 =	vld [tilespmem:s11+$0x450];
	_ =	sdelay $0x1  }
0xcb: {  	vm3 =	vlt.f32 v9, v8  }
0xcc: {  	vm14 =	vlt.f32 v52, v6;
	v56 =	vsel vm3, v8, v9  }
0xcd: {  	v8 =	vsel vm3, v9, v8;
	v57 =	vsel vm14, v52, v6;
	v58 =	vsel vm3, v53, v54  }
0xce: {  	v59 =	vsel vm14, v55, v7;
	v11 =	vsel vm3, v54, v53;
	vm15 =	vlt.f32 v8, v57  }
0xcf: {  	v6 =	vsel vm14, v6, v52;
	v60 =	vsel vm15, v8, v57;
	v15 =	vsel vm15, v58, v59  }
.Ltmp5:
0xd0: {  	v61 =	vsel vm15, v59, v58;
	v8 =	vsel vm15, v57, v8;
	(xrf1) =	vsort.dscd.msk.f32 $0xffff, v60, v15;
	(pc) =	sbr.rel @!p0 .LBB2_11-.Ltmp5, $4  }
0xd1: {  	v7 =	vsel vm14, v7, v55;
	vm3 =	vlt.f32 v56, v6;
	(xrf1) =	vsort.dscd.msk.f32 $0xffff, v8, v61  }
0xd2: {  	v62 =	vsel vm3, v6, v56;
	v63 =	vsel vm3, v7, v11  }
0xd3: {  	v6 =	vsel vm3, v56, v6;
	v7 =	vsel vm3, v11, v7;
	(xrf1) =	vsort.dscd.msk.f32 $0xffff, v62, v63  }
0xd4: {  	(xrf1) =	vsort.dscd.msk.f32 $0xffff, v6, v7  }
.LBB2_10:
0xd5: {  	_ =	sdelay $0x4  }
0xd6: {  	p0 =	sne.s32 s12, $0xE00;
	s13 =	smov.u32 s12;
	s12 =	sadd.s32 $0x200, s12  }
0xd7: {  	_ =	sdelay $0x2  }
0xd8: {  	v6, v7, _ =	vpop (xrf1)  }
0xd9: {  	s13 =	sshra.s32 s13, $0x2;
	[tilespmem:s11+$0x70] =	vst v6;
	v6, v8, _ =	vpop (xrf1)  }
0xda: {  	v9 =	vld [tilespmem:s13+$0x70];
	[tilespmem:s11+$0x470] =	vst v7  }
0xdb: {  	v7 =	vld [tilespmem:s13+$0x470];
	[tilespmem:s11+$0x60] =	vst v6;
	v6, v10, _ =	vpop (xrf1)  }
0xdc: {  	v11 =	vld [tilespmem:s13+$0x60];
	[tilespmem:s11+$0x40] =	vst v6;
	v6, v12, _ =	vpop (xrf1)  }
0xdd: {  	v13 =	vld [tilespmem:s13+$0x40];
	[tilespmem:s11+$0x50] =	vst v6  }
0xde: {  	v6 =	vld [tilespmem:s13+$0x50];
	[tilespmem:s11+$0x440] =	vst v10  }
0xdf: {  	v10 =	vld [tilespmem:s13+$0x440];
	[tilespmem:s11+$0x460] =	vst v8  }
0xe0: {  	v8 =	vld [tilespmem:s13+$0x460];
	[tilespmem:s11+$0x450] =	vst v12;
	s11 =	smov.u32 s13  }
0xe1: {  	v12 =	vld [tilespmem:s11+$0x450]  }
0xe2: {  	vm3 =	vlt.f32 v13, v11;
	_ =	sdelay $0x1  }
0xe3: {  	v14 =	vsel vm3, v11, v13;
	vm4 =	vlt.f32 v6, v9  }
0xe4: {  	v11 =	vsel vm3, v13, v11;
	v15 =	vsel vm4, v6, v9;
	v13 =	vsel vm3, v8, v10  }
0xe5: {  	v8 =	vsel vm3, v10, v8;
	vm3 =	vlt.f32 v11, v15;
	v10 =	vsel vm4, v12, v7  }
0xe6: {  	v16 =	vsel vm3, v11, v15;
	v17 =	vsel vm3, v10, v8;
	v8 =	vsel vm3, v8, v10  }
.Ltmp6:
0xe7: {  	v6 =	vsel vm4, v9, v6;
	v9 =	vsel vm3, v15, v11;
	(xrf1) =	vsort.dscd.msk.f32 $0xffff, v16, v8;
	(pc) =	sbr.rel @p0 .LBB2_10-.Ltmp6, $4  }
0xe8: {  	v7 =	vsel vm4, v7, v12;
	vm3 =	vlt.f32 v14, v6;
	(xrf1) =	vsort.dscd.msk.f32 $0xffff, v9, v17  }
0xe9: {  	v8 =	vsel vm3, v6, v14;
	v6 =	vsel vm3, v14, v6;
	v9 =	vsel vm3, v7, v13  }
0xea: {  	v7 =	vsel vm3, v13, v7;
	(xrf1) =	vsort.dscd.msk.f32 $0xffff, v8, v9  }
0xeb: {  	(xrf1) =	vsort.dscd.msk.f32 $0xffff, v6, v7  }
.LBB2_11:
0xec: {  	_ =	sdelay $0x8  }
0xed: {  	v6, v7, _ =	vpop (xrf1)  }
0xee: {  	[tilespmem:s11+$0x70] =	vst v6  }
0xef: {  	v6, v8, _ =	vpop (xrf1);
	[tilespmem:s11+$0x470] =	vst v7  }
0xf0: {  	[tilespmem:s11+$0x60] =	vst v6  }
0xf1: {  	[tilespmem:s11+$0x460] =	vst v8;
	v6, v7, _ =	vpop (xrf1)  }
0xf2: {  	[tilespmem:s11+$0x40] =	vst v6  }
0xf3: {  	v6, v9, _ =	vpop (xrf1);
	[tilespmem:s11+$0x440] =	vst v7  }
0xf4: {  	[tilespmem:s11+$0x50] =	vst v6  }
0xf5: {  	[tilespmem:s11+$0x450] =	vst v9;
	s11 =	simm.s32 $0x0  }
0xf6: {  	v8 =	vld [tilespmem:s11+$0x460]  }
0xf7: {  	v11 =	vld [tilespmem:s11+$0x430]  }
0xf8: {  	v7 =	vld [tilespmem:s11+$0x20]  }
0xf9: {  	v10 =	vld [tilespmem:s11+$0x60]  }
0xfa: {  	v12 =	vld [tilespmem:s11+$0x420]  }
0xfb: {  	v16 =	vld [tilespmem:s11+$0x410]  }
0xfc: {  	v19 =	vld [tilespmem:s11+$0x40]  }
0xfd: {  	v9 =	vld [tilespmem:s11+$0x70]  }
0xfe: {  	v20 =	vld [tilespmem:s11+$0x450]  }
0xff: {  	v13 =	vld [tilespmem:s11+$0x50]  }
0x100: {  	v15 =	vld [tilespmem:s11+$0x10]  }
0x101: {  	v21 =	vld [tilespmem:s11+$0x0]  }
0x102: {  	v17 =	vld [tilespmem:s11+$0x30]  }
0x103: {  	v22 =	vld [tilespmem:s11+$0x470]  }
0x104: {  	v25 =	vld [tilespmem:s11+$0x440]  }
0x105: {  	v26 =	vld [tilespmem:s11+$0x400]  }
0x106: {  	vm6 =	vlt.f32 v10, v7;
	vm4 =	vlt.f32 v13, v15  }
0x107: {  	vm8 =	vlt.f32 v19, v21;
	vm5 =	vlt.f32 v9, v17;
	v6 =	vsel vm6, v7, v10  }
0x108: {  	v14 =	vsel vm6, v10, v7;
	v7 =	vsel vm6, v12, v8;
	v23 =	vsel vm4, v15, v13  }
0x109: {  	v27 =	vsel vm4, v16, v20;
	v18 =	vsel vm8, v19, v21;
	v10 =	vsel vm8, v21, v19  }
0x10a: {  	v19 =	vsel vm8, v25, v26;
	v28 =	vsel vm5, v11, v22;
	v20 =	vsel vm4, v20, v16  }
0x10b: {  	v21 =	vsel vm6, v8, v12;
	v24 =	vsel vm5, v17, v9;
	v22 =	vsel vm5, v22, v11  }
0x10c: {  	v16 =	vsel vm8, v26, v25;
	vm3 =	vlt.f32 v14, v18;
	vm7 =	vlt.f32 v24, v23  }
0x10d: {  	s13 =	simm.s32 $0x400;
	s12 =	simm.s32 $0x0;
	v8 =	vsel vm3, v14, v18;
	v12 =	vsel vm7, v28, v27;
	v11 =	vsel vm7, v27, v28  }
.LBB2_12:
0x10e: {  	p0 =	sne.s32 s13, $0xC00;
	v25 =	vsel vm3, v21, v19;
	vm6 =	vlt.f32 v6, v10;
	v26 =	vsel vm7, v24, v23;
	s14 =	smov.u32 s13;
	s13 =	sadd.s32 $0x400, s13  }
0x10f: {  	v23 =	vsel vm7, v23, v24;
	v27 =	vsel vm6, v10, v6;
	v28 =	vsel vm6, v16, v7  }
0x110: {  	v13 =	vsel vm4, v13, v15;
	v9 =	vsel vm5, v9, v17;
	vm4 =	vlt.f32 v23, v27  }
0x111: {  	vm5 =	vlt.f32 v9, v13;
	v15 =	vsel vm4, v23, v27;
	v17 =	vsel vm4, v11, v28  }
0x112: {  	v24 =	vsel vm5, v9, v13;
	v29 =	vsel vm5, v22, v20;
	(xrf1) =	vsort.ascd.msk.f32 $0xffff, v15, v17  }
0x113: {  	v14 =	vsel vm3, v18, v14;
	v9 =	vsel vm5, v13, v9;
	v15 =	vsel vm3, v19, v21  }
0x114: {  	v13 =	vsel vm5, v20, v22;
	vm5 =	vlt.f32 v9, v14;
	vm3 =	vlt.f32 v24, v8  }
0x115: {  	v17 =	vsel vm5, v9, v14;
	v9 =	vsel vm5, v14, v9;
	v14 =	vsel vm5, v15, v13  }
0x116: {  	v18 =	vsel vm3, v8, v24;
	v13 =	vsel vm5, v13, v15;
	(xrf1) =	vsort.ascd.msk.f32 $0xffff, v9, v14  }
0x117: {  	v6 =	vsel vm6, v6, v10;
	v9 =	vsel vm3, v25, v29;
	(xrf1) =	vsort.ascd.msk.f32 $0xffff, v17, v13  }
0x118: {  	v7 =	vsel vm6, v7, v16;
	vm5 =	vlt.f32 v26, v6;
	(xrf1) =	vsort.ascd.msk.f32 $0xffff, v18, v9  }
0x119: {  	v10 =	vsel vm5, v12, v7;
	v9 =	vsel vm5, v26, v6;
	v6 =	vsel vm5, v6, v26  }
0x11a: {  	v7 =	vsel vm5, v7, v12;
	v12 =	vsel vm4, v27, v23;
	(xrf1) =	vsort.ascd.msk.f32 $0xffff, v9, v10  }
0x11b: {  	v8 =	vsel vm3, v24, v8;
	v9 =	vsel vm4, v28, v11;
	(xrf1) =	vsort.ascd.msk.f32 $0xffff, v6, v7  }
0x11c: {  	v6 =	vsel vm3, v29, v25;
	(xrf1) =	vsort.ascd.msk.f32 $0xffff, v12, v9  }
0x11d: {  	(xrf1) =	vsort.ascd.msk.f32 $0xffff, v8, v6;
	_ =	sdelay $0x2  }
0x11e: {  	v6, v7, _ =	vpop (xrf1)  }
0x11f: {  	[tilespmem:s12+$0x60] =	vst v6  }
0x120: {  	s14 =	sshra.s32 s14, $0x2;
	[tilespmem:s12+$0x460] =	vst v7;
	_ =	sdelay $0x1  }
0x121: {  	v6, v7, _ =	vpop (xrf1)  }
0x122: {  	v8 =	vld [tilespmem:s14+$0x460];
	[tilespmem:s12+$0x430] =	vst v7;
	v7, v9, _ =	vpop (xrf1)  }
0x123: {  	v11 =	vld [tilespmem:s14+$0x430];
	[tilespmem:s12+$0x20] =	vst v7;
	v7, v10, _ =	vpop (xrf1)  }
0x124: {  	v12 =	vld [tilespmem:s14+$0x20];
	[tilespmem:s12+$0x420] =	vst v9  }
0x125: {  	v14 =	vld [tilespmem:s14+$0x60];
	[tilespmem:s12+$0x410] =	vst v10;
	v15, v10, _ =	vpop (xrf1)  }
0x126: {  	v16 =	vld [tilespmem:s14+$0x420];
	[tilespmem:s12+$0x40] =	vst v15;
	v13, v9, _ =	vpop (xrf1)  }
0x127: {  	v20 =	vld [tilespmem:s14+$0x410];
	[tilespmem:s12+$0x450] =	vst v9;
	v9, v15, _ =	vpop (xrf1)  }
0x128: {  	v19 =	vld [tilespmem:s14+$0x40];
	[tilespmem:s12+$0x70] =	vst v9;
	v17, v18, _ =	vpop (xrf1)  }
0x129: {  	v9 =	vld [tilespmem:s14+$0x70];
	[tilespmem:s12+$0x50] =	vst v13  }
0x12a: {  	v21 =	vld [tilespmem:s14+$0x450];
	[tilespmem:s12+$0x470] =	vst v15  }
0x12b: {  	v22 =	vld [tilespmem:s14+$0x470];
	[tilespmem:s12+$0x440] =	vst v10  }
0x12c: {  	v25 =	vld [tilespmem:s14+$0x440];
	[tilespmem:s12+$0x10] =	vst v7  }
0x12d: {  	v13 =	vld [tilespmem:s14+$0x50];
	[tilespmem:s12+$0x0] =	vst v17  }
0x12e: {  	v15 =	vld [tilespmem:s14+$0x10];
	[tilespmem:s12+$0x400] =	vst v18  }
0x12f: {  	v10 =	vld [tilespmem:s14+$0x0];
	[tilespmem:s12+$0x30] =	vst v6;
	s12 =	smov.u32 s14  }
0x130: {  	vm6 =	vlt.f32 v14, v12;
	v17 =	vld [tilespmem:s12+$0x30]  }
0x131: {  	v6 =	vsel vm6, v12, v14;
	v26 =	vld [tilespmem:s12+$0x400]  }
0x132: {  	v14 =	vsel vm6, v14, v12  }
0x133: {  	v7 =	vsel vm6, v16, v8;
	vm4 =	vlt.f32 v13, v15  }
0x134: {  	vm8 =	vlt.f32 v19, v10;
	v23 =	vsel vm4, v15, v13;
	v27 =	vsel vm4, v20, v21  }
.Ltmp7:
0x135: {  	v18 =	vsel vm8, v19, v10;
	v10 =	vsel vm8, v10, v19;
	vm5 =	vlt.f32 v9, v17;
	(pc) =	sbr.rel @p0 .LBB2_12-.Ltmp7, $4  }
0x136: {  	v19 =	vsel vm8, v25, v26;
	v28 =	vsel vm5, v11, v22;
	vm3 =	vlt.f32 v14, v18  }
0x137: {  	v20 =	vsel vm4, v21, v20;
	v21 =	vsel vm6, v8, v16;
	v24 =	vsel vm5, v17, v9  }
0x138: {  	v22 =	vsel vm5, v22, v11;
	v8 =	vsel vm3, v14, v18;
	vm7 =	vlt.f32 v24, v23  }
0x139: {  	v16 =	vsel vm8, v26, v25;
	v12 =	vsel vm7, v28, v27;
	v11 =	vsel vm7, v27, v28  }
0x13a: {  	v25 =	vsel vm3, v21, v19  }
0x13b: {  	vm6 =	vlt.f32 v6, v10;
	v26 =	vsel vm7, v24, v23;
	v23 =	vsel vm7, v23, v24  }
0x13c: {  	v13 =	vsel vm4, v13, v15;
	v9 =	vsel vm5, v9, v17;
	v14 =	vsel vm3, v18, v14  }
0x13d: {  	v27 =	vsel vm6, v10, v6;
	v15 =	vsel vm6, v16, v7;
	vm5 =	vlt.f32 v9, v13  }
0x13e: {  	vm4 =	vlt.f32 v23, v27;
	v28 =	vsel vm5, v9, v13;
	v9 =	vsel vm5, v13, v9  }
0x13f: {  	v13 =	vsel vm3, v19, v21;
	v17 =	vsel vm4, v23, v27;
	v24 =	vsel vm4, v11, v15  }
0x140: {  	vm3 =	vlt.f32 v9, v14;
	(xrf1) =	vsort.ascd.msk.f32 $0xffff, v17, v24;
	v17 =	vsel vm5, v20, v22  }
0x141: {  	v18 =	vsel vm3, v14, v9;
	v19 =	vsel vm3, v13, v17  }
0x142: {  	(xrf1) =	vsort.ascd.msk.f32 $0xffff, v18, v19  }
0x143: {  	v9 =	vsel vm3, v9, v14;
	v13 =	vsel vm3, v17, v13  }
0x144: {  	v29 =	vsel vm5, v22, v20;
	vm5 =	vlt.f32 v28, v8;
	(xrf1) =	vsort.ascd.msk.f32 $0xffff, v9, v13  }
0x145: {  	v6 =	vsel vm6, v6, v10;
	v14 =	vsel vm5, v8, v28;
	v9 =	vsel vm5, v25, v29  }
0x146: {  	v7 =	vsel vm6, v7, v16;
	vm3 =	vlt.f32 v26, v6;
	(xrf1) =	vsort.ascd.msk.f32 $0xffff, v14, v9  }
0x147: {  	v10 =	vsel vm3, v12, v7;
	v9 =	vsel vm3, v26, v6  }
0x148: {  	(xrf1) =	vsort.ascd.msk.f32 $0xffff, v9, v10  }
0x149: {  	v7 =	vsel vm3, v7, v12;
	v6 =	vsel vm3, v6, v26  }
0x14a: {  	(xrf1) =	vsort.ascd.msk.f32 $0xffff, v6, v7;
	v7 =	vsel vm5, v29, v25  }
0x14b: {  	v9 =	vsel vm4, v27, v23;
	v10 =	vsel vm4, v15, v11;
	v6 =	vsel vm5, v28, v8  }
0x14c: {  	(xrf1) =	vsort.ascd.msk.f32 $0xffff, v9, v10;
	_ =	sdelay $0x1  }
0x14d: {  	(xrf1) =	vsort.ascd.msk.f32 $0xffff, v6, v7;
	v6, v7, _ =	vpop (xrf1)  }
0x14e: {  	[tilespmem:s12+$0x60] =	vst v6  }
0x14f: {  	[tilespmem:s12+$0x460] =	vst v7;
	v6, v7, _ =	vpop (xrf1)  }
0x150: {  	[tilespmem:s12+$0x430] =	vst v7  }
0x151: {  	v7, v8, _ =	vpop (xrf1);
	[tilespmem:s12+$0x30] =	vst v6  }
0x152: {  	[tilespmem:s12+$0x20] =	vst v7  }
0x153: {  	v7, v9, _ =	vpop (xrf1);
	[tilespmem:s12+$0x420] =	vst v8  }
0x154: {  	[tilespmem:s12+$0x410] =	vst v9  }
0x155: {  	v8, v9, _ =	vpop (xrf1);
	[tilespmem:s12+$0x10] =	vst v7  }
0x156: {  	[tilespmem:s12+$0x40] =	vst v8  }
0x157: {  	v8, v10, _ =	vpop (xrf1);
	[tilespmem:s12+$0x440] =	vst v9  }
0x158: {  	[tilespmem:s12+$0x450] =	vst v10  }
0x159: {  	v10, v11, _ =	vpop (xrf1);
	[tilespmem:s12+$0x50] =	vst v8  }
0x15a: {  	[tilespmem:s12+$0x70] =	vst v10  }
0x15b: {  	[tilespmem:s12+$0x470] =	vst v11;
	v8, v9, _ =	vpop (xrf1)  }
0x15c: {  	[tilespmem:s12+$0x0] =	vst v8  }
0x15d: {  	[tilespmem:s12+$0x400] =	vst v9  }
0x15e: {  	v8 =	vld [tilespmem:s11+$0x4E0]  }
0x15f: {  	v11 =	vld [tilespmem:s11+$0x4B0]  }
0x160: {  	v7 =	vld [tilespmem:s11+$0xA0]  }
0x161: {  	v10 =	vld [tilespmem:s11+$0xE0]  }
0x162: {  	v12 =	vld [tilespmem:s11+$0x4A0]  }
0x163: {  	v16 =	vld [tilespmem:s11+$0x490]  }
0x164: {  	v19 =	vld [tilespmem:s11+$0xC0]  }
0x165: {  	v9 =	vld [tilespmem:s11+$0xF0]  }
0x166: {  	v20 =	vld [tilespmem:s11+$0x4D0]  }
0x167: {  	v13 =	vld [tilespmem:s11+$0xD0]  }
0x168: {  	v15 =	vld [tilespmem:s11+$0x90]  }
0x169: {  	v21 =	vld [tilespmem:s11+$0x80]  }
0x16a: {  	v17 =	vld [tilespmem:s11+$0xB0]  }
0x16b: {  	v22 =	vld [tilespmem:s11+$0x4F0]  }
0x16c: {  	v25 =	vld [tilespmem:s11+$0x4C0]  }
0x16d: {  	v26 =	vld [tilespmem:s11+$0x480]  }
0x16e: {  	vm6 =	vlt.f32 v7, v10;
	vm4 =	vlt.f32 v15, v13  }
0x16f: {  	vm8 =	vlt.f32 v21, v19;
	vm5 =	vlt.f32 v17, v9;
	v6 =	vsel vm6, v7, v10  }
0x170: {  	v14 =	vsel vm6, v10, v7;
	v7 =	vsel vm6, v12, v8;
	v23 =	vsel vm4, v15, v13  }
0x171: {  	v27 =	vsel vm4, v16, v20;
	v18 =	vsel vm8, v19, v21;
	v10 =	vsel vm8, v21, v19  }
0x172: {  	v19 =	vsel vm8, v25, v26;
	v63 =	vsel vm5, v11, v22;
	v20 =	vsel vm4, v20, v16  }
0x173: {  	v21 =	vsel vm6, v8, v12;
	v24 =	vsel vm5, v17, v9;
	v22 =	vsel vm5, v22, v11  }
0x174: {  	v16 =	vsel vm8, v26, v25;
	vm3 =	vlt.f32 v18, v14;
	vm7 =	vlt.f32 v23, v24  }
0x175: {  	s12 =	simm.s32 $0x400;
	v8 =	vsel vm3, v14, v18;
	v12 =	vsel vm7, v63, v27;
	v11 =	vsel vm7, v27, v63  }
.LBB2_14:
0x176: {  	p0 =	sne.s32 s12, $0xC00;
	v25 =	vsel vm3, v21, v19;
	vm6 =	vlt.f32 v10, v6;
	v26 =	vsel vm7, v24, v23;
	s13 =	smov.u32 s12;
	s12 =	sadd.s32 $0x400, s12  }
0x177: {  	v23 =	vsel vm7, v23, v24;
	v27 =	vsel vm6, v10, v6;
	v28 =	vsel vm6, v16, v7  }
0x178: {  	v13 =	vsel vm4, v13, v15;
	v9 =	vsel vm5, v9, v17;
	vm4 =	vlt.f32 v27, v23  }
0x179: {  	vm5 =	vlt.f32 v13, v9;
	v15 =	vsel vm4, v23, v27;
	v17 =	vsel vm4, v11, v28  }
0x17a: {  	v24 =	vsel vm5, v9, v13;
	v29 =	vsel vm5, v22, v20;
	(xrf1) =	vsort.dscd.msk.f32 $0xffff, v15, v17  }
0x17b: {  	v14 =	vsel vm3, v18, v14;
	v9 =	vsel vm5, v13, v9;
	v15 =	vsel vm3, v19, v21  }
0x17c: {  	v13 =	vsel vm5, v20, v22;
	vm5 =	vlt.f32 v14, v9;
	vm3 =	vlt.f32 v8, v24  }
0x17d: {  	v17 =	vsel vm5, v9, v14;
	v9 =	vsel vm5, v14, v9;
	v14 =	vsel vm5, v15, v13  }
0x17e: {  	v18 =	vsel vm3, v8, v24;
	v13 =	vsel vm5, v13, v15;
	(xrf1) =	vsort.dscd.msk.f32 $0xffff, v9, v14  }
0x17f: {  	v6 =	vsel vm6, v6, v10;
	v9 =	vsel vm3, v25, v29;
	(xrf1) =	vsort.dscd.msk.f32 $0xffff, v17, v13  }
0x180: {  	v7 =	vsel vm6, v7, v16;
	vm5 =	vlt.f32 v6, v26;
	(xrf1) =	vsort.dscd.msk.f32 $0xffff, v18, v9  }
0x181: {  	v10 =	vsel vm5, v12, v7;
	v9 =	vsel vm5, v26, v6;
	v6 =	vsel vm5, v6, v26  }
0x182: {  	v7 =	vsel vm5, v7, v12;
	v12 =	vsel vm4, v27, v23;
	(xrf1) =	vsort.dscd.msk.f32 $0xffff, v9, v10  }
0x183: {  	v8 =	vsel vm3, v24, v8;
	v9 =	vsel vm4, v28, v11;
	(xrf1) =	vsort.dscd.msk.f32 $0xffff, v6, v7  }
0x184: {  	v6 =	vsel vm3, v29, v25;
	(xrf1) =	vsort.dscd.msk.f32 $0xffff, v12, v9  }
0x185: {  	(xrf1) =	vsort.dscd.msk.f32 $0xffff, v8, v6;
	_ =	sdelay $0x2  }
0x186: {  	v6, v7, _ =	vpop (xrf1)  }
0x187: {  	[tilespmem:s11+$0xE0] =	vst v6  }
0x188: {  	s13 =	sshra.s32 s13, $0x2;
	[tilespmem:s11+$0x4E0] =	vst v7;
	_ =	sdelay $0x1  }
0x189: {  	v6, v7, _ =	vpop (xrf1)  }
0x18a: {  	v8 =	vld [tilespmem:s13+$0x4E0];
	[tilespmem:s11+$0x4B0] =	vst v7;
	v7, v9, _ =	vpop (xrf1)  }
0x18b: {  	v11 =	vld [tilespmem:s13+$0x4B0];
	[tilespmem:s11+$0xA0] =	vst v7;
	v7, v10, _ =	vpop (xrf1)  }
0x18c: {  	v12 =	vld [tilespmem:s13+$0xA0];
	[tilespmem:s11+$0x4A0] =	vst v9  }
0x18d: {  	v14 =	vld [tilespmem:s13+$0xE0];
	[tilespmem:s11+$0x490] =	vst v10;
	v15, v10, _ =	vpop (xrf1)  }
0x18e: {  	v16 =	vld [tilespmem:s13+$0x4A0];
	[tilespmem:s11+$0xC0] =	vst v15;
	v13, v9, _ =	vpop (xrf1)  }
0x18f: {  	v20 =	vld [tilespmem:s13+$0x490];
	[tilespmem:s11+$0x4D0] =	vst v9;
	v9, v15, _ =	vpop (xrf1)  }
0x190: {  	v19 =	vld [tilespmem:s13+$0xC0];
	[tilespmem:s11+$0xF0] =	vst v9;
	v17, v18, _ =	vpop (xrf1)  }
0x191: {  	v9 =	vld [tilespmem:s13+$0xF0];
	[tilespmem:s11+$0xD0] =	vst v13  }
0x192: {  	v21 =	vld [tilespmem:s13+$0x4D0];
	[tilespmem:s11+$0x4F0] =	vst v15  }
0x193: {  	v22 =	vld [tilespmem:s13+$0x4F0];
	[tilespmem:s11+$0x4C0] =	vst v10  }
0x194: {  	v25 =	vld [tilespmem:s13+$0x4C0];
	[tilespmem:s11+$0x90] =	vst v7  }
0x195: {  	v13 =	vld [tilespmem:s13+$0xD0];
	[tilespmem:s11+$0x80] =	vst v17  }
0x196: {  	v15 =	vld [tilespmem:s13+$0x90];
	[tilespmem:s11+$0x480] =	vst v18  }
0x197: {  	v10 =	vld [tilespmem:s13+$0x80];
	[tilespmem:s11+$0xB0] =	vst v6;
	s11 =	smov.u32 s13  }
0x198: {  	vm6 =	vlt.f32 v12, v14;
	v17 =	vld [tilespmem:s11+$0xB0]  }
0x199: {  	v6 =	vsel vm6, v12, v14;
	v26 =	vld [tilespmem:s11+$0x480]  }
0x19a: {  	v14 =	vsel vm6, v14, v12  }
0x19b: {  	v7 =	vsel vm6, v16, v8;
	vm4 =	vlt.f32 v15, v13  }
0x19c: {  	vm8 =	vlt.f32 v10, v19;
	v23 =	vsel vm4, v15, v13;
	v27 =	vsel vm4, v20, v21  }
.Ltmp8:
0x19d: {  	v18 =	vsel vm8, v19, v10;
	v10 =	vsel vm8, v10, v19;
	vm5 =	vlt.f32 v17, v9;
	(pc) =	sbr.rel @p0 .LBB2_14-.Ltmp8, $4  }
0x19e: {  	v19 =	vsel vm8, v25, v26;
	v28 =	vsel vm5, v11, v22;
	vm3 =	vlt.f32 v18, v14  }
0x19f: {  	v20 =	vsel vm4, v21, v20;
	v21 =	vsel vm6, v8, v16;
	v24 =	vsel vm5, v17, v9  }
0x1a0: {  	v22 =	vsel vm5, v22, v11;
	v8 =	vsel vm3, v14, v18;
	vm7 =	vlt.f32 v23, v24  }
0x1a1: {  	v16 =	vsel vm8, v26, v25;
	v12 =	vsel vm7, v28, v27;
	v11 =	vsel vm7, v27, v28  }
0x1a2: {  	v25 =	vsel vm3, v21, v19;
	vm6 =	vlt.f32 v10, v6;
	v60 =	vsel vm7, v23, v24  }
0x1a3: {  	v13 =	vsel vm4, v13, v15;
	v9 =	vsel vm5, v9, v17;
	v14 =	vsel vm3, v18, v14  }
0x1a4: {  	v27 =	vsel vm6, v10, v6;
	v15 =	vsel vm6, v16, v7;
	vm5 =	vlt.f32 v13, v9  }
0x1a5: {  	vm13 =	vlt.f32 v27, v60;
	v28 =	vsel vm5, v9, v13;
	v9 =	vsel vm5, v13, v9  }
0x1a6: {  	v13 =	vsel vm3, v19, v21;
	v61 =	vsel vm13, v60, v27;
	v62 =	vsel vm13, v11, v15  }
0x1a7: {  	v63 =	vsel vm5, v20, v22;
	vm3 =	vlt.f32 v14, v9;
	(xrf1) =	vsort.dscd.msk.f32 $0xffff, v61, v62  }
0x1a8: {  	v18 =	vsel vm3, v14, v9;
	v19 =	vsel vm3, v13, v63  }
0x1a9: {  	(xrf1) =	vsort.dscd.msk.f32 $0xffff, v18, v19  }
0x1aa: {  	v26 =	vsel vm7, v24, v23;
	v9 =	vsel vm3, v9, v14;
	v13 =	vsel vm3, v63, v13  }
0x1ab: {  	v29 =	vsel vm5, v22, v20;
	vm14 =	vlt.f32 v8, v28;
	(xrf1) =	vsort.dscd.msk.f32 $0xffff, v9, v13  }
0x1ac: {  	v6 =	vsel vm6, v6, v10;
	v14 =	vsel vm14, v8, v28;
	v9 =	vsel vm14, v25, v29  }
0x1ad: {  	v7 =	vsel vm6, v7, v16;
	vm3 =	vlt.f32 v6, v26;
	(xrf1) =	vsort.dscd.msk.f32 $0xffff, v14, v9  }
0x1ae: {  	v10 =	vsel vm3, v12, v7;
	v9 =	vsel vm3, v26, v6  }
0x1af: {  	(xrf1) =	vsort.dscd.msk.f32 $0xffff, v9, v10  }
0x1b0: {  	v7 =	vsel vm3, v7, v12;
	v6 =	vsel vm3, v6, v26  }
0x1b1: {  	(xrf1) =	vsort.dscd.msk.f32 $0xffff, v6, v7;
	v7 =	vsel vm14, v29, v25  }
0x1b2: {  	v9 =	vsel vm13, v27, v60;
	v10 =	vsel vm13, v15, v11;
	v6 =	vsel vm14, v28, v8  }
0x1b3: {  	(xrf1) =	vsort.dscd.msk.f32 $0xffff, v9, v10;
	_ =	sdelay $0x1  }
0x1b4: {  	(xrf1) =	vsort.dscd.msk.f32 $0xffff, v6, v7;
	v6, v7, _ =	vpop (xrf1)  }
0x1b5: {  	[tilespmem:s11+$0xE0] =	vst v6  }
0x1b6: {  	[tilespmem:s11+$0x4E0] =	vst v7;
	v6, v7, _ =	vpop (xrf1)  }
0x1b7: {  	[tilespmem:s11+$0x4B0] =	vst v7  }
0x1b8: {  	v7, v8, _ =	vpop (xrf1);
	[tilespmem:s11+$0xB0] =	vst v6  }
0x1b9: {  	[tilespmem:s11+$0xA0] =	vst v7  }
0x1ba: {  	v7, v9, _ =	vpop (xrf1);
	[tilespmem:s11+$0x4A0] =	vst v8  }
0x1bb: {  	[tilespmem:s11+$0x490] =	vst v9  }
0x1bc: {  	v8, v9, _ =	vpop (xrf1);
	[tilespmem:s11+$0x90] =	vst v7  }
0x1bd: {  	[tilespmem:s11+$0xC0] =	vst v8  }
0x1be: {  	v8, v10, _ =	vpop (xrf1);
	[tilespmem:s11+$0x4C0] =	vst v9  }
0x1bf: {  	[tilespmem:s11+$0x4D0] =	vst v10  }
0x1c0: {  	v10, v11, _ =	vpop (xrf1);
	[tilespmem:s11+$0xD0] =	vst v8  }
0x1c1: {  	s12 =	simm.s32 $0x0;
	s13 =	simm.s32 $0x0;
	[tilespmem:s11+$0xF0] =	vst v10  }
0x1c2: {  	s14 =	sand.u32 $0x30, s12;
	s15 =	sand.u32 $0x6, s13;
	[tilespmem:s11+$0x4F0] =	vst v11;
	v8, v9, _ =	vpop (xrf1)  }
0x1c3: {  	s14 =	sor.u32 s15, s14;
	[tilespmem:s11+$0x80] =	vst v8  }
0x1c4: {  	[tilespmem:s11+$0x480] =	vst v9;
	s11 =	sshll.u32 s14, $0x4  }
0x1c5: {  	v6 =	vld [tilespmem:s11+$0x80]  }
0x1c6: {  	v7 =	vld [tilespmem:s11+$0x0];
	_ =	sdelay $0x1  }
0x1c7: {  	v9 =	vld [tilespmem:s11+$0x480]  }
0x1c8: {  	v12 =	vld [tilespmem:s11+$0x90]  }
0x1c9: {  	s13 =	sand.u32 $0x8, s13;
	v13 =	vld [tilespmem:s11+$0x10]  }
0x1ca: {  	vm4 =	vmmov vm0;
	p0 =	seq.s32 s13, $0x0;
	v10 =	vld [tilespmem:s11+$0x400];
	vm3 =	vlt.f32 v6, v7  }
0x1cb: {  	s15 =	simm.s32 $0x4;
	vm4 =	vmneg @p0 vm4;
	s14 =	simm.s32 $0x2;
	vm3 =	vmneg vm3  }
0x1cc: {  	s30 =	sand.u32 $0x30, s15;
	s16 =	sand.u32 $0x6, s14;
	vm3 =	vmxor vm4, vm3  }
0x1cd: {  	v14 =	vld [tilespmem:s11+$0x490];
	s13 =	sor.u32 s16, s30;
	v8 =	vsel vm3, v7, v6  }
0x1ce: {  	v15 =	vld [tilespmem:s11+$0x410];
	s13 =	sshll.u32 s13, $0x4;
	vm15 =	vlt.f32 v12, v13;
	v7 =	vsel vm3, v6, v7;
	[tilespmem:s11+$0x80] =	vst v8  }
0x1cf: {  	[tilespmem:s11+$0x0] =	vst v7;
	v7 =	vsel vm3, v10, v9;
	v10 =	vsel vm3, v9, v10;
	vm3 =	vmneg vm15;
	v6 =	vld [tilespmem:s13+$0x80]  }
0x1d0: {  	v8 =	vld [tilespmem:s13+$0x0];
	[tilespmem:s11+$0x480] =	vst v7;
	vm3 =	vmxor vm4, vm3  }
0x1d1: {  	[tilespmem:s11+$0x400] =	vst v10;
	v9 =	vld [tilespmem:s13+$0x480];
	v7 =	vsel vm3, v13, v12  }
0x1d2: {  	v11 =	vld [tilespmem:s13+$0x400];
	v10 =	vsel vm3, v12, v13;
	[tilespmem:s11+$0x90] =	vst v7  }
0x1d3: {  	s31 =	sand.u32 $0x8, s14;
	v13 =	vsel vm3, v15, v14;
	[tilespmem:s11+$0x10] =	vst v10;
	v7 =	vld [tilespmem:s13+$0x90]  }
0x1d4: {  	p0 =	seq.s32 s31, $0x0;
	v12 =	vsel vm3, v14, v15;
	v10 =	vld [tilespmem:s13+$0x10];
	[tilespmem:s11+$0x490] =	vst v13  }
.LBB2_16:
0x1d5: {  	s14 =	sadd.s32 $0x2, s14;
	vm3 =	vlt.f32 v6, v8;
	s15 =	sadd.s32 $0x4, s15;
	[tilespmem:s11+$0x410] =	vst v12;
	s11 =	smov.u32 s13;
	vm4 =	vmmov vm0  }
0x1d6: {  	s13 =	sand.u32 $0x30, s15;
	s16 =	sand.u32 $0x6, s14;
	s17 =	sand.u32 $0x8, s14;
	vm4 =	vmneg @p0 vm4;
	vm3 =	vmneg vm3;
	v13 =	vld [tilespmem:s11+$0x490]  }
0x1d7: {  	p1 =	slt.u32 s14, $0x1E;
	s13 =	sor.u32 s16, s13;
	p0 =	seq.s32 s17, $0x0;
	vm3 =	vmxor vm4, vm3;
	v14 =	vld [tilespmem:s11+$0x410]  }
0x1d8: {  	s13 =	sshll.u32 s13, $0x4;
	v12 =	vsel vm3, v8, v6;
	v15 =	vsel vm3, v9, v11;
	v9 =	vsel vm3, v11, v9  }
0x1d9: {  	v8 =	vsel vm3, v6, v8;
	[tilespmem:s11+$0x80] =	vst v12;
	vm3 =	vlt.f32 v7, v10  }
0x1da: {  	v6 =	vld [tilespmem:s13+$0x80];
	[tilespmem:s11+$0x0] =	vst v8;
	vm3 =	vmneg vm3  }
.Ltmp9:
0x1db: {  	v8 =	vld [tilespmem:s13+$0x0];
	[tilespmem:s11+$0x480] =	vst v9;
	vm3 =	vmxor vm4, vm3;
	(pc) =	sbr.rel @p1 .LBB2_16-.Ltmp9, $4  }
0x1dc: {  	v9 =	vld [tilespmem:s13+$0x480];
	[tilespmem:s11+$0x400] =	vst v15;
	v15 =	vsel vm3, v7, v10;
	v7 =	vsel vm3, v10, v7;
	v12 =	vsel vm3, v13, v14  }
0x1dd: {  	v13 =	vsel vm3, v14, v13;
	v11 =	vld [tilespmem:s13+$0x400];
	[tilespmem:s11+$0x90] =	vst v7  }
0x1de: {  	v7 =	vld [tilespmem:s13+$0x90];
	[tilespmem:s11+$0x10] =	vst v15  }
0x1df: {  	v10 =	vld [tilespmem:s13+$0x10];
	[tilespmem:s11+$0x490] =	vst v13  }
0x1e0: {  	vm3 =	vlt.f32 v6, v8;
	vm4 =	vmmov vm0  }
0x1e1: {  	vm4 =	vmneg @p0 vm4;
	vm3 =	vmneg vm3  }
0x1e2: {  	vm3 =	vmxor vm4, vm3  }
0x1e3: {  	[tilespmem:s11+$0x410] =	vst v12;
	v12 =	vld [tilespmem:s13+$0x490];
	v14 =	vsel vm3, v8, v6  }
0x1e4: {  	v13 =	vld [tilespmem:s13+$0x410];
	v6 =	vsel vm3, v6, v8;
	[tilespmem:s13+$0x80] =	vst v14;
	vm5 =	vlt.f32 v7, v10  }
0x1e5: {  	v8 =	vsel vm3, v11, v9;
	[tilespmem:s13+$0x0] =	vst v6;
	vm5 =	vmneg vm5  }
0x1e6: {  	v6 =	vsel vm3, v9, v11;
	[tilespmem:s13+$0x480] =	vst v8;
	vm3 =	vmxor vm4, vm5  }
0x1e7: {  	[tilespmem:s13+$0x400] =	vst v6;
	v6 =	vsel vm3, v10, v7  }
0x1e8: {  	v7 =	vsel vm3, v7, v10;
	[tilespmem:s13+$0x90] =	vst v6  }
0x1e9: {  	s31 =	sand.u32 $0x4, s12;
	s14 =	sand.u32 $0x1, s12;
	v6 =	vsel vm3, v13, v12;
	[tilespmem:s13+$0x10] =	vst v7  }
0x1ea: {  	s11 =	sor.u32 s14, s31;
	v7 =	vsel vm3, v12, v13;
	[tilespmem:s13+$0x490] =	vst v6  }
0x1eb: {  	[tilespmem:s13+$0x410] =	vst v7;
	s13 =	sshll.u32 s11, $0x7  }
0x1ec: {  	v7 =	vld [tilespmem:s13+$0x20]  }
0x1ed: {  	v8 =	vld [tilespmem:s13+$0x60]  }
0x1ee: {  	v10 =	vld [tilespmem:s13+$0x0]  }
0x1ef: {  	v11 =	vld [tilespmem:s13+$0x50]  }
0x1f0: {  	v6 =	vld [tilespmem:s13+$0x470]  }
0x1f1: {  	v15 =	vld [tilespmem:s13+$0x70]  }
0x1f2: {  	v12 =	vld [tilespmem:s13+$0x40]  }
0x1f3: {  	v17 =	vld [tilespmem:s13+$0x460]  }
0x1f4: {  	v18 =	vld [tilespmem:s13+$0x10]  }
0x1f5: {  	v14 =	vld [tilespmem:s13+$0x440]  }
0x1f6: {  	v21 =	vld [tilespmem:s13+$0x420]  }
0x1f7: {  	v25 =	vld [tilespmem:s13+$0x30]  }
0x1f8: {  	v16 =	vld [tilespmem:s13+$0x400]  }
0x1f9: {  	v9 =	vld [tilespmem:s13+$0x430]  }
0x1fa: {  	v26 =	vld [tilespmem:s13+$0x410]  }
0x1fb: {  	v28 =	vld [tilespmem:s13+$0x450];
	vm4 =	vlt.f32 v8, v7;
	vm5 =	vlt.f32 v12, v10;
	vm8 =	vlt.f32 v11, v18  }
0x1fc: {  	vm6 =	vlt.f32 v15, v25;
	v13 =	vsel vm4, v8, v7;
	v27 =	vsel vm5, v10, v12  }
0x1fd: {  	v7 =	vsel vm4, v7, v8;
	v20 =	vsel vm5, v12, v10;
	v8 =	vsel vm8, v18, v11  }
0x1fe: {  	v23 =	vsel vm4, v21, v17;
	v24 =	vsel vm5, v16, v14;
	v19 =	vsel vm8, v11, v18  }
0x1ff: {  	v18 =	vsel vm4, v17, v21;
	v11 =	vsel vm6, v9, v6;
	v22 =	vsel vm6, v15, v25  }
0x200: {  	v17 =	vsel vm6, v25, v15;
	v21 =	vsel vm8, v28, v26;
	v15 =	vsel vm8, v26, v28  }
0x201: {  	vm3 =	vlt.f32 v13, v20;
	vm7 =	vlt.f32 v7, v27;
	vm4 =	vlt.f32 v17, v8  }
0x202: {  	s14 =	simm.s32 $0x1;
	v12 =	vsel vm7, v27, v7;
	v10 =	vsel vm7, v24, v23;
	v7 =	vsel vm7, v7, v27  }
.LBB2_18:
0x203: {  	p0 =	sne.s32 s14, $0x3  }
0x204: {  	v14 =	vsel vm5, v14, v16;
	vm8 =	vlt.f32 v22, v19;
	v16 =	vsel vm7, v23, v24;
	s12 =	sadd.s32 $0x2, s12;
	s11 =	smov.u32 s14;
	s14 =	sadd.s32 $0x1, s14  }
0x205: {  	v23 =	vsel vm3, v13, v20;
	v24 =	vsel vm3, v14, v18;
	v25 =	vsel vm8, v19, v22  }
0x206: {  	v6 =	vsel vm6, v6, v9;
	v9 =	vsel vm3, v20, v13;
	v13 =	vsel vm4, v11, v15  }
0x207: {  	v26 =	vsel vm4, v17, v8;
	v20 =	vsel vm8, v21, v6;
	vm5 =	vlt.f32 v25, v9  }
0x208: {  	v19 =	vsel vm8, v22, v19;
	v22 =	vsel vm5, v25, v9;
	v27 =	vsel vm5, v20, v24  }
0x209: {  	v14 =	vsel vm3, v18, v14;
	vm3 =	vlt.f32 v19, v23;
	(xrf1) =	vsort.ascd.msk.f32 $0xffff, v22, v27  }
0x20a: {  	v6 =	vsel vm8, v6, v21;
	v18 =	vsel vm3, v23, v19  }
0x20b: {  	v8 =	vsel vm4, v8, v17;
	v17 =	vsel vm3, v19, v23;
	v19 =	vsel vm3, v6, v14  }
0x20c: {  	v11 =	vsel vm4, v15, v11;
	vm4 =	vlt.f32 v8, v12;
	(xrf1) =	vsort.ascd.msk.f32 $0xffff, v17, v19  }
0x20d: {  	v15 =	vsel vm4, v8, v12;
	v8 =	vsel vm4, v12, v8;
	v12 =	vsel vm4, v11, v10  }
0x20e: {  	vm6 =	vlt.f32 v26, v7;
	v10 =	vsel vm4, v10, v11;
	(xrf1) =	vsort.ascd.msk.f32 $0xffff, v15, v12  }
0x20f: {  	v11 =	vsel vm6, v7, v26;
	v12 =	vsel vm6, v16, v13;
	(xrf1) =	vsort.ascd.msk.f32 $0xffff, v8, v10  }
0x210: {  	v7 =	vsel vm6, v26, v7;
	v8 =	vsel vm6, v13, v16;
	(xrf1) =	vsort.ascd.msk.f32 $0xffff, v11, v12  }
0x211: {  	v9 =	vsel vm5, v9, v25;
	v10 =	vsel vm5, v24, v20;
	(xrf1) =	vsort.ascd.msk.f32 $0xffff, v7, v8  }
0x212: {  	v6 =	vsel vm3, v14, v6;
	(xrf1) =	vsort.ascd.msk.f32 $0xffff, v9, v10  }
0x213: {  	(xrf1) =	vsort.ascd.msk.f32 $0xffff, v18, v6;
	_ =	sdelay $0x3  }
0x214: {  	s15 =	sand.u32 $0x4, s12;
	s11 =	sand.u32 $0x1, s11;
	v6, v7, _ =	vpop (xrf1)  }
0x215: {  	s11 =	sor.u32 s11, s15;
	[tilespmem:s13+$0x20] =	vst v6  }
0x216: {  	s11 =	sshll.u32 s11, $0x7;
	[tilespmem:s13+$0x420] =	vst v7  }
0x217: {  	v6, v7, _ =	vpop (xrf1)  }
0x218: {  	[tilespmem:s13+$0x0] =	vst v6  }
0x219: {  	v8 =	vld [tilespmem:s11+$0x20];
	[tilespmem:s13+$0x400] =	vst v7;
	v10, v7, _ =	vpop (xrf1)  }
0x21a: {  	[tilespmem:s13+$0x60] =	vst v10;
	v9, v6, _ =	vpop (xrf1)  }
0x21b: {  	v10 =	vld [tilespmem:s11+$0x60];
	[tilespmem:s13+$0x470] =	vst v6;
	v6, v11, _ =	vpop (xrf1)  }
0x21c: {  	v12 =	vld [tilespmem:s11+$0x0];
	[tilespmem:s13+$0x460] =	vst v7;
	v7, v13, _ =	vpop (xrf1)  }
0x21d: {  	[tilespmem:s13+$0x50] =	vst v6;
	v15, v14, _ =	vpop (xrf1)  }
0x21e: {  	v17 =	vld [tilespmem:s11+$0x50];
	[tilespmem:s13+$0x40] =	vst v7;
	v7, v16, _ =	vpop (xrf1)  }
0x21f: {  	v6 =	vld [tilespmem:s11+$0x470];
	[tilespmem:s13+$0x70] =	vst v9  }
0x220: {  	v21 =	vld [tilespmem:s11+$0x70];
	[tilespmem:s13+$0x440] =	vst v13  }
0x221: {  	v18 =	vld [tilespmem:s11+$0x40];
	[tilespmem:s13+$0x450] =	vst v11  }
0x222: {  	v11 =	vld [tilespmem:s11+$0x460];
	[tilespmem:s13+$0x10] =	vst v7  }
0x223: {  	v7 =	vld [tilespmem:s11+$0x10];
	[tilespmem:s13+$0x430] =	vst v14  }
0x224: {  	v9 =	vld [tilespmem:s11+$0x430];
	[tilespmem:s13+$0x410] =	vst v16  }
0x225: {  	vm4 =	vlt.f32 v10, v8;
	v14 =	vld [tilespmem:s11+$0x440];
	[tilespmem:s13+$0x30] =	vst v15;
	s13 =	smov.u32 s11  }
0x226: {  	v13 =	vsel vm4, v10, v8;
	v15 =	vld [tilespmem:s13+$0x420]  }
0x227: {  	v16 =	vld [tilespmem:s13+$0x400]  }
0x228: {  	v25 =	vld [tilespmem:s13+$0x30]  }
0x229: {  	vm5 =	vlt.f32 v18, v12;
	vm8 =	vlt.f32 v17, v7  }
0x22a: {  	v28 =	vsel vm4, v8, v10;
	v27 =	vsel vm5, v12, v18;
	v26 =	vld [tilespmem:s13+$0x410]  }
0x22b: {  	v20 =	vsel vm5, v18, v12;
	v8 =	vsel vm8, v7, v17;
	v29 =	vld [tilespmem:s13+$0x450];
	v23 =	vsel vm4, v15, v11  }
.Ltmp10:
0x22c: {  	vm3 =	vlt.f32 v13, v20;
	v19 =	vsel vm8, v17, v7;
	v24 =	vsel vm5, v16, v14;
	(pc) =	sbr.rel @p0 .LBB2_18-.Ltmp10, $4  }
0x22d: {  	vm7 =	vlt.f32 v28, v27;
	v18 =	vsel vm4, v11, v15;
	vm6 =	vlt.f32 v21, v25  }
0x22e: {  	v12 =	vsel vm7, v27, v28;
	v10 =	vsel vm7, v24, v23;
	v11 =	vsel vm6, v9, v6  }
0x22f: {  	v7 =	vsel vm7, v28, v27;
	v22 =	vsel vm6, v21, v25;
	v17 =	vsel vm6, v25, v21  }
0x230: {  	s11 =	simm.s32 $0x0;
	vm4 =	vlt.f32 v17, v8;
	v21 =	vsel vm8, v29, v26;
	v15 =	vsel vm8, v26, v29  }
0x231: {  	v14 =	vsel vm5, v14, v16;
	vm5 =	vlt.f32 v22, v19  }
0x232: {  	v16 =	vsel vm7, v23, v24;
	v23 =	vsel vm3, v13, v20;
	v6 =	vsel vm6, v6, v9  }
0x233: {  	v9 =	vsel vm3, v20, v13;
	v24 =	vsel vm3, v14, v18;
	v25 =	vsel vm5, v19, v22  }
0x234: {  	v13 =	vsel vm5, v21, v6;
	v19 =	vsel vm5, v22, v19;
	vm6 =	vlt.f32 v25, v9  }
0x235: {  	v14 =	vsel vm3, v18, v14;
	v20 =	vsel vm6, v25, v9;
	v22 =	vsel vm6, v13, v24  }
0x236: {  	v6 =	vsel vm5, v6, v21;
	vm3 =	vlt.f32 v19, v23;
	(xrf1) =	vsort.ascd.msk.f32 $0xffff, v20, v22  }
0x237: {  	v18 =	vsel vm4, v8, v17;
	v21 =	vsel vm3, v6, v14;
	v20 =	vsel vm3, v19, v23  }
0x238: {  	vm5 =	vlt.f32 v18, v12;
	v22 =	vsel vm4, v15, v11;
	(xrf1) =	vsort.ascd.msk.f32 $0xffff, v20, v21  }
0x239: {  	v8 =	vsel vm4, v17, v8;
	v17 =	vsel vm5, v18, v12;
	v20 =	vsel vm5, v22, v10  }
0x23a: {  	(xrf1) =	vsort.ascd.msk.f32 $0xffff, v17, v20  }
0x23b: {  	v12 =	vsel vm5, v12, v18;
	v10 =	vsel vm5, v10, v22  }
0x23c: {  	v11 =	vsel vm4, v11, v15;
	vm4 =	vlt.f32 v8, v7;
	(xrf1) =	vsort.ascd.msk.f32 $0xffff, v12, v10  }
0x23d: {  	v10 =	vsel vm4, v7, v8;
	v12 =	vsel vm4, v16, v11  }
0x23e: {  	(xrf1) =	vsort.ascd.msk.f32 $0xffff, v10, v12  }
0x23f: {  	v7 =	vsel vm4, v8, v7;
	v8 =	vsel vm4, v11, v16  }
0x240: {  	(xrf1) =	vsort.ascd.msk.f32 $0xffff, v7, v8;
	v7 =	vsel vm6, v9, v25  }
0x241: {  	v6 =	vsel vm3, v14, v6;
	v8 =	vsel vm6, v24, v13  }
0x242: {  	(xrf1) =	vsort.ascd.msk.f32 $0xffff, v7, v8  }
0x243: {  	v9 =	vsel vm3, v23, v19  }
0x244: {  	(xrf1) =	vsort.ascd.msk.f32 $0xffff, v9, v6;
	v6, v7, _ =	vpop (xrf1)  }
0x245: {  	[tilespmem:s13+$0x20] =	vst v6  }
0x246: {  	[tilespmem:s13+$0x420] =	vst v7;
	v6, v7, _ =	vpop (xrf1)  }
0x247: {  	[tilespmem:s13+$0x0] =	vst v6  }
0x248: {  	[tilespmem:s13+$0x400] =	vst v7;
	v6, v7, _ =	vpop (xrf1)  }
0x249: {  	[tilespmem:s13+$0x60] =	vst v6  }
0x24a: {  	v6, v8, _ =	vpop (xrf1);
	[tilespmem:s13+$0x460] =	vst v7  }
0x24b: {  	[tilespmem:s13+$0x470] =	vst v8  }
0x24c: {  	v8, v9, _ =	vpop (xrf1);
	[tilespmem:s13+$0x70] =	vst v6  }
0x24d: {  	[tilespmem:s13+$0x50] =	vst v8  }
0x24e: {  	v7, v10, _ =	vpop (xrf1);
	[tilespmem:s13+$0x450] =	vst v9  }
0x24f: {  	[tilespmem:s13+$0x40] =	vst v7  }
0x250: {  	[tilespmem:s13+$0x440] =	vst v10;
	v6, v7, _ =	vpop (xrf1)  }
0x251: {  	[tilespmem:s13+$0x430] =	vst v7  }
0x252: {  	v8, v10, _ =	vpop (xrf1);
	[tilespmem:s13+$0x30] =	vst v6  }
0x253: {  	s15 =	sor.u32 s11, s11;
	[tilespmem:s13+$0x10] =	vst v8  }
0x254: {  	s17 =	sor.u32 $0x110, s15;
	[tilespmem:s13+$0x410] =	vst v10  }
0x255: {  	s12 =	sor.u32 $0x160, s15;
	v11 =	vld [tilespmem:s17+$0x0]  }
0x256: {  	s14 =	sor.u32 $0x140, s15;
	v10 =	vld [tilespmem:s12+$0x0]  }
0x257: {  	s18 =	sor.u32 $0x120, s15;
	v7 =	vld [tilespmem:s14+$0x0]  }
0x258: {  	v12 =	vld [tilespmem:s18+$0x0]  }
0x259: {  	s16 =	sor.u32 $0x130, s15;
	v14 =	vld [tilespmem:s14+$0x400]  }
0x25a: {  	s19 =	sor.u32 $0x100, s15;
	v15 =	vld [tilespmem:s16+$0x0]  }
0x25b: {  	s13 =	sor.u32 $0x170, s15;
	v8 =	vld [tilespmem:s19+$0x0]  }
0x25c: {  	s15 =	sor.u32 $0x150, s15;
	v16 =	vld [tilespmem:s13+$0x0]  }
0x25d: {  	v13 =	vld [tilespmem:s15+$0x400]  }
0x25e: {  	v17 =	vld [tilespmem:s13+$0x400]  }
0x25f: {  	v18 =	vld [tilespmem:s15+$0x0]  }
0x260: {  	v19 =	vld [tilespmem:s17+$0x400]  }
0x261: {  	v20 =	vld [tilespmem:s19+$0x400]  }
0x262: {  	v21 =	vld [tilespmem:s16+$0x400]  }
0x263: {  	v23 =	vld [tilespmem:s12+$0x400];
	vm3 =	vlt.f32 v8, v7;
	vm4 =	vlt.f32 v12, v10  }
0x264: {  	v26 =	vld [tilespmem:s18+$0x400];
	vm5 =	vlt.f32 v11, v18;
	vm6 =	vlt.f32 v15, v16;
	v22 =	vsel vm3, v7, v8  }
0x265: {  	v24 =	vsel vm5, v18, v11;
	v6 =	vsel vm4, v12, v10;
	v25 =	vsel vm6, v16, v15  }
0x266: {  	v7 =	vsel vm3, v8, v7;
	v8 =	vsel vm5, v19, v13;
	v9 =	vsel vm3, v20, v14  }
0x267: {  	v19 =	vsel vm5, v13, v19;
	v27 =	vsel vm6, v17, v21;
	v28 =	vsel vm4, v10, v12  }
0x268: {  	v12 =	vsel vm6, v15, v16;
	v10 =	vsel vm6, v21, v17;
	v17 =	vsel vm3, v14, v20  }
0x269: {  	v16 =	vsel vm5, v11, v18;
	v30 =	vsel vm4, v23, v26;
	v14 =	vsel vm4, v26, v23  }
0x26a: {  	vm7 =	vlt.f32 v24, v25;
	vm8 =	vlt.f32 v22, v28;
	vm3 =	vlt.f32 v7, v6  }
0x26b: {  	vm4 =	vlt.f32 v16, v12;
	v29 =	vsel vm7, v24, v25;
	v13 =	vsel vm7, v27, v19  }
0x26c: {  	v18 =	vsel vm8, v28, v22;
	v20 =	vsel vm8, v30, v17;
	v21 =	vsel vm7, v25, v24  }
0x26d: {  	v11 =	vsel vm3, v9, v14;
	v22 =	vsel vm8, v22, v28;
	v19 =	vsel vm7, v19, v27  }
0x26e: {  	v15 =	vsel vm3, v7, v6;
	v23 =	vsel vm8, v17, v30;
	vm6 =	vlt.f32 v18, v21  }
0x26f: {  	v17 =	vsel vm4, v12, v16;
	vm5 =	vlt.f32 v22, v29;
	v25 =	vsel vm6, v13, v20  }
0x270: {  	s20 =	simm.s32 $0x80;
	s21 =	simm.s32 $0x0;
	v24 =	vsel vm5, v29, v22;
	v26 =	vsel vm6, v21, v18;
	v22 =	vsel vm5, v22, v29  }
.LBB2_20:
0x271: {  	p0 =	sne.s32 s20, $0x180  }
0x272: {  	v12 =	vsel vm4, v16, v12;
	v16 =	vsel vm4, v8, v10;
	s21 =	sadd.s32 $0x100, s21;
	(xrf1) =	vsort.dscd.msk.f32 $0xffff, v26, v25;
	s22 =	smov.u32 s20;
	s20 =	sadd.s32 $0x80, s20  }
0x273: {  	v18 =	vsel vm6, v18, v21;
	v13 =	vsel vm6, v20, v13;
	vm6 =	vlt.f32 v15, v12  }
0x274: {  	v20 =	vsel vm5, v23, v19;
	v21 =	vsel vm6, v16, v11;
	(xrf1) =	vsort.dscd.msk.f32 $0xffff, v18, v13  }
0x275: {  	v8 =	vsel vm4, v10, v8;
	v10 =	vsel vm5, v19, v23;
	v13 =	vsel vm6, v12, v15  }
0x276: {  	v9 =	vsel vm3, v14, v9;
	v12 =	vsel vm6, v15, v12;
	(xrf1) =	vsort.dscd.msk.f32 $0xffff, v24, v10  }
0x277: {  	v10 =	vsel vm6, v11, v16  }
0x278: {  	(xrf1) =	vsort.dscd.msk.f32 $0xffff, v22, v20  }
0x279: {  	v6 =	vsel vm3, v6, v7  }
0x27a: {  	vm3 =	vlt.f32 v6, v17  }
0x27b: {  	v7 =	vsel vm3, v17, v6;
	v6 =	vsel vm3, v6, v17;
	v11 =	vsel vm3, v8, v9  }
0x27c: {  	v8 =	vsel vm3, v9, v8;
	(xrf1) =	vsort.dscd.msk.f32 $0xffff, v7, v11;
	_ =	sdelay $0x1  }
0x27d: {  	(xrf1) =	vsort.dscd.msk.f32 $0xffff, v6, v8;
	_ =	sdelay $0x1  }
0x27e: {  	v6, v7, _ =	vpop (xrf1);
	(xrf1) =	vsort.dscd.msk.f32 $0xffff, v13, v21  }
0x27f: {  	[tilespmem:s19+$0x0] =	vst v6  }
0x280: {  	[tilespmem:s19+$0x400] =	vst v7;
	v6, v7, _ =	vpop (xrf1);
	(xrf1) =	vsort.dscd.msk.f32 $0xffff, v12, v10  }
0x281: {  	[tilespmem:s17+$0x0] =	vst v6  }
0x282: {  	[tilespmem:s17+$0x400] =	vst v7;
	v6, v7, _ =	vpop (xrf1)  }
0x283: {  	[tilespmem:s18+$0x400] =	vst v7  }
0x284: {  	[tilespmem:s18+$0x0] =	vst v6;
	v6, v7, _ =	vpop (xrf1)  }
0x285: {  	[tilespmem:s16+$0x0] =	vst v6  }
0x286: {  	[tilespmem:s16+$0x400] =	vst v7;
	_ =	sdelay $0x1  }
0x287: {  	v6, v7, _ =	vpop (xrf1)  }
0x288: {  	[tilespmem:s14+$0x400] =	vst v7  }
0x289: {  	s22 =	sor.u32 s22, s21;
	[tilespmem:s14+$0x0] =	vst v6;
	v6, v7, _ =	vpop (xrf1)  }
0x28a: {  	s23 =	sor.u32 $0x170, s22;
	s19 =	sor.u32 $0x100, s22;
	s17 =	sor.u32 $0x110, s22;
	[tilespmem:s15+$0x0] =	vst v6  }
0x28b: {  	s18 =	sor.u32 $0x120, s22;
	s16 =	sor.u32 $0x130, s22;
	s14 =	sor.u32 $0x140, s22;
	[tilespmem:s15+$0x400] =	vst v7;
	v6, v7, _ =	vpop (xrf1)  }
0x28c: {  	s15 =	sor.u32 $0x150, s22;
	s22 =	sor.u32 $0x160, s22;
	[tilespmem:s12+$0x0] =	vst v6  }
0x28d: {  	[tilespmem:s12+$0x400] =	vst v7;
	v6, v7, _ =	vpop (xrf1);
	s12 =	smov.u32 s22  }
0x28e: {  	[tilespmem:s13+$0x0] =	vst v6  }
0x28f: {  	[tilespmem:s13+$0x400] =	vst v7;
	s13 =	smov.u32 s23  }
0x290: {  	v11 =	vld [tilespmem:s17+$0x0]  }
0x291: {  	v10 =	vld [tilespmem:s12+$0x0]  }
0x292: {  	v7 =	vld [tilespmem:s14+$0x0]  }
0x293: {  	v12 =	vld [tilespmem:s18+$0x0]  }
0x294: {  	v14 =	vld [tilespmem:s14+$0x400]  }
0x295: {  	v15 =	vld [tilespmem:s16+$0x0]  }
0x296: {  	v8 =	vld [tilespmem:s19+$0x0]  }
0x297: {  	v16 =	vld [tilespmem:s13+$0x0]  }
0x298: {  	v13 =	vld [tilespmem:s15+$0x400]  }
0x299: {  	v17 =	vld [tilespmem:s13+$0x400]  }
0x29a: {  	v18 =	vld [tilespmem:s15+$0x0]  }
0x29b: {  	v19 =	vld [tilespmem:s17+$0x400]  }
0x29c: {  	v20 =	vld [tilespmem:s19+$0x400]  }
0x29d: {  	v21 =	vld [tilespmem:s16+$0x400]  }
0x29e: {  	vm3 =	vlt.f32 v12, v10;
	vm4 =	vlt.f32 v8, v7  }
0x29f: {  	v23 =	vsel vm4, v7, v8;
	vm6 =	vlt.f32 v15, v16;
	v22 =	vld [tilespmem:s12+$0x400];
	vm5 =	vlt.f32 v11, v18  }
0x2a0: {  	v6 =	vsel vm3, v12, v10;
	v26 =	vsel vm6, v16, v15;
	v24 =	vld [tilespmem:s18+$0x400];
	v25 =	vsel vm5, v18, v11  }
0x2a1: {  	v7 =	vsel vm4, v8, v7;
	v8 =	vsel vm5, v19, v13;
	vm7 =	vlt.f32 v25, v26  }
0x2a2: {  	v19 =	vsel vm5, v13, v19;
	v9 =	vsel vm4, v20, v14;
	v27 =	vsel vm6, v17, v21  }
0x2a3: {  	v28 =	vsel vm3, v10, v12;
	v29 =	vsel vm7, v25, v26;
	v13 =	vsel vm7, v27, v19  }
0x2a4: {  	v12 =	vsel vm6, v15, v16;
	vm8 =	vlt.f32 v23, v28;
	v10 =	vsel vm6, v21, v17  }
0x2a5: {  	v16 =	vsel vm5, v11, v18;
	v18 =	vsel vm8, v28, v23;
	v17 =	vsel vm4, v14, v20  }
0x2a6: {  	v30 =	vsel vm3, v22, v24;
	v14 =	vsel vm3, v24, v22;
	vm3 =	vlt.f32 v7, v6  }
.Ltmp11:
0x2a7: {  	v21 =	vsel vm7, v26, v25;
	v20 =	vsel vm8, v30, v17;
	v11 =	vsel vm3, v9, v14;
	(pc) =	sbr.rel @p0 .LBB2_20-.Ltmp11, $4  }
0x2a8: {  	v19 =	vsel vm7, v19, v27;
	vm6 =	vlt.f32 v18, v21;
	v22 =	vsel vm8, v23, v28  }
0x2a9: {  	vm4 =	vlt.f32 v16, v12;
	v15 =	vsel vm3, v7, v6;
	vm5 =	vlt.f32 v22, v29  }
0x2aa: {  	v23 =	vsel vm8, v17, v30;
	v25 =	vsel vm6, v13, v20;
	v24 =	vsel vm5, v29, v22  }
0x2ab: {  	v26 =	vsel vm6, v21, v18;
	v17 =	vsel vm4, v12, v16;
	v22 =	vsel vm5, v22, v29  }
0x2ac: {  	(xrf1) =	vsort.dscd.msk.f32 $0xffff, v26, v25  }
0x2ad: {  	v18 =	vsel vm6, v18, v21;
	v13 =	vsel vm6, v20, v13  }
0x2ae: {  	(xrf1) =	vsort.dscd.msk.f32 $0xffff, v18, v13  }
0x2af: {  	v13 =	vsel vm5, v19, v23  }
0x2b0: {  	(xrf1) =	vsort.dscd.msk.f32 $0xffff, v24, v13  }
0x2b1: {  	v63 =	vsel vm4, v10, v8;
	v6 =	vsel vm3, v6, v7;
	v13 =	vsel vm5, v23, v19  }
0x2b2: {  	v7 =	vsel vm3, v14, v9;
	vm3 =	vlt.f32 v6, v17;
	(xrf1) =	vsort.dscd.msk.f32 $0xffff, v22, v13  }
0x2b3: {  	v9 =	vsel vm3, v17, v6;
	v13 =	vsel vm3, v63, v7  }
0x2b4: {  	(xrf1) =	vsort.dscd.msk.f32 $0xffff, v9, v13  }
0x2b5: {  	v6 =	vsel vm3, v6, v17;
	v7 =	vsel vm3, v7, v63;
	v9 =	vsel vm4, v16, v12  }
0x2b6: {  	v8 =	vsel vm4, v8, v10;
	vm3 =	vlt.f32 v15, v9;
	(xrf1) =	vsort.dscd.msk.f32 $0xffff, v6, v7  }
0x2b7: {  	v6 =	vsel vm3, v8, v11;
	v7 =	vsel vm3, v9, v15  }
0x2b8: {  	(xrf1) =	vsort.dscd.msk.f32 $0xffff, v7, v6;
	v7 =	vsel vm3, v11, v8  }
0x2b9: {  	v6 =	vsel vm3, v15, v9  }
0x2ba: {  	v8, v9, _ =	vpop (xrf1);
	(xrf1) =	vsort.dscd.msk.f32 $0xffff, v6, v7  }
0x2bb: {  	[tilespmem:s19+$0x0] =	vst v8  }
0x2bc: {  	v6, v7, _ =	vpop (xrf1);
	[tilespmem:s19+$0x400] =	vst v9  }
0x2bd: {  	[tilespmem:s17+$0x0] =	vst v6  }
0x2be: {  	[tilespmem:s17+$0x400] =	vst v7;
	v6, v7, _ =	vpop (xrf1)  }
0x2bf: {  	[tilespmem:s18+$0x400] =	vst v7  }
0x2c0: {  	[tilespmem:s18+$0x0] =	vst v6;
	v6, v7, _ =	vpop (xrf1)  }
0x2c1: {  	[tilespmem:s16+$0x0] =	vst v6  }
0x2c2: {  	[tilespmem:s16+$0x400] =	vst v7;
	v6, v7, _ =	vpop (xrf1)  }
0x2c3: {  	[tilespmem:s14+$0x400] =	vst v7  }
0x2c4: {  	[tilespmem:s14+$0x0] =	vst v6;
	v6, v7, _ =	vpop (xrf1)  }
0x2c5: {  	[tilespmem:s15+$0x0] =	vst v6  }
0x2c6: {  	[tilespmem:s15+$0x400] =	vst v7;
	v6, v7, _ =	vpop (xrf1)  }
0x2c7: {  	s14 =	simm.s32 $0x0;
	[tilespmem:s12+$0x0] =	vst v6  }
0x2c8: {  	s11 =	sand.u32 $0x20, s11;
	s29 =	sand.u32 $0xE, s14;
	[tilespmem:s12+$0x400] =	vst v7;
	v6, v7, _ =	vpop (xrf1)  }
0x2c9: {  	s11 =	sor.u32 s29, s11;
	[tilespmem:s13+$0x0] =	vst v6  }
0x2ca: {  	s12 =	sshll.u32 s11, $0x4;
	[tilespmem:s13+$0x400] =	vst v7  }
0x2cb: {  	v11 =	vld [tilespmem:s12+$0x0]  }
0x2cc: {  	v12 =	vld [tilespmem:s12+$0x100];
	_ =	sdelay $0x1  }
0x2cd: {  	v8 =	vld [tilespmem:s12+$0x400]  }
0x2ce: {  	v10 =	vld [tilespmem:s12+$0x500]  }
0x2cf: {  	p0 =	por $0x1, $0x1;
	v6 =	vld [tilespmem:s12+$0x10]  }
0x2d0: {  	p0 =	por p0, p0;
	vm3 =	vmmov vm0;
	s15 =	simm.s32 $0x4;
	s13 =	simm.s32 $0x2;
	v7 =	vld [tilespmem:s12+$0x110];
	vm4 =	vlt.f32 v12, v11  }
0x2d1: {  	vm3 =	vmneg @p0 vm3;
	s30 =	sand.u32 $0x20, s15;
	s31 =	sand.u32 $0xE, s13;
	vm4 =	vmneg vm4  }
0x2d2: {  	p1 =	por $0x1, $0x1;
	v9 =	vld [tilespmem:s12+$0x410];
	s11 =	sor.u32 s31, s30;
	vm4 =	vmxor vm3, vm4  }
0x2d3: {  	p1 =	por p1, p1;
	s11 =	sshll.u32 s11, $0x4;
	v14 =	vsel vm4, v12, v11;
	v13 =	vsel vm4, v11, v12;
	v12 =	vsel vm4, v10, v8;
	v11 =	vld [tilespmem:s12+$0x510]  }
.LBB2_22:
0x2d4: {  	s13 =	sadd.s32 $0x2, s13;
	s15 =	sadd.s32 $0x4, s15;
	[tilespmem:s12+$0x0] =	vst v14;
	v8 =	vsel vm4, v8, v10  }
0x2d5: {  	s16 =	sand.u32 $0x20, s15;
	s17 =	sand.u32 $0xE, s13;
	p3 =	slt.u32 s13, $0x10;
	v15 =	vld [tilespmem:s11+$0x0];
	[tilespmem:s12+$0x100] =	vst v13;
	vm4 =	vlt.f32 v7, v6  }
0x2d6: {  	p2 =	slt.u32 s13, $0x1E;
	s16 =	sor.u32 s17, s16;
	v13 =	vld [tilespmem:s11+$0x100];
	[tilespmem:s12+$0x500] =	vst v8;
	vm4 =	vmneg vm4  }
0x2d7: {  	s16 =	sshll.u32 s16, $0x4;
	[tilespmem:s12+$0x400] =	vst v12;
	vm3 =	vmxor vm3, vm4  }
0x2d8: {  	v8 =	vld [tilespmem:s11+$0x400];
	v12 =	vsel vm3, v7, v6;
	v14 =	vsel vm3, v11, v9  }
0x2d9: {  	v7 =	vsel vm3, v6, v7;
	v9 =	vsel vm3, v9, v11;
	v10 =	vld [tilespmem:s11+$0x500];
	[tilespmem:s12+$0x10] =	vst v12  }
.Ltmp12:
0x2da: {  	v6 =	vld [tilespmem:s11+$0x10];
	[tilespmem:s12+$0x110] =	vst v7;
	(pc) =	sbr.rel @p2 .LBB2_22-.Ltmp12, $4  }
0x2db: {  	vm3 =	vmmov vm0;
	vm4 =	vlt.f32 v13, v15;
	v7 =	vld [tilespmem:s11+$0x110];
	[tilespmem:s12+$0x410] =	vst v14  }
0x2dc: {  	vm3 =	vmneg @p1 vm3;
	p1 =	por p3, p3;
	vm4 =	vmneg vm4;
	[tilespmem:s12+$0x510] =	vst v9;
	s12 =	smov.u32 s11;
	s11 =	smov.u32 s16  }
0x2dd: {  	vm4 =	vmxor vm3, vm4;
	v9 =	vld [tilespmem:s12+$0x410]  }
0x2de: {  	v14 =	vsel vm4, v13, v15;
	v13 =	vsel vm4, v15, v13;
	v12 =	vsel vm4, v10, v8;
	v11 =	vld [tilespmem:s12+$0x510]  }
0x2df: {  	_ = 	snop  }
0x2e0: {  	[tilespmem:s12+$0x0] =	vst v14;
	vm5 =	vlt.f32 v7, v6  }
0x2e1: {  	[tilespmem:s12+$0x100] =	vst v13;
	v8 =	vsel vm4, v8, v10;
	v14 =	vld [tilespmem:s11+$0x0];
	vm4 =	vmneg vm5  }
0x2e2: {  	v13 =	vld [tilespmem:s11+$0x100];
	[tilespmem:s12+$0x400] =	vst v12;
	vm3 =	vmxor vm3, vm4  }
0x2e3: {  	[tilespmem:s12+$0x500] =	vst v8;
	v8 =	vld [tilespmem:s11+$0x400];
	v10 =	vsel vm3, v7, v6  }
0x2e4: {  	v12 =	vld [tilespmem:s11+$0x500];
	v6 =	vsel vm3, v6, v7;
	[tilespmem:s12+$0x10] =	vst v10  }
0x2e5: {  	[tilespmem:s12+$0x110] =	vst v6;
	v7 =	vld [tilespmem:s11+$0x10]  }
0x2e6: {  	vm5 =	vmmov vm0;
	v6 =	vld [tilespmem:s11+$0x110]  }
0x2e7: {  	vm5 =	vmneg @p1 vm5;
	vm4 =	vlt.f32 v13, v14  }
0x2e8: {  	v10 =	vsel vm3, v11, v9;
	v9 =	vsel vm3, v9, v11;
	vm3 =	vmneg vm4  }
0x2e9: {  	[tilespmem:s12+$0x410] =	vst v10;
	vm3 =	vmxor vm5, vm3  }
0x2ea: {  	[tilespmem:s12+$0x510] =	vst v9;
	v9 =	vld [tilespmem:s11+$0x410];
	v10 =	vsel vm3, v13, v14  }
0x2eb: {  	v11 =	vld [tilespmem:s11+$0x510];
	v13 =	vsel vm3, v14, v13;
	[tilespmem:s11+$0x0] =	vst v10;
	vm4 =	vlt.f32 v6, v7  }
0x2ec: {  	v10 =	vsel vm3, v8, v12;
	[tilespmem:s11+$0x100] =	vst v13;
	vm4 =	vmneg vm4  }
0x2ed: {  	v8 =	vsel vm3, v12, v8;
	[tilespmem:s11+$0x500] =	vst v10;
	vm3 =	vmxor vm5, vm4  }
0x2ee: {  	[tilespmem:s11+$0x400] =	vst v8;
	v8 =	vsel vm3, v6, v7  }
0x2ef: {  	s30 =	simm.s32 $0x0;
	v6 =	vsel vm3, v7, v6;
	[tilespmem:s11+$0x10] =	vst v8  }
0x2f0: {  	s13 =	sand.u32 $0x6, s14;
	s12 =	sand.u32 $0x30, s30;
	v7 =	vsel vm3, v11, v9;
	[tilespmem:s11+$0x110] =	vst v6  }
0x2f1: {  	s12 =	sor.u32 s13, s12;
	v6 =	vsel vm3, v9, v11;
	[tilespmem:s11+$0x410] =	vst v7  }
0x2f2: {  	[tilespmem:s11+$0x510] =	vst v6;
	s11 =	sshll.u32 s12, $0x4  }
0x2f3: {  	v6 =	vld [tilespmem:s11+$0x80]  }
0x2f4: {  	v7 =	vld [tilespmem:s11+$0x0];
	_ =	sdelay $0x3  }
0x2f5: {  	v10 =	vld [tilespmem:s11+$0x480]  }
0x2f6: {  	vm3 =	vmmov vm0;
	v12 =	vld [tilespmem:s11+$0x400];
	vm4 =	vlt.f32 v6, v7  }
0x2f7: {  	s14 =	simm.s32 $0x4;
	s13 =	simm.s32 $0x2;
	vm3 =	vmneg @p0 vm3;
	v8 =	vld [tilespmem:s11+$0x90];
	vm4 =	vmneg vm4  }
0x2f8: {  	s31 =	sand.u32 $0x30, s14;
	s15 =	sand.u32 $0x6, s13;
	v11 =	vld [tilespmem:s11+$0x10];
	vm4 =	vmxor vm3, vm4  }
0x2f9: {  	s12 =	sor.u32 s15, s31;
	v9 =	vld [tilespmem:s11+$0x490];
	v13 =	vsel vm4, v7, v6  }
0x2fa: {  	s12 =	sshll.u32 s12, $0x4;
	v7 =	vsel vm4, v6, v7;
	[tilespmem:s11+$0x80] =	vst v13;
	v13 =	vld [tilespmem:s11+$0x410]  }
0x2fb: {  	v14 =	vsel vm4, v12, v10;
	[tilespmem:s11+$0x0] =	vst v7;
	v6 =	vld [tilespmem:s12+$0x80]  }
0x2fc: {  	v12 =	vsel vm4, v10, v12;
	v7 =	vld [tilespmem:s12+$0x0];
	[tilespmem:s11+$0x480] =	vst v14  }
0x2fd: {  	p6 =	por $0x1, $0x1;
	vm4 =	vlt.f32 v8, v11;
	[tilespmem:s11+$0x400] =	vst v12;
	v10 =	vld [tilespmem:s12+$0x480]  }
0x2fe: {  	p0 =	por p6, p6;
	vm4 =	vmneg vm4;
	v12 =	vld [tilespmem:s12+$0x400]  }
.LBB2_24:
0x2ff: {  	s13 =	sadd.s32 $0x2, s13;
	s14 =	sadd.s32 $0x4, s14;
	vm3 =	vmxor vm3, vm4  }
0x300: {  	s15 =	sand.u32 $0x30, s14;
	s16 =	sand.u32 $0x6, s13;
	p2 =	slt.u32 s13, $0x10;
	v14 =	vsel vm3, v8, v11;
	v15 =	vsel vm3, v13, v9;
	v8 =	vsel vm3, v11, v8  }
0x301: {  	p1 =	slt.u32 s13, $0x1E;
	v13 =	vsel vm3, v9, v13;
	vm3 =	vmmov vm0;
	s15 =	sor.u32 s16, s15;
	vm4 =	vlt.f32 v6, v7;
	[tilespmem:s11+$0x10] =	vst v14  }
0x302: {  	vm3 =	vmneg @p0 vm3;
	p0 =	por p2, p2;
	s15 =	sshll.u32 s15, $0x4;
	vm4 =	vmneg vm4;
	v11 =	vld [tilespmem:s12+$0x10];
	[tilespmem:s11+$0x90] =	vst v8  }
0x303: {  	vm4 =	vmxor vm3, vm4;
	v8 =	vld [tilespmem:s12+$0x90];
	[tilespmem:s11+$0x490] =	vst v15  }
0x304: {  	v14 =	vsel vm4, v7, v6;
	v15 =	vsel vm4, v10, v12;
	v10 =	vsel vm4, v12, v10;
	v9 =	vld [tilespmem:s12+$0x490];
	[tilespmem:s11+$0x410] =	vst v13;
	s11 =	smov.u32 s12;
	s12 =	smov.u32 s15  }
.Ltmp13:
0x305: {  	v7 =	vsel vm4, v6, v7;
	[tilespmem:s11+$0x80] =	vst v14;
	v13 =	vld [tilespmem:s11+$0x410];
	(pc) =	sbr.rel @p1 .LBB2_24-.Ltmp13, $4  }
0x306: {  	v6 =	vld [tilespmem:s12+$0x80];
	[tilespmem:s11+$0x0] =	vst v7  }
0x307: {  	v7 =	vld [tilespmem:s12+$0x0];
	[tilespmem:s11+$0x480] =	vst v10  }
0x308: {  	v10 =	vld [tilespmem:s12+$0x480];
	[tilespmem:s11+$0x400] =	vst v15;
	vm4 =	vlt.f32 v8, v11  }
0x309: {  	v12 =	vld [tilespmem:s12+$0x400];
	vm4 =	vmneg vm4  }
0x30a: {  	vm3 =	vmxor vm3, vm4  }
0x30b: {  	v14 =	vsel vm3, v8, v11  }
0x30c: {  	v8 =	vsel vm3, v11, v8;
	[tilespmem:s11+$0x10] =	vst v14  }
0x30d: {  	[tilespmem:s11+$0x90] =	vst v8;
	v11 =	vld [tilespmem:s12+$0x10]  }
0x30e: {  	v8 =	vld [tilespmem:s12+$0x90]  }
0x30f: {  	vm5 =	vmmov vm0;
	vm4 =	vlt.f32 v6, v7  }
0x310: {  	vm5 =	vmneg @p0 vm5;
	v14 =	vsel vm3, v13, v9;
	vm4 =	vmneg vm4  }
0x311: {  	v9 =	vsel vm3, v9, v13;
	[tilespmem:s11+$0x490] =	vst v14;
	vm3 =	vmxor vm5, vm4  }
0x312: {  	[tilespmem:s11+$0x410] =	vst v9;
	v14 =	vld [tilespmem:s12+$0x490];
	v13 =	vsel vm3, v7, v6  }
0x313: {  	v6 =	vsel vm3, v6, v7;
	v7 =	vld [tilespmem:s12+$0x410];
	[tilespmem:s12+$0x80] =	vst v13;
	vm4 =	vlt.f32 v8, v11  }
0x314: {  	v9 =	vsel vm3, v12, v10;
	[tilespmem:s12+$0x0] =	vst v6;
	vm4 =	vmneg vm4  }
0x315: {  	v6 =	vsel vm3, v10, v12;
	[tilespmem:s12+$0x480] =	vst v9;
	vm3 =	vmxor vm5, vm4  }
0x316: {  	[tilespmem:s12+$0x400] =	vst v6;
	v6 =	vsel vm3, v8, v11  }
0x317: {  	[tilespmem:s12+$0x10] =	vst v6;
	v6 =	vsel vm3, v11, v8  }
0x318: {  	v8 =	vsel vm3, v7, v14;
	[tilespmem:s12+$0x90] =	vst v6  }
0x319: {  	v6 =	vsel vm3, v14, v7;
	[tilespmem:s12+$0x490] =	vst v8  }
0x31a: {  	s11 =	simm.s32 $0x0;
	[tilespmem:s12+$0x410] =	vst v6  }
0x31b: {  	v8 =	vld [tilespmem:s11+$0x460]  }
0x31c: {  	v11 =	vld [tilespmem:s11+$0x430]  }
0x31d: {  	v7 =	vld [tilespmem:s11+$0x20]  }
0x31e: {  	v10 =	vld [tilespmem:s11+$0x60]  }
0x31f: {  	v12 =	vld [tilespmem:s11+$0x420]  }
0x320: {  	v16 =	vld [tilespmem:s11+$0x410]  }
0x321: {  	v19 =	vld [tilespmem:s11+$0x40]  }
0x322: {  	v9 =	vld [tilespmem:s11+$0x70]  }
0x323: {  	v20 =	vld [tilespmem:s11+$0x450]  }
0x324: {  	v13 =	vld [tilespmem:s11+$0x50]  }
0x325: {  	v15 =	vld [tilespmem:s11+$0x10]  }
0x326: {  	v21 =	vld [tilespmem:s11+$0x0]  }
0x327: {  	v17 =	vld [tilespmem:s11+$0x30]  }
0x328: {  	v22 =	vld [tilespmem:s11+$0x470]  }
0x329: {  	v25 =	vld [tilespmem:s11+$0x440]  }
0x32a: {  	v26 =	vld [tilespmem:s11+$0x400]  }
0x32b: {  	vm6 =	vlt.f32 v10, v7;
	vm4 =	vlt.f32 v13, v15  }
0x32c: {  	vm8 =	vlt.f32 v19, v21;
	vm5 =	vlt.f32 v9, v17;
	v6 =	vsel vm6, v7, v10  }
0x32d: {  	v14 =	vsel vm6, v10, v7;
	v7 =	vsel vm6, v12, v8;
	v23 =	vsel vm4, v15, v13  }
0x32e: {  	v27 =	vsel vm4, v16, v20;
	v18 =	vsel vm8, v19, v21;
	v10 =	vsel vm8, v21, v19  }
0x32f: {  	v19 =	vsel vm8, v25, v26;
	v28 =	vsel vm5, v11, v22;
	v20 =	vsel vm4, v20, v16  }
0x330: {  	v21 =	vsel vm6, v8, v12;
	v24 =	vsel vm5, v17, v9;
	v22 =	vsel vm5, v22, v11  }
0x331: {  	v16 =	vsel vm8, v26, v25;
	vm3 =	vlt.f32 v14, v18;
	vm7 =	vlt.f32 v24, v23  }
0x332: {  	s12 =	simm.s32 $0x200;
	v8 =	vsel vm3, v14, v18;
	v12 =	vsel vm7, v28, v27;
	v11 =	vsel vm7, v27, v28  }
.LBB2_26:
0x333: {  	p0 =	sne.s32 s12, $0x600;
	v25 =	vsel vm3, v21, v19;
	vm6 =	vlt.f32 v6, v10;
	v26 =	vsel vm7, v24, v23;
	s13 =	smov.u32 s12;
	s12 =	sadd.s32 $0x200, s12  }
0x334: {  	v23 =	vsel vm7, v23, v24;
	v27 =	vsel vm6, v10, v6;
	v28 =	vsel vm6, v16, v7  }
0x335: {  	v13 =	vsel vm4, v13, v15;
	v9 =	vsel vm5, v9, v17;
	vm4 =	vlt.f32 v23, v27  }
0x336: {  	vm5 =	vlt.f32 v9, v13;
	v15 =	vsel vm4, v23, v27;
	v17 =	vsel vm4, v11, v28  }
0x337: {  	v24 =	vsel vm5, v9, v13;
	v29 =	vsel vm5, v22, v20;
	(xrf1) =	vsort.ascd.msk.f32 $0xffff, v15, v17  }
0x338: {  	v14 =	vsel vm3, v18, v14;
	v9 =	vsel vm5, v13, v9;
	v15 =	vsel vm3, v19, v21  }
0x339: {  	v13 =	vsel vm5, v20, v22;
	vm5 =	vlt.f32 v9, v14;
	vm3 =	vlt.f32 v24, v8  }
0x33a: {  	v17 =	vsel vm5, v9, v14;
	v9 =	vsel vm5, v14, v9;
	v14 =	vsel vm5, v15, v13  }
0x33b: {  	v18 =	vsel vm3, v8, v24;
	v13 =	vsel vm5, v13, v15;
	(xrf1) =	vsort.ascd.msk.f32 $0xffff, v9, v14  }
0x33c: {  	v6 =	vsel vm6, v6, v10;
	v9 =	vsel vm3, v25, v29;
	(xrf1) =	vsort.ascd.msk.f32 $0xffff, v17, v13  }
0x33d: {  	v7 =	vsel vm6, v7, v16;
	vm5 =	vlt.f32 v26, v6;
	(xrf1) =	vsort.ascd.msk.f32 $0xffff, v18, v9  }
0x33e: {  	v10 =	vsel vm5, v12, v7;
	v9 =	vsel vm5, v26, v6;
	v6 =	vsel vm5, v6, v26  }
0x33f: {  	v7 =	vsel vm5, v7, v12;
	v12 =	vsel vm4, v27, v23;
	(xrf1) =	vsort.ascd.msk.f32 $0xffff, v9, v10  }
0x340: {  	v8 =	vsel vm3, v24, v8;
	v9 =	vsel vm4, v28, v11;
	(xrf1) =	vsort.ascd.msk.f32 $0xffff, v6, v7  }
0x341: {  	v6 =	vsel vm3, v29, v25;
	(xrf1) =	vsort.ascd.msk.f32 $0xffff, v12, v9  }
0x342: {  	(xrf1) =	vsort.ascd.msk.f32 $0xffff, v8, v6;
	_ =	sdelay $0x2  }
0x343: {  	v6, v7, _ =	vpop (xrf1)  }
0x344: {  	[tilespmem:s11+$0x60] =	vst v6  }
0x345: {  	s13 =	sshra.s32 s13, $0x2;
	[tilespmem:s11+$0x460] =	vst v7;
	_ =	sdelay $0x1  }
0x346: {  	v6, v7, _ =	vpop (xrf1)  }
0x347: {  	v8 =	vld [tilespmem:s13+$0x460];
	[tilespmem:s11+$0x430] =	vst v7;
	v7, v9, _ =	vpop (xrf1)  }
0x348: {  	v11 =	vld [tilespmem:s13+$0x430];
	[tilespmem:s11+$0x20] =	vst v7;
	v7, v10, _ =	vpop (xrf1)  }
0x349: {  	v12 =	vld [tilespmem:s13+$0x20];
	[tilespmem:s11+$0x420] =	vst v9  }
0x34a: {  	v14 =	vld [tilespmem:s13+$0x60];
	[tilespmem:s11+$0x410] =	vst v10;
	v15, v10, _ =	vpop (xrf1)  }
0x34b: {  	v16 =	vld [tilespmem:s13+$0x420];
	[tilespmem:s11+$0x40] =	vst v15;
	v13, v9, _ =	vpop (xrf1)  }
0x34c: {  	v20 =	vld [tilespmem:s13+$0x410];
	[tilespmem:s11+$0x450] =	vst v9;
	v9, v15, _ =	vpop (xrf1)  }
0x34d: {  	v19 =	vld [tilespmem:s13+$0x40];
	[tilespmem:s11+$0x70] =	vst v9;
	v17, v18, _ =	vpop (xrf1)  }
0x34e: {  	v9 =	vld [tilespmem:s13+$0x70];
	[tilespmem:s11+$0x50] =	vst v13  }
0x34f: {  	v21 =	vld [tilespmem:s13+$0x450];
	[tilespmem:s11+$0x470] =	vst v15  }
0x350: {  	v22 =	vld [tilespmem:s13+$0x470];
	[tilespmem:s11+$0x440] =	vst v10  }
0x351: {  	v25 =	vld [tilespmem:s13+$0x440];
	[tilespmem:s11+$0x10] =	vst v7  }
0x352: {  	v13 =	vld [tilespmem:s13+$0x50];
	[tilespmem:s11+$0x0] =	vst v17  }
0x353: {  	v15 =	vld [tilespmem:s13+$0x10];
	[tilespmem:s11+$0x400] =	vst v18  }
0x354: {  	v10 =	vld [tilespmem:s13+$0x0];
	[tilespmem:s11+$0x30] =	vst v6;
	s11 =	smov.u32 s13  }
0x355: {  	vm6 =	vlt.f32 v14, v12;
	v17 =	vld [tilespmem:s11+$0x30]  }
0x356: {  	v6 =	vsel vm6, v12, v14;
	v26 =	vld [tilespmem:s11+$0x400]  }
0x357: {  	v14 =	vsel vm6, v14, v12  }
0x358: {  	v7 =	vsel vm6, v16, v8;
	vm4 =	vlt.f32 v13, v15  }
0x359: {  	vm8 =	vlt.f32 v19, v10;
	v23 =	vsel vm4, v15, v13;
	v27 =	vsel vm4, v20, v21  }
.Ltmp14:
0x35a: {  	v18 =	vsel vm8, v19, v10;
	v10 =	vsel vm8, v10, v19;
	vm5 =	vlt.f32 v9, v17;
	(pc) =	sbr.rel @p0 .LBB2_26-.Ltmp14, $4  }
0x35b: {  	v19 =	vsel vm8, v25, v26;
	v28 =	vsel vm5, v11, v22;
	vm3 =	vlt.f32 v14, v18  }
0x35c: {  	v20 =	vsel vm4, v21, v20;
	v21 =	vsel vm6, v8, v16;
	v24 =	vsel vm5, v17, v9  }
0x35d: {  	v22 =	vsel vm5, v22, v11;
	v8 =	vsel vm3, v14, v18;
	vm7 =	vlt.f32 v24, v23  }
0x35e: {  	v16 =	vsel vm8, v26, v25;
	v12 =	vsel vm7, v28, v27;
	v11 =	vsel vm7, v27, v28  }
0x35f: {  	v25 =	vsel vm3, v21, v19  }
0x360: {  	vm6 =	vlt.f32 v6, v10;
	v26 =	vsel vm7, v24, v23;
	v23 =	vsel vm7, v23, v24  }
0x361: {  	v13 =	vsel vm4, v13, v15;
	v9 =	vsel vm5, v9, v17;
	v14 =	vsel vm3, v18, v14  }
0x362: {  	v27 =	vsel vm6, v10, v6;
	v15 =	vsel vm6, v16, v7;
	vm5 =	vlt.f32 v9, v13  }
0x363: {  	vm4 =	vlt.f32 v23, v27;
	v28 =	vsel vm5, v9, v13;
	v9 =	vsel vm5, v13, v9  }
0x364: {  	v13 =	vsel vm3, v19, v21;
	v17 =	vsel vm4, v23, v27;
	v24 =	vsel vm4, v11, v15  }
0x365: {  	vm3 =	vlt.f32 v9, v14;
	(xrf1) =	vsort.ascd.msk.f32 $0xffff, v17, v24;
	v17 =	vsel vm5, v20, v22  }
0x366: {  	v18 =	vsel vm3, v14, v9;
	v19 =	vsel vm3, v13, v17  }
0x367: {  	(xrf1) =	vsort.ascd.msk.f32 $0xffff, v18, v19  }
0x368: {  	v9 =	vsel vm3, v9, v14;
	v13 =	vsel vm3, v17, v13  }
0x369: {  	v29 =	vsel vm5, v22, v20;
	vm5 =	vlt.f32 v28, v8;
	(xrf1) =	vsort.ascd.msk.f32 $0xffff, v9, v13  }
0x36a: {  	v6 =	vsel vm6, v6, v10;
	v14 =	vsel vm5, v8, v28;
	v9 =	vsel vm5, v25, v29  }
0x36b: {  	v7 =	vsel vm6, v7, v16;
	vm3 =	vlt.f32 v26, v6;
	(xrf1) =	vsort.ascd.msk.f32 $0xffff, v14, v9  }
0x36c: {  	v10 =	vsel vm3, v12, v7;
	v9 =	vsel vm3, v26, v6  }
0x36d: {  	(xrf1) =	vsort.ascd.msk.f32 $0xffff, v9, v10  }
0x36e: {  	v7 =	vsel vm3, v7, v12;
	v6 =	vsel vm3, v6, v26  }
0x36f: {  	(xrf1) =	vsort.ascd.msk.f32 $0xffff, v6, v7;
	v7 =	vsel vm5, v29, v25  }
0x370: {  	v9 =	vsel vm4, v27, v23;
	v10 =	vsel vm4, v15, v11;
	v6 =	vsel vm5, v28, v8  }
0x371: {  	(xrf1) =	vsort.ascd.msk.f32 $0xffff, v9, v10;
	_ =	sdelay $0x1  }
0x372: {  	(xrf1) =	vsort.ascd.msk.f32 $0xffff, v6, v7;
	v6, v7, _ =	vpop (xrf1)  }
0x373: {  	[tilespmem:s11+$0x60] =	vst v6  }
0x374: {  	[tilespmem:s11+$0x460] =	vst v7;
	v6, v7, _ =	vpop (xrf1)  }
0x375: {  	[tilespmem:s11+$0x430] =	vst v7  }
0x376: {  	v7, v8, _ =	vpop (xrf1);
	[tilespmem:s11+$0x30] =	vst v6  }
0x377: {  	[tilespmem:s11+$0x20] =	vst v7  }
0x378: {  	v7, v9, _ =	vpop (xrf1);
	[tilespmem:s11+$0x420] =	vst v8  }
0x379: {  	[tilespmem:s11+$0x410] =	vst v9  }
0x37a: {  	v8, v9, _ =	vpop (xrf1);
	[tilespmem:s11+$0x10] =	vst v7  }
0x37b: {  	[tilespmem:s11+$0x40] =	vst v8  }
0x37c: {  	v8, v10, _ =	vpop (xrf1);
	[tilespmem:s11+$0x440] =	vst v9  }
0x37d: {  	[tilespmem:s11+$0x450] =	vst v10  }
0x37e: {  	v10, v11, _ =	vpop (xrf1);
	[tilespmem:s11+$0x50] =	vst v8  }
0x37f: {  	[tilespmem:s11+$0x70] =	vst v10  }
0x380: {  	[tilespmem:s11+$0x470] =	vst v11;
	v8, v9, _ =	vpop (xrf1)  }
0x381: {  	[tilespmem:s11+$0x0] =	vst v8  }
0x382: {  	[tilespmem:s11+$0x400] =	vst v9;
	s11 =	simm.s32 $0x0  }
0x383: {  	v8 =	vld [tilespmem:s11+$0x660]  }
0x384: {  	v11 =	vld [tilespmem:s11+$0x630]  }
0x385: {  	v7 =	vld [tilespmem:s11+$0x220]  }
0x386: {  	v10 =	vld [tilespmem:s11+$0x260]  }
0x387: {  	v12 =	vld [tilespmem:s11+$0x620]  }
0x388: {  	v16 =	vld [tilespmem:s11+$0x610]  }
0x389: {  	v19 =	vld [tilespmem:s11+$0x240]  }
0x38a: {  	v9 =	vld [tilespmem:s11+$0x270]  }
0x38b: {  	v20 =	vld [tilespmem:s11+$0x650]  }
0x38c: {  	v13 =	vld [tilespmem:s11+$0x250]  }
0x38d: {  	v15 =	vld [tilespmem:s11+$0x210]  }
0x38e: {  	v21 =	vld [tilespmem:s11+$0x200]  }
0x38f: {  	v17 =	vld [tilespmem:s11+$0x230]  }
0x390: {  	v22 =	vld [tilespmem:s11+$0x670]  }
0x391: {  	v25 =	vld [tilespmem:s11+$0x640]  }
0x392: {  	v26 =	vld [tilespmem:s11+$0x600]  }
0x393: {  	vm6 =	vlt.f32 v7, v10;
	vm4 =	vlt.f32 v15, v13  }
0x394: {  	vm8 =	vlt.f32 v21, v19;
	vm5 =	vlt.f32 v17, v9;
	v6 =	vsel vm6, v7, v10  }
0x395: {  	v14 =	vsel vm6, v10, v7;
	v7 =	vsel vm6, v12, v8;
	v23 =	vsel vm4, v15, v13  }
0x396: {  	v27 =	vsel vm4, v16, v20;
	v18 =	vsel vm8, v19, v21;
	v10 =	vsel vm8, v21, v19  }
0x397: {  	v19 =	vsel vm8, v25, v26;
	v63 =	vsel vm5, v11, v22;
	v20 =	vsel vm4, v20, v16  }
0x398: {  	v21 =	vsel vm6, v8, v12;
	v24 =	vsel vm5, v17, v9;
	v22 =	vsel vm5, v22, v11  }
0x399: {  	v16 =	vsel vm8, v26, v25;
	vm3 =	vlt.f32 v18, v14;
	vm7 =	vlt.f32 v23, v24  }
0x39a: {  	s12 =	simm.s32 $0x200;
	v8 =	vsel vm3, v14, v18;
	v12 =	vsel vm7, v63, v27;
	v11 =	vsel vm7, v27, v63  }
.LBB2_28:
0x39b: {  	p0 =	sne.s32 s12, $0x600;
	v25 =	vsel vm3, v21, v19;
	vm6 =	vlt.f32 v10, v6;
	v26 =	vsel vm7, v24, v23;
	s13 =	smov.u32 s12;
	s12 =	sadd.s32 $0x200, s12  }
0x39c: {  	v23 =	vsel vm7, v23, v24;
	v27 =	vsel vm6, v10, v6;
	v28 =	vsel vm6, v16, v7  }
0x39d: {  	v13 =	vsel vm4, v13, v15;
	v9 =	vsel vm5, v9, v17;
	vm4 =	vlt.f32 v27, v23  }
0x39e: {  	vm5 =	vlt.f32 v13, v9;
	v15 =	vsel vm4, v23, v27;
	v17 =	vsel vm4, v11, v28  }
0x39f: {  	v24 =	vsel vm5, v9, v13;
	v29 =	vsel vm5, v22, v20;
	(xrf1) =	vsort.dscd.msk.f32 $0xffff, v15, v17  }
0x3a0: {  	v14 =	vsel vm3, v18, v14;
	v9 =	vsel vm5, v13, v9;
	v15 =	vsel vm3, v19, v21  }
0x3a1: {  	v13 =	vsel vm5, v20, v22;
	vm5 =	vlt.f32 v14, v9;
	vm3 =	vlt.f32 v8, v24  }
0x3a2: {  	v17 =	vsel vm5, v9, v14;
	v9 =	vsel vm5, v14, v9;
	v14 =	vsel vm5, v15, v13  }
0x3a3: {  	v18 =	vsel vm3, v8, v24;
	v13 =	vsel vm5, v13, v15;
	(xrf1) =	vsort.dscd.msk.f32 $0xffff, v9, v14  }
0x3a4: {  	v6 =	vsel vm6, v6, v10;
	v9 =	vsel vm3, v25, v29;
	(xrf1) =	vsort.dscd.msk.f32 $0xffff, v17, v13  }
0x3a5: {  	v7 =	vsel vm6, v7, v16;
	vm5 =	vlt.f32 v6, v26;
	(xrf1) =	vsort.dscd.msk.f32 $0xffff, v18, v9  }
0x3a6: {  	v10 =	vsel vm5, v12, v7;
	v9 =	vsel vm5, v26, v6;
	v6 =	vsel vm5, v6, v26  }
0x3a7: {  	v7 =	vsel vm5, v7, v12;
	v12 =	vsel vm4, v27, v23;
	(xrf1) =	vsort.dscd.msk.f32 $0xffff, v9, v10  }
0x3a8: {  	v8 =	vsel vm3, v24, v8;
	v9 =	vsel vm4, v28, v11;
	(xrf1) =	vsort.dscd.msk.f32 $0xffff, v6, v7  }
0x3a9: {  	v6 =	vsel vm3, v29, v25;
	(xrf1) =	vsort.dscd.msk.f32 $0xffff, v12, v9  }
0x3aa: {  	(xrf1) =	vsort.dscd.msk.f32 $0xffff, v8, v6;
	_ =	sdelay $0x2  }
0x3ab: {  	v6, v7, _ =	vpop (xrf1)  }
0x3ac: {  	[tilespmem:s11+$0x260] =	vst v6  }
0x3ad: {  	s13 =	sshra.s32 s13, $0x2;
	[tilespmem:s11+$0x660] =	vst v7;
	_ =	sdelay $0x1  }
0x3ae: {  	v6, v7, _ =	vpop (xrf1)  }
0x3af: {  	v8 =	vld [tilespmem:s13+$0x660];
	[tilespmem:s11+$0x630] =	vst v7;
	v7, v9, _ =	vpop (xrf1)  }
0x3b0: {  	v11 =	vld [tilespmem:s13+$0x630];
	[tilespmem:s11+$0x220] =	vst v7;
	v7, v10, _ =	vpop (xrf1)  }
0x3b1: {  	v12 =	vld [tilespmem:s13+$0x220];
	[tilespmem:s11+$0x620] =	vst v9  }
0x3b2: {  	v14 =	vld [tilespmem:s13+$0x260];
	[tilespmem:s11+$0x610] =	vst v10;
	v15, v10, _ =	vpop (xrf1)  }
0x3b3: {  	v16 =	vld [tilespmem:s13+$0x620];
	[tilespmem:s11+$0x240] =	vst v15;
	v13, v9, _ =	vpop (xrf1)  }
0x3b4: {  	v20 =	vld [tilespmem:s13+$0x610];
	[tilespmem:s11+$0x650] =	vst v9;
	v9, v15, _ =	vpop (xrf1)  }
0x3b5: {  	v19 =	vld [tilespmem:s13+$0x240];
	[tilespmem:s11+$0x270] =	vst v9;
	v17, v18, _ =	vpop (xrf1)  }
0x3b6: {  	v9 =	vld [tilespmem:s13+$0x270];
	[tilespmem:s11+$0x250] =	vst v13  }
0x3b7: {  	v21 =	vld [tilespmem:s13+$0x650];
	[tilespmem:s11+$0x670] =	vst v15  }
0x3b8: {  	v22 =	vld [tilespmem:s13+$0x670];
	[tilespmem:s11+$0x640] =	vst v10  }
0x3b9: {  	v25 =	vld [tilespmem:s13+$0x640];
	[tilespmem:s11+$0x210] =	vst v7  }
0x3ba: {  	v13 =	vld [tilespmem:s13+$0x250];
	[tilespmem:s11+$0x200] =	vst v17  }
0x3bb: {  	v15 =	vld [tilespmem:s13+$0x210];
	[tilespmem:s11+$0x600] =	vst v18  }
0x3bc: {  	v10 =	vld [tilespmem:s13+$0x200];
	[tilespmem:s11+$0x230] =	vst v6;
	s11 =	smov.u32 s13  }
0x3bd: {  	vm6 =	vlt.f32 v12, v14;
	v17 =	vld [tilespmem:s11+$0x230]  }
0x3be: {  	v6 =	vsel vm6, v12, v14;
	v26 =	vld [tilespmem:s11+$0x600]  }
0x3bf: {  	v14 =	vsel vm6, v14, v12  }
0x3c0: {  	v7 =	vsel vm6, v16, v8;
	vm4 =	vlt.f32 v15, v13  }
0x3c1: {  	vm8 =	vlt.f32 v10, v19;
	v23 =	vsel vm4, v15, v13;
	v27 =	vsel vm4, v20, v21  }
.Ltmp15:
0x3c2: {  	v18 =	vsel vm8, v19, v10;
	v10 =	vsel vm8, v10, v19;
	vm5 =	vlt.f32 v17, v9;
	(pc) =	sbr.rel @p0 .LBB2_28-.Ltmp15, $4  }
0x3c3: {  	v19 =	vsel vm8, v25, v26;
	v28 =	vsel vm5, v11, v22;
	vm3 =	vlt.f32 v18, v14  }
0x3c4: {  	v20 =	vsel vm4, v21, v20;
	v21 =	vsel vm6, v8, v16;
	v24 =	vsel vm5, v17, v9  }
0x3c5: {  	v22 =	vsel vm5, v22, v11;
	v8 =	vsel vm3, v14, v18;
	vm7 =	vlt.f32 v23, v24  }
0x3c6: {  	v16 =	vsel vm8, v26, v25;
	v12 =	vsel vm7, v28, v27;
	v11 =	vsel vm7, v27, v28  }
0x3c7: {  	v25 =	vsel vm3, v21, v19;
	vm6 =	vlt.f32 v10, v6;
	v57 =	vsel vm7, v23, v24  }
0x3c8: {  	v13 =	vsel vm4, v13, v15;
	v9 =	vsel vm5, v9, v17;
	v14 =	vsel vm3, v18, v14  }
0x3c9: {  	v61 =	vsel vm3, v19, v21;
	v27 =	vsel vm6, v10, v6;
	vm5 =	vlt.f32 v13, v9  }
0x3ca: {  	v58 =	vsel vm6, v16, v7;
	vm14 =	vlt.f32 v27, v57;
	v28 =	vsel vm5, v9, v13  }
0x3cb: {  	v9 =	vsel vm5, v13, v9;
	v59 =	vsel vm14, v57, v27;
	v60 =	vsel vm14, v11, v58  }
0x3cc: {  	v62 =	vsel vm5, v20, v22;
	vm3 =	vlt.f32 v14, v9;
	(xrf1) =	vsort.dscd.msk.f32 $0xffff, v59, v60  }
0x3cd: {  	v18 =	vsel vm3, v14, v9;
	v19 =	vsel vm3, v61, v62  }
0x3ce: {  	(xrf1) =	vsort.dscd.msk.f32 $0xffff, v18, v19  }
0x3cf: {  	v26 =	vsel vm7, v24, v23;
	v9 =	vsel vm3, v9, v14;
	v13 =	vsel vm3, v62, v61  }
0x3d0: {  	v29 =	vsel vm5, v22, v20;
	vm15 =	vlt.f32 v8, v28;
	(xrf1) =	vsort.dscd.msk.f32 $0xffff, v9, v13  }
0x3d1: {  	v6 =	vsel vm6, v6, v10;
	v63 =	vsel vm15, v8, v28;
	v9 =	vsel vm15, v25, v29  }
0x3d2: {  	v7 =	vsel vm6, v7, v16;
	vm3 =	vlt.f32 v6, v26;
	(xrf1) =	vsort.dscd.msk.f32 $0xffff, v63, v9  }
0x3d3: {  	v10 =	vsel vm3, v12, v7;
	v9 =	vsel vm3, v26, v6  }
0x3d4: {  	(xrf1) =	vsort.dscd.msk.f32 $0xffff, v9, v10  }
0x3d5: {  	v7 =	vsel vm3, v7, v12;
	v6 =	vsel vm3, v6, v26  }
0x3d6: {  	(xrf1) =	vsort.dscd.msk.f32 $0xffff, v6, v7;
	v7 =	vsel vm15, v29, v25  }
0x3d7: {  	v9 =	vsel vm14, v27, v57;
	v10 =	vsel vm14, v58, v11;
	v6 =	vsel vm15, v28, v8  }
0x3d8: {  	(xrf1) =	vsort.dscd.msk.f32 $0xffff, v9, v10;
	_ =	sdelay $0x1  }
0x3d9: {  	(xrf1) =	vsort.dscd.msk.f32 $0xffff, v6, v7;
	v6, v7, _ =	vpop (xrf1)  }
0x3da: {  	[tilespmem:s11+$0x260] =	vst v6  }
0x3db: {  	[tilespmem:s11+$0x660] =	vst v7;
	v6, v7, _ =	vpop (xrf1)  }
0x3dc: {  	[tilespmem:s11+$0x630] =	vst v7  }
0x3dd: {  	v7, v8, _ =	vpop (xrf1);
	[tilespmem:s11+$0x230] =	vst v6  }
0x3de: {  	[tilespmem:s11+$0x220] =	vst v7  }
0x3df: {  	v7, v9, _ =	vpop (xrf1);
	[tilespmem:s11+$0x620] =	vst v8  }
0x3e0: {  	[tilespmem:s11+$0x610] =	vst v9  }
0x3e1: {  	v8, v9, _ =	vpop (xrf1);
	[tilespmem:s11+$0x210] =	vst v7  }
0x3e2: {  	[tilespmem:s11+$0x240] =	vst v8  }
0x3e3: {  	v8, v10, _ =	vpop (xrf1);
	[tilespmem:s11+$0x640] =	vst v9  }
0x3e4: {  	[tilespmem:s11+$0x650] =	vst v10  }
0x3e5: {  	v10, v11, _ =	vpop (xrf1);
	[tilespmem:s11+$0x250] =	vst v8  }
0x3e6: {  	[tilespmem:s11+$0x270] =	vst v10  }
0x3e7: {  	[tilespmem:s11+$0x670] =	vst v11;
	v8, v9, _ =	vpop (xrf1)  }
0x3e8: {  	[tilespmem:s11+$0x200] =	vst v8  }
0x3e9: {  	s12 =	simm.s32 $0x210;
	[tilespmem:s11+$0x600] =	vst v9  }
0x3ea: {  	v6 =	vld [tilespmem:s12+$0xFFFFFDF0]  }
0x3eb: {  	v7 =	vld [tilespmem:s12+$0xFFFFFFF0]  }
0x3ec: {  	s13 =	simm.s32 $0x610  }
0x3ed: {  	v8 =	vld [tilespmem:s13+$0xFFFFFFF0]  }
0x3ee: {  	v9 =	vld [tilespmem:s13+$0xFFFFFDF0];
	_ =	sdelay $0x1  }
0x3ef: {  	vm3 =	vlt.f32 v7, v6  }
0x3f0: {  	v10 =	vsel vm3, v7, v6  }
0x3f1: {  	v6 =	vsel vm3, v6, v7;
	[tilespmem:s12+$0xFFFFFDF0] =	vst v10  }
0x3f2: {  	[tilespmem:s12+$0xFFFFFFF0] =	vst v6;
	v6 =	vsel vm3, v9, v8  }
0x3f3: {  	v7 =	vsel vm3, v8, v9;
	[tilespmem:s13+$0xFFFFFFF0] =	vst v6  }
0x3f4: {  	[tilespmem:s13+$0xFFFFFDF0] =	vst v7;
	v6 =	vld [tilespmem:s13+$0x0]  }
0x3f5: {  	v8 =	vld [tilespmem:s12+$0xFFFFFE00]  }
0x3f6: {  	v9 =	vld [tilespmem:s12+$0x0]  }
0x3f7: {  	v7 =	vld [tilespmem:s13+$0xFFFFFE00];
	_ =	sdelay $0x2  }
0x3f8: {  	s16 =	simm.s32 $0x0;
	s15 =	simm.s32 $0x210;
	s14 =	simm.s32 $0x610  }
.LBB2_30:
0x3f9: {  	s16 =	sadd.s32 $0x2, s16;
	vm3 =	vlt.f32 v9, v8;
	s12 =	sadd.s32 $0x20, s12;
	s13 =	sadd.s32 $0x20, s13  }
0x3fa: {  	p0 =	slt.u32 s16, $0x1E;
	v10 =	vsel vm3, v9, v8;
	v8 =	vsel vm3, v8, v9;
	v9 =	vsel vm3, v7, v6  }
0x3fb: {  	[tilespmem:s15+$0xFFFFFE00] =	vst v10  }
0x3fc: {  	v6 =	vsel vm3, v6, v7;
	[tilespmem:s15+$0x0] =	vst v8;
	s15 =	smov.u32 s12  }
0x3fd: {  	[tilespmem:s14+$0xFFFFFE00] =	vst v6  }
0x3fe: {  	[tilespmem:s14+$0x0] =	vst v9;
	s14 =	smov.u32 s13  }
0x3ff: {  	v6 =	vld [tilespmem:s12+$0xFFFFFDF0]  }
0x400: {  	v7 =	vld [tilespmem:s12+$0xFFFFFFF0];
	_ =	sdelay $0x1  }
0x401: {  	v8 =	vld [tilespmem:s13+$0xFFFFFFF0]  }
0x402: {  	v9 =	vld [tilespmem:s13+$0xFFFFFDF0];
	_ =	sdelay $0x1  }
0x403: {  	vm3 =	vlt.f32 v7, v6  }
0x404: {  	v10 =	vsel vm3, v7, v6;
	v6 =	vsel vm3, v6, v7  }
0x405: {  	[tilespmem:s12+$0xFFFFFDF0] =	vst v10  }
0x406: {  	[tilespmem:s12+$0xFFFFFFF0] =	vst v6;
	v6 =	vsel vm3, v8, v9;
	v7 =	vsel vm3, v9, v8  }
0x407: {  	[tilespmem:s13+$0xFFFFFDF0] =	vst v6  }
0x408: {  	[tilespmem:s13+$0xFFFFFFF0] =	vst v7;
	v6 =	vld [tilespmem:s13+$0x0]  }
0x409: {  	v8 =	vld [tilespmem:s12+$0xFFFFFE00]  }
.Ltmp16:
0x40a: {  	v9 =	vld [tilespmem:s12+$0x0];
	(pc) =	sbr.rel @p0 .LBB2_30-.Ltmp16, $2  }
0x40b: {  	v7 =	vld [tilespmem:s13+$0xFFFFFE00];
	_ =	sdelay $0x2  }
0x40c: {  	s11 =	simm.s32 $0x0  }
0x40d: {  	vm3 =	vlt.f32 v9, v8  }
0x40e: {  	v10 =	vsel vm3, v9, v8  }
0x40f: {  	s12 =	simm.s32 $0x0;
	v8 =	vsel vm3, v8, v9;
	[tilespmem:s15+$0xFFFFFE00] =	vst v10  }
0x410: {  	s13 =	sand.u32 $0x20, s11;
	s12 =	sand.u32 $0xE, s12;
	[tilespmem:s15+$0x0] =	vst v8;
	v8 =	vsel vm3, v6, v7  }
0x411: {  	v6 =	vsel vm3, v7, v6;
	s12 =	sor.u32 s12, s13;
	[tilespmem:s14+$0xFFFFFE00] =	vst v8  }
0x412: {  	[tilespmem:s14+$0x0] =	vst v6;
	s15 =	sshll.u32 s12, $0x4  }
0x413: {  	v8 =	vld [tilespmem:s15+$0x510]  }
0x414: {  	v7 =	vld [tilespmem:s15+$0x10]  }
0x415: {  	v9 =	vld [tilespmem:s15+$0x110]  }
0x416: {  	v10 =	vld [tilespmem:s15+$0x410];
	_ =	sdelay $0x2  }
0x417: {  	s29 =	simm.s32 $0x2;
	s12 =	simm.s32 $0x4;
	v11 =	vld [tilespmem:s15+$0x0]  }
0x418: {  	s13 =	sand.u32 $0xE, s29;
	s30 =	sand.u32 $0x20, s12;
	v12 =	vld [tilespmem:s15+$0x100];
	vm3 =	vlt.f32 v9, v7  }
0x419: {  	v13 =	vld [tilespmem:s15+$0x500];
	s13 =	sor.u32 s13, s30;
	v6 =	vsel vm3, v10, v8  }
0x41a: {  	v14 =	vld [tilespmem:s15+$0x400];
	s13 =	sshll.u32 s13, $0x4;
	v15 =	vsel vm3, v9, v7;
	[tilespmem:s15+$0x510] =	vst v6  }
0x41b: {  	v9 =	vsel vm3, v7, v9;
	v6 =	vld [tilespmem:s13+$0x510];
	[tilespmem:s15+$0x10] =	vst v15  }
0x41c: {  	[tilespmem:s15+$0x110] =	vst v9;
	v9 =	vsel vm3, v8, v10;
	v7 =	vld [tilespmem:s13+$0x10]  }
0x41d: {  	vm3 =	vlt.f32 v12, v11;
	v8 =	vld [tilespmem:s13+$0x110];
	[tilespmem:s15+$0x410] =	vst v9  }
0x41e: {  	s16 =	simm.s32 $0x4;
	s17 =	simm.s32 $0x8;
	v9 =	vsel vm3, v12, v11;
	v10 =	vld [tilespmem:s13+$0x410]  }
0x41f: {  	s31 =	sand.u32 $0x20, s17;
	s18 =	sand.u32 $0xE, s16;
	v11 =	vsel vm3, v11, v12;
	[tilespmem:s15+$0x0] =	vst v9  }
0x420: {  	s14 =	sor.u32 s18, s31;
	v63 =	vsel vm3, v14, v13;
	[tilespmem:s15+$0x100] =	vst v11  }
0x421: {  	s14 =	sshll.u32 s14, $0x4;
	v11 =	vsel vm3, v13, v14;
	v9 =	vld [tilespmem:s13+$0x0];
	[tilespmem:s15+$0x500] =	vst v63  }
.LBB2_32:
0x422: {  	s16 =	sadd.s32 $0x2, s16;
	s17 =	sadd.s32 $0x4, s17;
	v12 =	vld [tilespmem:s13+$0x100];
	vm3 =	vlt.f32 v8, v7;
	[tilespmem:s15+$0x400] =	vst v11  }
0x423: {  	s15 =	sand.u32 $0x20, s17;
	s18 =	sand.u32 $0xE, s16;
	p0 =	slt.u32 s16, $0x1E;
	v13 =	vld [tilespmem:s13+$0x500];
	v11 =	vsel vm3, v8, v7;
	v14 =	vsel vm3, v6, v10;
	v6 =	vsel vm3, v10, v6  }
0x424: {  	v8 =	vsel vm3, v7, v8;
	s18 =	sor.u32 s18, s15;
	v15 =	vld [tilespmem:s13+$0x400];
	[tilespmem:s13+$0x510] =	vst v6;
	s15 =	smov.u32 s13;
	s13 =	smov.u32 s14  }
0x425: {  	s14 =	sshll.u32 s18, $0x4;
	v6 =	vld [tilespmem:s13+$0x510];
	[tilespmem:s15+$0x10] =	vst v11  }
0x426: {  	v7 =	vld [tilespmem:s13+$0x10];
	[tilespmem:s15+$0x110] =	vst v8  }
.Ltmp17:
0x427: {  	v8 =	vld [tilespmem:s13+$0x110];
	vm3 =	vlt.f32 v12, v9;
	[tilespmem:s15+$0x410] =	vst v14;
	(pc) =	sbr.rel @p0 .LBB2_32-.Ltmp17, $4  }
0x428: {  	v10 =	vld [tilespmem:s13+$0x410];
	v11 =	vsel vm3, v12, v9;
	v9 =	vsel vm3, v9, v12  }
0x429: {  	[tilespmem:s15+$0x0] =	vst v11  }
0x42a: {  	v11 =	vsel vm3, v13, v15;
	v12 =	vsel vm3, v15, v13;
	[tilespmem:s15+$0x100] =	vst v9  }
0x42b: {  	v9 =	vld [tilespmem:s13+$0x0];
	[tilespmem:s15+$0x500] =	vst v12  }
0x42c: {  	v12 =	vld [tilespmem:s13+$0x100]  }
0x42d: {  	vm3 =	vlt.f32 v8, v7  }
0x42e: {  	[tilespmem:s15+$0x400] =	vst v11;
	v54 =	vld [tilespmem:s13+$0x500];
	v13 =	vsel vm3, v10, v6  }
0x42f: {  	v14 =	vld [tilespmem:s13+$0x400];
	v55 =	vsel vm3, v8, v7;
	[tilespmem:s13+$0x510] =	vst v13  }
0x430: {  	v7 =	vsel vm3, v7, v8;
	v15 =	vld [tilespmem:s14+$0x510];
	[tilespmem:s13+$0x10] =	vst v55  }
0x431: {  	v6 =	vsel vm3, v6, v10;
	[tilespmem:s13+$0x110] =	vst v7;
	v56 =	vld [tilespmem:s14+$0x10];
	vm3 =	vlt.f32 v12, v9  }
0x432: {  	v7 =	vld [tilespmem:s14+$0x110];
	[tilespmem:s13+$0x410] =	vst v6;
	v57 =	vsel vm3, v12, v9  }
0x433: {  	v6 =	vld [tilespmem:s14+$0x410];
	v58 =	vsel vm3, v9, v12;
	[tilespmem:s13+$0x0] =	vst v57  }
0x434: {  	v59 =	vsel vm3, v14, v54;
	[tilespmem:s13+$0x100] =	vst v58  }
0x435: {  	v10 =	vld [tilespmem:s14+$0x0];
	[tilespmem:s13+$0x500] =	vst v59  }
0x436: {  	v9 =	vld [tilespmem:s14+$0x100]  }
0x437: {  	v11 =	vsel vm3, v54, v14;
	vm3 =	vlt.f32 v7, v56  }
0x438: {  	[tilespmem:s13+$0x400] =	vst v11;
	v60 =	vld [tilespmem:s14+$0x500];
	v61 =	vsel vm3, v6, v15  }
0x439: {  	v62 =	vsel vm3, v7, v56;
	v63 =	vld [tilespmem:s14+$0x400];
	[tilespmem:s14+$0x510] =	vst v61  }
0x43a: {  	v7 =	vsel vm3, v56, v7;
	[tilespmem:s14+$0x10] =	vst v62  }
0x43b: {  	p2 =	por $0x1, $0x1;
	v6 =	vsel vm3, v15, v6;
	[tilespmem:s14+$0x110] =	vst v7;
	vm3 =	vlt.f32 v9, v10  }
.Ltmp18:
0x43c: {  	[tilespmem:s14+$0x410] =	vst v6;
	v6 =	vsel vm3, v9, v10;
	(pc) =	sbr.rel @!p2 .LBB2_34-.Ltmp18, $4  }
0x43d: {  	s31 =	simm.s32 $0x0;
	v7 =	vsel vm3, v10, v9;
	[tilespmem:s14+$0x0] =	vst v6  }
0x43e: {  	s11 =	sand.u32 $0x30, s11;
	s13 =	sand.u32 $0x6, s31;
	[tilespmem:s14+$0x100] =	vst v7;
	v6 =	vsel vm3, v63, v60  }
0x43f: {  	s11 =	sor.u32 s13, s11;
	v7 =	vsel vm3, v60, v63;
	[tilespmem:s14+$0x500] =	vst v6  }
0x440: {  	p0 =	por $0x0, $0x0;
	p1 =	por $0x0, $0x0;
	s11 =	sshll.u32 s11, $0x4;
	[tilespmem:s14+$0x400] =	vst v7  }
0x441: {  	p2 =	por $0x1, $0x1  }
.Ltmp19:
0x442: {  	v6 =	vld [tilespmem:s11+$0x490];
	(pc) =	sbr.rel @!p2 .LBB2_36-.Ltmp19, $4  }
0x443: {  	s13 =	simm.s32 $0x2;
	v7 =	vld [tilespmem:s11+$0x10]  }
0x444: {  	s12 =	sand.u32 $0x30, s12;
	v9 =	vld [tilespmem:s11+$0x90];
	s13 =	sand.u32 $0x6, s13  }
0x445: {  	v10 =	vld [tilespmem:s11+$0x410];
	s12 =	sor.u32 s13, s12  }
0x446: {  	v8 =	vld [tilespmem:s11+$0x0];
	p0 =	por $0x1, $0x1;
	s12 =	sshll.u32 s12, $0x4  }
0x447: {  	_ =	sdelay $0x1  }
0x448: {  	v11 =	vld [tilespmem:s11+$0x80];
	vm3 =	vlt.f32 v9, v7  }
0x449: {  	v12 =	vld [tilespmem:s11+$0x480];
	v13 =	vsel vm3, v10, v6  }
0x44a: {  	v14 =	vld [tilespmem:s11+$0x400];
	v61 =	vsel vm3, v9, v7;
	[tilespmem:s11+$0x490] =	vst v13  }
0x44b: {  	v10 =	vsel vm3, v6, v10;
	v9 =	vsel vm3, v7, v9;
	v6 =	vld [tilespmem:s12+$0x490];
	[tilespmem:s11+$0x10] =	vst v61  }
0x44c: {  	p2 =	por $0x1, $0x1;
	[tilespmem:s11+$0x90] =	vst v9;
	v7 =	vld [tilespmem:s12+$0x10]  }
.Ltmp20:
0x44d: {  	vm3 =	vlt.f32 v11, v8;
	v9 =	vld [tilespmem:s12+$0x90];
	[tilespmem:s11+$0x410] =	vst v10;
	(pc) =	sbr.rel @!p2 .LBB2_38-.Ltmp20, $4  }
0x44e: {  	s13 =	simm.s32 $0x4;
	s14 =	simm.s32 $0x8;
	v62 =	vsel vm3, v11, v8;
	v10 =	vld [tilespmem:s12+$0x410]  }
0x44f: {  	s15 =	sand.u32 $0x30, s14;
	s16 =	sand.u32 $0x6, s13;
	v8 =	vsel vm3, v8, v11;
	[tilespmem:s11+$0x0] =	vst v62  }
0x450: {  	s15 =	sor.u32 s16, s15;
	v63 =	vsel vm3, v14, v12;
	[tilespmem:s11+$0x80] =	vst v8  }
0x451: {  	p1 =	por $0x1, $0x1;
	s15 =	sshll.u32 s15, $0x4;
	v11 =	vsel vm3, v12, v14;
	v8 =	vld [tilespmem:s12+$0x0];
	[tilespmem:s11+$0x480] =	vst v63  }
.LBB2_39:
0x452: {  	s13 =	sadd.s32 $0x2, s13;
	s14 =	sadd.s32 $0x4, s14;
	v12 =	vld [tilespmem:s12+$0x80];
	vm3 =	vlt.f32 v9, v7;
	[tilespmem:s11+$0x400] =	vst v11  }
0x453: {  	s11 =	sand.u32 $0x30, s14;
	s16 =	sand.u32 $0x6, s13;
	p2 =	slt.u32 s13, $0x1E;
	v13 =	vld [tilespmem:s12+$0x480];
	v11 =	vsel vm3, v9, v7;
	v14 =	vsel vm3, v6, v10;
	v6 =	vsel vm3, v10, v6  }
0x454: {  	v9 =	vsel vm3, v7, v9;
	s16 =	sor.u32 s16, s11;
	v15 =	vld [tilespmem:s12+$0x400];
	[tilespmem:s12+$0x490] =	vst v6;
	s11 =	smov.u32 s12;
	s12 =	smov.u32 s15  }
0x455: {  	s15 =	sshll.u32 s16, $0x4;
	v6 =	vld [tilespmem:s12+$0x490];
	[tilespmem:s11+$0x10] =	vst v11  }
0x456: {  	v7 =	vld [tilespmem:s12+$0x10];
	[tilespmem:s11+$0x90] =	vst v9  }
.Ltmp21:
0x457: {  	v9 =	vld [tilespmem:s12+$0x90];
	vm3 =	vlt.f32 v12, v8;
	[tilespmem:s11+$0x410] =	vst v14;
	(pc) =	sbr.rel @p2 .LBB2_39-.Ltmp21, $4  }
0x458: {  	v10 =	vld [tilespmem:s12+$0x410];
	v11 =	vsel vm3, v12, v8;
	v8 =	vsel vm3, v8, v12  }
0x459: {  	[tilespmem:s11+$0x0] =	vst v11  }
0x45a: {  	v11 =	vsel vm3, v13, v15;
	v12 =	vsel vm3, v15, v13;
	[tilespmem:s11+$0x80] =	vst v8  }
0x45b: {  	v8 =	vld [tilespmem:s12+$0x0];
	[tilespmem:s11+$0x480] =	vst v12  }
0x45c: {  	s13 =	smov.u32 s12;
	s12 =	smov.u32 s15  }
.LBB2_41:
0x45d: {  	v12 =	vld @p0 [tilespmem:s13+$0x80]  }
0x45e: {  	vm3 =	vlt.f32 @p0 v9, v7  }
0x45f: {  	[tilespmem:s11+$0x400] =	vst @p1 v11;
	v11 =	vld @p0 [tilespmem:s13+$0x480];
	v13 =	vsel @p0 vm3, v10, v6  }
0x460: {  	s11 =	smov.u32 @p0 s13;
	v14 =	vld @p0 [tilespmem:s13+$0x400];
	[tilespmem:s13+$0x490] =	vst @p0 v13;
	v13 =	vsel @p0 vm3, v9, v7  }
0x461: {  	v7 =	vsel @p0 vm3, v7, v9;
	v15 =	vld [tilespmem:s12+$0x490];
	[tilespmem:s11+$0x10] =	vst @p0 v13  }
0x462: {  	v6 =	vsel @p0 vm3, v6, v10;
	[tilespmem:s11+$0x90] =	vst @p0 v7;
	v58 =	vld [tilespmem:s12+$0x10];
	vm3 =	vlt.f32 @p0 v12, v8  }
0x463: {  	v7 =	vld [tilespmem:s12+$0x90];
	[tilespmem:s11+$0x410] =	vst @p0 v6;
	v10 =	vsel @p0 vm3, v12, v8  }
0x464: {  	v6 =	vld [tilespmem:s12+$0x410];
	v8 =	vsel @p0 vm3, v8, v12;
	[tilespmem:s11+$0x0] =	vst @p0 v10  }
0x465: {  	[tilespmem:s11+$0x80] =	vst @p0 v8;
	v8 =	vsel @p0 vm3, v14, v11  }
0x466: {  	v10 =	vld [tilespmem:s12+$0x0];
	[tilespmem:s11+$0x480] =	vst @p0 v8  }
0x467: {  	v8 =	vsel @p0 vm3, v11, v14;
	v59 =	vld [tilespmem:s12+$0x80]  }
0x468: {  	s11 =	smov.u32 @p0 s11;
	v8 =	vpsel p0, v8, v0;
	vm3 =	vlt.f32 v7, v58  }
0x469: {  	v60 =	vld [tilespmem:s12+$0x480];
	[tilespmem:s11+$0x400] =	vst @p0 v8;
	v61 =	vsel vm3, v6, v15  }
0x46a: {  	v62 =	vsel vm3, v7, v58;
	[tilespmem:s12+$0x490] =	vst v61;
	v63 =	vld [tilespmem:s12+$0x400]  }
0x46b: {  	v7 =	vsel vm3, v58, v7;
	[tilespmem:s12+$0x10] =	vst v62  }
0x46c: {  	v6 =	vsel vm3, v15, v6;
	[tilespmem:s12+$0x90] =	vst v7;
	vm3 =	vlt.f32 v59, v10  }
0x46d: {  	[tilespmem:s12+$0x410] =	vst v6;
	v6 =	vsel vm3, v59, v10  }
0x46e: {  	v7 =	vsel vm3, v10, v59;
	[tilespmem:s12+$0x0] =	vst v6  }
0x46f: {  	[tilespmem:s12+$0x80] =	vst v7;
	v6 =	vsel vm3, v63, v60  }
0x470: {  	v7 =	vsel vm3, v60, v63;
	[tilespmem:s12+$0x480] =	vst v6  }
0x471: {  	s11 =	simm.s32 $0x0;
	[tilespmem:s12+$0x400] =	vst v7  }
.LBB2_42:
0x472: {  	s12 =	sshra.s32 s11, $0x2  }
0x473: {  	v6 =	vld [tilespmem:s12+$0x0]  }
0x474: {  	v7 =	vld [tilespmem:s12+$0x10]  }
0x475: {  	v8 =	vld [tilespmem:s12+$0x20]  }
0x476: {  	v9 =	vld [tilespmem:s12+$0x30]  }
0x477: {  	v10 =	vld [tilespmem:s12+$0x40]  }
0x478: {  	v11 =	vld [tilespmem:s12+$0x50]  }
0x479: {  	v12 =	vld [tilespmem:s12+$0x60]  }
0x47a: {  	v13 =	vld [tilespmem:s12+$0x70]  }
0x47b: {  	v14 =	vld [tilespmem:s12+$0x400]  }
0x47c: {  	v15 =	vld [tilespmem:s12+$0x410]  }
0x47d: {  	v16 =	vld [tilespmem:s12+$0x420]  }
0x47e: {  	v17 =	vld [tilespmem:s12+$0x440]  }
0x47f: {  	v18 =	vld [tilespmem:s12+$0x430]  }
0x480: {  	v19 =	vld [tilespmem:s12+$0x450]  }
0x481: {  	v20 =	vld [tilespmem:s12+$0x460]  }
0x482: {  	v21 =	vld [tilespmem:s12+$0x470];
	vm3 =	vlt.f32 v10, v6  }
0x483: {  	vm4 =	vlt.f32 v11, v7;
	vm5 =	vlt.f32 v12, v8;
	vm6 =	vlt.f32 v13, v9  }
0x484: {  	v22 =	vsel vm3, v10, v6;
	v23 =	vsel vm3, v17, v14;
	v24 =	vsel vm4, v11, v7  }
0x485: {  	v25 =	vsel vm4, v19, v15;
	v26 =	vsel vm5, v12, v8;
	v27 =	vsel vm6, v13, v9  }
0x486: {  	v28 =	vsel vm5, v20, v16;
	vm7 =	vlt.f32 v26, v22;
	vm8 =	vlt.f32 v27, v24  }
0x487: {  	v29 =	vsel vm6, v21, v18;
	v30 =	vsel vm7, v26, v22;
	v31 =	vsel vm8, v27, v24  }
0x488: {  	v32 =	vsel vm7, v28, v23;
	v33 =	vsel vm8, v29, v25;
	vm9 =	vlt.f32 v31, v30  }
0x489: {  	v34 =	vsel vm9, v31, v30;
	v35 =	vsel vm9, v33, v32  }
0x48a: {  	(xrf1) =	vsort.ascd.msk.f32 $0xffff, v34, v35  }
0x48b: {  	v42 =	vsel vm9, v30, v31;
	v43 =	vsel vm9, v32, v33  }
0x48c: {  	(xrf1) =	vsort.ascd.msk.f32 $0xffff, v42, v43;
	_ =	sdelay $0x1  }
0x48d: {  	v6 =	vsel vm3, v6, v10  }
0x48e: {  	v40 =	vsel vm3, v14, v17;
	v7 =	vsel vm4, v7, v11;
	v8 =	vsel vm5, v8, v12  }
0x48f: {  	v41 =	vsel vm4, v15, v19;
	v44 =	vsel vm5, v16, v20;
	vm3 =	vlt.f32 v8, v6  }
0x490: {  	v46 =	vsel vm7, v22, v26;
	v47 =	vsel vm7, v23, v28;
	v48 =	vsel vm8, v24, v27  }
0x491: {  	v49 =	vsel vm8, v25, v29;
	v50 =	vsel vm3, v8, v6;
	vm4 =	vlt.f32 v48, v46  }
0x492: {  	v8 =	vsel vm3, v6, v8;
	v6 =	vsel vm4, v48, v46;
	v52 =	vsel vm4, v49, v47  }
0x493: {  	v9 =	vsel vm6, v9, v13;
	v45 =	vsel vm6, v18, v21;
	(xrf1) =	vsort.ascd.msk.f32 $0xffff, v6, v52  }
0x494: {  	v51 =	vsel vm3, v44, v40;
	v10 =	vsel vm3, v40, v44;
	vm3 =	vlt.f32 v9, v7  }
0x495: {  	v53 =	vsel vm3, v9, v7;
	v9 =	vsel vm3, v7, v9;
	v7 =	vsel vm3, v45, v41  }
0x496: {  	v11 =	vsel vm3, v41, v45;
	v54 =	vsel vm4, v46, v48;
	vm3 =	vlt.f32 v53, v50  }
0x497: {  	v14 =	vsel vm4, v47, v49;
	v57 =	vsel vm3, v53, v50;
	v58 =	vsel vm3, v7, v51;
	v6, v20, _ =	vpop (xrf1)  }
0x498: {  	v59 =	vsel vm3, v51, v7;
	v55 =	vperm.xlane v20, v2;
	v56 =	vperm.xlane v6, v2  }
0x499: {  	vm4 =	vmneg vm1;
	(xrf1) =	vsort.ascd.msk.f32 $0xffff, v54, v14;
	v7, v60, _ =	vpop (xrf1);
	v62 =	vperm.xlane v6, v3;
	v54 =	vperm.xlane v6, v4  }
0x49a: {  	v15 =	vsel vm3, v50, v53;
	v30 =	vperm.xlane v60, v2;
	v31 =	vperm.xlane v7, v2  }
0x49b: {  	v38 =	vperm.xlane v7, v3;
	vm5 =	vlt.s32 v55, v20;
	vm11 =	vgt.s32 v55, v20  }
0x49c: {  	vm12 =	veq.f32 v6, v56;
	vm6 =	vmand vm4, vm11;
	vm5 =	vmand vm5, vm1  }
0x49d: {  	v56 =	vperm.xlane v7, v5;
	vm15 =	vlt.s32 v30, v60;
	vm5 =	vmor vm5, vm6  }
0x49e: {  	(xrf1) =	vsort.ascd.msk.f32 $0xffff, v57, v58;
	vm10 =	veq.f32 v7, v31;
	vm8 =	vmand vm15, vm1;
	vm3 =	vmand vm12, vm5  }
0x49f: {  	vm5 =	vlt.f32 v9, v8;
	vm12 =	vgt.s32 v30, v60;
	v13 =	vsel vm3, v55, v20  }
0x4a0: {  	v61 =	vsel vm5, v9, v8;
	v63 =	vsel vm5, v8, v9;
	v29 =	vsel vm5, v11, v10  }
0x4a1: {  	vm3 =	veq.f32 v6, v62;
	vm9 =	vmand vm4, vm12;
	v8, v32, _ =	vpop (xrf1);
	v20 =	vperm.xlane v13, v3  }
0x4a2: {  	v34 =	vsel vm5, v10, v11;
	v33 =	vperm.xlane v32, v2;
	v36 =	vperm.xlane v8, v2  }
0x4a3: {  	vm8 =	vmor vm8, vm9;
	v41 =	vperm.xlane v8, v3;
	v62 =	vperm.xlane v8, v5  }
0x4a4: {  	vm13 =	vlt.s32 v20, v13;
	vm14 =	vgt.s32 v20, v13;
	vm5 =	vlt.s32 v33, v32  }
0x4a5: {  	vm15 =	veq.f32 v8, v36;
	vm6 =	vmand vm4, vm13;
	vm13 =	vmand vm10, vm8  }
0x4a6: {  	vm7 =	vmand vm14, vm1;
	vm14 =	vgt.s32 v33, v32;
	v35 =	vsel vm13, v30, v60  }
0x4a7: {  	vm5 =	vmand vm5, vm1;
	vm6 =	vmor vm7, vm6;
	v37 =	vperm.xlane v35, v3  }
0x4a8: {  	v60 =	vperm.xlane v7, v4;
	vm3 =	vmand vm3, vm6;
	vm6 =	vmand vm4, vm14  }
0x4a9: {  	vm5 =	vmor vm5, vm6;
	v9, v39, _ =	vpop (xrf1);
	v12 =	vsel vm3, v20, v13;
	vm12 =	vlt.s32 v37, v35  }
0x4aa: {  	vm13 =	vgt.s32 v37, v35;
	v40 =	vperm.xlane v39, v2;
	v42 =	vperm.xlane v9, v2  }
0x4ab: {  	vm5 =	vmand vm15, vm5;
	v48 =	vperm.xlane v9, v3;
	v55 =	vperm.xlane v12, v4  }
0x4ac: {  	(xrf1) =	vsort.ascd.msk.f32 $0xffff, v15, v59;
	v10, v43, _ =	vpop (xrf1);
	vm6 =	vmand vm4, vm12;
	vm14 =	vmand vm13, vm1;
	v16 =	vsel vm5, v33, v32  }
0x4ad: {  	vm5 =	veq.f32 v7, v38;
	v44 =	vperm.xlane v43, v2;
	v47 =	vperm.xlane v10, v2  }
0x4ae: {  	v49 =	vperm.xlane v10, v3;
	vm6 =	vmor vm14, vm6;
	v19 =	vperm.xlane v16, v3  }
0x4af: {  	vm12 =	vlt.s32 v40, v39;
	vm13 =	vgt.s32 v40, v39;
	vm14 =	veq.f32 v9, v42  }
0x4b0: {  	vm3 =	vmand vm5, vm6;
	vm8 =	vmand vm4, vm13;
	vm7 =	vmand vm12, vm1  }
0x4b1: {  	vm13 =	veq.f32 v10, v47;
	vm5 =	vlt.s32 v19, v16;
	vm15 =	vgt.s32 v19, v16  }
0x4b2: {  	vm7 =	vmor vm7, vm8;
	v45 =	vsel vm3, v37, v35;
	vm3 =	vlt.s32 v44, v43  }
0x4b3: {  	v37 =	vperm.xlane v8, v4;
	vm5 =	vmand vm4, vm5;
	vm6 =	vmand vm15, vm1  }
0x4b4: {  	vm15 =	veq.f32 v8, v41;
	vm12 =	vmand vm14, vm7;
	vm5 =	vmor vm6, vm5  }
0x4b5: {  	vm3 =	vmand vm3, vm1;
	v57 =	vperm.xlane v45, v5;
	vm5 =	vmand vm15, vm5  }
0x4b6: {  	v13 =	vsel vm12, v40, v39;
	v16 =	vsel vm5, v19, v16;
	vm5 =	vgt.s32 v44, v43  }
0x4b7: {  	vm7 =	veq.f32 v10, v49;
	v46 =	vperm.xlane v13, v3;
	vm5 =	vmand vm4, vm5  }
0x4b8: {  	v39 =	vperm.xlane v9, v5;
	vm11 =	vgt.s32 v55, v57;
	vm3 =	vmor vm3, vm5  }
0x4b9: {  	vm6 =	vlt.s32 v46, v13;
	vm5 =	vgt.s32 v46, v13;
	vm3 =	vmand vm13, vm3  }
0x4ba: {  	vm6 =	vmand vm4, vm6;
	vm5 =	vmand vm5, vm1;
	v15 =	vsel vm3, v44, v43  }
0x4bb: {  	vm3 =	veq.f32 v9, v48;
	vm5 =	vmor vm5, vm6;
	v50 =	vperm.xlane v15, v3;
	v11, v51, _ =	vpop (xrf1)  }
0x4bc: {  	(xrf1) =	vsort.ascd.msk.f32 $0xffff, v61, v29;
	vm6 =	vmand vm3, vm5;
	v52 =	vperm.xlane v51, v2;
	v53 =	vperm.xlane v11, v2  }
0x4bd: {  	(xrf1) =	vsort.ascd.msk.f32 $0xffff, v63, v34;
	v63 =	vperm.xlane v16, v5;
	v13 =	vsel vm6, v46, v13  }
0x4be: {  	v34 =	vperm.xlane v11, v3;
	v46 =	vperm.xlane v10, v5;
	vm14 =	vlt.s32 v50, v15  }
0x4bf: {  	vm15 =	vgt.s32 v50, v15;
	v40 =	vperm.xlane v13, v5;
	vm3 =	vlt.s32 v52, v51  }
0x4c0: {  	vm5 =	vgt.s32 v52, v51;
	vm12 =	veq.f32 v11, v53;
	vm8 =	vmand vm4, vm14  }
0x4c1: {  	vm9 =	vmand vm15, vm1;
	vm5 =	vmand vm4, vm5;
	vm3 =	vmand vm3, vm1  }
0x4c2: {  	vm15 =	veq.f32 v60, v62;
	vm8 =	vmor vm9, vm8;
	vm3 =	vmor vm3, vm5  }
0x4c3: {  	vm5 =	veq.f32 v54, v56;
	vm7 =	vmand vm7, vm8;
	vm10 =	vmand vm12, vm3  }
0x4c4: {  	vm5 =	vmand vm5, vm11;
	vm3 =	vmmov $0x1;
	v15 =	vsel vm7, v50, v15  }
0x4c5: {  	v50 =	vperm.xlane v10, v4;
	v14 =	vsel vm10, v52, v51;
	vm13 =	vmand vm5, vm3  }
0x4c6: {  	v47 =	vperm.xlane v15, v5;
	v52 =	vperm.xlane v11, v5;
	v59 =	vsel vm13, v55, v45  }
0x4c7: {  	vm5 =	vmand vm5, vm2;
	v58 =	vperm.xlane v14, v3;
	v61 =	vperm.xlane v59, v4  }
0x4c8: {  	v45 =	vperm.xlane v9, v4;
	v12 =	vsel vm5, v57, v12;
	v55 =	vperm.xlane v11, v4  }
0x4c9: {  	vm14 =	vlt.s32 v58, v14;
	vm13 =	vgt.s32 v58, v14;
	vm12 =	vgt.s32 v61, v63  }
0x4ca: {  	vm14 =	vmand vm4, vm14;
	vm6 =	vmand vm15, vm12;
	vm15 =	vmand vm13, vm1  }
0x4cb: {  	vm8 =	vmand vm6, vm3;
	vm9 =	vmor vm15, vm14;
	vm6 =	vmand vm6, vm2;
	v20, v22, _ =	vpop (xrf1)  }
0x4cc: {  	v16 =	vsel vm8, v61, v16;
	v35 =	vperm.xlane v22, v2;
	v36 =	vperm.xlane v20, v2  }
0x4cd: {  	v18 =	vsel vm6, v63, v59;
	v38 =	vperm.xlane v16, v4;
	v49 =	vperm.xlane v20, v3  }
0x4ce: {  	v57 =	vperm.xlane v20, v5;
	vm12 =	vlt.s32 v35, v22;
	vm13 =	vgt.s32 v35, v22  }
0x4cf: {  	vm14 =	veq.f32 v20, v36;
	vm8 =	vmand vm4, vm13;
	vm7 =	vmand vm12, vm1  }
0x4d0: {  	vm11 =	vgt.s32 v38, v40;
	vm7 =	vmor vm7, vm8;
	vm8 =	veq.f32 v37, v39  }
0x4d1: {  	v42, v43, _ =	vpop (xrf1);
	vm12 =	veq.f32 v11, v34;
	vm10 =	vmand vm14, vm7;
	vm7 =	vmand vm8, vm11  }
0x4d2: {  	v44 =	vperm.xlane v43, v2;
	vm15 =	vmand vm12, vm9;
	vm12 =	vmand vm7, vm3  }
0x4d3: {  	v61 =	vperm.xlane v20, v4;
	v48 =	vperm.xlane v42, v2;
	v13 =	vsel vm12, v38, v13  }
0x4d4: {  	vm13 =	vgt.s32 v44, v43;
	v14 =	vsel vm15, v58, v14;
	v26 =	vperm.xlane v13, v4  }
0x4d5: {  	vm14 =	vlt.s32 v44, v43;
	vm8 =	vmand vm4, vm13;
	v41 =	vsel vm10, v35, v22  }
0x4d6: {  	vm9 =	vmand vm14, vm1;
	vm10 =	veq.f32 v45, v46;
	vm11 =	vgt.s32 v26, v47  }
0x4d7: {  	vm13 =	veq.f32 v20, v49;
	vm9 =	vmor vm9, vm8;
	vm8 =	vmand vm10, vm11  }
0x4d8: {  	v58 =	vperm.xlane v42, v3;
	v53 =	vperm.xlane v14, v5;
	vm10 =	vmand vm8, vm3  }
0x4d9: {  	v23 =	vperm.xlane v41, v3;
	vm12 =	veq.f32 v42, v48;
	v15 =	vsel vm10, v26, v15  }
0x4da: {  	vm14 =	veq.f32 v50, v52;
	vm9 =	vmand vm12, vm9;
	v51 =	vperm.xlane v15, v4  }
0x4db: {  	vm15 =	vlt.s32 v23, v41;
	vm12 =	vgt.s32 v23, v41;
	v22 =	vsel vm9, v44, v43  }
0x4dc: {  	vm11 =	vmand vm4, vm15;
	vm10 =	vmand vm12, vm1;
	vm15 =	vgt.s32 v51, v53  }
0x4dd: {  	v54 =	vperm.xlane v22, v3;
	vm10 =	vmor vm10, vm11;
	vm9 =	vmand vm14, vm15  }
0x4de: {  	[tilespmem:s12+$0x0] =	vst v6;
	vm7 =	vmand vm7, vm2;
	vm10 =	vmand vm13, vm10;
	vm5 =	vmand vm9, vm3  }
0x4df: {  	[tilespmem:s12+$0x10] =	vst v7;
	vm11 =	vgt.s32 v54, v22;
	v19 =	vsel vm10, v23, v41;
	v14 =	vsel vm5, v51, v14  }
0x4e0: {  	[tilespmem:s12+$0x20] =	vst v8;
	v6 =	vperm.xlane v19, v5;
	vm5 =	vlt.s32 v54, v22;
	v56 =	vperm.xlane v14, v4  }
0x4e1: {  	[tilespmem:s12+$0x30] =	vst v9;
	vm12 =	veq.f32 v55, v57;
	vm4 =	vmand vm4, vm5;
	vm5 =	vmand vm11, vm1  }
0x4e2: {  	[tilespmem:s12+$0x40] =	vst v10;
	vm13 =	veq.f32 v42, v58;
	vm4 =	vmor vm5, vm4;
	vm5 =	vgt.s32 v56, v6  }
0x4e3: {  	[tilespmem:s12+$0x50] =	vst v11;
	v7 =	vsel vm7, v40, v16;
	vm4 =	vmand vm13, vm4;
	vm5 =	vmand vm12, vm5  }
0x4e4: {  	[tilespmem:s12+$0x400] =	vst v12;
	v59 =	vsel vm4, v54, v22;
	vm4 =	vmand vm8, vm2;
	vm14 =	vmand vm5, vm3  }
0x4e5: {  	v63 =	vperm.xlane v42, v5;
	[tilespmem:s12+$0x420] =	vst v7;
	v7 =	vsel vm4, v47, v13;
	v60 =	vsel vm14, v56, v19  }
0x4e6: {  	[tilespmem:s12+$0x410] =	vst v18;
	vm4 =	vmand vm9, vm2;
	v17 =	vperm.xlane v59, v5;
	v62 =	vperm.xlane v60, v4  }
0x4e7: {  	[tilespmem:s12+$0x430] =	vst v7;
	v7 =	vsel vm4, v53, v15  }
0x4e8: {  	p0 =	sne.s32 s11, $0xE00;
	[tilespmem:s12+$0x60] =	vst v20;
	vm4 =	vmand vm5, vm2;
	vm5 =	veq.f32 v61, v63;
	vm15 =	vgt.s32 v62, v17  }
.Ltmp22:
0x4e9: {  	[tilespmem:s12+$0x70] =	vst v42;
	v6 =	vsel vm4, v6, v14;
	vm4 =	vmand vm5, vm15;
	(pc) =	sbr.rel @p0 .LBB2_42-.Ltmp22, $4  }
0x4ea: {  	[tilespmem:s12+$0x440] =	vst v7;
	vm5 =	vmand vm4, vm2  }
0x4eb: {  	[tilespmem:s12+$0x450] =	vst v6;
	vm4 =	vmand vm4, vm3;
	v6 =	vsel vm5, v17, v60  }
0x4ec: {  	[tilespmem:s12+$0x460] =	vst v6;
	v6 =	vsel vm4, v62, v59  }
0x4ed: {  	s11 =	sadd.s32 $0x200, s11;
	[tilespmem:s12+$0x470] =	vst v6  }
0x4ee: {  	v6 =	vld [tilespmem:$0x70]  }
0x4ef: {  	v7 =	vld [tilespmem:$0x470]  }
0x4f0: {  	v8 =	vld [tilespmem:$0x80]  }
0x4f1: {  	v9 =	vld [tilespmem:$0x480]  }
0x4f2: {  	v10 =	vld [tilespmem:$0xF0]  }
0x4f3: {  	v11 =	vld [tilespmem:$0x4F0]  }
0x4f4: {  	v12 =	vld [tilespmem:$0x100]  }
0x4f5: {  	v13 =	vld [tilespmem:$0x500]  }
0x4f6: {  	v14 =	vld [tilespmem:$0x170]  }
0x4f7: {  	v15 =	vld [tilespmem:$0x570]  }
0x4f8: {  	v16 =	vld [tilespmem:$0x180]  }
0x4f9: {  	v19 =	vld [tilespmem:$0x580]  }
0x4fa: {  	v20 =	vld [tilespmem:$0x5F0]  }
0x4fb: {  	v22 =	vld [tilespmem:$0x200]  }
0x4fc: {  	v23 =	vld [tilespmem:$0x600]  }
0x4fd: {  	v25 =	vld [tilespmem:$0x680]  }
0x4fe: {  	v46 =	vld [tilespmem:$0x2F0];
	v6 =	vperm.xlane v6, v4  }
0x4ff: {  	v48 =	vld [tilespmem:$0x6F0];
	v8 =	vperm.xlane v8, v5;
	v17 =	vperm.xlane v7, v4  }
0x500: {  	v26 =	vld [tilespmem:$0x300];
	v18 =	vperm.xlane v9, v5;
	v40 =	vperm.xlane v10, v4  }
0x501: {  	v27 =	vld [tilespmem:$0x700];
	v41 =	vperm.xlane v11, v4;
	v12 =	vperm.xlane v12, v5  }
0x502: {  	v28 =	vld [tilespmem:$0x370];
	v21 =	vperm.xlane v13, v5;
	v14 =	vperm.xlane v14, v4  }
0x503: {  	v53 =	vld [tilespmem:$0x770];
	v16 =	vperm.xlane v16, v5;
	v45 =	vperm.xlane v15, v4  }
0x504: {  	v55 =	vld [tilespmem:$0x780];
	v24 =	vperm.xlane v19, v5;
	v47 =	vperm.xlane v20, v4  }
0x505: {  	v49 =	vperm.xlane v22, v5;
	v50 =	vperm.xlane v23, v5  }
0x506: {  	v42 =	vld [tilespmem:$0x270];
	v51 =	vperm.xlane v25, v5;
	v56 =	vperm.xlane v46, v4  }
0x507: {  	v57 =	vperm.xlane v26, v5;
	v59 =	vperm.xlane v48, v4  }
0x508: {  	v60 =	vperm.xlane v27, v5;
	v61 =	vperm.xlane v28, v4  }
0x509: {  	v62 =	vperm.xlane v53, v4;
	v63 =	vperm.xlane v55, v5;
	vm4 =	veq.f32 v6, v8  }
0x50a: {  	v44 =	vld [tilespmem:$0x280];
	vm5 =	vgt.s32 v17, v18;
	vm6 =	veq.f32 v40, v12;
	vm7 =	vgt.s32 v41, v21  }
0x50b: {  	v6 =	vld [tilespmem:$0x1F0];
	vm15 =	veq.f32 v14, v16;
	vm8 =	vgt.s32 v45, v24;
	v8 =	vperm.xlane v42, v4  }
0x50c: {  	vm11 =	vgt.s32 v47, v50;
	vm4 =	vmand vm4, vm5;
	vm13 =	vmand vm6, vm7  }
0x50d: {  	v43 =	vld [tilespmem:$0x670];
	vm5 =	vmand vm4, vm2;
	vm4 =	vmand vm4, vm3;
	vm14 =	vmand vm13, vm2  }
0x50e: {  	v7 =	vsel vm5, v18, v7;
	v9 =	vsel vm4, v17, v9;
	vm4 =	vmand vm13, vm3  }
0x50f: {  	v11 =	vsel vm14, v21, v11;
	v17 =	vperm.xlane v44, v5;
	v10 =	vsel vm4, v41, v13  }
0x510: {  	vm4 =	vmand vm15, vm8;
	[tilespmem:$0x470] =	vst v7;
	v7 =	vld [tilespmem:$0x380];
	vm15 =	veq.f32 v56, v57;
	v6 =	vperm.xlane v6, v4  }
0x511: {  	[tilespmem:$0x480] =	vst v9;
	vm5 =	vmand vm4, vm2;
	vm10 =	veq.f32 v8, v17;
	vm4 =	vmand vm4, vm3  }
0x512: {  	[tilespmem:$0x4F0] =	vst v11;
	v52 =	vsel vm5, v24, v15;
	vm9 =	veq.f32 v6, v49;
	v6 =	vperm.xlane v43, v4  }
0x513: {  	[tilespmem:$0x500] =	vst v10;
	v54 =	vsel vm4, v45, v19;
	vm5 =	vmand vm9, vm11;
	vm9 =	vgt.s32 v59, v60  }
0x514: {  	[tilespmem:$0x570] =	vst v52;
	vm12 =	vgt.s32 v6, v51;
	vm13 =	vmand vm5, vm2;
	vm5 =	vmand vm5, vm3  }
0x515: {  	[tilespmem:$0x580] =	vst v54;
	v7 =	vperm.xlane v7, v5;
	vm4 =	vmand vm15, vm9;
	v58 =	vsel vm13, v50, v20  }
0x516: {  	vm6 =	vmand vm10, vm12;
	v14 =	vsel vm5, v47, v23;
	vm12 =	vmand vm4, vm2;
	[tilespmem:$0x5F0] =	vst v58  }
0x517: {  	vm14 =	vmand vm6, vm2;
	vm10 =	veq.f32 v61, v7;
	[tilespmem:$0x600] =	vst v14;
	v7 =	vsel vm12, v60, v48  }
0x518: {  	vm13 =	vgt.s32 v62, v63;
	vm11 =	vmand vm6, vm3;
	v12 =	vsel vm14, v51, v43;
	[tilespmem:$0x6F0] =	vst v7  }
0x519: {  	vm4 =	vmand vm4, vm3;
	v6 =	vsel vm11, v6, v25;
	vm14 =	vmand vm10, vm13;
	[tilespmem:$0x670] =	vst v12  }
0x51a: {  	[tilespmem:$0x680] =	vst v6;
	v6 =	vsel vm4, v59, v27;
	vm15 =	vmand vm14, vm2  }
0x51b: {  	vm3 =	vmand vm14, vm3;
	[tilespmem:$0x700] =	vst v6;
	v6 =	vsel vm15, v63, v53  }
0x51c: {  	v7 =	vsel vm3, v62, v55;
	[tilespmem:$0x770] =	vst v6  }
0x51d: {  	[tilespmem:$0x780] =	vst v7  }
0x51e: {  	[hbm4b:s4+s7] =	stream.strided.scatter [tilespmem:s2], [sflag:$0x1], $0x400, s8, s7, $0x38;
	[tilespmem:$0x800] =	vst v63  }
0x51f: {  	_ =	swait.ge [sflag:s9], $0x400  }
0x520: {  	s10 =	sadd.s32 $0x1, s10;
	[sflag:s9] =	ssyncset.done $0x0  }
0x521: {  	p0 =	sne.s32 s10, s6;
	[sflag:s9] =	ssyncadd.s32 $0xFFFFFC00  }
0x522: {  	[hbm4b:s5+s7] =	stream.strided.scatter [tilespmem:s8], [sflag:$0x1], $0x400, s8, s7, $0x38;
	[tilespmem:$0x800] =	vst v63  }
.Ltmp23:
0x523: {  	_ = 	snop;
	(pc) =	sbr.rel @p0 .LBB2_1-.Ltmp23, $4  }
.Ltmp24:
0x524: {  	_ = 	snop;
	(pc) =	sbr.rel @!p0 .LBB2_44-.Ltmp24, $4  }
0x525: {  	_ =	swait.ge [sflag:s9], $0x400  }
0x526: {  	[sflag:s9] =	ssyncset.done $0x0  }
0x527: {  	[sflag:s9] =	ssyncadd.s32 $0xFFFFFC00  }
0x528: {  	_ = 	snop  }
.LBB2_34:
.Ltmp25:
0x529: {  	(pc) =	sbr.rel .LBB2_41-.Ltmp25, $2  }
0x52a: {  	_ =	sdelay $0x2  }
0x52b: {  	s12 =	smov.u32 s11  }
.LBB2_7:
.Ltmp26:
0x52c: {  	(pc) =	sbr.rel .LBB2_9-.Ltmp26, $2  }
0x52d: {  	_ =	sdelay $0x2  }
0x52e: {  	s14 =	simm.s32 $0x0  }
.LBB2_36:
.Ltmp27:
0x52f: {  	(pc) =	sbr.rel .LBB2_41-.Ltmp27, $2  }
0x530: {  	_ =	sdelay $0x2  }
0x531: {  	s13 =	smov.u32 s11  }
.LBB2_38:
.Ltmp28:
0x532: {  	(pc) =	sbr.rel .LBB2_41-.Ltmp28, $2  }
0x533: {  	_ =	sdelay $0x2  }
0x534: {  	s13 =	smov.u32 s12;
	s12 =	smov.u32 s15  }
.LBB2_44:
0x535: {  	_ =	sfence.sel $0x180000  }
0x536: {  	[bflag:$0x0] =	sbarrier.arrive $0xFFFF  }
0x537: {  	p0 =	sne.s32 s0, $0x0;
	_ =	strace $0x90000047  }
0x538: {  	s0 =	sadd.s32 @!p0 $0x100000, s1;
	[bflag:$0x2] =	sbarrier.arrive $0xFFFF  }
0x539: {  	[sflag:s0] =	ssyncadd.tile.s32 @!p0 $0x1;
	_ =	shalt  }
.Lfunc_end2:
_tile_overlayer_lowered:
.L_overlay_start_2:
0x53a: {  	(tag) =	ssettag $0x2  }
0x53b: {  	s0 =	rddreg [dreg:$0x0];
	s2 =	stileid.u32  }
0x53c: {  	s1 =	rddreg [dreg:$0x1];
	p0 =	sne.s32 s2, $0x0  }
0x53d: {  	s3 =	rddreg [dreg:$0x2];
	[bflag:$0x3] =	sbarrier.arrive $0xFFFF;
	s2 =	simm.s32 @!p0 $0x1C01  }
0x53e: {  	[timem:s3], [sflag:s2] =	dma.local @!p0 [hbm:s0], s1  }
0x53f: {  	s0 =	simm.s32 @!p0 $0x1  }
0x540: {  	_ =	swait.ge @!p0 [sflag:s0], s1  }
0x541: {  	s1 =	ssub.s32 @!p0 $0x0, s1;
	[sflag:s0] =	ssyncset.done @!p0 $0x0  }
0x542: {  	[sflag:s0] =	ssyncadd.s32 @!p0 s1  }
0x543: {  	[bflag:$0x3] =	sbarrier.arrive $0xFFFF  }
0x544: {  	_ =	shalt  }

</sc_bundles>
